<compile_context>
chip_gen: v7x
topology: tpu7x:2x2x1
jax: 0.10.2.dev20260603
libtpu: 0.0.44.dev20260713+nightly
codegen_flags: <defaults>
</compile_context>

<pallas_src>
import math

import jax
import jax.numpy as jnp
from jax import lax
from jax.experimental import pallas as pl
from jax.experimental.pallas import tpu as pltpu
from jax.experimental.pallas import tpu_sc as plsc

N = 50000
E = 800000
F_IN = 50
H = 128
C_OUT = 121
ALPHA = 0.1
THETA = 0.5

NC = 2
NS = 16
G = 2
GC = H // G
K = 250
EK = E // K
IRT = EK // NS
BRK = 8
NBLK = IRT // BRK
ZST = 3200
ZREM = N - 15 * ZST


def _sc_pass(table, out_g, src2_hbm, dst2_hbm, zeros_hbm,
             dst_blk, src_blk, rows0, rows1, agg,
             gsem0, gsem1, ssem0, ssem1, tid):
    @pl.when(tid < 15)
    def _zero_main():
        pltpu.sync_copy(zeros_hbm, agg.at[pl.ds(tid * ZST, ZST)])

    @pl.when(tid == 15)
    def _zero_rem():
        pltpu.sync_copy(zeros_hbm.at[pl.ds(0, ZREM)],
                        agg.at[pl.ds(15 * ZST, ZREM)])

    plsc.subcore_barrier()

    def blk_body(b, _):
        row_off = tid * IRT + b * BRK
        pltpu.sync_copy(src2_hbm.at[pl.ds(row_off, BRK)], src_blk)
        pltpu.sync_copy(dst2_hbm.at[pl.ds(row_off, BRK)], dst_blk)

        def gather(bb, rows, sem):
            pltpu.async_copy(table.at[src_blk.at[bb]], rows, sem)

        def gwait(rows, sem):
            pltpu.make_async_copy(table.at[src_blk.at[0]], rows, sem).wait()

        def scat(bb, rows, sem):
            pltpu.async_copy(rows, agg.at[dst_blk.at[bb]], sem, add=True)

        def swait(rows, sem):
            pltpu.make_async_copy(rows, agg.at[dst_blk.at[0]], sem).wait()

        gather(0, rows0, gsem0)
        gwait(rows0, gsem0)
        scat(0, rows0, ssem0)
        gather(1, rows1, gsem1)
        gwait(rows1, gsem1)
        scat(1, rows1, ssem1)
        swait(rows0, ssem0)
        gather(2, rows0, gsem0)

        def pair(i, _):
            b0 = 2 * i
            gwait(rows0, gsem0)
            scat(b0, rows0, ssem0)
            swait(rows1, ssem1)
            gather(b0 + 1, rows1, gsem1)
            gwait(rows1, gsem1)
            scat(b0 + 1, rows1, ssem1)
            swait(rows0, ssem0)
            gather(b0 + 2, rows0, gsem0)
            return 0

        lax.fori_loop(1, (BRK - 2) // 2, pair, 0)
        gwait(rows0, gsem0)
        scat(BRK - 2, rows0, ssem0)
        swait(rows1, ssem1)
        gather(BRK - 1, rows1, gsem1)
        gwait(rows1, gsem1)
        scat(BRK - 1, rows1, ssem1)
        swait(rows0, ssem0)
        swait(rows1, ssem1)
        return 0

    lax.fori_loop(0, NBLK, blk_body, 0)
    plsc.subcore_barrier()

    @pl.when(tid < 15)
    def _out_main():
        pltpu.sync_copy(agg.at[pl.ds(tid * ZST, ZST)],
                        out_g.at[pl.ds(tid * ZST, ZST)])

    @pl.when(tid == 15)
    def _out_rem():
        pltpu.sync_copy(agg.at[pl.ds(15 * ZST, ZREM)],
                        out_g.at[pl.ds(15 * ZST, ZREM)])

    plsc.subcore_barrier()


def _sc_scatter_body(h4_hbm, src2_hbm, dst2_hbm, zeros_hbm, out_hbm,
                     dst_blk, src_blk, rows0, rows1, agg,
                     gsem0, gsem1, ssem0, ssem1):
    core = lax.axis_index("c")
    tid = lax.axis_index("s")

    for c in range(NC):
        @pl.when(core == c)
        def _core_work(c=c):
            _sc_pass(h4_hbm.at[c], out_hbm.at[c], src2_hbm, dst2_hbm,
                     zeros_hbm, dst_blk, src_blk, rows0, rows1, agg,
                     gsem0, gsem1, ssem0, ssem1, tid)


def _sc_scatter(h4, src2, dst2, zeros32):
    mesh = plsc.VectorSubcoreMesh(core_axis_name="c", subcore_axis_name="s",
                                  num_cores=NC, num_subcores=NS)
    return pl.kernel(
        _sc_scatter_body,
        out_type=jax.ShapeDtypeStruct((G, N, GC), jnp.bfloat16),
        mesh=mesh,
        scratch_types=[
            pltpu.VMEM((BRK, K), jnp.int32),
            pltpu.VMEM((BRK, K), jnp.int32),
            pltpu.VMEM((K, GC), jnp.bfloat16),
            pltpu.VMEM((K, GC), jnp.bfloat16),
            pltpu.VMEM_SHARED((N, GC), jnp.bfloat16),
            pltpu.SemaphoreType.DMA,
            pltpu.SemaphoreType.DMA,
            pltpu.SemaphoreType.DMA,
            pltpu.SemaphoreType.DMA,
        ],
        compiler_params=pltpu.CompilerParams(use_tc_tiling_on_sc=False),
    )(h4, src2, dst2, zeros32)


R = 1000


def _lin0_body(x_ref, w_ref, b_ref, o_ref, o4_ref):
    h = jnp.maximum(
        jnp.dot(x_ref[...], w_ref[...],
                preferred_element_type=jnp.float32) + b_ref[...], 0.0)
    o_ref[...] = h
    for c in range(G):
        o4_ref[c] = h[:, c * GC:(c + 1) * GC].astype(jnp.bfloat16)


def _lin0(x, w0t, b0):
    return pl.pallas_call(
        _lin0_body,
        grid=(N // R,),
        in_specs=[pl.BlockSpec((R, F_IN), lambda i: (i, 0)),
                  pl.BlockSpec((F_IN, H), lambda i: (0, 0)),
                  pl.BlockSpec((1, H), lambda i: (0, 0))],
        out_specs=[pl.BlockSpec((R, H), lambda i: (i, 0)),
                   pl.BlockSpec((G, R, GC), lambda i: (0, i, 0))],
        out_shape=[jax.ShapeDtypeStruct((N, H), jnp.float32),
                   jax.ShapeDtypeStruct((G, N, GC), jnp.bfloat16)],
    )(x, w0t, b0)


def _combine1_body(a4_ref, h_ref, w_ref, o_ref, o4_ref):
    a4 = a4_ref[...]
    agg = jnp.concatenate([a4[c] for c in range(G)],
                          axis=-1).astype(jnp.float32)
    out = (1.0 - ALPHA) * agg + ALPHA * h_ref[...]
    xc = jnp.maximum(
        jnp.dot(out, w_ref[...], preferred_element_type=jnp.float32)
        + h_ref[...], 0.0)
    o_ref[...] = xc
    for c in range(G):
        o4_ref[c] = xc[:, c * GC:(c + 1) * GC].astype(jnp.bfloat16)


def _combine1(agg4, h, wt1):
    return pl.pallas_call(
        _combine1_body,
        grid=(N // R,),
        in_specs=[pl.BlockSpec((G, R, GC), lambda i: (0, i, 0)),
                  pl.BlockSpec((R, H), lambda i: (i, 0)),
                  pl.BlockSpec((H, H), lambda i: (0, 0))],
        out_specs=[pl.BlockSpec((R, H), lambda i: (i, 0)),
                   pl.BlockSpec((G, R, GC), lambda i: (0, i, 0))],
        out_shape=[jax.ShapeDtypeStruct((N, H), jnp.float32),
                   jax.ShapeDtypeStruct((G, N, GC), jnp.bfloat16)],
    )(agg4, h, wt1)


def _combine2_body(a4_ref, h_ref, xc_ref, w_ref, w1_ref, b1_ref, o_ref):
    a4 = a4_ref[...]
    agg = jnp.concatenate([a4[c] for c in range(G)],
                          axis=-1).astype(jnp.float32)
    out = (1.0 - ALPHA) * agg + ALPHA * h_ref[...]
    xc2 = jnp.maximum(
        jnp.dot(out, w_ref[...], preferred_element_type=jnp.float32)
        + xc_ref[...], 0.0)
    o_ref[...] = jnp.dot(xc2, w1_ref[...],
                         preferred_element_type=jnp.float32) + b1_ref[...]


def _combine2(agg4, h, xc1, wt2, w1t, b1):
    return pl.pallas_call(
        _combine2_body,
        grid=(N // R,),
        in_specs=[pl.BlockSpec((G, R, GC), lambda i: (0, i, 0)),
                  pl.BlockSpec((R, H), lambda i: (i, 0)),
                  pl.BlockSpec((R, H), lambda i: (i, 0)),
                  pl.BlockSpec((H, H), lambda i: (0, 0)),
                  pl.BlockSpec((H, C_OUT), lambda i: (0, 0)),
                  pl.BlockSpec((1, C_OUT), lambda i: (0, 0))],
        out_specs=pl.BlockSpec((R, C_OUT), lambda i: (i, 0)),
        out_shape=jax.ShapeDtypeStruct((N, C_OUT), jnp.float32),
    )(agg4, h, xc1, wt2, w1t, b1)


def kernel(x, edge_index, lin0_w, lin0_b, lin1_w, lin1_b, conv_w1, conv_w2):
    src2 = edge_index[0].reshape(EK, K)
    dst2 = edge_index[1].reshape(EK, K)
    w0t = lin0_w.T
    b0 = lin0_b.reshape(1, H)
    beta1 = math.log(THETA / 1.0 + 1.0)
    beta2 = math.log(THETA / 2.0 + 1.0)
    eye = jnp.eye(H, dtype=jnp.float32)
    wt1 = (1.0 - beta1) * eye + beta1 * conv_w1
    wt2 = (1.0 - beta2) * eye + beta2 * conv_w2
    w1t = lin1_w.T
    b1 = lin1_b.reshape(1, C_OUT)
    zeros32 = jnp.zeros((ZST, GC), jnp.bfloat16)

    h, h4 = _lin0(x, w0t, b0)
    agg4 = _sc_scatter(h4, src2, dst2, zeros32)
    xc1, xc14 = _combine1(agg4, h, wt1)
    agg4b = _sc_scatter(xc14, src2, dst2, zeros32)
    return _combine2(agg4b, h, xc1, wt2, w1t, b1)

# --- scband reference (transcript-rebuilt; emitter-appended) ---
"""Pipeline reference for scband-net-24790551233195 (READ-ONLY COPY).

The authoritative reference and input builder live on the scoring server;
editing this copy changes nothing except your own understanding.
"""

import jax, jax.numpy as jnp
import numpy as np

N = 50000
E = 800000
F_IN = 50
H = 128
C_OUT = 121
ALPHA = 0.1
THETA = 0.5


def setup_inputs(seed: int = 0) -> dict:
    key = jax.random.key(seed)
    ks = jax.random.split(key, 8)
    x = jax.random.normal(ks[0], (N, F_IN), dtype=jnp.float32)
    edge_index = jax.random.randint(ks[1], (2, E), 0, N, dtype=jnp.int32)
    lin0_w = jax.random.normal(ks[2], (H, F_IN), dtype=jnp.float32) * 0.05
    lin0_b = jnp.zeros((H,), dtype=jnp.float32)
    lin1_w = jax.random.normal(ks[3], (C_OUT, H), dtype=jnp.float32) * 0.05
    lin1_b = jnp.zeros((C_OUT,), dtype=jnp.float32)
    conv_w1 = jax.random.normal(ks[4], (H, H), dtype=jnp.float32) * 0.05
    conv_w2 = jax.random.normal(ks[5], (H, H), dtype=jnp.float32) * 0.05
    return {"x": x, "edge_index": edge_index, "lin0_w": lin0_w, "lin0_b": lin0_b,
            "lin1_w": lin1_w, "lin1_b": lin1_b, "conv_w1": conv_w1, "conv_w2": conv_w2}


def _gcn2_layer(h, x0, src, dst, W, layer):
    # propagate: unnormalized adjacency scatter-add (normalize=False in GCN2Conv)
    agg = jnp.zeros_like(h).at[dst].add(h[src])
    out = agg * (1.0 - ALPHA) + ALPHA * x0
    beta = float(np.log(THETA / layer + 1.0))
    # shared_weights=True: out = (1-beta)*out + beta*(out @ W)
    out = (1.0 - beta) * out + beta * (out @ W)
    return out


def reference(x, edge_index, lin0_w, lin0_b, lin1_w, lin1_b, conv_w1, conv_w2):
    src = edge_index[0]
    dst = edge_index[1]
    # dropout is a no-op in eval mode
    h = jax.nn.relu(x @ lin0_w.T + lin0_b)
    x0 = h
    xc = h
    for i, W in enumerate([conv_w1, conv_w2]):
        hh = _gcn2_layer(xc, x0, src, dst, W, i + 1)
        xc = jax.nn.relu(hh + xc)
    return xc @ lin1_w.T + lin1_b

if __name__ == "__main__":
    import jax
    _d = setup_inputs()
    print(jax.jit(kernel)(*tuple(_d.values())))

</pallas_src>

<mosaic_0001>
#map = affine_map<(d0, d1) -> (0, 0, 0)>
#map1 = affine_map<(d0, d1) -> (0, 0)>
module attributes {stable_mosaic.version = 14 : i64} {
  func.func @_sc_scatter_body(%arg0: i32, %arg1: i32, %arg2: memref<2x50000x64xbf16, #tpu.memory_space<hbm>>, %arg3: memref<3200x250xi32, #tpu.memory_space<hbm>>, %arg4: memref<3200x250xi32, #tpu.memory_space<hbm>>, %arg5: memref<3200x64xbf16, #tpu.memory_space<hbm>>, %arg6: memref<2x50000x64xbf16, #tpu.memory_space<hbm>>, %arg7: memref<8x250xi32, #tpu.memory_space<vmem>>, %arg8: memref<8x250xi32, #tpu.memory_space<vmem>>, %arg9: memref<250x64xbf16, #tpu.memory_space<vmem>>, %arg10: memref<250x64xbf16, #tpu.memory_space<vmem>>, %arg11: memref<50000x64xbf16, #tpu.memory_space<vmem_shared>>, %arg12: memref<!tpu.dma_semaphore, #tpu.memory_space<semaphore_mem>>, %arg13: memref<!tpu.dma_semaphore, #tpu.memory_space<semaphore_mem>>, %arg14: memref<!tpu.dma_semaphore, #tpu.memory_space<semaphore_mem>>, %arg15: memref<!tpu.dma_semaphore, #tpu.memory_space<semaphore_mem>>) attributes {dimension_semantics = [#tpu.dimension_semantics<core_parallel>, #tpu.dimension_semantics<subcore_parallel>], iteration_bounds = array<i64: 2, 16>, scalar_prefetch = 0 : i64, scratch_operands = 9 : i64, tpu.core_type = #tpu.core_type<sc_vector_subcore>, window_params = [{transform_indices = #map}, {transform_indices = #map1}, {transform_indices = #map1}, {transform_indices = #map1}, {transform_indices = #map}]} {
    %eq3A = arith.constant 0 : i32
    %eq3A_0 = arith.cmpi eq, %arg0, %eq3A : i32
    %convert_element_type3A = arith.extui %eq3A_0 : i1 to i32
    %cond3A = arith.constant 0 : i32
    %cond3A_1 = arith.cmpi ne, %convert_element_type3A, %cond3A : i32
    scf.if %cond3A_1 {
      %lt3A = arith.constant 15 : i32
      %lt3A_7 = arith.cmpi slt, %arg1, %lt3A : i32
      %convert_element_type3A_8 = arith.extui %lt3A_7 : i1 to i32
      %cond3A_9 = arith.constant 0 : i32
      %cond3A_10 = arith.cmpi ne, %convert_element_type3A_8, %cond3A_9 : i32
      scf.if %cond3A_10 {
        %mul3A = arith.constant 3200 : i32
        %mul3A_37 = arith.muli %arg1, %mul3A : i32
        "tpu.region"() ({
          %run_scoped3A = tpu.sem_alloc : memref<!tpu.dma_semaphore, #tpu.memory_space<semaphore_mem>>
          %dma_start3A = arith.constant 0 : i32
          %dma_start3A_38 = tpu.memref_slice %arg11[%mul3A_37, %dma_start3A] : memref<50000x64xbf16, #tpu.memory_space<vmem_shared>> -> memref<3200x64xbf16, #tpu.memory_space<vmem_shared>>
          tpu.enqueue_dma source(%arg5 : memref<3200x64xbf16, #tpu.memory_space<hbm>>) target(%dma_start3A_38 : memref<3200x64xbf16, #tpu.memory_space<vmem_shared>>) target_semaphore(%run_scoped3A : memref<!tpu.dma_semaphore, #tpu.memory_space<semaphore_mem>>)
          %dma_wait3A = arith.constant 0 : i32
          %dma_wait3A_39 = tpu.memref_slice %arg11[%mul3A_37, %dma_wait3A] : memref<50000x64xbf16, #tpu.memory_space<vmem_shared>> -> memref<3200x64xbf16, #tpu.memory_space<vmem_shared>>
          tpu.wait_dma2 semaphore(%run_scoped3A : memref<!tpu.dma_semaphore, #tpu.memory_space<semaphore_mem>>) src(%arg5 : memref<3200x64xbf16, #tpu.memory_space<hbm>>) dst(%dma_wait3A_39 : memref<3200x64xbf16, #tpu.memory_space<vmem_shared>>)
          tpu.yield
        }) : () -> ()
      } else {
      }
      %eq3A_11 = arith.constant 15 : i32
      %eq3A_12 = arith.cmpi eq, %arg1, %eq3A_11 : i32
      %convert_element_type3A_13 = arith.extui %eq3A_12 : i1 to i32
      %cond3A_14 = arith.constant 0 : i32
      %cond3A_15 = arith.cmpi ne, %convert_element_type3A_13, %cond3A_14 : i32
      scf.if %cond3A_15 {
        "tpu.region"() ({
          %run_scoped3A = tpu.sem_alloc : memref<!tpu.dma_semaphore, #tpu.memory_space<semaphore_mem>>
          %dma_start3A = arith.constant 48000 : i32
          %dma_start3A_37 = arith.constant 0 : i32
          %dma_start3A_38 = tpu.memref_slice %arg11[%dma_start3A, %dma_start3A_37] : memref<50000x64xbf16, #tpu.memory_space<vmem_shared>> -> memref<2000x64xbf16, #tpu.memory_space<vmem_shared>>
          %dma_start3A_39 = arith.constant 0 : i32
          %dma_start3A_40 = arith.constant 0 : i32
          %dma_start3A_41 = tpu.memref_slice %arg5[%dma_start3A_39, %dma_start3A_40] : memref<3200x64xbf16, #tpu.memory_space<hbm>> -> memref<2000x64xbf16, #tpu.memory_space<hbm>>
          tpu.enqueue_dma source(%dma_start3A_41 : memref<2000x64xbf16, #tpu.memory_space<hbm>>) target(%dma_start3A_38 : memref<2000x64xbf16, #tpu.memory_space<vmem_shared>>) target_semaphore(%run_scoped3A : memref<!tpu.dma_semaphore, #tpu.memory_space<semaphore_mem>>)
          %dma_wait3A = arith.constant 48000 : i32
          %dma_wait3A_42 = arith.constant 0 : i32
          %dma_wait3A_43 = tpu.memref_slice %arg11[%dma_wait3A, %dma_wait3A_42] : memref<50000x64xbf16, #tpu.memory_space<vmem_shared>> -> memref<2000x64xbf16, #tpu.memory_space<vmem_shared>>
          %dma_wait3A_44 = arith.constant 0 : i32
          %dma_wait3A_45 = arith.constant 0 : i32
          %dma_wait3A_46 = tpu.memref_slice %arg5[%dma_wait3A_44, %dma_wait3A_45] : memref<3200x64xbf16, #tpu.memory_space<hbm>> -> memref<2000x64xbf16, #tpu.memory_space<hbm>>
          tpu.wait_dma2 semaphore(%run_scoped3A : memref<!tpu.dma_semaphore, #tpu.memory_space<semaphore_mem>>) src(%dma_wait3A_46 : memref<2000x64xbf16, #tpu.memory_space<hbm>>) dst(%dma_wait3A_43 : memref<2000x64xbf16, #tpu.memory_space<vmem_shared>>)
          tpu.yield
        }) : () -> ()
      } else {
      }
      %barrier3A = arith.constant 0 : index
      tpu.barrier barrier_id(%barrier3A)
      %scan3A = arith.constant 0 : i32
      %scan3A_16 = arith.constant 0 : i32
      %scan3A_17 = arith.constant 0 : i32
      %scan3A_18 = arith.constant 25 : i32
      %scan3A_19 = arith.addi %scan3A_17, %scan3A_18 : i32
      %scan3A_20 = arith.constant 1 : i32
      %scan3A_21 = scf.for %scan3A_37 = %scan3A_17 to %scan3A_19 step %scan3A_20 iter_args(%scan3A_38 = %scan3A_16) -> (i32)  : i32 {
        %mul3A = arith.constant 200 : i32
        %mul3A_39 = arith.muli %arg1, %mul3A : i32
        %mul3A_40 = arith.constant 8 : i32
        %mul3A_41 = arith.muli %scan3A_37, %mul3A_40 : i32
        %add3A = arith.addi %mul3A_39, %mul3A_41 : i32
        "tpu.region"() ({
          %run_scoped3A = tpu.sem_alloc : memref<!tpu.dma_semaphore, #tpu.memory_space<semaphore_mem>>
          %dma_start3A_192 = arith.constant 0 : i32
          %dma_start3A_193 = tpu.memref_slice %arg3[%add3A, %dma_start3A_192] : memref<3200x250xi32, #tpu.memory_space<hbm>> -> memref<8x250xi32, #tpu.memory_space<hbm>>
          %dma_start3A_194 = arith.constant 0 : i32
          %dma_start3A_195 = tpu.memref_slice %arg3[%add3A, %dma_start3A_194] : memref<3200x250xi32, #tpu.memory_space<hbm>> -> memref<8x250xi32, #tpu.memory_space<hbm>>
          tpu.enqueue_dma source(%dma_start3A_195 : memref<8x250xi32, #tpu.memory_space<hbm>>) target(%arg8 : memref<8x250xi32, #tpu.memory_space<vmem>>) target_semaphore(%run_scoped3A : memref<!tpu.dma_semaphore, #tpu.memory_space<semaphore_mem>>)
          %dma_wait3A_196 = arith.constant 0 : i32
          %dma_wait3A_197 = tpu.memref_slice %arg3[%add3A, %dma_wait3A_196] : memref<3200x250xi32, #tpu.memory_space<hbm>> -> memref<8x250xi32, #tpu.memory_space<hbm>>
          %dma_wait3A_198 = arith.constant 0 : i32
          %dma_wait3A_199 = tpu.memref_slice %arg3[%add3A, %dma_wait3A_198] : memref<3200x250xi32, #tpu.memory_space<hbm>> -> memref<8x250xi32, #tpu.memory_space<hbm>>
          tpu.wait_dma2 semaphore(%run_scoped3A : memref<!tpu.dma_semaphore, #tpu.memory_space<semaphore_mem>>) src(%dma_wait3A_199 : memref<8x250xi32, #tpu.memory_space<hbm>>) dst(%arg8 : memref<8x250xi32, #tpu.memory_space<vmem>>)
          tpu.yield
        }) : () -> ()
        "tpu.region"() ({
          %run_scoped3A = tpu.sem_alloc : memref<!tpu.dma_semaphore, #tpu.memory_space<semaphore_mem>>
          %dma_start3A_192 = arith.constant 0 : i32
          %dma_start3A_193 = tpu.memref_slice %arg4[%add3A, %dma_start3A_192] : memref<3200x250xi32, #tpu.memory_space<hbm>> -> memref<8x250xi32, #tpu.memory_space<hbm>>
          %dma_start3A_194 = arith.constant 0 : i32
          %dma_start3A_195 = tpu.memref_slice %arg4[%add3A, %dma_start3A_194] : memref<3200x250xi32, #tpu.memory_space<hbm>> -> memref<8x250xi32, #tpu.memory_space<hbm>>
          tpu.enqueue_dma source(%dma_start3A_195 : memref<8x250xi32, #tpu.memory_space<hbm>>) target(%arg7 : memref<8x250xi32, #tpu.memory_space<vmem>>) target_semaphore(%run_scoped3A : memref<!tpu.dma_semaphore, #tpu.memory_space<semaphore_mem>>)
          %dma_wait3A_196 = arith.constant 0 : i32
          %dma_wait3A_197 = tpu.memref_slice %arg4[%add3A, %dma_wait3A_196] : memref<3200x250xi32, #tpu.memory_space<hbm>> -> memref<8x250xi32, #tpu.memory_space<hbm>>
          %dma_wait3A_198 = arith.constant 0 : i32
          %dma_wait3A_199 = tpu.memref_slice %arg4[%add3A, %dma_wait3A_198] : memref<3200x250xi32, #tpu.memory_space<hbm>> -> memref<8x250xi32, #tpu.memory_space<hbm>>
          tpu.wait_dma2 semaphore(%run_scoped3A : memref<!tpu.dma_semaphore, #tpu.memory_space<semaphore_mem>>) src(%dma_wait3A_199 : memref<8x250xi32, #tpu.memory_space<hbm>>) dst(%arg7 : memref<8x250xi32, #tpu.memory_space<vmem>>)
          tpu.yield
        }) : () -> ()
        %dma_start3A = arith.constant 0 : i32
        %dma_start3A_42 = arith.constant 0 : i32
        %dma_start3A_43 = tpu.memref_slice %arg8[%dma_start3A, %dma_start3A_42] : memref<8x250xi32, #tpu.memory_space<vmem>> -> memref<1x250xi32, #tpu.memory_space<vmem>>
        %dma_start3A_44 = tpu.memref_squeeze %dma_start3A_43 : memref<1x250xi32, #tpu.memory_space<vmem>> -> memref<250xi32, #tpu.memory_space<vmem>>
        %dma_start3A_45 = arith.constant 0 : i32
        %dma_start3A_46 = arith.constant 0 : i32
        %dma_start3A_47 = tpu.memref_slice %arg2[%scan3A, %dma_start3A_45, %dma_start3A_46] : memref<2x50000x64xbf16, #tpu.memory_space<hbm>> -> memref<1x50000x64xbf16, #tpu.memory_space<hbm>>
        %dma_start3A_48 = tpu.memref_squeeze %dma_start3A_47 : memref<1x50000x64xbf16, #tpu.memory_space<hbm>> -> memref<50000x64xbf16, #tpu.memory_space<hbm>>
        %dma_start3A_49 = arith.constant 0 : i32
        %dma_start3A_50 = arith.constant 0 : i32
        %dma_start3A_51 = tpu.memref_slice %dma_start3A_48[%dma_start3A_49, %dma_start3A_50] : memref<50000x64xbf16, #tpu.memory_space<hbm>> -> memref<50000x64xbf16, #tpu.memory_space<hbm>>
        tpu.enqueue_indirect_dma source(%dma_start3A_51 : memref<50000x64xbf16, #tpu.memory_space<hbm>>) target(%arg9 : memref<250x64xbf16, #tpu.memory_space<vmem>>) offsets(%dma_start3A_44 : memref<250xi32, #tpu.memory_space<vmem>>) semaphore(%arg12 : memref<!tpu.dma_semaphore, #tpu.memory_space<semaphore_mem>>)
        %dma_wait3A = arith.constant 0 : i32
        %dma_wait3A_52 = arith.constant 0 : i32
        %dma_wait3A_53 = tpu.memref_slice %arg8[%dma_wait3A, %dma_wait3A_52] : memref<8x250xi32, #tpu.memory_space<vmem>> -> memref<1x250xi32, #tpu.memory_space<vmem>>
        %dma_wait3A_54 = tpu.memref_squeeze %dma_wait3A_53 : memref<1x250xi32, #tpu.memory_space<vmem>> -> memref<250xi32, #tpu.memory_space<vmem>>
        %dma_wait3A_55 = arith.constant 0 : i32
        %dma_wait3A_56 = arith.constant 0 : i32
        %dma_wait3A_57 = tpu.memref_slice %arg2[%scan3A, %dma_wait3A_55, %dma_wait3A_56] : memref<2x50000x64xbf16, #tpu.memory_space<hbm>> -> memref<1x50000x64xbf16, #tpu.memory_space<hbm>>
        %dma_wait3A_58 = tpu.memref_squeeze %dma_wait3A_57 : memref<1x50000x64xbf16, #tpu.memory_space<hbm>> -> memref<50000x64xbf16, #tpu.memory_space<hbm>>
        %dma_wait3A_59 = arith.constant 0 : i32
        %dma_wait3A_60 = arith.constant 0 : i32
        %dma_wait3A_61 = tpu.memref_slice %dma_wait3A_58[%dma_wait3A_59, %dma_wait3A_60] : memref<50000x64xbf16, #tpu.memory_space<hbm>> -> memref<50000x64xbf16, #tpu.memory_space<hbm>>
        tpu.wait_indirect_dma semaphore(%arg12 : memref<!tpu.dma_semaphore, #tpu.memory_space<semaphore_mem>>) src(%dma_wait3A_61 : memref<50000x64xbf16, #tpu.memory_space<hbm>>) dst(%arg9 : memref<250x64xbf16, #tpu.memory_space<vmem>>)
        %dma_start3A_62 = arith.constant 0 : i32
        %dma_start3A_63 = arith.constant 0 : i32
        %dma_start3A_64 = tpu.memref_slice %arg7[%dma_start3A_62, %dma_start3A_63] : memref<8x250xi32, #tpu.memory_space<vmem>> -> memref<1x250xi32, #tpu.memory_space<vmem>>
        %dma_start3A_65 = tpu.memref_squeeze %dma_start3A_64 : memref<1x250xi32, #tpu.memory_space<vmem>> -> memref<250xi32, #tpu.memory_space<vmem>>
        %dma_start3A_66 = arith.constant 0 : i32
        %dma_start3A_67 = arith.constant 0 : i32
        %dma_start3A_68 = tpu.memref_slice %arg11[%dma_start3A_66, %dma_start3A_67] : memref<50000x64xbf16, #tpu.memory_space<vmem_shared>> -> memref<50000x64xbf16, #tpu.memory_space<vmem_shared>>
        tpu.enqueue_indirect_dma source(%arg9 : memref<250x64xbf16, #tpu.memory_space<vmem>>) target(%dma_start3A_68 : memref<50000x64xbf16, #tpu.memory_space<vmem_shared>>) offsets(%dma_start3A_65 : memref<250xi32, #tpu.memory_space<vmem>>) semaphore(%arg14 : memref<!tpu.dma_semaphore, #tpu.memory_space<semaphore_mem>>) {add = true}
        %dma_start3A_69 = arith.constant 1 : i32
        %dma_start3A_70 = arith.constant 0 : i32
        %dma_start3A_71 = tpu.memref_slice %arg8[%dma_start3A_69, %dma_start3A_70] : memref<8x250xi32, #tpu.memory_space<vmem>> -> memref<1x250xi32, #tpu.memory_space<vmem>>
        %dma_start3A_72 = tpu.memref_squeeze %dma_start3A_71 : memref<1x250xi32, #tpu.memory_space<vmem>> -> memref<250xi32, #tpu.memory_space<vmem>>
        %dma_start3A_73 = arith.constant 0 : i32
        %dma_start3A_74 = arith.constant 0 : i32
        %dma_start3A_75 = tpu.memref_slice %arg2[%scan3A, %dma_start3A_73, %dma_start3A_74] : memref<2x50000x64xbf16, #tpu.memory_space<hbm>> -> memref<1x50000x64xbf16, #tpu.memory_space<hbm>>
        %dma_start3A_76 = tpu.memref_squeeze %dma_start3A_75 : memref<1x50000x64xbf16, #tpu.memory_space<hbm>> -> memref<50000x64xbf16, #tpu.memory_space<hbm>>
        %dma_start3A_77 = arith.constant 0 : i32
        %dma_start3A_78 = arith.constant 0 : i32
        %dma_start3A_79 = tpu.memref_slice %dma_start3A_76[%dma_start3A_77, %dma_start3A_78] : memref<50000x64xbf16, #tpu.memory_space<hbm>> -> memref<50000x64xbf16, #tpu.memory_space<hbm>>
        tpu.enqueue_indirect_dma source(%dma_start3A_79 : memref<50000x64xbf16, #tpu.memory_space<hbm>>) target(%arg10 : memref<250x64xbf16, #tpu.memory_space<vmem>>) offsets(%dma_start3A_72 : memref<250xi32, #tpu.memory_space<vmem>>) semaphore(%arg13 : memref<!tpu.dma_semaphore, #tpu.memory_space<semaphore_mem>>)
        %dma_wait3A_80 = arith.constant 0 : i32
        %dma_wait3A_81 = arith.constant 0 : i32
        %dma_wait3A_82 = tpu.memref_slice %arg8[%dma_wait3A_80, %dma_wait3A_81] : memref<8x250xi32, #tpu.memory_space<vmem>> -> memref<1x250xi32, #tpu.memory_space<vmem>>
        %dma_wait3A_83 = tpu.memref_squeeze %dma_wait3A_82 : memref<1x250xi32, #tpu.memory_space<vmem>> -> memref<250xi32, #tpu.memory_space<vmem>>
        %dma_wait3A_84 = arith.constant 0 : i32
        %dma_wait3A_85 = arith.constant 0 : i32
        %dma_wait3A_86 = tpu.memref_slice %arg2[%scan3A, %dma_wait3A_84, %dma_wait3A_85] : memref<2x50000x64xbf16, #tpu.memory_space<hbm>> -> memref<1x50000x64xbf16, #tpu.memory_space<hbm>>
        %dma_wait3A_87 = tpu.memref_squeeze %dma_wait3A_86 : memref<1x50000x64xbf16, #tpu.memory_space<hbm>> -> memref<50000x64xbf16, #tpu.memory_space<hbm>>
        %dma_wait3A_88 = arith.constant 0 : i32
        %dma_wait3A_89 = arith.constant 0 : i32
        %dma_wait3A_90 = tpu.memref_slice %dma_wait3A_87[%dma_wait3A_88, %dma_wait3A_89] : memref<50000x64xbf16, #tpu.memory_space<hbm>> -> memref<50000x64xbf16, #tpu.memory_space<hbm>>
        tpu.wait_indirect_dma semaphore(%arg13 : memref<!tpu.dma_semaphore, #tpu.memory_space<semaphore_mem>>) src(%dma_wait3A_90 : memref<50000x64xbf16, #tpu.memory_space<hbm>>) dst(%arg10 : memref<250x64xbf16, #tpu.memory_space<vmem>>)
        %dma_start3A_91 = arith.constant 1 : i32
        %dma_start3A_92 = arith.constant 0 : i32
        %dma_start3A_93 = tpu.memref_slice %arg7[%dma_start3A_91, %dma_start3A_92] : memref<8x250xi32, #tpu.memory_space<vmem>> -> memref<1x250xi32, #tpu.memory_space<vmem>>
        %dma_start3A_94 = tpu.memref_squeeze %dma_start3A_93 : memref<1x250xi32, #tpu.memory_space<vmem>> -> memref<250xi32, #tpu.memory_space<vmem>>
        %dma_start3A_95 = arith.constant 0 : i32
        %dma_start3A_96 = arith.constant 0 : i32
        %dma_start3A_97 = tpu.memref_slice %arg11[%dma_start3A_95, %dma_start3A_96] : memref<50000x64xbf16, #tpu.memory_space<vmem_shared>> -> memref<50000x64xbf16, #tpu.memory_space<vmem_shared>>
        tpu.enqueue_indirect_dma source(%arg10 : memref<250x64xbf16, #tpu.memory_space<vmem>>) target(%dma_start3A_97 : memref<50000x64xbf16, #tpu.memory_space<vmem_shared>>) offsets(%dma_start3A_94 : memref<250xi32, #tpu.memory_space<vmem>>) semaphore(%arg15 : memref<!tpu.dma_semaphore, #tpu.memory_space<semaphore_mem>>) {add = true}
        %dma_wait3A_98 = arith.constant 0 : i32
        %dma_wait3A_99 = arith.constant 0 : i32
        %dma_wait3A_100 = tpu.memref_slice %arg7[%dma_wait3A_98, %dma_wait3A_99] : memref<8x250xi32, #tpu.memory_space<vmem>> -> memref<1x250xi32, #tpu.memory_space<vmem>>
        %dma_wait3A_101 = tpu.memref_squeeze %dma_wait3A_100 : memref<1x250xi32, #tpu.memory_space<vmem>> -> memref<250xi32, #tpu.memory_space<vmem>>
        %dma_wait3A_102 = arith.constant 0 : i32
        %dma_wait3A_103 = arith.constant 0 : i32
        %dma_wait3A_104 = tpu.memref_slice %arg11[%dma_wait3A_102, %dma_wait3A_103] : memref<50000x64xbf16, #tpu.memory_space<vmem_shared>> -> memref<50000x64xbf16, #tpu.memory_space<vmem_shared>>
        tpu.wait_indirect_dma semaphore(%arg14 : memref<!tpu.dma_semaphore, #tpu.memory_space<semaphore_mem>>) src(%arg9 : memref<250x64xbf16, #tpu.memory_space<vmem>>) dst(%dma_wait3A_104 : memref<50000x64xbf16, #tpu.memory_space<vmem_shared>>)
        %dma_start3A_105 = arith.constant 2 : i32
        %dma_start3A_106 = arith.constant 0 : i32
        %dma_start3A_107 = tpu.memref_slice %arg8[%dma_start3A_105, %dma_start3A_106] : memref<8x250xi32, #tpu.memory_space<vmem>> -> memref<1x250xi32, #tpu.memory_space<vmem>>
        %dma_start3A_108 = tpu.memref_squeeze %dma_start3A_107 : memref<1x250xi32, #tpu.memory_space<vmem>> -> memref<250xi32, #tpu.memory_space<vmem>>
        %dma_start3A_109 = arith.constant 0 : i32
        %dma_start3A_110 = arith.constant 0 : i32
        %dma_start3A_111 = tpu.memref_slice %arg2[%scan3A, %dma_start3A_109, %dma_start3A_110] : memref<2x50000x64xbf16, #tpu.memory_space<hbm>> -> memref<1x50000x64xbf16, #tpu.memory_space<hbm>>
        %dma_start3A_112 = tpu.memref_squeeze %dma_start3A_111 : memref<1x50000x64xbf16, #tpu.memory_space<hbm>> -> memref<50000x64xbf16, #tpu.memory_space<hbm>>
        %dma_start3A_113 = arith.constant 0 : i32
        %dma_start3A_114 = arith.constant 0 : i32
        %dma_start3A_115 = tpu.memref_slice %dma_start3A_112[%dma_start3A_113, %dma_start3A_114] : memref<50000x64xbf16, #tpu.memory_space<hbm>> -> memref<50000x64xbf16, #tpu.memory_space<hbm>>
        tpu.enqueue_indirect_dma source(%dma_start3A_115 : memref<50000x64xbf16, #tpu.memory_space<hbm>>) target(%arg9 : memref<250x64xbf16, #tpu.memory_space<vmem>>) offsets(%dma_start3A_108 : memref<250xi32, #tpu.memory_space<vmem>>) semaphore(%arg12 : memref<!tpu.dma_semaphore, #tpu.memory_space<semaphore_mem>>)
        %scan3A_116 = arith.constant 0 : i32
        %scan3A_117 = arith.constant 1 : i32
        %scan3A_118 = arith.constant 2 : i32
        %scan3A_119 = arith.addi %scan3A_117, %scan3A_118 : i32
        %scan3A_120 = arith.constant 1 : i32
        %scan3A_121 = scf.for %scan3A_192 = %scan3A_117 to %scan3A_119 step %scan3A_120 iter_args(%scan3A_193 = %scan3A_116) -> (i32)  : i32 {
          %mul3A_194 = arith.constant 2 : i32
          %mul3A_195 = arith.muli %mul3A_194, %scan3A_192 : i32
          %dma_wait3A_196 = arith.constant 0 : i32
          %dma_wait3A_197 = arith.constant 0 : i32
          %dma_wait3A_198 = tpu.memref_slice %arg8[%dma_wait3A_196, %dma_wait3A_197] : memref<8x250xi32, #tpu.memory_space<vmem>> -> memref<1x250xi32, #tpu.memory_space<vmem>>
          %dma_wait3A_199 = tpu.memref_squeeze %dma_wait3A_198 : memref<1x250xi32, #tpu.memory_space<vmem>> -> memref<250xi32, #tpu.memory_space<vmem>>
          %dma_wait3A_200 = arith.constant 0 : i32
          %dma_wait3A_201 = arith.constant 0 : i32
          %dma_wait3A_202 = tpu.memref_slice %arg2[%scan3A, %dma_wait3A_200, %dma_wait3A_201] : memref<2x50000x64xbf16, #tpu.memory_space<hbm>> -> memref<1x50000x64xbf16, #tpu.memory_space<hbm>>
          %dma_wait3A_203 = tpu.memref_squeeze %dma_wait3A_202 : memref<1x50000x64xbf16, #tpu.memory_space<hbm>> -> memref<50000x64xbf16, #tpu.memory_space<hbm>>
          %dma_wait3A_204 = arith.constant 0 : i32
          %dma_wait3A_205 = arith.constant 0 : i32
          %dma_wait3A_206 = tpu.memref_slice %dma_wait3A_203[%dma_wait3A_204, %dma_wait3A_205] : memref<50000x64xbf16, #tpu.memory_space<hbm>> -> memref<50000x64xbf16, #tpu.memory_space<hbm>>
          tpu.wait_indirect_dma semaphore(%arg12 : memref<!tpu.dma_semaphore, #tpu.memory_space<semaphore_mem>>) src(%dma_wait3A_206 : memref<50000x64xbf16, #tpu.memory_space<hbm>>) dst(%arg9 : memref<250x64xbf16, #tpu.memory_space<vmem>>)
          %dma_start3A_207 = arith.constant 0 : i32
          %dma_start3A_208 = tpu.memref_slice %arg7[%mul3A_195, %dma_start3A_207] : memref<8x250xi32, #tpu.memory_space<vmem>> -> memref<1x250xi32, #tpu.memory_space<vmem>>
          %dma_start3A_209 = tpu.memref_squeeze %dma_start3A_208 : memref<1x250xi32, #tpu.memory_space<vmem>> -> memref<250xi32, #tpu.memory_space<vmem>>
          %dma_start3A_210 = arith.constant 0 : i32
          %dma_start3A_211 = arith.constant 0 : i32
          %dma_start3A_212 = tpu.memref_slice %arg11[%dma_start3A_210, %dma_start3A_211] : memref<50000x64xbf16, #tpu.memory_space<vmem_shared>> -> memref<50000x64xbf16, #tpu.memory_space<vmem_shared>>
          tpu.enqueue_indirect_dma source(%arg9 : memref<250x64xbf16, #tpu.memory_space<vmem>>) target(%dma_start3A_212 : memref<50000x64xbf16, #tpu.memory_space<vmem_shared>>) offsets(%dma_start3A_209 : memref<250xi32, #tpu.memory_space<vmem>>) semaphore(%arg14 : memref<!tpu.dma_semaphore, #tpu.memory_space<semaphore_mem>>) {add = true}
          %dma_wait3A_213 = arith.constant 0 : i32
          %dma_wait3A_214 = arith.constant 0 : i32
          %dma_wait3A_215 = tpu.memref_slice %arg7[%dma_wait3A_213, %dma_wait3A_214] : memref<8x250xi32, #tpu.memory_space<vmem>> -> memref<1x250xi32, #tpu.memory_space<vmem>>
          %dma_wait3A_216 = tpu.memref_squeeze %dma_wait3A_215 : memref<1x250xi32, #tpu.memory_space<vmem>> -> memref<250xi32, #tpu.memory_space<vmem>>
          %dma_wait3A_217 = arith.constant 0 : i32
          %dma_wait3A_218 = arith.constant 0 : i32
          %dma_wait3A_219 = tpu.memref_slice %arg11[%dma_wait3A_217, %dma_wait3A_218] : memref<50000x64xbf16, #tpu.memory_space<vmem_shared>> -> memref<50000x64xbf16, #tpu.memory_space<vmem_shared>>
          tpu.wait_indirect_dma semaphore(%arg15 : memref<!tpu.dma_semaphore, #tpu.memory_space<semaphore_mem>>) src(%arg10 : memref<250x64xbf16, #tpu.memory_space<vmem>>) dst(%dma_wait3A_219 : memref<50000x64xbf16, #tpu.memory_space<vmem_shared>>)
          %add3A_220 = arith.constant 1 : i32
          %add3A_221 = arith.addi %mul3A_195, %add3A_220 : i32
          %dma_start3A_222 = arith.constant 0 : i32
          %dma_start3A_223 = tpu.memref_slice %arg8[%add3A_221, %dma_start3A_222] : memref<8x250xi32, #tpu.memory_space<vmem>> -> memref<1x250xi32, #tpu.memory_space<vmem>>
          %dma_start3A_224 = tpu.memref_squeeze %dma_start3A_223 : memref<1x250xi32, #tpu.memory_space<vmem>> -> memref<250xi32, #tpu.memory_space<vmem>>
          %dma_start3A_225 = arith.constant 0 : i32
          %dma_start3A_226 = arith.constant 0 : i32
          %dma_start3A_227 = tpu.memref_slice %arg2[%scan3A, %dma_start3A_225, %dma_start3A_226] : memref<2x50000x64xbf16, #tpu.memory_space<hbm>> -> memref<1x50000x64xbf16, #tpu.memory_space<hbm>>
          %dma_start3A_228 = tpu.memref_squeeze %dma_start3A_227 : memref<1x50000x64xbf16, #tpu.memory_space<hbm>> -> memref<50000x64xbf16, #tpu.memory_space<hbm>>
          %dma_start3A_229 = arith.constant 0 : i32
          %dma_start3A_230 = arith.constant 0 : i32
          %dma_start3A_231 = tpu.memref_slice %dma_start3A_228[%dma_start3A_229, %dma_start3A_230] : memref<50000x64xbf16, #tpu.memory_space<hbm>> -> memref<50000x64xbf16, #tpu.memory_space<hbm>>
          tpu.enqueue_indirect_dma source(%dma_start3A_231 : memref<50000x64xbf16, #tpu.memory_space<hbm>>) target(%arg10 : memref<250x64xbf16, #tpu.memory_space<vmem>>) offsets(%dma_start3A_224 : memref<250xi32, #tpu.memory_space<vmem>>) semaphore(%arg13 : memref<!tpu.dma_semaphore, #tpu.memory_space<semaphore_mem>>)
          %dma_wait3A_232 = arith.constant 0 : i32
          %dma_wait3A_233 = arith.constant 0 : i32
          %dma_wait3A_234 = tpu.memref_slice %arg8[%dma_wait3A_232, %dma_wait3A_233] : memref<8x250xi32, #tpu.memory_space<vmem>> -> memref<1x250xi32, #tpu.memory_space<vmem>>
          %dma_wait3A_235 = tpu.memref_squeeze %dma_wait3A_234 : memref<1x250xi32, #tpu.memory_space<vmem>> -> memref<250xi32, #tpu.memory_space<vmem>>
          %dma_wait3A_236 = arith.constant 0 : i32
          %dma_wait3A_237 = arith.constant 0 : i32
          %dma_wait3A_238 = tpu.memref_slice %arg2[%scan3A, %dma_wait3A_236, %dma_wait3A_237] : memref<2x50000x64xbf16, #tpu.memory_space<hbm>> -> memref<1x50000x64xbf16, #tpu.memory_space<hbm>>
          %dma_wait3A_239 = tpu.memref_squeeze %dma_wait3A_238 : memref<1x50000x64xbf16, #tpu.memory_space<hbm>> -> memref<50000x64xbf16, #tpu.memory_space<hbm>>
          %dma_wait3A_240 = arith.constant 0 : i32
          %dma_wait3A_241 = arith.constant 0 : i32
          %dma_wait3A_242 = tpu.memref_slice %dma_wait3A_239[%dma_wait3A_240, %dma_wait3A_241] : memref<50000x64xbf16, #tpu.memory_space<hbm>> -> memref<50000x64xbf16, #tpu.memory_space<hbm>>
          tpu.wait_indirect_dma semaphore(%arg13 : memref<!tpu.dma_semaphore, #tpu.memory_space<semaphore_mem>>) src(%dma_wait3A_242 : memref<50000x64xbf16, #tpu.memory_space<hbm>>) dst(%arg10 : memref<250x64xbf16, #tpu.memory_space<vmem>>)
          %add3A_243 = arith.constant 1 : i32
          %add3A_244 = arith.addi %mul3A_195, %add3A_243 : i32
          %dma_start3A_245 = arith.constant 0 : i32
          %dma_start3A_246 = tpu.memref_slice %arg7[%add3A_244, %dma_start3A_245] : memref<8x250xi32, #tpu.memory_space<vmem>> -> memref<1x250xi32, #tpu.memory_space<vmem>>
          %dma_start3A_247 = tpu.memref_squeeze %dma_start3A_246 : memref<1x250xi32, #tpu.memory_space<vmem>> -> memref<250xi32, #tpu.memory_space<vmem>>
          %dma_start3A_248 = arith.constant 0 : i32
          %dma_start3A_249 = arith.constant 0 : i32
          %dma_start3A_250 = tpu.memref_slice %arg11[%dma_start3A_248, %dma_start3A_249] : memref<50000x64xbf16, #tpu.memory_space<vmem_shared>> -> memref<50000x64xbf16, #tpu.memory_space<vmem_shared>>
          tpu.enqueue_indirect_dma source(%arg10 : memref<250x64xbf16, #tpu.memory_space<vmem>>) target(%dma_start3A_250 : memref<50000x64xbf16, #tpu.memory_space<vmem_shared>>) offsets(%dma_start3A_247 : memref<250xi32, #tpu.memory_space<vmem>>) semaphore(%arg15 : memref<!tpu.dma_semaphore, #tpu.memory_space<semaphore_mem>>) {add = true}
          %dma_wait3A_251 = arith.constant 0 : i32
          %dma_wait3A_252 = arith.constant 0 : i32
          %dma_wait3A_253 = tpu.memref_slice %arg7[%dma_wait3A_251, %dma_wait3A_252] : memref<8x250xi32, #tpu.memory_space<vmem>> -> memref<1x250xi32, #tpu.memory_space<vmem>>
          %dma_wait3A_254 = tpu.memref_squeeze %dma_wait3A_253 : memref<1x250xi32, #tpu.memory_space<vmem>> -> memref<250xi32, #tpu.memory_space<vmem>>
          %dma_wait3A_255 = arith.constant 0 : i32
          %dma_wait3A_256 = arith.constant 0 : i32
          %dma_wait3A_257 = tpu.memref_slice %arg11[%dma_wait3A_255, %dma_wait3A_256] : memref<50000x64xbf16, #tpu.memory_space<vmem_shared>> -> memref<50000x64xbf16, #tpu.memory_space<vmem_shared>>
          tpu.wait_indirect_dma semaphore(%arg14 : memref<!tpu.dma_semaphore, #tpu.memory_space<semaphore_mem>>) src(%arg9 : memref<250x64xbf16, #tpu.memory_space<vmem>>) dst(%dma_wait3A_257 : memref<50000x64xbf16, #tpu.memory_space<vmem_shared>>)
          %add3A_258 = arith.constant 2 : i32
          %add3A_259 = arith.addi %mul3A_195, %add3A_258 : i32
          %dma_start3A_260 = arith.constant 0 : i32
          %dma_start3A_261 = tpu.memref_slice %arg8[%add3A_259, %dma_start3A_260] : memref<8x250xi32, #tpu.memory_space<vmem>> -> memref<1x250xi32, #tpu.memory_space<vmem>>
          %dma_start3A_262 = tpu.memref_squeeze %dma_start3A_261 : memref<1x250xi32, #tpu.memory_space<vmem>> -> memref<250xi32, #tpu.memory_space<vmem>>
          %dma_start3A_263 = arith.constant 0 : i32
          %dma_start3A_264 = arith.constant 0 : i32
          %dma_start3A_265 = tpu.memref_slice %arg2[%scan3A, %dma_start3A_263, %dma_start3A_264] : memref<2x50000x64xbf16, #tpu.memory_space<hbm>> -> memref<1x50000x64xbf16, #tpu.memory_space<hbm>>
          %dma_start3A_266 = tpu.memref_squeeze %dma_start3A_265 : memref<1x50000x64xbf16, #tpu.memory_space<hbm>> -> memref<50000x64xbf16, #tpu.memory_space<hbm>>
          %dma_start3A_267 = arith.constant 0 : i32
          %dma_start3A_268 = arith.constant 0 : i32
          %dma_start3A_269 = tpu.memref_slice %dma_start3A_266[%dma_start3A_267, %dma_start3A_268] : memref<50000x64xbf16, #tpu.memory_space<hbm>> -> memref<50000x64xbf16, #tpu.memory_space<hbm>>
          tpu.enqueue_indirect_dma source(%dma_start3A_269 : memref<50000x64xbf16, #tpu.memory_space<hbm>>) target(%arg9 : memref<250x64xbf16, #tpu.memory_space<vmem>>) offsets(%dma_start3A_262 : memref<250xi32, #tpu.memory_space<vmem>>) semaphore(%arg12 : memref<!tpu.dma_semaphore, #tpu.memory_space<semaphore_mem>>)
          %scan3A_270 = arith.constant 0 : i32
          scf.yield %scan3A_270 : i32
        }
        %scan3A_122 = arith.constant 2 : i32
        %dma_wait3A_123 = arith.constant 0 : i32
        %dma_wait3A_124 = arith.constant 0 : i32
        %dma_wait3A_125 = tpu.memref_slice %arg8[%dma_wait3A_123, %dma_wait3A_124] : memref<8x250xi32, #tpu.memory_space<vmem>> -> memref<1x250xi32, #tpu.memory_space<vmem>>
        %dma_wait3A_126 = tpu.memref_squeeze %dma_wait3A_125 : memref<1x250xi32, #tpu.memory_space<vmem>> -> memref<250xi32, #tpu.memory_space<vmem>>
        %dma_wait3A_127 = arith.constant 0 : i32
        %dma_wait3A_128 = arith.constant 0 : i32
        %dma_wait3A_129 = tpu.memref_slice %arg2[%scan3A, %dma_wait3A_127, %dma_wait3A_128] : memref<2x50000x64xbf16, #tpu.memory_space<hbm>> -> memref<1x50000x64xbf16, #tpu.memory_space<hbm>>
        %dma_wait3A_130 = tpu.memref_squeeze %dma_wait3A_129 : memref<1x50000x64xbf16, #tpu.memory_space<hbm>> -> memref<50000x64xbf16, #tpu.memory_space<hbm>>
        %dma_wait3A_131 = arith.constant 0 : i32
        %dma_wait3A_132 = arith.constant 0 : i32
        %dma_wait3A_133 = tpu.memref_slice %dma_wait3A_130[%dma_wait3A_131, %dma_wait3A_132] : memref<50000x64xbf16, #tpu.memory_space<hbm>> -> memref<50000x64xbf16, #tpu.memory_space<hbm>>
        tpu.wait_indirect_dma semaphore(%arg12 : memref<!tpu.dma_semaphore, #tpu.memory_space<semaphore_mem>>) src(%dma_wait3A_133 : memref<50000x64xbf16, #tpu.memory_space<hbm>>) dst(%arg9 : memref<250x64xbf16, #tpu.memory_space<vmem>>)
        %dma_start3A_134 = arith.constant 6 : i32
        %dma_start3A_135 = arith.constant 0 : i32
        %dma_start3A_136 = tpu.memref_slice %arg7[%dma_start3A_134, %dma_start3A_135] : memref<8x250xi32, #tpu.memory_space<vmem>> -> memref<1x250xi32, #tpu.memory_space<vmem>>
        %dma_start3A_137 = tpu.memref_squeeze %dma_start3A_136 : memref<1x250xi32, #tpu.memory_space<vmem>> -> memref<250xi32, #tpu.memory_space<vmem>>
        %dma_start3A_138 = arith.constant 0 : i32
        %dma_start3A_139 = arith.constant 0 : i32
        %dma_start3A_140 = tpu.memref_slice %arg11[%dma_start3A_138, %dma_start3A_139] : memref<50000x64xbf16, #tpu.memory_space<vmem_shared>> -> memref<50000x64xbf16, #tpu.memory_space<vmem_shared>>
        tpu.enqueue_indirect_dma source(%arg9 : memref<250x64xbf16, #tpu.memory_space<vmem>>) target(%dma_start3A_140 : memref<50000x64xbf16, #tpu.memory_space<vmem_shared>>) offsets(%dma_start3A_137 : memref<250xi32, #tpu.memory_space<vmem>>) semaphore(%arg14 : memref<!tpu.dma_semaphore, #tpu.memory_space<semaphore_mem>>) {add = true}
        %dma_wait3A_141 = arith.constant 0 : i32
        %dma_wait3A_142 = arith.constant 0 : i32
        %dma_wait3A_143 = tpu.memref_slice %arg7[%dma_wait3A_141, %dma_wait3A_142] : memref<8x250xi32, #tpu.memory_space<vmem>> -> memref<1x250xi32, #tpu.memory_space<vmem>>
        %dma_wait3A_144 = tpu.memref_squeeze %dma_wait3A_143 : memref<1x250xi32, #tpu.memory_space<vmem>> -> memref<250xi32, #tpu.memory_space<vmem>>
        %dma_wait3A_145 = arith.constant 0 : i32
        %dma_wait3A_146 = arith.constant 0 : i32
        %dma_wait3A_147 = tpu.memref_slice %arg11[%dma_wait3A_145, %dma_wait3A_146] : memref<50000x64xbf16, #tpu.memory_space<vmem_shared>> -> memref<50000x64xbf16, #tpu.memory_space<vmem_shared>>
        tpu.wait_indirect_dma semaphore(%arg15 : memref<!tpu.dma_semaphore, #tpu.memory_space<semaphore_mem>>) src(%arg10 : memref<250x64xbf16, #tpu.memory_space<vmem>>) dst(%dma_wait3A_147 : memref<50000x64xbf16, #tpu.memory_space<vmem_shared>>)
        %dma_start3A_148 = arith.constant 7 : i32
        %dma_start3A_149 = arith.constant 0 : i32
        %dma_start3A_150 = tpu.memref_slice %arg8[%dma_start3A_148, %dma_start3A_149] : memref<8x250xi32, #tpu.memory_space<vmem>> -> memref<1x250xi32, #tpu.memory_space<vmem>>
        %dma_start3A_151 = tpu.memref_squeeze %dma_start3A_150 : memref<1x250xi32, #tpu.memory_space<vmem>> -> memref<250xi32, #tpu.memory_space<vmem>>
        %dma_start3A_152 = arith.constant 0 : i32
        %dma_start3A_153 = arith.constant 0 : i32
        %dma_start3A_154 = tpu.memref_slice %arg2[%scan3A, %dma_start3A_152, %dma_start3A_153] : memref<2x50000x64xbf16, #tpu.memory_space<hbm>> -> memref<1x50000x64xbf16, #tpu.memory_space<hbm>>
        %dma_start3A_155 = tpu.memref_squeeze %dma_start3A_154 : memref<1x50000x64xbf16, #tpu.memory_space<hbm>> -> memref<50000x64xbf16, #tpu.memory_space<hbm>>
        %dma_start3A_156 = arith.constant 0 : i32
        %dma_start3A_157 = arith.constant 0 : i32
        %dma_start3A_158 = tpu.memref_slice %dma_start3A_155[%dma_start3A_156, %dma_start3A_157] : memref<50000x64xbf16, #tpu.memory_space<hbm>> -> memref<50000x64xbf16, #tpu.memory_space<hbm>>
        tpu.enqueue_indirect_dma source(%dma_start3A_158 : memref<50000x64xbf16, #tpu.memory_space<hbm>>) target(%arg10 : memref<250x64xbf16, #tpu.memory_space<vmem>>) offsets(%dma_start3A_151 : memref<250xi32, #tpu.memory_space<vmem>>) semaphore(%arg13 : memref<!tpu.dma_semaphore, #tpu.memory_space<semaphore_mem>>)
        %dma_wait3A_159 = arith.constant 0 : i32
        %dma_wait3A_160 = arith.constant 0 : i32
        %dma_wait3A_161 = tpu.memref_slice %arg8[%dma_wait3A_159, %dma_wait3A_160] : memref<8x250xi32, #tpu.memory_space<vmem>> -> memref<1x250xi32, #tpu.memory_space<vmem>>
        %dma_wait3A_162 = tpu.memref_squeeze %dma_wait3A_161 : memref<1x250xi32, #tpu.memory_space<vmem>> -> memref<250xi32, #tpu.memory_space<vmem>>
        %dma_wait3A_163 = arith.constant 0 : i32
        %dma_wait3A_164 = arith.constant 0 : i32
        %dma_wait3A_165 = tpu.memref_slice %arg2[%scan3A, %dma_wait3A_163, %dma_wait3A_164] : memref<2x50000x64xbf16, #tpu.memory_space<hbm>> -> memref<1x50000x64xbf16, #tpu.memory_space<hbm>>
        %dma_wait3A_166 = tpu.memref_squeeze %dma_wait3A_165 : memref<1x50000x64xbf16, #tpu.memory_space<hbm>> -> memref<50000x64xbf16, #tpu.memory_space<hbm>>
        %dma_wait3A_167 = arith.constant 0 : i32
        %dma_wait3A_168 = arith.constant 0 : i32
        %dma_wait3A_169 = tpu.memref_slice %dma_wait3A_166[%dma_wait3A_167, %dma_wait3A_168] : memref<50000x64xbf16, #tpu.memory_space<hbm>> -> memref<50000x64xbf16, #tpu.memory_space<hbm>>
        tpu.wait_indirect_dma semaphore(%arg13 : memref<!tpu.dma_semaphore, #tpu.memory_space<semaphore_mem>>) src(%dma_wait3A_169 : memref<50000x64xbf16, #tpu.memory_space<hbm>>) dst(%arg10 : memref<250x64xbf16, #tpu.memory_space<vmem>>)
        %dma_start3A_170 = arith.constant 7 : i32
        %dma_start3A_171 = arith.constant 0 : i32
        %dma_start3A_172 = tpu.memref_slice %arg7[%dma_start3A_170, %dma_start3A_171] : memref<8x250xi32, #tpu.memory_space<vmem>> -> memref<1x250xi32, #tpu.memory_space<vmem>>
        %dma_start3A_173 = tpu.memref_squeeze %dma_start3A_172 : memref<1x250xi32, #tpu.memory_space<vmem>> -> memref<250xi32, #tpu.memory_space<vmem>>
        %dma_start3A_174 = arith.constant 0 : i32
        %dma_start3A_175 = arith.constant 0 : i32
        %dma_start3A_176 = tpu.memref_slice %arg11[%dma_start3A_174, %dma_start3A_175] : memref<50000x64xbf16, #tpu.memory_space<vmem_shared>> -> memref<50000x64xbf16, #tpu.memory_space<vmem_shared>>
        tpu.enqueue_indirect_dma source(%arg10 : memref<250x64xbf16, #tpu.memory_space<vmem>>) target(%dma_start3A_176 : memref<50000x64xbf16, #tpu.memory_space<vmem_shared>>) offsets(%dma_start3A_173 : memref<250xi32, #tpu.memory_space<vmem>>) semaphore(%arg15 : memref<!tpu.dma_semaphore, #tpu.memory_space<semaphore_mem>>) {add = true}
        %dma_wait3A_177 = arith.constant 0 : i32
        %dma_wait3A_178 = arith.constant 0 : i32
        %dma_wait3A_179 = tpu.memref_slice %arg7[%dma_wait3A_177, %dma_wait3A_178] : memref<8x250xi32, #tpu.memory_space<vmem>> -> memref<1x250xi32, #tpu.memory_space<vmem>>
        %dma_wait3A_180 = tpu.memref_squeeze %dma_wait3A_179 : memref<1x250xi32, #tpu.memory_space<vmem>> -> memref<250xi32, #tpu.memory_space<vmem>>
        %dma_wait3A_181 = arith.constant 0 : i32
        %dma_wait3A_182 = arith.constant 0 : i32
        %dma_wait3A_183 = tpu.memref_slice %arg11[%dma_wait3A_181, %dma_wait3A_182] : memref<50000x64xbf16, #tpu.memory_space<vmem_shared>> -> memref<50000x64xbf16, #tpu.memory_space<vmem_shared>>
        tpu.wait_indirect_dma semaphore(%arg14 : memref<!tpu.dma_semaphore, #tpu.memory_space<semaphore_mem>>) src(%arg9 : memref<250x64xbf16, #tpu.memory_space<vmem>>) dst(%dma_wait3A_183 : memref<50000x64xbf16, #tpu.memory_space<vmem_shared>>)
        %dma_wait3A_184 = arith.constant 0 : i32
        %dma_wait3A_185 = arith.constant 0 : i32
        %dma_wait3A_186 = tpu.memref_slice %arg7[%dma_wait3A_184, %dma_wait3A_185] : memref<8x250xi32, #tpu.memory_space<vmem>> -> memref<1x250xi32, #tpu.memory_space<vmem>>
        %dma_wait3A_187 = tpu.memref_squeeze %dma_wait3A_186 : memref<1x250xi32, #tpu.memory_space<vmem>> -> memref<250xi32, #tpu.memory_space<vmem>>
        %dma_wait3A_188 = arith.constant 0 : i32
        %dma_wait3A_189 = arith.constant 0 : i32
        %dma_wait3A_190 = tpu.memref_slice %arg11[%dma_wait3A_188, %dma_wait3A_189] : memref<50000x64xbf16, #tpu.memory_space<vmem_shared>> -> memref<50000x64xbf16, #tpu.memory_space<vmem_shared>>
        tpu.wait_indirect_dma semaphore(%arg15 : memref<!tpu.dma_semaphore, #tpu.memory_space<semaphore_mem>>) src(%arg10 : memref<250x64xbf16, #tpu.memory_space<vmem>>) dst(%dma_wait3A_190 : memref<50000x64xbf16, #tpu.memory_space<vmem_shared>>)
        %scan3A_191 = arith.constant 0 : i32
        scf.yield %scan3A_191 : i32
      }
      %scan3A_22 = arith.constant 25 : i32
      %barrier3A_23 = arith.constant 0 : index
      tpu.barrier barrier_id(%barrier3A_23)
      %lt3A_24 = arith.constant 15 : i32
      %lt3A_25 = arith.cmpi slt, %arg1, %lt3A_24 : i32
      %convert_element_type3A_26 = arith.extui %lt3A_25 : i1 to i32
      %cond3A_27 = arith.constant 0 : i32
      %cond3A_28 = arith.constant 0 : i32
      %cond3A_29 = arith.cmpi ne, %convert_element_type3A_26, %cond3A_28 : i32
      scf.if %cond3A_29 {
        %mul3A = arith.constant 3200 : i32
        %mul3A_37 = arith.muli %arg1, %mul3A : i32
        %mul3A_38 = arith.constant 3200 : i32
        %mul3A_39 = arith.muli %arg1, %mul3A_38 : i32
        "tpu.region"() ({
          %run_scoped3A = tpu.sem_alloc : memref<!tpu.dma_semaphore, #tpu.memory_space<semaphore_mem>>
          %dma_start3A = arith.constant 0 : i32
          %dma_start3A_40 = arith.constant 0 : i32
          %dma_start3A_41 = tpu.memref_slice %arg6[%cond3A_27, %dma_start3A, %dma_start3A_40] : memref<2x50000x64xbf16, #tpu.memory_space<hbm>> -> memref<1x50000x64xbf16, #tpu.memory_space<hbm>>
          %dma_start3A_42 = tpu.memref_squeeze %dma_start3A_41 : memref<1x50000x64xbf16, #tpu.memory_space<hbm>> -> memref<50000x64xbf16, #tpu.memory_space<hbm>>
          %dma_start3A_43 = arith.constant 0 : i32
          %dma_start3A_44 = tpu.memref_slice %dma_start3A_42[%mul3A_39, %dma_start3A_43] : memref<50000x64xbf16, #tpu.memory_space<hbm>> -> memref<3200x64xbf16, #tpu.memory_space<hbm>>
          %dma_start3A_45 = arith.constant 0 : i32
          %dma_start3A_46 = tpu.memref_slice %arg11[%mul3A_37, %dma_start3A_45] : memref<50000x64xbf16, #tpu.memory_space<vmem_shared>> -> memref<3200x64xbf16, #tpu.memory_space<vmem_shared>>
          tpu.enqueue_dma source(%dma_start3A_46 : memref<3200x64xbf16, #tpu.memory_space<vmem_shared>>) target(%dma_start3A_44 : memref<3200x64xbf16, #tpu.memory_space<hbm>>) target_semaphore(%run_scoped3A : memref<!tpu.dma_semaphore, #tpu.memory_space<semaphore_mem>>)
          %dma_wait3A = arith.constant 0 : i32
          %dma_wait3A_47 = arith.constant 0 : i32
          %dma_wait3A_48 = tpu.memref_slice %arg6[%cond3A_27, %dma_wait3A, %dma_wait3A_47] : memref<2x50000x64xbf16, #tpu.memory_space<hbm>> -> memref<1x50000x64xbf16, #tpu.memory_space<hbm>>
          %dma_wait3A_49 = tpu.memref_squeeze %dma_wait3A_48 : memref<1x50000x64xbf16, #tpu.memory_space<hbm>> -> memref<50000x64xbf16, #tpu.memory_space<hbm>>
          %dma_wait3A_50 = arith.constant 0 : i32
          %dma_wait3A_51 = tpu.memref_slice %dma_wait3A_49[%mul3A_39, %dma_wait3A_50] : memref<50000x64xbf16, #tpu.memory_space<hbm>> -> memref<3200x64xbf16, #tpu.memory_space<hbm>>
          %dma_wait3A_52 = arith.constant 0 : i32
          %dma_wait3A_53 = tpu.memref_slice %arg11[%mul3A_37, %dma_wait3A_52] : memref<50000x64xbf16, #tpu.memory_space<vmem_shared>> -> memref<3200x64xbf16, #tpu.memory_space<vmem_shared>>
          tpu.wait_dma2 semaphore(%run_scoped3A : memref<!tpu.dma_semaphore, #tpu.memory_space<semaphore_mem>>) src(%dma_wait3A_53 : memref<3200x64xbf16, #tpu.memory_space<vmem_shared>>) dst(%dma_wait3A_51 : memref<3200x64xbf16, #tpu.memory_space<hbm>>)
          tpu.yield
        }) : () -> ()
      } else {
      }
      %eq3A_30 = arith.constant 15 : i32
      %eq3A_31 = arith.cmpi eq, %arg1, %eq3A_30 : i32
      %convert_element_type3A_32 = arith.extui %eq3A_31 : i1 to i32
      %cond3A_33 = arith.constant 0 : i32
      %cond3A_34 = arith.constant 0 : i32
      %cond3A_35 = arith.cmpi ne, %convert_element_type3A_32, %cond3A_34 : i32
      scf.if %cond3A_35 {
        "tpu.region"() ({
          %run_scoped3A = tpu.sem_alloc : memref<!tpu.dma_semaphore, #tpu.memory_space<semaphore_mem>>
          %dma_start3A = arith.constant 0 : i32
          %dma_start3A_37 = arith.constant 0 : i32
          %dma_start3A_38 = tpu.memref_slice %arg6[%cond3A_33, %dma_start3A, %dma_start3A_37] : memref<2x50000x64xbf16, #tpu.memory_space<hbm>> -> memref<1x50000x64xbf16, #tpu.memory_space<hbm>>
          %dma_start3A_39 = tpu.memref_squeeze %dma_start3A_38 : memref<1x50000x64xbf16, #tpu.memory_space<hbm>> -> memref<50000x64xbf16, #tpu.memory_space<hbm>>
          %dma_start3A_40 = arith.constant 48000 : i32
          %dma_start3A_41 = arith.constant 0 : i32
          %dma_start3A_42 = tpu.memref_slice %dma_start3A_39[%dma_start3A_40, %dma_start3A_41] : memref<50000x64xbf16, #tpu.memory_space<hbm>> -> memref<2000x64xbf16, #tpu.memory_space<hbm>>
          %dma_start3A_43 = arith.constant 48000 : i32
          %dma_start3A_44 = arith.constant 0 : i32
          %dma_start3A_45 = tpu.memref_slice %arg11[%dma_start3A_43, %dma_start3A_44] : memref<50000x64xbf16, #tpu.memory_space<vmem_shared>> -> memref<2000x64xbf16, #tpu.memory_space<vmem_shared>>
          tpu.enqueue_dma source(%dma_start3A_45 : memref<2000x64xbf16, #tpu.memory_space<vmem_shared>>) target(%dma_start3A_42 : memref<2000x64xbf16, #tpu.memory_space<hbm>>) target_semaphore(%run_scoped3A : memref<!tpu.dma_semaphore, #tpu.memory_space<semaphore_mem>>)
          %dma_wait3A = arith.constant 0 : i32
          %dma_wait3A_46 = arith.constant 0 : i32
          %dma_wait3A_47 = tpu.memref_slice %arg6[%cond3A_33, %dma_wait3A, %dma_wait3A_46] : memref<2x50000x64xbf16, #tpu.memory_space<hbm>> -> memref<1x50000x64xbf16, #tpu.memory_space<hbm>>
          %dma_wait3A_48 = tpu.memref_squeeze %dma_wait3A_47 : memref<1x50000x64xbf16, #tpu.memory_space<hbm>> -> memref<50000x64xbf16, #tpu.memory_space<hbm>>
          %dma_wait3A_49 = arith.constant 48000 : i32
          %dma_wait3A_50 = arith.constant 0 : i32
          %dma_wait3A_51 = tpu.memref_slice %dma_wait3A_48[%dma_wait3A_49, %dma_wait3A_50] : memref<50000x64xbf16, #tpu.memory_space<hbm>> -> memref<2000x64xbf16, #tpu.memory_space<hbm>>
          %dma_wait3A_52 = arith.constant 48000 : i32
          %dma_wait3A_53 = arith.constant 0 : i32
          %dma_wait3A_54 = tpu.memref_slice %arg11[%dma_wait3A_52, %dma_wait3A_53] : memref<50000x64xbf16, #tpu.memory_space<vmem_shared>> -> memref<2000x64xbf16, #tpu.memory_space<vmem_shared>>
          tpu.wait_dma2 semaphore(%run_scoped3A : memref<!tpu.dma_semaphore, #tpu.memory_space<semaphore_mem>>) src(%dma_wait3A_54 : memref<2000x64xbf16, #tpu.memory_space<vmem_shared>>) dst(%dma_wait3A_51 : memref<2000x64xbf16, #tpu.memory_space<hbm>>)
          tpu.yield
        }) : () -> ()
      } else {
      }
      %barrier3A_36 = arith.constant 0 : index
      tpu.barrier barrier_id(%barrier3A_36)
    } else {
    }
    %eq3A_2 = arith.constant 1 : i32
    %eq3A_3 = arith.cmpi eq, %arg0, %eq3A_2 : i32
    %convert_element_type3A_4 = arith.extui %eq3A_3 : i1 to i32
    %cond3A_5 = arith.constant 0 : i32
    %cond3A_6 = arith.cmpi ne, %convert_element_type3A_4, %cond3A_5 : i32
    scf.if %cond3A_6 {
      %lt3A = arith.constant 15 : i32
      %lt3A_7 = arith.cmpi slt, %arg1, %lt3A : i32
      %convert_element_type3A_8 = arith.extui %lt3A_7 : i1 to i32
      %cond3A_9 = arith.constant 0 : i32
      %cond3A_10 = arith.cmpi ne, %convert_element_type3A_8, %cond3A_9 : i32
      scf.if %cond3A_10 {
        %mul3A = arith.constant 3200 : i32
        %mul3A_37 = arith.muli %arg1, %mul3A : i32
        "tpu.region"() ({
          %run_scoped3A = tpu.sem_alloc : memref<!tpu.dma_semaphore, #tpu.memory_space<semaphore_mem>>
          %dma_start3A = arith.constant 0 : i32
          %dma_start3A_38 = tpu.memref_slice %arg11[%mul3A_37, %dma_start3A] : memref<50000x64xbf16, #tpu.memory_space<vmem_shared>> -> memref<3200x64xbf16, #tpu.memory_space<vmem_shared>>
          tpu.enqueue_dma source(%arg5 : memref<3200x64xbf16, #tpu.memory_space<hbm>>) target(%dma_start3A_38 : memref<3200x64xbf16, #tpu.memory_space<vmem_shared>>) target_semaphore(%run_scoped3A : memref<!tpu.dma_semaphore, #tpu.memory_space<semaphore_mem>>)
          %dma_wait3A = arith.constant 0 : i32
          %dma_wait3A_39 = tpu.memref_slice %arg11[%mul3A_37, %dma_wait3A] : memref<50000x64xbf16, #tpu.memory_space<vmem_shared>> -> memref<3200x64xbf16, #tpu.memory_space<vmem_shared>>
          tpu.wait_dma2 semaphore(%run_scoped3A : memref<!tpu.dma_semaphore, #tpu.memory_space<semaphore_mem>>) src(%arg5 : memref<3200x64xbf16, #tpu.memory_space<hbm>>) dst(%dma_wait3A_39 : memref<3200x64xbf16, #tpu.memory_space<vmem_shared>>)
          tpu.yield
        }) : () -> ()
      } else {
      }
      %eq3A_11 = arith.constant 15 : i32
      %eq3A_12 = arith.cmpi eq, %arg1, %eq3A_11 : i32
      %convert_element_type3A_13 = arith.extui %eq3A_12 : i1 to i32
      %cond3A_14 = arith.constant 0 : i32
      %cond3A_15 = arith.cmpi ne, %convert_element_type3A_13, %cond3A_14 : i32
      scf.if %cond3A_15 {
        "tpu.region"() ({
          %run_scoped3A = tpu.sem_alloc : memref<!tpu.dma_semaphore, #tpu.memory_space<semaphore_mem>>
          %dma_start3A = arith.constant 48000 : i32
          %dma_start3A_37 = arith.constant 0 : i32
          %dma_start3A_38 = tpu.memref_slice %arg11[%dma_start3A, %dma_start3A_37] : memref<50000x64xbf16, #tpu.memory_space<vmem_shared>> -> memref<2000x64xbf16, #tpu.memory_space<vmem_shared>>
          %dma_start3A_39 = arith.constant 0 : i32
          %dma_start3A_40 = arith.constant 0 : i32
          %dma_start3A_41 = tpu.memref_slice %arg5[%dma_start3A_39, %dma_start3A_40] : memref<3200x64xbf16, #tpu.memory_space<hbm>> -> memref<2000x64xbf16, #tpu.memory_space<hbm>>
          tpu.enqueue_dma source(%dma_start3A_41 : memref<2000x64xbf16, #tpu.memory_space<hbm>>) target(%dma_start3A_38 : memref<2000x64xbf16, #tpu.memory_space<vmem_shared>>) target_semaphore(%run_scoped3A : memref<!tpu.dma_semaphore, #tpu.memory_space<semaphore_mem>>)
          %dma_wait3A = arith.constant 48000 : i32
          %dma_wait3A_42 = arith.constant 0 : i32
          %dma_wait3A_43 = tpu.memref_slice %arg11[%dma_wait3A, %dma_wait3A_42] : memref<50000x64xbf16, #tpu.memory_space<vmem_shared>> -> memref<2000x64xbf16, #tpu.memory_space<vmem_shared>>
          %dma_wait3A_44 = arith.constant 0 : i32
          %dma_wait3A_45 = arith.constant 0 : i32
          %dma_wait3A_46 = tpu.memref_slice %arg5[%dma_wait3A_44, %dma_wait3A_45] : memref<3200x64xbf16, #tpu.memory_space<hbm>> -> memref<2000x64xbf16, #tpu.memory_space<hbm>>
          tpu.wait_dma2 semaphore(%run_scoped3A : memref<!tpu.dma_semaphore, #tpu.memory_space<semaphore_mem>>) src(%dma_wait3A_46 : memref<2000x64xbf16, #tpu.memory_space<hbm>>) dst(%dma_wait3A_43 : memref<2000x64xbf16, #tpu.memory_space<vmem_shared>>)
          tpu.yield
        }) : () -> ()
      } else {
      }
      %barrier3A = arith.constant 0 : index
      tpu.barrier barrier_id(%barrier3A)
      %scan3A = arith.constant 1 : i32
      %scan3A_16 = arith.constant 0 : i32
      %scan3A_17 = arith.constant 0 : i32
      %scan3A_18 = arith.constant 25 : i32
      %scan3A_19 = arith.addi %scan3A_17, %scan3A_18 : i32
      %scan3A_20 = arith.constant 1 : i32
      %scan3A_21 = scf.for %scan3A_37 = %scan3A_17 to %scan3A_19 step %scan3A_20 iter_args(%scan3A_38 = %scan3A_16) -> (i32)  : i32 {
        %mul3A = arith.constant 200 : i32
        %mul3A_39 = arith.muli %arg1, %mul3A : i32
        %mul3A_40 = arith.constant 8 : i32
        %mul3A_41 = arith.muli %scan3A_37, %mul3A_40 : i32
        %add3A = arith.addi %mul3A_39, %mul3A_41 : i32
        "tpu.region"() ({
          %run_scoped3A = tpu.sem_alloc : memref<!tpu.dma_semaphore, #tpu.memory_space<semaphore_mem>>
          %dma_start3A_192 = arith.constant 0 : i32
          %dma_start3A_193 = tpu.memref_slice %arg3[%add3A, %dma_start3A_192] : memref<3200x250xi32, #tpu.memory_space<hbm>> -> memref<8x250xi32, #tpu.memory_space<hbm>>
          %dma_start3A_194 = arith.constant 0 : i32
          %dma_start3A_195 = tpu.memref_slice %arg3[%add3A, %dma_start3A_194] : memref<3200x250xi32, #tpu.memory_space<hbm>> -> memref<8x250xi32, #tpu.memory_space<hbm>>
          tpu.enqueue_dma source(%dma_start3A_195 : memref<8x250xi32, #tpu.memory_space<hbm>>) target(%arg8 : memref<8x250xi32, #tpu.memory_space<vmem>>) target_semaphore(%run_scoped3A : memref<!tpu.dma_semaphore, #tpu.memory_space<semaphore_mem>>)
          %dma_wait3A_196 = arith.constant 0 : i32
          %dma_wait3A_197 = tpu.memref_slice %arg3[%add3A, %dma_wait3A_196] : memref<3200x250xi32, #tpu.memory_space<hbm>> -> memref<8x250xi32, #tpu.memory_space<hbm>>
          %dma_wait3A_198 = arith.constant 0 : i32
          %dma_wait3A_199 = tpu.memref_slice %arg3[%add3A, %dma_wait3A_198] : memref<3200x250xi32, #tpu.memory_space<hbm>> -> memref<8x250xi32, #tpu.memory_space<hbm>>
          tpu.wait_dma2 semaphore(%run_scoped3A : memref<!tpu.dma_semaphore, #tpu.memory_space<semaphore_mem>>) src(%dma_wait3A_199 : memref<8x250xi32, #tpu.memory_space<hbm>>) dst(%arg8 : memref<8x250xi32, #tpu.memory_space<vmem>>)
          tpu.yield
        }) : () -> ()
        "tpu.region"() ({
          %run_scoped3A = tpu.sem_alloc : memref<!tpu.dma_semaphore, #tpu.memory_space<semaphore_mem>>
          %dma_start3A_192 = arith.constant 0 : i32
          %dma_start3A_193 = tpu.memref_slice %arg4[%add3A, %dma_start3A_192] : memref<3200x250xi32, #tpu.memory_space<hbm>> -> memref<8x250xi32, #tpu.memory_space<hbm>>
          %dma_start3A_194 = arith.constant 0 : i32
          %dma_start3A_195 = tpu.memref_slice %arg4[%add3A, %dma_start3A_194] : memref<3200x250xi32, #tpu.memory_space<hbm>> -> memref<8x250xi32, #tpu.memory_space<hbm>>
          tpu.enqueue_dma source(%dma_start3A_195 : memref<8x250xi32, #tpu.memory_space<hbm>>) target(%arg7 : memref<8x250xi32, #tpu.memory_space<vmem>>) target_semaphore(%run_scoped3A : memref<!tpu.dma_semaphore, #tpu.memory_space<semaphore_mem>>)
          %dma_wait3A_196 = arith.constant 0 : i32
          %dma_wait3A_197 = tpu.memref_slice %arg4[%add3A, %dma_wait3A_196] : memref<3200x250xi32, #tpu.memory_space<hbm>> -> memref<8x250xi32, #tpu.memory_space<hbm>>
          %dma_wait3A_198 = arith.constant 0 : i32
          %dma_wait3A_199 = tpu.memref_slice %arg4[%add3A, %dma_wait3A_198] : memref<3200x250xi32, #tpu.memory_space<hbm>> -> memref<8x250xi32, #tpu.memory_space<hbm>>
          tpu.wait_dma2 semaphore(%run_scoped3A : memref<!tpu.dma_semaphore, #tpu.memory_space<semaphore_mem>>) src(%dma_wait3A_199 : memref<8x250xi32, #tpu.memory_space<hbm>>) dst(%arg7 : memref<8x250xi32, #tpu.memory_space<vmem>>)
          tpu.yield
        }) : () -> ()
        %dma_start3A = arith.constant 0 : i32
        %dma_start3A_42 = arith.constant 0 : i32
        %dma_start3A_43 = tpu.memref_slice %arg8[%dma_start3A, %dma_start3A_42] : memref<8x250xi32, #tpu.memory_space<vmem>> -> memref<1x250xi32, #tpu.memory_space<vmem>>
        %dma_start3A_44 = tpu.memref_squeeze %dma_start3A_43 : memref<1x250xi32, #tpu.memory_space<vmem>> -> memref<250xi32, #tpu.memory_space<vmem>>
        %dma_start3A_45 = arith.constant 0 : i32
        %dma_start3A_46 = arith.constant 0 : i32
        %dma_start3A_47 = tpu.memref_slice %arg2[%scan3A, %dma_start3A_45, %dma_start3A_46] : memref<2x50000x64xbf16, #tpu.memory_space<hbm>> -> memref<1x50000x64xbf16, #tpu.memory_space<hbm>>
        %dma_start3A_48 = tpu.memref_squeeze %dma_start3A_47 : memref<1x50000x64xbf16, #tpu.memory_space<hbm>> -> memref<50000x64xbf16, #tpu.memory_space<hbm>>
        %dma_start3A_49 = arith.constant 0 : i32
        %dma_start3A_50 = arith.constant 0 : i32
        %dma_start3A_51 = tpu.memref_slice %dma_start3A_48[%dma_start3A_49, %dma_start3A_50] : memref<50000x64xbf16, #tpu.memory_space<hbm>> -> memref<50000x64xbf16, #tpu.memory_space<hbm>>
        tpu.enqueue_indirect_dma source(%dma_start3A_51 : memref<50000x64xbf16, #tpu.memory_space<hbm>>) target(%arg9 : memref<250x64xbf16, #tpu.memory_space<vmem>>) offsets(%dma_start3A_44 : memref<250xi32, #tpu.memory_space<vmem>>) semaphore(%arg12 : memref<!tpu.dma_semaphore, #tpu.memory_space<semaphore_mem>>)
        %dma_wait3A = arith.constant 0 : i32
        %dma_wait3A_52 = arith.constant 0 : i32
        %dma_wait3A_53 = tpu.memref_slice %arg8[%dma_wait3A, %dma_wait3A_52] : memref<8x250xi32, #tpu.memory_space<vmem>> -> memref<1x250xi32, #tpu.memory_space<vmem>>
        %dma_wait3A_54 = tpu.memref_squeeze %dma_wait3A_53 : memref<1x250xi32, #tpu.memory_space<vmem>> -> memref<250xi32, #tpu.memory_space<vmem>>
        %dma_wait3A_55 = arith.constant 0 : i32
        %dma_wait3A_56 = arith.constant 0 : i32
        %dma_wait3A_57 = tpu.memref_slice %arg2[%scan3A, %dma_wait3A_55, %dma_wait3A_56] : memref<2x50000x64xbf16, #tpu.memory_space<hbm>> -> memref<1x50000x64xbf16, #tpu.memory_space<hbm>>
        %dma_wait3A_58 = tpu.memref_squeeze %dma_wait3A_57 : memref<1x50000x64xbf16, #tpu.memory_space<hbm>> -> memref<50000x64xbf16, #tpu.memory_space<hbm>>
        %dma_wait3A_59 = arith.constant 0 : i32
        %dma_wait3A_60 = arith.constant 0 : i32
        %dma_wait3A_61 = tpu.memref_slice %dma_wait3A_58[%dma_wait3A_59, %dma_wait3A_60] : memref<50000x64xbf16, #tpu.memory_space<hbm>> -> memref<50000x64xbf16, #tpu.memory_space<hbm>>
        tpu.wait_indirect_dma semaphore(%arg12 : memref<!tpu.dma_semaphore, #tpu.memory_space<semaphore_mem>>) src(%dma_wait3A_61 : memref<50000x64xbf16, #tpu.memory_space<hbm>>) dst(%arg9 : memref<250x64xbf16, #tpu.memory_space<vmem>>)
        %dma_start3A_62 = arith.constant 0 : i32
        %dma_start3A_63 = arith.constant 0 : i32
        %dma_start3A_64 = tpu.memref_slice %arg7[%dma_start3A_62, %dma_start3A_63] : memref<8x250xi32, #tpu.memory_space<vmem>> -> memref<1x250xi32, #tpu.memory_space<vmem>>
        %dma_start3A_65 = tpu.memref_squeeze %dma_start3A_64 : memref<1x250xi32, #tpu.memory_space<vmem>> -> memref<250xi32, #tpu.memory_space<vmem>>
        %dma_start3A_66 = arith.constant 0 : i32
        %dma_start3A_67 = arith.constant 0 : i32
        %dma_start3A_68 = tpu.memref_slice %arg11[%dma_start3A_66, %dma_start3A_67] : memref<50000x64xbf16, #tpu.memory_space<vmem_shared>> -> memref<50000x64xbf16, #tpu.memory_space<vmem_shared>>
        tpu.enqueue_indirect_dma source(%arg9 : memref<250x64xbf16, #tpu.memory_space<vmem>>) target(%dma_start3A_68 : memref<50000x64xbf16, #tpu.memory_space<vmem_shared>>) offsets(%dma_start3A_65 : memref<250xi32, #tpu.memory_space<vmem>>) semaphore(%arg14 : memref<!tpu.dma_semaphore, #tpu.memory_space<semaphore_mem>>) {add = true}
        %dma_start3A_69 = arith.constant 1 : i32
        %dma_start3A_70 = arith.constant 0 : i32
        %dma_start3A_71 = tpu.memref_slice %arg8[%dma_start3A_69, %dma_start3A_70] : memref<8x250xi32, #tpu.memory_space<vmem>> -> memref<1x250xi32, #tpu.memory_space<vmem>>
        %dma_start3A_72 = tpu.memref_squeeze %dma_start3A_71 : memref<1x250xi32, #tpu.memory_space<vmem>> -> memref<250xi32, #tpu.memory_space<vmem>>
        %dma_start3A_73 = arith.constant 0 : i32
        %dma_start3A_74 = arith.constant 0 : i32
        %dma_start3A_75 = tpu.memref_slice %arg2[%scan3A, %dma_start3A_73, %dma_start3A_74] : memref<2x50000x64xbf16, #tpu.memory_space<hbm>> -> memref<1x50000x64xbf16, #tpu.memory_space<hbm>>
        %dma_start3A_76 = tpu.memref_squeeze %dma_start3A_75 : memref<1x50000x64xbf16, #tpu.memory_space<hbm>> -> memref<50000x64xbf16, #tpu.memory_space<hbm>>
        %dma_start3A_77 = arith.constant 0 : i32
        %dma_start3A_78 = arith.constant 0 : i32
        %dma_start3A_79 = tpu.memref_slice %dma_start3A_76[%dma_start3A_77, %dma_start3A_78] : memref<50000x64xbf16, #tpu.memory_space<hbm>> -> memref<50000x64xbf16, #tpu.memory_space<hbm>>
        tpu.enqueue_indirect_dma source(%dma_start3A_79 : memref<50000x64xbf16, #tpu.memory_space<hbm>>) target(%arg10 : memref<250x64xbf16, #tpu.memory_space<vmem>>) offsets(%dma_start3A_72 : memref<250xi32, #tpu.memory_space<vmem>>) semaphore(%arg13 : memref<!tpu.dma_semaphore, #tpu.memory_space<semaphore_mem>>)
        %dma_wait3A_80 = arith.constant 0 : i32
        %dma_wait3A_81 = arith.constant 0 : i32
        %dma_wait3A_82 = tpu.memref_slice %arg8[%dma_wait3A_80, %dma_wait3A_81] : memref<8x250xi32, #tpu.memory_space<vmem>> -> memref<1x250xi32, #tpu.memory_space<vmem>>
        %dma_wait3A_83 = tpu.memref_squeeze %dma_wait3A_82 : memref<1x250xi32, #tpu.memory_space<vmem>> -> memref<250xi32, #tpu.memory_space<vmem>>
        %dma_wait3A_84 = arith.constant 0 : i32
        %dma_wait3A_85 = arith.constant 0 : i32
        %dma_wait3A_86 = tpu.memref_slice %arg2[%scan3A, %dma_wait3A_84, %dma_wait3A_85] : memref<2x50000x64xbf16, #tpu.memory_space<hbm>> -> memref<1x50000x64xbf16, #tpu.memory_space<hbm>>
        %dma_wait3A_87 = tpu.memref_squeeze %dma_wait3A_86 : memref<1x50000x64xbf16, #tpu.memory_space<hbm>> -> memref<50000x64xbf16, #tpu.memory_space<hbm>>
        %dma_wait3A_88 = arith.constant 0 : i32
        %dma_wait3A_89 = arith.constant 0 : i32
        %dma_wait3A_90 = tpu.memref_slice %dma_wait3A_87[%dma_wait3A_88, %dma_wait3A_89] : memref<50000x64xbf16, #tpu.memory_space<hbm>> -> memref<50000x64xbf16, #tpu.memory_space<hbm>>
        tpu.wait_indirect_dma semaphore(%arg13 : memref<!tpu.dma_semaphore, #tpu.memory_space<semaphore_mem>>) src(%dma_wait3A_90 : memref<50000x64xbf16, #tpu.memory_space<hbm>>) dst(%arg10 : memref<250x64xbf16, #tpu.memory_space<vmem>>)
        %dma_start3A_91 = arith.constant 1 : i32
        %dma_start3A_92 = arith.constant 0 : i32
        %dma_start3A_93 = tpu.memref_slice %arg7[%dma_start3A_91, %dma_start3A_92] : memref<8x250xi32, #tpu.memory_space<vmem>> -> memref<1x250xi32, #tpu.memory_space<vmem>>
        %dma_start3A_94 = tpu.memref_squeeze %dma_start3A_93 : memref<1x250xi32, #tpu.memory_space<vmem>> -> memref<250xi32, #tpu.memory_space<vmem>>
        %dma_start3A_95 = arith.constant 0 : i32
        %dma_start3A_96 = arith.constant 0 : i32
        %dma_start3A_97 = tpu.memref_slice %arg11[%dma_start3A_95, %dma_start3A_96] : memref<50000x64xbf16, #tpu.memory_space<vmem_shared>> -> memref<50000x64xbf16, #tpu.memory_space<vmem_shared>>
        tpu.enqueue_indirect_dma source(%arg10 : memref<250x64xbf16, #tpu.memory_space<vmem>>) target(%dma_start3A_97 : memref<50000x64xbf16, #tpu.memory_space<vmem_shared>>) offsets(%dma_start3A_94 : memref<250xi32, #tpu.memory_space<vmem>>) semaphore(%arg15 : memref<!tpu.dma_semaphore, #tpu.memory_space<semaphore_mem>>) {add = true}
        %dma_wait3A_98 = arith.constant 0 : i32
        %dma_wait3A_99 = arith.constant 0 : i32
        %dma_wait3A_100 = tpu.memref_slice %arg7[%dma_wait3A_98, %dma_wait3A_99] : memref<8x250xi32, #tpu.memory_space<vmem>> -> memref<1x250xi32, #tpu.memory_space<vmem>>
        %dma_wait3A_101 = tpu.memref_squeeze %dma_wait3A_100 : memref<1x250xi32, #tpu.memory_space<vmem>> -> memref<250xi32, #tpu.memory_space<vmem>>
        %dma_wait3A_102 = arith.constant 0 : i32
        %dma_wait3A_103 = arith.constant 0 : i32
        %dma_wait3A_104 = tpu.memref_slice %arg11[%dma_wait3A_102, %dma_wait3A_103] : memref<50000x64xbf16, #tpu.memory_space<vmem_shared>> -> memref<50000x64xbf16, #tpu.memory_space<vmem_shared>>
        tpu.wait_indirect_dma semaphore(%arg14 : memref<!tpu.dma_semaphore, #tpu.memory_space<semaphore_mem>>) src(%arg9 : memref<250x64xbf16, #tpu.memory_space<vmem>>) dst(%dma_wait3A_104 : memref<50000x64xbf16, #tpu.memory_space<vmem_shared>>)
        %dma_start3A_105 = arith.constant 2 : i32
        %dma_start3A_106 = arith.constant 0 : i32
        %dma_start3A_107 = tpu.memref_slice %arg8[%dma_start3A_105, %dma_start3A_106] : memref<8x250xi32, #tpu.memory_space<vmem>> -> memref<1x250xi32, #tpu.memory_space<vmem>>
        %dma_start3A_108 = tpu.memref_squeeze %dma_start3A_107 : memref<1x250xi32, #tpu.memory_space<vmem>> -> memref<250xi32, #tpu.memory_space<vmem>>
        %dma_start3A_109 = arith.constant 0 : i32
        %dma_start3A_110 = arith.constant 0 : i32
        %dma_start3A_111 = tpu.memref_slice %arg2[%scan3A, %dma_start3A_109, %dma_start3A_110] : memref<2x50000x64xbf16, #tpu.memory_space<hbm>> -> memref<1x50000x64xbf16, #tpu.memory_space<hbm>>
        %dma_start3A_112 = tpu.memref_squeeze %dma_start3A_111 : memref<1x50000x64xbf16, #tpu.memory_space<hbm>> -> memref<50000x64xbf16, #tpu.memory_space<hbm>>
        %dma_start3A_113 = arith.constant 0 : i32
        %dma_start3A_114 = arith.constant 0 : i32
        %dma_start3A_115 = tpu.memref_slice %dma_start3A_112[%dma_start3A_113, %dma_start3A_114] : memref<50000x64xbf16, #tpu.memory_space<hbm>> -> memref<50000x64xbf16, #tpu.memory_space<hbm>>
        tpu.enqueue_indirect_dma source(%dma_start3A_115 : memref<50000x64xbf16, #tpu.memory_space<hbm>>) target(%arg9 : memref<250x64xbf16, #tpu.memory_space<vmem>>) offsets(%dma_start3A_108 : memref<250xi32, #tpu.memory_space<vmem>>) semaphore(%arg12 : memref<!tpu.dma_semaphore, #tpu.memory_space<semaphore_mem>>)
        %scan3A_116 = arith.constant 0 : i32
        %scan3A_117 = arith.constant 1 : i32
        %scan3A_118 = arith.constant 2 : i32
        %scan3A_119 = arith.addi %scan3A_117, %scan3A_118 : i32
        %scan3A_120 = arith.constant 1 : i32
        %scan3A_121 = scf.for %scan3A_192 = %scan3A_117 to %scan3A_119 step %scan3A_120 iter_args(%scan3A_193 = %scan3A_116) -> (i32)  : i32 {
          %mul3A_194 = arith.constant 2 : i32
          %mul3A_195 = arith.muli %mul3A_194, %scan3A_192 : i32
          %dma_wait3A_196 = arith.constant 0 : i32
          %dma_wait3A_197 = arith.constant 0 : i32
          %dma_wait3A_198 = tpu.memref_slice %arg8[%dma_wait3A_196, %dma_wait3A_197] : memref<8x250xi32, #tpu.memory_space<vmem>> -> memref<1x250xi32, #tpu.memory_space<vmem>>
          %dma_wait3A_199 = tpu.memref_squeeze %dma_wait3A_198 : memref<1x250xi32, #tpu.memory_space<vmem>> -> memref<250xi32, #tpu.memory_space<vmem>>
          %dma_wait3A_200 = arith.constant 0 : i32
          %dma_wait3A_201 = arith.constant 0 : i32
          %dma_wait3A_202 = tpu.memref_slice %arg2[%scan3A, %dma_wait3A_200, %dma_wait3A_201] : memref<2x50000x64xbf16, #tpu.memory_space<hbm>> -> memref<1x50000x64xbf16, #tpu.memory_space<hbm>>
          %dma_wait3A_203 = tpu.memref_squeeze %dma_wait3A_202 : memref<1x50000x64xbf16, #tpu.memory_space<hbm>> -> memref<50000x64xbf16, #tpu.memory_space<hbm>>
          %dma_wait3A_204 = arith.constant 0 : i32
          %dma_wait3A_205 = arith.constant 0 : i32
          %dma_wait3A_206 = tpu.memref_slice %dma_wait3A_203[%dma_wait3A_204, %dma_wait3A_205] : memref<50000x64xbf16, #tpu.memory_space<hbm>> -> memref<50000x64xbf16, #tpu.memory_space<hbm>>
          tpu.wait_indirect_dma semaphore(%arg12 : memref<!tpu.dma_semaphore, #tpu.memory_space<semaphore_mem>>) src(%dma_wait3A_206 : memref<50000x64xbf16, #tpu.memory_space<hbm>>) dst(%arg9 : memref<250x64xbf16, #tpu.memory_space<vmem>>)
          %dma_start3A_207 = arith.constant 0 : i32
          %dma_start3A_208 = tpu.memref_slice %arg7[%mul3A_195, %dma_start3A_207] : memref<8x250xi32, #tpu.memory_space<vmem>> -> memref<1x250xi32, #tpu.memory_space<vmem>>
          %dma_start3A_209 = tpu.memref_squeeze %dma_start3A_208 : memref<1x250xi32, #tpu.memory_space<vmem>> -> memref<250xi32, #tpu.memory_space<vmem>>
          %dma_start3A_210 = arith.constant 0 : i32
          %dma_start3A_211 = arith.constant 0 : i32
          %dma_start3A_212 = tpu.memref_slice %arg11[%dma_start3A_210, %dma_start3A_211] : memref<50000x64xbf16, #tpu.memory_space<vmem_shared>> -> memref<50000x64xbf16, #tpu.memory_space<vmem_shared>>
          tpu.enqueue_indirect_dma source(%arg9 : memref<250x64xbf16, #tpu.memory_space<vmem>>) target(%dma_start3A_212 : memref<50000x64xbf16, #tpu.memory_space<vmem_shared>>) offsets(%dma_start3A_209 : memref<250xi32, #tpu.memory_space<vmem>>) semaphore(%arg14 : memref<!tpu.dma_semaphore, #tpu.memory_space<semaphore_mem>>) {add = true}
          %dma_wait3A_213 = arith.constant 0 : i32
          %dma_wait3A_214 = arith.constant 0 : i32
          %dma_wait3A_215 = tpu.memref_slice %arg7[%dma_wait3A_213, %dma_wait3A_214] : memref<8x250xi32, #tpu.memory_space<vmem>> -> memref<1x250xi32, #tpu.memory_space<vmem>>
          %dma_wait3A_216 = tpu.memref_squeeze %dma_wait3A_215 : memref<1x250xi32, #tpu.memory_space<vmem>> -> memref<250xi32, #tpu.memory_space<vmem>>
          %dma_wait3A_217 = arith.constant 0 : i32
          %dma_wait3A_218 = arith.constant 0 : i32
          %dma_wait3A_219 = tpu.memref_slice %arg11[%dma_wait3A_217, %dma_wait3A_218] : memref<50000x64xbf16, #tpu.memory_space<vmem_shared>> -> memref<50000x64xbf16, #tpu.memory_space<vmem_shared>>
          tpu.wait_indirect_dma semaphore(%arg15 : memref<!tpu.dma_semaphore, #tpu.memory_space<semaphore_mem>>) src(%arg10 : memref<250x64xbf16, #tpu.memory_space<vmem>>) dst(%dma_wait3A_219 : memref<50000x64xbf16, #tpu.memory_space<vmem_shared>>)
          %add3A_220 = arith.constant 1 : i32
          %add3A_221 = arith.addi %mul3A_195, %add3A_220 : i32
          %dma_start3A_222 = arith.constant 0 : i32
          %dma_start3A_223 = tpu.memref_slice %arg8[%add3A_221, %dma_start3A_222] : memref<8x250xi32, #tpu.memory_space<vmem>> -> memref<1x250xi32, #tpu.memory_space<vmem>>
          %dma_start3A_224 = tpu.memref_squeeze %dma_start3A_223 : memref<1x250xi32, #tpu.memory_space<vmem>> -> memref<250xi32, #tpu.memory_space<vmem>>
          %dma_start3A_225 = arith.constant 0 : i32
          %dma_start3A_226 = arith.constant 0 : i32
          %dma_start3A_227 = tpu.memref_slice %arg2[%scan3A, %dma_start3A_225, %dma_start3A_226] : memref<2x50000x64xbf16, #tpu.memory_space<hbm>> -> memref<1x50000x64xbf16, #tpu.memory_space<hbm>>
          %dma_start3A_228 = tpu.memref_squeeze %dma_start3A_227 : memref<1x50000x64xbf16, #tpu.memory_space<hbm>> -> memref<50000x64xbf16, #tpu.memory_space<hbm>>
          %dma_start3A_229 = arith.constant 0 : i32
          %dma_start3A_230 = arith.constant 0 : i32
          %dma_start3A_231 = tpu.memref_slice %dma_start3A_228[%dma_start3A_229, %dma_start3A_230] : memref<50000x64xbf16, #tpu.memory_space<hbm>> -> memref<50000x64xbf16, #tpu.memory_space<hbm>>
          tpu.enqueue_indirect_dma source(%dma_start3A_231 : memref<50000x64xbf16, #tpu.memory_space<hbm>>) target(%arg10 : memref<250x64xbf16, #tpu.memory_space<vmem>>) offsets(%dma_start3A_224 : memref<250xi32, #tpu.memory_space<vmem>>) semaphore(%arg13 : memref<!tpu.dma_semaphore, #tpu.memory_space<semaphore_mem>>)
          %dma_wait3A_232 = arith.constant 0 : i32
          %dma_wait3A_233 = arith.constant 0 : i32
          %dma_wait3A_234 = tpu.memref_slice %arg8[%dma_wait3A_232, %dma_wait3A_233] : memref<8x250xi32, #tpu.memory_space<vmem>> -> memref<1x250xi32, #tpu.memory_space<vmem>>
          %dma_wait3A_235 = tpu.memref_squeeze %dma_wait3A_234 : memref<1x250xi32, #tpu.memory_space<vmem>> -> memref<250xi32, #tpu.memory_space<vmem>>
          %dma_wait3A_236 = arith.constant 0 : i32
          %dma_wait3A_237 = arith.constant 0 : i32
          %dma_wait3A_238 = tpu.memref_slice %arg2[%scan3A, %dma_wait3A_236, %dma_wait3A_237] : memref<2x50000x64xbf16, #tpu.memory_space<hbm>> -> memref<1x50000x64xbf16, #tpu.memory_space<hbm>>
          %dma_wait3A_239 = tpu.memref_squeeze %dma_wait3A_238 : memref<1x50000x64xbf16, #tpu.memory_space<hbm>> -> memref<50000x64xbf16, #tpu.memory_space<hbm>>
          %dma_wait3A_240 = arith.constant 0 : i32
          %dma_wait3A_241 = arith.constant 0 : i32
          %dma_wait3A_242 = tpu.memref_slice %dma_wait3A_239[%dma_wait3A_240, %dma_wait3A_241] : memref<50000x64xbf16, #tpu.memory_space<hbm>> -> memref<50000x64xbf16, #tpu.memory_space<hbm>>
          tpu.wait_indirect_dma semaphore(%arg13 : memref<!tpu.dma_semaphore, #tpu.memory_space<semaphore_mem>>) src(%dma_wait3A_242 : memref<50000x64xbf16, #tpu.memory_space<hbm>>) dst(%arg10 : memref<250x64xbf16, #tpu.memory_space<vmem>>)
          %add3A_243 = arith.constant 1 : i32
          %add3A_244 = arith.addi %mul3A_195, %add3A_243 : i32
          %dma_start3A_245 = arith.constant 0 : i32
          %dma_start3A_246 = tpu.memref_slice %arg7[%add3A_244, %dma_start3A_245] : memref<8x250xi32, #tpu.memory_space<vmem>> -> memref<1x250xi32, #tpu.memory_space<vmem>>
          %dma_start3A_247 = tpu.memref_squeeze %dma_start3A_246 : memref<1x250xi32, #tpu.memory_space<vmem>> -> memref<250xi32, #tpu.memory_space<vmem>>
          %dma_start3A_248 = arith.constant 0 : i32
          %dma_start3A_249 = arith.constant 0 : i32
          %dma_start3A_250 = tpu.memref_slice %arg11[%dma_start3A_248, %dma_start3A_249] : memref<50000x64xbf16, #tpu.memory_space<vmem_shared>> -> memref<50000x64xbf16, #tpu.memory_space<vmem_shared>>
          tpu.enqueue_indirect_dma source(%arg10 : memref<250x64xbf16, #tpu.memory_space<vmem>>) target(%dma_start3A_250 : memref<50000x64xbf16, #tpu.memory_space<vmem_shared>>) offsets(%dma_start3A_247 : memref<250xi32, #tpu.memory_space<vmem>>) semaphore(%arg15 : memref<!tpu.dma_semaphore, #tpu.memory_space<semaphore_mem>>) {add = true}
          %dma_wait3A_251 = arith.constant 0 : i32
          %dma_wait3A_252 = arith.constant 0 : i32
          %dma_wait3A_253 = tpu.memref_slice %arg7[%dma_wait3A_251, %dma_wait3A_252] : memref<8x250xi32, #tpu.memory_space<vmem>> -> memref<1x250xi32, #tpu.memory_space<vmem>>
          %dma_wait3A_254 = tpu.memref_squeeze %dma_wait3A_253 : memref<1x250xi32, #tpu.memory_space<vmem>> -> memref<250xi32, #tpu.memory_space<vmem>>
          %dma_wait3A_255 = arith.constant 0 : i32
          %dma_wait3A_256 = arith.constant 0 : i32
          %dma_wait3A_257 = tpu.memref_slice %arg11[%dma_wait3A_255, %dma_wait3A_256] : memref<50000x64xbf16, #tpu.memory_space<vmem_shared>> -> memref<50000x64xbf16, #tpu.memory_space<vmem_shared>>
          tpu.wait_indirect_dma semaphore(%arg14 : memref<!tpu.dma_semaphore, #tpu.memory_space<semaphore_mem>>) src(%arg9 : memref<250x64xbf16, #tpu.memory_space<vmem>>) dst(%dma_wait3A_257 : memref<50000x64xbf16, #tpu.memory_space<vmem_shared>>)
          %add3A_258 = arith.constant 2 : i32
          %add3A_259 = arith.addi %mul3A_195, %add3A_258 : i32
          %dma_start3A_260 = arith.constant 0 : i32
          %dma_start3A_261 = tpu.memref_slice %arg8[%add3A_259, %dma_start3A_260] : memref<8x250xi32, #tpu.memory_space<vmem>> -> memref<1x250xi32, #tpu.memory_space<vmem>>
          %dma_start3A_262 = tpu.memref_squeeze %dma_start3A_261 : memref<1x250xi32, #tpu.memory_space<vmem>> -> memref<250xi32, #tpu.memory_space<vmem>>
          %dma_start3A_263 = arith.constant 0 : i32
          %dma_start3A_264 = arith.constant 0 : i32
          %dma_start3A_265 = tpu.memref_slice %arg2[%scan3A, %dma_start3A_263, %dma_start3A_264] : memref<2x50000x64xbf16, #tpu.memory_space<hbm>> -> memref<1x50000x64xbf16, #tpu.memory_space<hbm>>
          %dma_start3A_266 = tpu.memref_squeeze %dma_start3A_265 : memref<1x50000x64xbf16, #tpu.memory_space<hbm>> -> memref<50000x64xbf16, #tpu.memory_space<hbm>>
          %dma_start3A_267 = arith.constant 0 : i32
          %dma_start3A_268 = arith.constant 0 : i32
          %dma_start3A_269 = tpu.memref_slice %dma_start3A_266[%dma_start3A_267, %dma_start3A_268] : memref<50000x64xbf16, #tpu.memory_space<hbm>> -> memref<50000x64xbf16, #tpu.memory_space<hbm>>
          tpu.enqueue_indirect_dma source(%dma_start3A_269 : memref<50000x64xbf16, #tpu.memory_space<hbm>>) target(%arg9 : memref<250x64xbf16, #tpu.memory_space<vmem>>) offsets(%dma_start3A_262 : memref<250xi32, #tpu.memory_space<vmem>>) semaphore(%arg12 : memref<!tpu.dma_semaphore, #tpu.memory_space<semaphore_mem>>)
          %scan3A_270 = arith.constant 0 : i32
          scf.yield %scan3A_270 : i32
        }
        %scan3A_122 = arith.constant 2 : i32
        %dma_wait3A_123 = arith.constant 0 : i32
        %dma_wait3A_124 = arith.constant 0 : i32
        %dma_wait3A_125 = tpu.memref_slice %arg8[%dma_wait3A_123, %dma_wait3A_124] : memref<8x250xi32, #tpu.memory_space<vmem>> -> memref<1x250xi32, #tpu.memory_space<vmem>>
        %dma_wait3A_126 = tpu.memref_squeeze %dma_wait3A_125 : memref<1x250xi32, #tpu.memory_space<vmem>> -> memref<250xi32, #tpu.memory_space<vmem>>
        %dma_wait3A_127 = arith.constant 0 : i32
        %dma_wait3A_128 = arith.constant 0 : i32
        %dma_wait3A_129 = tpu.memref_slice %arg2[%scan3A, %dma_wait3A_127, %dma_wait3A_128] : memref<2x50000x64xbf16, #tpu.memory_space<hbm>> -> memref<1x50000x64xbf16, #tpu.memory_space<hbm>>
        %dma_wait3A_130 = tpu.memref_squeeze %dma_wait3A_129 : memref<1x50000x64xbf16, #tpu.memory_space<hbm>> -> memref<50000x64xbf16, #tpu.memory_space<hbm>>
        %dma_wait3A_131 = arith.constant 0 : i32
        %dma_wait3A_132 = arith.constant 0 : i32
        %dma_wait3A_133 = tpu.memref_slice %dma_wait3A_130[%dma_wait3A_131, %dma_wait3A_132] : memref<50000x64xbf16, #tpu.memory_space<hbm>> -> memref<50000x64xbf16, #tpu.memory_space<hbm>>
        tpu.wait_indirect_dma semaphore(%arg12 : memref<!tpu.dma_semaphore, #tpu.memory_space<semaphore_mem>>) src(%dma_wait3A_133 : memref<50000x64xbf16, #tpu.memory_space<hbm>>) dst(%arg9 : memref<250x64xbf16, #tpu.memory_space<vmem>>)
        %dma_start3A_134 = arith.constant 6 : i32
        %dma_start3A_135 = arith.constant 0 : i32
        %dma_start3A_136 = tpu.memref_slice %arg7[%dma_start3A_134, %dma_start3A_135] : memref<8x250xi32, #tpu.memory_space<vmem>> -> memref<1x250xi32, #tpu.memory_space<vmem>>
        %dma_start3A_137 = tpu.memref_squeeze %dma_start3A_136 : memref<1x250xi32, #tpu.memory_space<vmem>> -> memref<250xi32, #tpu.memory_space<vmem>>
        %dma_start3A_138 = arith.constant 0 : i32
        %dma_start3A_139 = arith.constant 0 : i32
        %dma_start3A_140 = tpu.memref_slice %arg11[%dma_start3A_138, %dma_start3A_139] : memref<50000x64xbf16, #tpu.memory_space<vmem_shared>> -> memref<50000x64xbf16, #tpu.memory_space<vmem_shared>>
        tpu.enqueue_indirect_dma source(%arg9 : memref<250x64xbf16, #tpu.memory_space<vmem>>) target(%dma_start3A_140 : memref<50000x64xbf16, #tpu.memory_space<vmem_shared>>) offsets(%dma_start3A_137 : memref<250xi32, #tpu.memory_space<vmem>>) semaphore(%arg14 : memref<!tpu.dma_semaphore, #tpu.memory_space<semaphore_mem>>) {add = true}
        %dma_wait3A_141 = arith.constant 0 : i32
        %dma_wait3A_142 = arith.constant 0 : i32
        %dma_wait3A_143 = tpu.memref_slice %arg7[%dma_wait3A_141, %dma_wait3A_142] : memref<8x250xi32, #tpu.memory_space<vmem>> -> memref<1x250xi32, #tpu.memory_space<vmem>>
        %dma_wait3A_144 = tpu.memref_squeeze %dma_wait3A_143 : memref<1x250xi32, #tpu.memory_space<vmem>> -> memref<250xi32, #tpu.memory_space<vmem>>
        %dma_wait3A_145 = arith.constant 0 : i32
        %dma_wait3A_146 = arith.constant 0 : i32
        %dma_wait3A_147 = tpu.memref_slice %arg11[%dma_wait3A_145, %dma_wait3A_146] : memref<50000x64xbf16, #tpu.memory_space<vmem_shared>> -> memref<50000x64xbf16, #tpu.memory_space<vmem_shared>>
        tpu.wait_indirect_dma semaphore(%arg15 : memref<!tpu.dma_semaphore, #tpu.memory_space<semaphore_mem>>) src(%arg10 : memref<250x64xbf16, #tpu.memory_space<vmem>>) dst(%dma_wait3A_147 : memref<50000x64xbf16, #tpu.memory_space<vmem_shared>>)
        %dma_start3A_148 = arith.constant 7 : i32
        %dma_start3A_149 = arith.constant 0 : i32
        %dma_start3A_150 = tpu.memref_slice %arg8[%dma_start3A_148, %dma_start3A_149] : memref<8x250xi32, #tpu.memory_space<vmem>> -> memref<1x250xi32, #tpu.memory_space<vmem>>
        %dma_start3A_151 = tpu.memref_squeeze %dma_start3A_150 : memref<1x250xi32, #tpu.memory_space<vmem>> -> memref<250xi32, #tpu.memory_space<vmem>>
        %dma_start3A_152 = arith.constant 0 : i32
        %dma_start3A_153 = arith.constant 0 : i32
        %dma_start3A_154 = tpu.memref_slice %arg2[%scan3A, %dma_start3A_152, %dma_start3A_153] : memref<2x50000x64xbf16, #tpu.memory_space<hbm>> -> memref<1x50000x64xbf16, #tpu.memory_space<hbm>>
        %dma_start3A_155 = tpu.memref_squeeze %dma_start3A_154 : memref<1x50000x64xbf16, #tpu.memory_space<hbm>> -> memref<50000x64xbf16, #tpu.memory_space<hbm>>
        %dma_start3A_156 = arith.constant 0 : i32
        %dma_start3A_157 = arith.constant 0 : i32
        %dma_start3A_158 = tpu.memref_slice %dma_start3A_155[%dma_start3A_156, %dma_start3A_157] : memref<50000x64xbf16, #tpu.memory_space<hbm>> -> memref<50000x64xbf16, #tpu.memory_space<hbm>>
        tpu.enqueue_indirect_dma source(%dma_start3A_158 : memref<50000x64xbf16, #tpu.memory_space<hbm>>) target(%arg10 : memref<250x64xbf16, #tpu.memory_space<vmem>>) offsets(%dma_start3A_151 : memref<250xi32, #tpu.memory_space<vmem>>) semaphore(%arg13 : memref<!tpu.dma_semaphore, #tpu.memory_space<semaphore_mem>>)
        %dma_wait3A_159 = arith.constant 0 : i32
        %dma_wait3A_160 = arith.constant 0 : i32
        %dma_wait3A_161 = tpu.memref_slice %arg8[%dma_wait3A_159, %dma_wait3A_160] : memref<8x250xi32, #tpu.memory_space<vmem>> -> memref<1x250xi32, #tpu.memory_space<vmem>>
        %dma_wait3A_162 = tpu.memref_squeeze %dma_wait3A_161 : memref<1x250xi32, #tpu.memory_space<vmem>> -> memref<250xi32, #tpu.memory_space<vmem>>
        %dma_wait3A_163 = arith.constant 0 : i32
        %dma_wait3A_164 = arith.constant 0 : i32
        %dma_wait3A_165 = tpu.memref_slice %arg2[%scan3A, %dma_wait3A_163, %dma_wait3A_164] : memref<2x50000x64xbf16, #tpu.memory_space<hbm>> -> memref<1x50000x64xbf16, #tpu.memory_space<hbm>>
        %dma_wait3A_166 = tpu.memref_squeeze %dma_wait3A_165 : memref<1x50000x64xbf16, #tpu.memory_space<hbm>> -> memref<50000x64xbf16, #tpu.memory_space<hbm>>
        %dma_wait3A_167 = arith.constant 0 : i32
        %dma_wait3A_168 = arith.constant 0 : i32
        %dma_wait3A_169 = tpu.memref_slice %dma_wait3A_166[%dma_wait3A_167, %dma_wait3A_168] : memref<50000x64xbf16, #tpu.memory_space<hbm>> -> memref<50000x64xbf16, #tpu.memory_space<hbm>>
        tpu.wait_indirect_dma semaphore(%arg13 : memref<!tpu.dma_semaphore, #tpu.memory_space<semaphore_mem>>) src(%dma_wait3A_169 : memref<50000x64xbf16, #tpu.memory_space<hbm>>) dst(%arg10 : memref<250x64xbf16, #tpu.memory_space<vmem>>)
        %dma_start3A_170 = arith.constant 7 : i32
        %dma_start3A_171 = arith.constant 0 : i32
        %dma_start3A_172 = tpu.memref_slice %arg7[%dma_start3A_170, %dma_start3A_171] : memref<8x250xi32, #tpu.memory_space<vmem>> -> memref<1x250xi32, #tpu.memory_space<vmem>>
        %dma_start3A_173 = tpu.memref_squeeze %dma_start3A_172 : memref<1x250xi32, #tpu.memory_space<vmem>> -> memref<250xi32, #tpu.memory_space<vmem>>
        %dma_start3A_174 = arith.constant 0 : i32
        %dma_start3A_175 = arith.constant 0 : i32
        %dma_start3A_176 = tpu.memref_slice %arg11[%dma_start3A_174, %dma_start3A_175] : memref<50000x64xbf16, #tpu.memory_space<vmem_shared>> -> memref<50000x64xbf16, #tpu.memory_space<vmem_shared>>
        tpu.enqueue_indirect_dma source(%arg10 : memref<250x64xbf16, #tpu.memory_space<vmem>>) target(%dma_start3A_176 : memref<50000x64xbf16, #tpu.memory_space<vmem_shared>>) offsets(%dma_start3A_173 : memref<250xi32, #tpu.memory_space<vmem>>) semaphore(%arg15 : memref<!tpu.dma_semaphore, #tpu.memory_space<semaphore_mem>>) {add = true}
        %dma_wait3A_177 = arith.constant 0 : i32
        %dma_wait3A_178 = arith.constant 0 : i32
        %dma_wait3A_179 = tpu.memref_slice %arg7[%dma_wait3A_177, %dma_wait3A_178] : memref<8x250xi32, #tpu.memory_space<vmem>> -> memref<1x250xi32, #tpu.memory_space<vmem>>
        %dma_wait3A_180 = tpu.memref_squeeze %dma_wait3A_179 : memref<1x250xi32, #tpu.memory_space<vmem>> -> memref<250xi32, #tpu.memory_space<vmem>>
        %dma_wait3A_181 = arith.constant 0 : i32
        %dma_wait3A_182 = arith.constant 0 : i32
        %dma_wait3A_183 = tpu.memref_slice %arg11[%dma_wait3A_181, %dma_wait3A_182] : memref<50000x64xbf16, #tpu.memory_space<vmem_shared>> -> memref<50000x64xbf16, #tpu.memory_space<vmem_shared>>
        tpu.wait_indirect_dma semaphore(%arg14 : memref<!tpu.dma_semaphore, #tpu.memory_space<semaphore_mem>>) src(%arg9 : memref<250x64xbf16, #tpu.memory_space<vmem>>) dst(%dma_wait3A_183 : memref<50000x64xbf16, #tpu.memory_space<vmem_shared>>)
        %dma_wait3A_184 = arith.constant 0 : i32
        %dma_wait3A_185 = arith.constant 0 : i32
        %dma_wait3A_186 = tpu.memref_slice %arg7[%dma_wait3A_184, %dma_wait3A_185] : memref<8x250xi32, #tpu.memory_space<vmem>> -> memref<1x250xi32, #tpu.memory_space<vmem>>
        %dma_wait3A_187 = tpu.memref_squeeze %dma_wait3A_186 : memref<1x250xi32, #tpu.memory_space<vmem>> -> memref<250xi32, #tpu.memory_space<vmem>>
        %dma_wait3A_188 = arith.constant 0 : i32
        %dma_wait3A_189 = arith.constant 0 : i32
        %dma_wait3A_190 = tpu.memref_slice %arg11[%dma_wait3A_188, %dma_wait3A_189] : memref<50000x64xbf16, #tpu.memory_space<vmem_shared>> -> memref<50000x64xbf16, #tpu.memory_space<vmem_shared>>
        tpu.wait_indirect_dma semaphore(%arg15 : memref<!tpu.dma_semaphore, #tpu.memory_space<semaphore_mem>>) src(%arg10 : memref<250x64xbf16, #tpu.memory_space<vmem>>) dst(%dma_wait3A_190 : memref<50000x64xbf16, #tpu.memory_space<vmem_shared>>)
        %scan3A_191 = arith.constant 0 : i32
        scf.yield %scan3A_191 : i32
      }
      %scan3A_22 = arith.constant 25 : i32
      %barrier3A_23 = arith.constant 0 : index
      tpu.barrier barrier_id(%barrier3A_23)
      %lt3A_24 = arith.constant 15 : i32
      %lt3A_25 = arith.cmpi slt, %arg1, %lt3A_24 : i32
      %convert_element_type3A_26 = arith.extui %lt3A_25 : i1 to i32
      %cond3A_27 = arith.constant 1 : i32
      %cond3A_28 = arith.constant 0 : i32
      %cond3A_29 = arith.cmpi ne, %convert_element_type3A_26, %cond3A_28 : i32
      scf.if %cond3A_29 {
        %mul3A = arith.constant 3200 : i32
        %mul3A_37 = arith.muli %arg1, %mul3A : i32
        %mul3A_38 = arith.constant 3200 : i32
        %mul3A_39 = arith.muli %arg1, %mul3A_38 : i32
        "tpu.region"() ({
          %run_scoped3A = tpu.sem_alloc : memref<!tpu.dma_semaphore, #tpu.memory_space<semaphore_mem>>
          %dma_start3A = arith.constant 0 : i32
          %dma_start3A_40 = arith.constant 0 : i32
          %dma_start3A_41 = tpu.memref_slice %arg6[%cond3A_27, %dma_start3A, %dma_start3A_40] : memref<2x50000x64xbf16, #tpu.memory_space<hbm>> -> memref<1x50000x64xbf16, #tpu.memory_space<hbm>>
          %dma_start3A_42 = tpu.memref_squeeze %dma_start3A_41 : memref<1x50000x64xbf16, #tpu.memory_space<hbm>> -> memref<50000x64xbf16, #tpu.memory_space<hbm>>
          %dma_start3A_43 = arith.constant 0 : i32
          %dma_start3A_44 = tpu.memref_slice %dma_start3A_42[%mul3A_39, %dma_start3A_43] : memref<50000x64xbf16, #tpu.memory_space<hbm>> -> memref<3200x64xbf16, #tpu.memory_space<hbm>>
          %dma_start3A_45 = arith.constant 0 : i32
          %dma_start3A_46 = tpu.memref_slice %arg11[%mul3A_37, %dma_start3A_45] : memref<50000x64xbf16, #tpu.memory_space<vmem_shared>> -> memref<3200x64xbf16, #tpu.memory_space<vmem_shared>>
          tpu.enqueue_dma source(%dma_start3A_46 : memref<3200x64xbf16, #tpu.memory_space<vmem_shared>>) target(%dma_start3A_44 : memref<3200x64xbf16, #tpu.memory_space<hbm>>) target_semaphore(%run_scoped3A : memref<!tpu.dma_semaphore, #tpu.memory_space<semaphore_mem>>)
          %dma_wait3A = arith.constant 0 : i32
          %dma_wait3A_47 = arith.constant 0 : i32
          %dma_wait3A_48 = tpu.memref_slice %arg6[%cond3A_27, %dma_wait3A, %dma_wait3A_47] : memref<2x50000x64xbf16, #tpu.memory_space<hbm>> -> memref<1x50000x64xbf16, #tpu.memory_space<hbm>>
          %dma_wait3A_49 = tpu.memref_squeeze %dma_wait3A_48 : memref<1x50000x64xbf16, #tpu.memory_space<hbm>> -> memref<50000x64xbf16, #tpu.memory_space<hbm>>
          %dma_wait3A_50 = arith.constant 0 : i32
          %dma_wait3A_51 = tpu.memref_slice %dma_wait3A_49[%mul3A_39, %dma_wait3A_50] : memref<50000x64xbf16, #tpu.memory_space<hbm>> -> memref<3200x64xbf16, #tpu.memory_space<hbm>>
          %dma_wait3A_52 = arith.constant 0 : i32
          %dma_wait3A_53 = tpu.memref_slice %arg11[%mul3A_37, %dma_wait3A_52] : memref<50000x64xbf16, #tpu.memory_space<vmem_shared>> -> memref<3200x64xbf16, #tpu.memory_space<vmem_shared>>
          tpu.wait_dma2 semaphore(%run_scoped3A : memref<!tpu.dma_semaphore, #tpu.memory_space<semaphore_mem>>) src(%dma_wait3A_53 : memref<3200x64xbf16, #tpu.memory_space<vmem_shared>>) dst(%dma_wait3A_51 : memref<3200x64xbf16, #tpu.memory_space<hbm>>)
          tpu.yield
        }) : () -> ()
      } else {
      }
      %eq3A_30 = arith.constant 15 : i32
      %eq3A_31 = arith.cmpi eq, %arg1, %eq3A_30 : i32
      %convert_element_type3A_32 = arith.extui %eq3A_31 : i1 to i32
      %cond3A_33 = arith.constant 1 : i32
      %cond3A_34 = arith.constant 0 : i32
      %cond3A_35 = arith.cmpi ne, %convert_element_type3A_32, %cond3A_34 : i32
      scf.if %cond3A_35 {
        "tpu.region"() ({
          %run_scoped3A = tpu.sem_alloc : memref<!tpu.dma_semaphore, #tpu.memory_space<semaphore_mem>>
          %dma_start3A = arith.constant 0 : i32
          %dma_start3A_37 = arith.constant 0 : i32
          %dma_start3A_38 = tpu.memref_slice %arg6[%cond3A_33, %dma_start3A, %dma_start3A_37] : memref<2x50000x64xbf16, #tpu.memory_space<hbm>> -> memref<1x50000x64xbf16, #tpu.memory_space<hbm>>
          %dma_start3A_39 = tpu.memref_squeeze %dma_start3A_38 : memref<1x50000x64xbf16, #tpu.memory_space<hbm>> -> memref<50000x64xbf16, #tpu.memory_space<hbm>>
          %dma_start3A_40 = arith.constant 48000 : i32
          %dma_start3A_41 = arith.constant 0 : i32
          %dma_start3A_42 = tpu.memref_slice %dma_start3A_39[%dma_start3A_40, %dma_start3A_41] : memref<50000x64xbf16, #tpu.memory_space<hbm>> -> memref<2000x64xbf16, #tpu.memory_space<hbm>>
          %dma_start3A_43 = arith.constant 48000 : i32
          %dma_start3A_44 = arith.constant 0 : i32
          %dma_start3A_45 = tpu.memref_slice %arg11[%dma_start3A_43, %dma_start3A_44] : memref<50000x64xbf16, #tpu.memory_space<vmem_shared>> -> memref<2000x64xbf16, #tpu.memory_space<vmem_shared>>
          tpu.enqueue_dma source(%dma_start3A_45 : memref<2000x64xbf16, #tpu.memory_space<vmem_shared>>) target(%dma_start3A_42 : memref<2000x64xbf16, #tpu.memory_space<hbm>>) target_semaphore(%run_scoped3A : memref<!tpu.dma_semaphore, #tpu.memory_space<semaphore_mem>>)
          %dma_wait3A = arith.constant 0 : i32
          %dma_wait3A_46 = arith.constant 0 : i32
          %dma_wait3A_47 = tpu.memref_slice %arg6[%cond3A_33, %dma_wait3A, %dma_wait3A_46] : memref<2x50000x64xbf16, #tpu.memory_space<hbm>> -> memref<1x50000x64xbf16, #tpu.memory_space<hbm>>
          %dma_wait3A_48 = tpu.memref_squeeze %dma_wait3A_47 : memref<1x50000x64xbf16, #tpu.memory_space<hbm>> -> memref<50000x64xbf16, #tpu.memory_space<hbm>>
          %dma_wait3A_49 = arith.constant 48000 : i32
          %dma_wait3A_50 = arith.constant 0 : i32
          %dma_wait3A_51 = tpu.memref_slice %dma_wait3A_48[%dma_wait3A_49, %dma_wait3A_50] : memref<50000x64xbf16, #tpu.memory_space<hbm>> -> memref<2000x64xbf16, #tpu.memory_space<hbm>>
          %dma_wait3A_52 = arith.constant 48000 : i32
          %dma_wait3A_53 = arith.constant 0 : i32
          %dma_wait3A_54 = tpu.memref_slice %arg11[%dma_wait3A_52, %dma_wait3A_53] : memref<50000x64xbf16, #tpu.memory_space<vmem_shared>> -> memref<2000x64xbf16, #tpu.memory_space<vmem_shared>>
          tpu.wait_dma2 semaphore(%run_scoped3A : memref<!tpu.dma_semaphore, #tpu.memory_space<semaphore_mem>>) src(%dma_wait3A_54 : memref<2000x64xbf16, #tpu.memory_space<vmem_shared>>) dst(%dma_wait3A_51 : memref<2000x64xbf16, #tpu.memory_space<hbm>>)
          tpu.yield
        }) : () -> ()
      } else {
      }
      %barrier3A_36 = arith.constant 0 : index
      tpu.barrier barrier_id(%barrier3A_36)
    } else {
    }
    return
  }
}

#map = affine_map<(d0, d1) -> (0, 0, 0)>
#map1 = affine_map<(d0, d1) -> (0, 0)>
module attributes {stable_mosaic.version = 14 : i64} {
  func.func @_sc_scatter_body(%arg0: i32, %arg1: i32, %arg2: memref<2x50000x64xbf16, #tpu.memory_space<hbm>>, %arg3: memref<3200x250xi32, #tpu.memory_space<hbm>>, %arg4: memref<3200x250xi32, #tpu.memory_space<hbm>>, %arg5: memref<3200x64xbf16, #tpu.memory_space<hbm>>, %arg6: memref<2x50000x64xbf16, #tpu.memory_space<hbm>>, %arg7: memref<8x250xi32, #tpu.memory_space<vmem>>, %arg8: memref<8x250xi32, #tpu.memory_space<vmem>>, %arg9: memref<250x64xbf16, #tpu.memory_space<vmem>>, %arg10: memref<250x64xbf16, #tpu.memory_space<vmem>>, %arg11: memref<50000x64xbf16, #tpu.memory_space<vmem_shared>>, %arg12: memref<!tpu.dma_semaphore, #tpu.memory_space<semaphore_mem>>, %arg13: memref<!tpu.dma_semaphore, #tpu.memory_space<semaphore_mem>>, %arg14: memref<!tpu.dma_semaphore, #tpu.memory_space<semaphore_mem>>, %arg15: memref<!tpu.dma_semaphore, #tpu.memory_space<semaphore_mem>>) attributes {dimension_semantics = [#tpu.dimension_semantics<core_parallel>, #tpu.dimension_semantics<subcore_parallel>], iteration_bounds = array<i64: 2, 16>, scalar_prefetch = 0 : i64, scratch_operands = 9 : i64, tpu.core_type = #tpu.core_type<sc_vector_subcore>, window_params = [{transform_indices = #map}, {transform_indices = #map1}, {transform_indices = #map1}, {transform_indices = #map1}, {transform_indices = #map}]} {
    %eq3A = arith.constant 0 : i32
    %eq3A_0 = arith.cmpi eq, %arg0, %eq3A : i32
    %convert_element_type3A = arith.extui %eq3A_0 : i1 to i32
    %cond3A = arith.constant 0 : i32
    %cond3A_1 = arith.cmpi ne, %convert_element_type3A, %cond3A : i32
    scf.if %cond3A_1 {
      %lt3A = arith.constant 15 : i32
      %lt3A_7 = arith.cmpi slt, %arg1, %lt3A : i32
      %convert_element_type3A_8 = arith.extui %lt3A_7 : i1 to i32
      %cond3A_9 = arith.constant 0 : i32
      %cond3A_10 = arith.cmpi ne, %convert_element_type3A_8, %cond3A_9 : i32
      scf.if %cond3A_10 {
        %mul3A = arith.constant 3200 : i32
        %mul3A_37 = arith.muli %arg1, %mul3A : i32
        "tpu.region"() ({
          %run_scoped3A = tpu.sem_alloc : memref<!tpu.dma_semaphore, #tpu.memory_space<semaphore_mem>>
          %dma_start3A = arith.constant 0 : i32
          %dma_start3A_38 = tpu.memref_slice %arg11[%mul3A_37, %dma_start3A] : memref<50000x64xbf16, #tpu.memory_space<vmem_shared>> -> memref<3200x64xbf16, #tpu.memory_space<vmem_shared>>
          tpu.enqueue_dma source(%arg5 : memref<3200x64xbf16, #tpu.memory_space<hbm>>) target(%dma_start3A_38 : memref<3200x64xbf16, #tpu.memory_space<vmem_shared>>) target_semaphore(%run_scoped3A : memref<!tpu.dma_semaphore, #tpu.memory_space<semaphore_mem>>)
          %dma_wait3A = arith.constant 0 : i32
          %dma_wait3A_39 = tpu.memref_slice %arg11[%mul3A_37, %dma_wait3A] : memref<50000x64xbf16, #tpu.memory_space<vmem_shared>> -> memref<3200x64xbf16, #tpu.memory_space<vmem_shared>>
          tpu.wait_dma2 semaphore(%run_scoped3A : memref<!tpu.dma_semaphore, #tpu.memory_space<semaphore_mem>>) src(%arg5 : memref<3200x64xbf16, #tpu.memory_space<hbm>>) dst(%dma_wait3A_39 : memref<3200x64xbf16, #tpu.memory_space<vmem_shared>>)
          tpu.yield
        }) : () -> ()
      } else {
      }
      %eq3A_11 = arith.constant 15 : i32
      %eq3A_12 = arith.cmpi eq, %arg1, %eq3A_11 : i32
      %convert_element_type3A_13 = arith.extui %eq3A_12 : i1 to i32
      %cond3A_14 = arith.constant 0 : i32
      %cond3A_15 = arith.cmpi ne, %convert_element_type3A_13, %cond3A_14 : i32
      scf.if %cond3A_15 {
        "tpu.region"() ({
          %run_scoped3A = tpu.sem_alloc : memref<!tpu.dma_semaphore, #tpu.memory_space<semaphore_mem>>
          %dma_start3A = arith.constant 48000 : i32
          %dma_start3A_37 = arith.constant 0 : i32
          %dma_start3A_38 = tpu.memref_slice %arg11[%dma_start3A, %dma_start3A_37] : memref<50000x64xbf16, #tpu.memory_space<vmem_shared>> -> memref<2000x64xbf16, #tpu.memory_space<vmem_shared>>
          %dma_start3A_39 = arith.constant 0 : i32
          %dma_start3A_40 = arith.constant 0 : i32
          %dma_start3A_41 = tpu.memref_slice %arg5[%dma_start3A_39, %dma_start3A_40] : memref<3200x64xbf16, #tpu.memory_space<hbm>> -> memref<2000x64xbf16, #tpu.memory_space<hbm>>
          tpu.enqueue_dma source(%dma_start3A_41 : memref<2000x64xbf16, #tpu.memory_space<hbm>>) target(%dma_start3A_38 : memref<2000x64xbf16, #tpu.memory_space<vmem_shared>>) target_semaphore(%run_scoped3A : memref<!tpu.dma_semaphore, #tpu.memory_space<semaphore_mem>>)
          %dma_wait3A = arith.constant 48000 : i32
          %dma_wait3A_42 = arith.constant 0 : i32
          %dma_wait3A_43 = tpu.memref_slice %arg11[%dma_wait3A, %dma_wait3A_42] : memref<50000x64xbf16, #tpu.memory_space<vmem_shared>> -> memref<2000x64xbf16, #tpu.memory_space<vmem_shared>>
          %dma_wait3A_44 = arith.constant 0 : i32
          %dma_wait3A_45 = arith.constant 0 : i32
          %dma_wait3A_46 = tpu.memref_slice %arg5[%dma_wait3A_44, %dma_wait3A_45] : memref<3200x64xbf16, #tpu.memory_space<hbm>> -> memref<2000x64xbf16, #tpu.memory_space<hbm>>
          tpu.wait_dma2 semaphore(%run_scoped3A : memref<!tpu.dma_semaphore, #tpu.memory_space<semaphore_mem>>) src(%dma_wait3A_46 : memref<2000x64xbf16, #tpu.memory_space<hbm>>) dst(%dma_wait3A_43 : memref<2000x64xbf16, #tpu.memory_space<vmem_shared>>)
          tpu.yield
        }) : () -> ()
      } else {
      }
      %barrier3A = arith.constant 0 : index
      tpu.barrier barrier_id(%barrier3A)
      %scan3A = arith.constant 0 : i32
      %scan3A_16 = arith.constant 0 : i32
      %scan3A_17 = arith.constant 0 : i32
      %scan3A_18 = arith.constant 25 : i32
      %scan3A_19 = arith.addi %scan3A_17, %scan3A_18 : i32
      %scan3A_20 = arith.constant 1 : i32
      %scan3A_21 = scf.for %scan3A_37 = %scan3A_17 to %scan3A_19 step %scan3A_20 iter_args(%scan3A_38 = %scan3A_16) -> (i32)  : i32 {
        %mul3A = arith.constant 200 : i32
        %mul3A_39 = arith.muli %arg1, %mul3A : i32
        %mul3A_40 = arith.constant 8 : i32
        %mul3A_41 = arith.muli %scan3A_37, %mul3A_40 : i32
        %add3A = arith.addi %mul3A_39, %mul3A_41 : i32
        "tpu.region"() ({
          %run_scoped3A = tpu.sem_alloc : memref<!tpu.dma_semaphore, #tpu.memory_space<semaphore_mem>>
          %dma_start3A_192 = arith.constant 0 : i32
          %dma_start3A_193 = tpu.memref_slice %arg3[%add3A, %dma_start3A_192] : memref<3200x250xi32, #tpu.memory_space<hbm>> -> memref<8x250xi32, #tpu.memory_space<hbm>>
          %dma_start3A_194 = arith.constant 0 : i32
          %dma_start3A_195 = tpu.memref_slice %arg3[%add3A, %dma_start3A_194] : memref<3200x250xi32, #tpu.memory_space<hbm>> -> memref<8x250xi32, #tpu.memory_space<hbm>>
          tpu.enqueue_dma source(%dma_start3A_195 : memref<8x250xi32, #tpu.memory_space<hbm>>) target(%arg8 : memref<8x250xi32, #tpu.memory_space<vmem>>) target_semaphore(%run_scoped3A : memref<!tpu.dma_semaphore, #tpu.memory_space<semaphore_mem>>)
          %dma_wait3A_196 = arith.constant 0 : i32
          %dma_wait3A_197 = tpu.memref_slice %arg3[%add3A, %dma_wait3A_196] : memref<3200x250xi32, #tpu.memory_space<hbm>> -> memref<8x250xi32, #tpu.memory_space<hbm>>
          %dma_wait3A_198 = arith.constant 0 : i32
          %dma_wait3A_199 = tpu.memref_slice %arg3[%add3A, %dma_wait3A_198] : memref<3200x250xi32, #tpu.memory_space<hbm>> -> memref<8x250xi32, #tpu.memory_space<hbm>>
          tpu.wait_dma2 semaphore(%run_scoped3A : memref<!tpu.dma_semaphore, #tpu.memory_space<semaphore_mem>>) src(%dma_wait3A_199 : memref<8x250xi32, #tpu.memory_space<hbm>>) dst(%arg8 : memref<8x250xi32, #tpu.memory_space<vmem>>)
          tpu.yield
        }) : () -> ()
        "tpu.region"() ({
          %run_scoped3A = tpu.sem_alloc : memref<!tpu.dma_semaphore, #tpu.memory_space<semaphore_mem>>
          %dma_start3A_192 = arith.constant 0 : i32
          %dma_start3A_193 = tpu.memref_slice %arg4[%add3A, %dma_start3A_192] : memref<3200x250xi32, #tpu.memory_space<hbm>> -> memref<8x250xi32, #tpu.memory_space<hbm>>
          %dma_start3A_194 = arith.constant 0 : i32
          %dma_start3A_195 = tpu.memref_slice %arg4[%add3A, %dma_start3A_194] : memref<3200x250xi32, #tpu.memory_space<hbm>> -> memref<8x250xi32, #tpu.memory_space<hbm>>
          tpu.enqueue_dma source(%dma_start3A_195 : memref<8x250xi32, #tpu.memory_space<hbm>>) target(%arg7 : memref<8x250xi32, #tpu.memory_space<vmem>>) target_semaphore(%run_scoped3A : memref<!tpu.dma_semaphore, #tpu.memory_space<semaphore_mem>>)
          %dma_wait3A_196 = arith.constant 0 : i32
          %dma_wait3A_197 = tpu.memref_slice %arg4[%add3A, %dma_wait3A_196] : memref<3200x250xi32, #tpu.memory_space<hbm>> -> memref<8x250xi32, #tpu.memory_space<hbm>>
          %dma_wait3A_198 = arith.constant 0 : i32
          %dma_wait3A_199 = tpu.memref_slice %arg4[%add3A, %dma_wait3A_198] : memref<3200x250xi32, #tpu.memory_space<hbm>> -> memref<8x250xi32, #tpu.memory_space<hbm>>
          tpu.wait_dma2 semaphore(%run_scoped3A : memref<!tpu.dma_semaphore, #tpu.memory_space<semaphore_mem>>) src(%dma_wait3A_199 : memref<8x250xi32, #tpu.memory_space<hbm>>) dst(%arg7 : memref<8x250xi32, #tpu.memory_space<vmem>>)
          tpu.yield
        }) : () -> ()
        %dma_start3A = arith.constant 0 : i32
        %dma_start3A_42 = arith.constant 0 : i32
        %dma_start3A_43 = tpu.memref_slice %arg8[%dma_start3A, %dma_start3A_42] : memref<8x250xi32, #tpu.memory_space<vmem>> -> memref<1x250xi32, #tpu.memory_space<vmem>>
        %dma_start3A_44 = tpu.memref_squeeze %dma_start3A_43 : memref<1x250xi32, #tpu.memory_space<vmem>> -> memref<250xi32, #tpu.memory_space<vmem>>
        %dma_start3A_45 = arith.constant 0 : i32
        %dma_start3A_46 = arith.constant 0 : i32
        %dma_start3A_47 = tpu.memref_slice %arg2[%scan3A, %dma_start3A_45, %dma_start3A_46] : memref<2x50000x64xbf16, #tpu.memory_space<hbm>> -> memref<1x50000x64xbf16, #tpu.memory_space<hbm>>
        %dma_start3A_48 = tpu.memref_squeeze %dma_start3A_47 : memref<1x50000x64xbf16, #tpu.memory_space<hbm>> -> memref<50000x64xbf16, #tpu.memory_space<hbm>>
        %dma_start3A_49 = arith.constant 0 : i32
        %dma_start3A_50 = arith.constant 0 : i32
        %dma_start3A_51 = tpu.memref_slice %dma_start3A_48[%dma_start3A_49, %dma_start3A_50] : memref<50000x64xbf16, #tpu.memory_space<hbm>> -> memref<50000x64xbf16, #tpu.memory_space<hbm>>
        tpu.enqueue_indirect_dma source(%dma_start3A_51 : memref<50000x64xbf16, #tpu.memory_space<hbm>>) target(%arg9 : memref<250x64xbf16, #tpu.memory_space<vmem>>) offsets(%dma_start3A_44 : memref<250xi32, #tpu.memory_space<vmem>>) semaphore(%arg12 : memref<!tpu.dma_semaphore, #tpu.memory_space<semaphore_mem>>)
        %dma_wait3A = arith.constant 0 : i32
        %dma_wait3A_52 = arith.constant 0 : i32
        %dma_wait3A_53 = tpu.memref_slice %arg8[%dma_wait3A, %dma_wait3A_52] : memref<8x250xi32, #tpu.memory_space<vmem>> -> memref<1x250xi32, #tpu.memory_space<vmem>>
        %dma_wait3A_54 = tpu.memref_squeeze %dma_wait3A_53 : memref<1x250xi32, #tpu.memory_space<vmem>> -> memref<250xi32, #tpu.memory_space<vmem>>
        %dma_wait3A_55 = arith.constant 0 : i32
        %dma_wait3A_56 = arith.constant 0 : i32
        %dma_wait3A_57 = tpu.memref_slice %arg2[%scan3A, %dma_wait3A_55, %dma_wait3A_56] : memref<2x50000x64xbf16, #tpu.memory_space<hbm>> -> memref<1x50000x64xbf16, #tpu.memory_space<hbm>>
        %dma_wait3A_58 = tpu.memref_squeeze %dma_wait3A_57 : memref<1x50000x64xbf16, #tpu.memory_space<hbm>> -> memref<50000x64xbf16, #tpu.memory_space<hbm>>
        %dma_wait3A_59 = arith.constant 0 : i32
        %dma_wait3A_60 = arith.constant 0 : i32
        %dma_wait3A_61 = tpu.memref_slice %dma_wait3A_58[%dma_wait3A_59, %dma_wait3A_60] : memref<50000x64xbf16, #tpu.memory_space<hbm>> -> memref<50000x64xbf16, #tpu.memory_space<hbm>>
        tpu.wait_indirect_dma semaphore(%arg12 : memref<!tpu.dma_semaphore, #tpu.memory_space<semaphore_mem>>) src(%dma_wait3A_61 : memref<50000x64xbf16, #tpu.memory_space<hbm>>) dst(%arg9 : memref<250x64xbf16, #tpu.memory_space<vmem>>)
        %dma_start3A_62 = arith.constant 0 : i32
        %dma_start3A_63 = arith.constant 0 : i32
        %dma_start3A_64 = tpu.memref_slice %arg7[%dma_start3A_62, %dma_start3A_63] : memref<8x250xi32, #tpu.memory_space<vmem>> -> memref<1x250xi32, #tpu.memory_space<vmem>>
        %dma_start3A_65 = tpu.memref_squeeze %dma_start3A_64 : memref<1x250xi32, #tpu.memory_space<vmem>> -> memref<250xi32, #tpu.memory_space<vmem>>
        %dma_start3A_66 = arith.constant 0 : i32
        %dma_start3A_67 = arith.constant 0 : i32
        %dma_start3A_68 = tpu.memref_slice %arg11[%dma_start3A_66, %dma_start3A_67] : memref<50000x64xbf16, #tpu.memory_space<vmem_shared>> -> memref<50000x64xbf16, #tpu.memory_space<vmem_shared>>
        tpu.enqueue_indirect_dma source(%arg9 : memref<250x64xbf16, #tpu.memory_space<vmem>>) target(%dma_start3A_68 : memref<50000x64xbf16, #tpu.memory_space<vmem_shared>>) offsets(%dma_start3A_65 : memref<250xi32, #tpu.memory_space<vmem>>) semaphore(%arg14 : memref<!tpu.dma_semaphore, #tpu.memory_space<semaphore_mem>>) {add = true}
        %dma_start3A_69 = arith.constant 1 : i32
        %dma_start3A_70 = arith.constant 0 : i32
        %dma_start3A_71 = tpu.memref_slice %arg8[%dma_start3A_69, %dma_start3A_70] : memref<8x250xi32, #tpu.memory_space<vmem>> -> memref<1x250xi32, #tpu.memory_space<vmem>>
        %dma_start3A_72 = tpu.memref_squeeze %dma_start3A_71 : memref<1x250xi32, #tpu.memory_space<vmem>> -> memref<250xi32, #tpu.memory_space<vmem>>
        %dma_start3A_73 = arith.constant 0 : i32
        %dma_start3A_74 = arith.constant 0 : i32
        %dma_start3A_75 = tpu.memref_slice %arg2[%scan3A, %dma_start3A_73, %dma_start3A_74] : memref<2x50000x64xbf16, #tpu.memory_space<hbm>> -> memref<1x50000x64xbf16, #tpu.memory_space<hbm>>
        %dma_start3A_76 = tpu.memref_squeeze %dma_start3A_75 : memref<1x50000x64xbf16, #tpu.memory_space<hbm>> -> memref<50000x64xbf16, #tpu.memory_space<hbm>>
        %dma_start3A_77 = arith.constant 0 : i32
        %dma_start3A_78 = arith.constant 0 : i32
        %dma_start3A_79 = tpu.memref_slice %dma_start3A_76[%dma_start3A_77, %dma_start3A_78] : memref<50000x64xbf16, #tpu.memory_space<hbm>> -> memref<50000x64xbf16, #tpu.memory_space<hbm>>
        tpu.enqueue_indirect_dma source(%dma_start3A_79 : memref<50000x64xbf16, #tpu.memory_space<hbm>>) target(%arg10 : memref<250x64xbf16, #tpu.memory_space<vmem>>) offsets(%dma_start3A_72 : memref<250xi32, #tpu.memory_space<vmem>>) semaphore(%arg13 : memref<!tpu.dma_semaphore, #tpu.memory_space<semaphore_mem>>)
        %dma_wait3A_80 = arith.constant 0 : i32
        %dma_wait3A_81 = arith.constant 0 : i32
        %dma_wait3A_82 = tpu.memref_slice %arg8[%dma_wait3A_80, %dma_wait3A_81] : memref<8x250xi32, #tpu.memory_space<vmem>> -> memref<1x250xi32, #tpu.memory_space<vmem>>
        %dma_wait3A_83 = tpu.memref_squeeze %dma_wait3A_82 : memref<1x250xi32, #tpu.memory_space<vmem>> -> memref<250xi32, #tpu.memory_space<vmem>>
        %dma_wait3A_84 = arith.constant 0 : i32
        %dma_wait3A_85 = arith.constant 0 : i32
        %dma_wait3A_86 = tpu.memref_slice %arg2[%scan3A, %dma_wait3A_84, %dma_wait3A_85] : memref<2x50000x64xbf16, #tpu.memory_space<hbm>> -> memref<1x50000x64xbf16, #tpu.memory_space<hbm>>
        %dma_wait3A_87 = tpu.memref_squeeze %dma_wait3A_86 : memref<1x50000x64xbf16, #tpu.memory_space<hbm>> -> memref<50000x64xbf16, #tpu.memory_space<hbm>>
        %dma_wait3A_88 = arith.constant 0 : i32
        %dma_wait3A_89 = arith.constant 0 : i32
        %dma_wait3A_90 = tpu.memref_slice %dma_wait3A_87[%dma_wait3A_88, %dma_wait3A_89] : memref<50000x64xbf16, #tpu.memory_space<hbm>> -> memref<50000x64xbf16, #tpu.memory_space<hbm>>
        tpu.wait_indirect_dma semaphore(%arg13 : memref<!tpu.dma_semaphore, #tpu.memory_space<semaphore_mem>>) src(%dma_wait3A_90 : memref<50000x64xbf16, #tpu.memory_space<hbm>>) dst(%arg10 : memref<250x64xbf16, #tpu.memory_space<vmem>>)
        %dma_start3A_91 = arith.constant 1 : i32
        %dma_start3A_92 = arith.constant 0 : i32
        %dma_start3A_93 = tpu.memref_slice %arg7[%dma_start3A_91, %dma_start3A_92] : memref<8x250xi32, #tpu.memory_space<vmem>> -> memref<1x250xi32, #tpu.memory_space<vmem>>
        %dma_start3A_94 = tpu.memref_squeeze %dma_start3A_93 : memref<1x250xi32, #tpu.memory_space<vmem>> -> memref<250xi32, #tpu.memory_space<vmem>>
        %dma_start3A_95 = arith.constant 0 : i32
        %dma_start3A_96 = arith.constant 0 : i32
        %dma_start3A_97 = tpu.memref_slice %arg11[%dma_start3A_95, %dma_start3A_96] : memref<50000x64xbf16, #tpu.memory_space<vmem_shared>> -> memref<50000x64xbf16, #tpu.memory_space<vmem_shared>>
        tpu.enqueue_indirect_dma source(%arg10 : memref<250x64xbf16, #tpu.memory_space<vmem>>) target(%dma_start3A_97 : memref<50000x64xbf16, #tpu.memory_space<vmem_shared>>) offsets(%dma_start3A_94 : memref<250xi32, #tpu.memory_space<vmem>>) semaphore(%arg15 : memref<!tpu.dma_semaphore, #tpu.memory_space<semaphore_mem>>) {add = true}
        %dma_wait3A_98 = arith.constant 0 : i32
        %dma_wait3A_99 = arith.constant 0 : i32
        %dma_wait3A_100 = tpu.memref_slice %arg7[%dma_wait3A_98, %dma_wait3A_99] : memref<8x250xi32, #tpu.memory_space<vmem>> -> memref<1x250xi32, #tpu.memory_space<vmem>>
        %dma_wait3A_101 = tpu.memref_squeeze %dma_wait3A_100 : memref<1x250xi32, #tpu.memory_space<vmem>> -> memref<250xi32, #tpu.memory_space<vmem>>
        %dma_wait3A_102 = arith.constant 0 : i32
        %dma_wait3A_103 = arith.constant 0 : i32
        %dma_wait3A_104 = tpu.memref_slice %arg11[%dma_wait3A_102, %dma_wait3A_103] : memref<50000x64xbf16, #tpu.memory_space<vmem_shared>> -> memref<50000x64xbf16, #tpu.memory_space<vmem_shared>>
        tpu.wait_indirect_dma semaphore(%arg14 : memref<!tpu.dma_semaphore, #tpu.memory_space<semaphore_mem>>) src(%arg9 : memref<250x64xbf16, #tpu.memory_space<vmem>>) dst(%dma_wait3A_104 : memref<50000x64xbf16, #tpu.memory_space<vmem_shared>>)
        %dma_start3A_105 = arith.constant 2 : i32
        %dma_start3A_106 = arith.constant 0 : i32
        %dma_start3A_107 = tpu.memref_slice %arg8[%dma_start3A_105, %dma_start3A_106] : memref<8x250xi32, #tpu.memory_space<vmem>> -> memref<1x250xi32, #tpu.memory_space<vmem>>
        %dma_start3A_108 = tpu.memref_squeeze %dma_start3A_107 : memref<1x250xi32, #tpu.memory_space<vmem>> -> memref<250xi32, #tpu.memory_space<vmem>>
        %dma_start3A_109 = arith.constant 0 : i32
        %dma_start3A_110 = arith.constant 0 : i32
        %dma_start3A_111 = tpu.memref_slice %arg2[%scan3A, %dma_start3A_109, %dma_start3A_110] : memref<2x50000x64xbf16, #tpu.memory_space<hbm>> -> memref<1x50000x64xbf16, #tpu.memory_space<hbm>>
        %dma_start3A_112 = tpu.memref_squeeze %dma_start3A_111 : memref<1x50000x64xbf16, #tpu.memory_space<hbm>> -> memref<50000x64xbf16, #tpu.memory_space<hbm>>
        %dma_start3A_113 = arith.constant 0 : i32
        %dma_start3A_114 = arith.constant 0 : i32
        %dma_start3A_115 = tpu.memref_slice %dma_start3A_112[%dma_start3A_113, %dma_start3A_114] : memref<50000x64xbf16, #tpu.memory_space<hbm>> -> memref<50000x64xbf16, #tpu.memory_space<hbm>>
        tpu.enqueue_indirect_dma source(%dma_start3A_115 : memref<50000x64xbf16, #tpu.memory_space<hbm>>) target(%arg9 : memref<250x64xbf16, #tpu.memory_space<vmem>>) offsets(%dma_start3A_108 : memref<250xi32, #tpu.memory_space<vmem>>) semaphore(%arg12 : memref<!tpu.dma_semaphore, #tpu.memory_space<semaphore_mem>>)
        %scan3A_116 = arith.constant 0 : i32
        %scan3A_117 = arith.constant 1 : i32
        %scan3A_118 = arith.constant 2 : i32
        %scan3A_119 = arith.addi %scan3A_117, %scan3A_118 : i32
        %scan3A_120 = arith.constant 1 : i32
        %scan3A_121 = scf.for %scan3A_192 = %scan3A_117 to %scan3A_119 step %scan3A_120 iter_args(%scan3A_193 = %scan3A_116) -> (i32)  : i32 {
          %mul3A_194 = arith.constant 2 : i32
          %mul3A_195 = arith.muli %mul3A_194, %scan3A_192 : i32
          %dma_wait3A_196 = arith.constant 0 : i32
          %dma_wait3A_197 = arith.constant 0 : i32
          %dma_wait3A_198 = tpu.memref_slice %arg8[%dma_wait3A_196, %dma_wait3A_197] : memref<8x250xi32, #tpu.memory_space<vmem>> -> memref<1x250xi32, #tpu.memory_space<vmem>>
          %dma_wait3A_199 = tpu.memref_squeeze %dma_wait3A_198 : memref<1x250xi32, #tpu.memory_space<vmem>> -> memref<250xi32, #tpu.memory_space<vmem>>
          %dma_wait3A_200 = arith.constant 0 : i32
          %dma_wait3A_201 = arith.constant 0 : i32
          %dma_wait3A_202 = tpu.memref_slice %arg2[%scan3A, %dma_wait3A_200, %dma_wait3A_201] : memref<2x50000x64xbf16, #tpu.memory_space<hbm>> -> memref<1x50000x64xbf16, #tpu.memory_space<hbm>>
          %dma_wait3A_203 = tpu.memref_squeeze %dma_wait3A_202 : memref<1x50000x64xbf16, #tpu.memory_space<hbm>> -> memref<50000x64xbf16, #tpu.memory_space<hbm>>
          %dma_wait3A_204 = arith.constant 0 : i32
          %dma_wait3A_205 = arith.constant 0 : i32
          %dma_wait3A_206 = tpu.memref_slice %dma_wait3A_203[%dma_wait3A_204, %dma_wait3A_205] : memref<50000x64xbf16, #tpu.memory_space<hbm>> -> memref<50000x64xbf16, #tpu.memory_space<hbm>>
          tpu.wait_indirect_dma semaphore(%arg12 : memref<!tpu.dma_semaphore, #tpu.memory_space<semaphore_mem>>) src(%dma_wait3A_206 : memref<50000x64xbf16, #tpu.memory_space<hbm>>) dst(%arg9 : memref<250x64xbf16, #tpu.memory_space<vmem>>)
          %dma_start3A_207 = arith.constant 0 : i32
          %dma_start3A_208 = tpu.memref_slice %arg7[%mul3A_195, %dma_start3A_207] : memref<8x250xi32, #tpu.memory_space<vmem>> -> memref<1x250xi32, #tpu.memory_space<vmem>>
          %dma_start3A_209 = tpu.memref_squeeze %dma_start3A_208 : memref<1x250xi32, #tpu.memory_space<vmem>> -> memref<250xi32, #tpu.memory_space<vmem>>
          %dma_start3A_210 = arith.constant 0 : i32
          %dma_start3A_211 = arith.constant 0 : i32
          %dma_start3A_212 = tpu.memref_slice %arg11[%dma_start3A_210, %dma_start3A_211] : memref<50000x64xbf16, #tpu.memory_space<vmem_shared>> -> memref<50000x64xbf16, #tpu.memory_space<vmem_shared>>
          tpu.enqueue_indirect_dma source(%arg9 : memref<250x64xbf16, #tpu.memory_space<vmem>>) target(%dma_start3A_212 : memref<50000x64xbf16, #tpu.memory_space<vmem_shared>>) offsets(%dma_start3A_209 : memref<250xi32, #tpu.memory_space<vmem>>) semaphore(%arg14 : memref<!tpu.dma_semaphore, #tpu.memory_space<semaphore_mem>>) {add = true}
          %dma_wait3A_213 = arith.constant 0 : i32
          %dma_wait3A_214 = arith.constant 0 : i32
          %dma_wait3A_215 = tpu.memref_slice %arg7[%dma_wait3A_213, %dma_wait3A_214] : memref<8x250xi32, #tpu.memory_space<vmem>> -> memref<1x250xi32, #tpu.memory_space<vmem>>
          %dma_wait3A_216 = tpu.memref_squeeze %dma_wait3A_215 : memref<1x250xi32, #tpu.memory_space<vmem>> -> memref<250xi32, #tpu.memory_space<vmem>>
          %dma_wait3A_217 = arith.constant 0 : i32
          %dma_wait3A_218 = arith.constant 0 : i32
          %dma_wait3A_219 = tpu.memref_slice %arg11[%dma_wait3A_217, %dma_wait3A_218] : memref<50000x64xbf16, #tpu.memory_space<vmem_shared>> -> memref<50000x64xbf16, #tpu.memory_space<vmem_shared>>
          tpu.wait_indirect_dma semaphore(%arg15 : memref<!tpu.dma_semaphore, #tpu.memory_space<semaphore_mem>>) src(%arg10 : memref<250x64xbf16, #tpu.memory_space<vmem>>) dst(%dma_wait3A_219 : memref<50000x64xbf16, #tpu.memory_space<vmem_shared>>)
          %add3A_220 = arith.constant 1 : i32
          %add3A_221 = arith.addi %mul3A_195, %add3A_220 : i32
          %dma_start3A_222 = arith.constant 0 : i32
          %dma_start3A_223 = tpu.memref_slice %arg8[%add3A_221, %dma_start3A_222] : memref<8x250xi32, #tpu.memory_space<vmem>> -> memref<1x250xi32, #tpu.memory_space<vmem>>
          %dma_start3A_224 = tpu.memref_squeeze %dma_start3A_223 : memref<1x250xi32, #tpu.memory_space<vmem>> -> memref<250xi32, #tpu.memory_space<vmem>>
          %dma_start3A_225 = arith.constant 0 : i32
          %dma_start3A_226 = arith.constant 0 : i32
          %dma_start3A_227 = tpu.memref_slice %arg2[%scan3A, %dma_start3A_225, %dma_start3A_226] : memref<2x50000x64xbf16, #tpu.memory_space<hbm>> -> memref<1x50000x64xbf16, #tpu.memory_space<hbm>>
          %dma_start3A_228 = tpu.memref_squeeze %dma_start3A_227 : memref<1x50000x64xbf16, #tpu.memory_space<hbm>> -> memref<50000x64xbf16, #tpu.memory_space<hbm>>
          %dma_start3A_229 = arith.constant 0 : i32
          %dma_start3A_230 = arith.constant 0 : i32
          %dma_start3A_231 = tpu.memref_slice %dma_start3A_228[%dma_start3A_229, %dma_start3A_230] : memref<50000x64xbf16, #tpu.memory_space<hbm>> -> memref<50000x64xbf16, #tpu.memory_space<hbm>>
          tpu.enqueue_indirect_dma source(%dma_start3A_231 : memref<50000x64xbf16, #tpu.memory_space<hbm>>) target(%arg10 : memref<250x64xbf16, #tpu.memory_space<vmem>>) offsets(%dma_start3A_224 : memref<250xi32, #tpu.memory_space<vmem>>) semaphore(%arg13 : memref<!tpu.dma_semaphore, #tpu.memory_space<semaphore_mem>>)
          %dma_wait3A_232 = arith.constant 0 : i32
          %dma_wait3A_233 = arith.constant 0 : i32
          %dma_wait3A_234 = tpu.memref_slice %arg8[%dma_wait3A_232, %dma_wait3A_233] : memref<8x250xi32, #tpu.memory_space<vmem>> -> memref<1x250xi32, #tpu.memory_space<vmem>>
          %dma_wait3A_235 = tpu.memref_squeeze %dma_wait3A_234 : memref<1x250xi32, #tpu.memory_space<vmem>> -> memref<250xi32, #tpu.memory_space<vmem>>
          %dma_wait3A_236 = arith.constant 0 : i32
          %dma_wait3A_237 = arith.constant 0 : i32
          %dma_wait3A_238 = tpu.memref_slice %arg2[%scan3A, %dma_wait3A_236, %dma_wait3A_237] : memref<2x50000x64xbf16, #tpu.memory_space<hbm>> -> memref<1x50000x64xbf16, #tpu.memory_space<hbm>>
          %dma_wait3A_239 = tpu.memref_squeeze %dma_wait3A_238 : memref<1x50000x64xbf16, #tpu.memory_space<hbm>> -> memref<50000x64xbf16, #tpu.memory_space<hbm>>
          %dma_wait3A_240 = arith.constant 0 : i32
          %dma_wait3A_241 = arith.constant 0 : i32
          %dma_wait3A_242 = tpu.memref_slice %dma_wait3A_239[%dma_wait3A_240, %dma_wait3A_241] : memref<50000x64xbf16, #tpu.memory_space<hbm>> -> memref<50000x64xbf16, #tpu.memory_space<hbm>>
          tpu.wait_indirect_dma semaphore(%arg13 : memref<!tpu.dma_semaphore, #tpu.memory_space<semaphore_mem>>) src(%dma_wait3A_242 : memref<50000x64xbf16, #tpu.memory_space<hbm>>) dst(%arg10 : memref<250x64xbf16, #tpu.memory_space<vmem>>)
          %add3A_243 = arith.constant 1 : i32
          %add3A_244 = arith.addi %mul3A_195, %add3A_243 : i32
          %dma_start3A_245 = arith.constant 0 : i32
          %dma_start3A_246 = tpu.memref_slice %arg7[%add3A_244, %dma_start3A_245] : memref<8x250xi32, #tpu.memory_space<vmem>> -> memref<1x250xi32, #tpu.memory_space<vmem>>
          %dma_start3A_247 = tpu.memref_squeeze %dma_start3A_246 : memref<1x250xi32, #tpu.memory_space<vmem>> -> memref<250xi32, #tpu.memory_space<vmem>>
          %dma_start3A_248 = arith.constant 0 : i32
          %dma_start3A_249 = arith.constant 0 : i32
          %dma_start3A_250 = tpu.memref_slice %arg11[%dma_start3A_248, %dma_start3A_249] : memref<50000x64xbf16, #tpu.memory_space<vmem_shared>> -> memref<50000x64xbf16, #tpu.memory_space<vmem_shared>>
          tpu.enqueue_indirect_dma source(%arg10 : memref<250x64xbf16, #tpu.memory_space<vmem>>) target(%dma_start3A_250 : memref<50000x64xbf16, #tpu.memory_space<vmem_shared>>) offsets(%dma_start3A_247 : memref<250xi32, #tpu.memory_space<vmem>>) semaphore(%arg15 : memref<!tpu.dma_semaphore, #tpu.memory_space<semaphore_mem>>) {add = true}
          %dma_wait3A_251 = arith.constant 0 : i32
          %dma_wait3A_252 = arith.constant 0 : i32
          %dma_wait3A_253 = tpu.memref_slice %arg7[%dma_wait3A_251, %dma_wait3A_252] : memref<8x250xi32, #tpu.memory_space<vmem>> -> memref<1x250xi32, #tpu.memory_space<vmem>>
          %dma_wait3A_254 = tpu.memref_squeeze %dma_wait3A_253 : memref<1x250xi32, #tpu.memory_space<vmem>> -> memref<250xi32, #tpu.memory_space<vmem>>
          %dma_wait3A_255 = arith.constant 0 : i32
          %dma_wait3A_256 = arith.constant 0 : i32
          %dma_wait3A_257 = tpu.memref_slice %arg11[%dma_wait3A_255, %dma_wait3A_256] : memref<50000x64xbf16, #tpu.memory_space<vmem_shared>> -> memref<50000x64xbf16, #tpu.memory_space<vmem_shared>>
          tpu.wait_indirect_dma semaphore(%arg14 : memref<!tpu.dma_semaphore, #tpu.memory_space<semaphore_mem>>) src(%arg9 : memref<250x64xbf16, #tpu.memory_space<vmem>>) dst(%dma_wait3A_257 : memref<50000x64xbf16, #tpu.memory_space<vmem_shared>>)
          %add3A_258 = arith.constant 2 : i32
          %add3A_259 = arith.addi %mul3A_195, %add3A_258 : i32
          %dma_start3A_260 = arith.constant 0 : i32
          %dma_start3A_261 = tpu.memref_slice %arg8[%add3A_259, %dma_start3A_260] : memref<8x250xi32, #tpu.memory_space<vmem>> -> memref<1x250xi32, #tpu.memory_space<vmem>>
          %dma_start3A_262 = tpu.memref_squeeze %dma_start3A_261 : memref<1x250xi32, #tpu.memory_space<vmem>> -> memref<250xi32, #tpu.memory_space<vmem>>
          %dma_start3A_263 = arith.constant 0 : i32
          %dma_start3A_264 = arith.constant 0 : i32
          %dma_start3A_265 = tpu.memref_slice %arg2[%scan3A, %dma_start3A_263, %dma_start3A_264] : memref<2x50000x64xbf16, #tpu.memory_space<hbm>> -> memref<1x50000x64xbf16, #tpu.memory_space<hbm>>
          %dma_start3A_266 = tpu.memref_squeeze %dma_start3A_265 : memref<1x50000x64xbf16, #tpu.memory_space<hbm>> -> memref<50000x64xbf16, #tpu.memory_space<hbm>>
          %dma_start3A_267 = arith.constant 0 : i32
          %dma_start3A_268 = arith.constant 0 : i32
          %dma_start3A_269 = tpu.memref_slice %dma_start3A_266[%dma_start3A_267, %dma_start3A_268] : memref<50000x64xbf16, #tpu.memory_space<hbm>> -> memref<50000x64xbf16, #tpu.memory_space<hbm>>
          tpu.enqueue_indirect_dma source(%dma_start3A_269 : memref<50000x64xbf16, #tpu.memory_space<hbm>>) target(%arg9 : memref<250x64xbf16, #tpu.memory_space<vmem>>) offsets(%dma_start3A_262 : memref<250xi32, #tpu.memory_space<vmem>>) semaphore(%arg12 : memref<!tpu.dma_semaphore, #tpu.memory_space<semaphore_mem>>)
          %scan3A_270 = arith.constant 0 : i32
          scf.yield %scan3A_270 : i32
        }
        %scan3A_122 = arith.constant 2 : i32
        %dma_wait3A_123 = arith.constant 0 : i32
        %dma_wait3A_124 = arith.constant 0 : i32
        %dma_wait3A_125 = tpu.memref_slice %arg8[%dma_wait3A_123, %dma_wait3A_124] : memref<8x250xi32, #tpu.memory_space<vmem>> -> memref<1x250xi32, #tpu.memory_space<vmem>>
        %dma_wait3A_126 = tpu.memref_squeeze %dma_wait3A_125 : memref<1x250xi32, #tpu.memory_space<vmem>> -> memref<250xi32, #tpu.memory_space<vmem>>
        %dma_wait3A_127 = arith.constant 0 : i32
        %dma_wait3A_128 = arith.constant 0 : i32
        %dma_wait3A_129 = tpu.memref_slice %arg2[%scan3A, %dma_wait3A_127, %dma_wait3A_128] : memref<2x50000x64xbf16, #tpu.memory_space<hbm>> -> memref<1x50000x64xbf16, #tpu.memory_space<hbm>>
        %dma_wait3A_130 = tpu.memref_squeeze %dma_wait3A_129 : memref<1x50000x64xbf16, #tpu.memory_space<hbm>> -> memref<50000x64xbf16, #tpu.memory_space<hbm>>
        %dma_wait3A_131 = arith.constant 0 : i32
        %dma_wait3A_132 = arith.constant 0 : i32
        %dma_wait3A_133 = tpu.memref_slice %dma_wait3A_130[%dma_wait3A_131, %dma_wait3A_132] : memref<50000x64xbf16, #tpu.memory_space<hbm>> -> memref<50000x64xbf16, #tpu.memory_space<hbm>>
        tpu.wait_indirect_dma semaphore(%arg12 : memref<!tpu.dma_semaphore, #tpu.memory_space<semaphore_mem>>) src(%dma_wait3A_133 : memref<50000x64xbf16, #tpu.memory_space<hbm>>) dst(%arg9 : memref<250x64xbf16, #tpu.memory_space<vmem>>)
        %dma_start3A_134 = arith.constant 6 : i32
        %dma_start3A_135 = arith.constant 0 : i32
        %dma_start3A_136 = tpu.memref_slice %arg7[%dma_start3A_134, %dma_start3A_135] : memref<8x250xi32, #tpu.memory_space<vmem>> -> memref<1x250xi32, #tpu.memory_space<vmem>>
        %dma_start3A_137 = tpu.memref_squeeze %dma_start3A_136 : memref<1x250xi32, #tpu.memory_space<vmem>> -> memref<250xi32, #tpu.memory_space<vmem>>
        %dma_start3A_138 = arith.constant 0 : i32
        %dma_start3A_139 = arith.constant 0 : i32
        %dma_start3A_140 = tpu.memref_slice %arg11[%dma_start3A_138, %dma_start3A_139] : memref<50000x64xbf16, #tpu.memory_space<vmem_shared>> -> memref<50000x64xbf16, #tpu.memory_space<vmem_shared>>
        tpu.enqueue_indirect_dma source(%arg9 : memref<250x64xbf16, #tpu.memory_space<vmem>>) target(%dma_start3A_140 : memref<50000x64xbf16, #tpu.memory_space<vmem_shared>>) offsets(%dma_start3A_137 : memref<250xi32, #tpu.memory_space<vmem>>) semaphore(%arg14 : memref<!tpu.dma_semaphore, #tpu.memory_space<semaphore_mem>>) {add = true}
        %dma_wait3A_141 = arith.constant 0 : i32
        %dma_wait3A_142 = arith.constant 0 : i32
        %dma_wait3A_143 = tpu.memref_slice %arg7[%dma_wait3A_141, %dma_wait3A_142] : memref<8x250xi32, #tpu.memory_space<vmem>> -> memref<1x250xi32, #tpu.memory_space<vmem>>
        %dma_wait3A_144 = tpu.memref_squeeze %dma_wait3A_143 : memref<1x250xi32, #tpu.memory_space<vmem>> -> memref<250xi32, #tpu.memory_space<vmem>>
        %dma_wait3A_145 = arith.constant 0 : i32
        %dma_wait3A_146 = arith.constant 0 : i32
        %dma_wait3A_147 = tpu.memref_slice %arg11[%dma_wait3A_145, %dma_wait3A_146] : memref<50000x64xbf16, #tpu.memory_space<vmem_shared>> -> memref<50000x64xbf16, #tpu.memory_space<vmem_shared>>
        tpu.wait_indirect_dma semaphore(%arg15 : memref<!tpu.dma_semaphore, #tpu.memory_space<semaphore_mem>>) src(%arg10 : memref<250x64xbf16, #tpu.memory_space<vmem>>) dst(%dma_wait3A_147 : memref<50000x64xbf16, #tpu.memory_space<vmem_shared>>)
        %dma_start3A_148 = arith.constant 7 : i32
        %dma_start3A_149 = arith.constant 0 : i32
        %dma_start3A_150 = tpu.memref_slice %arg8[%dma_start3A_148, %dma_start3A_149] : memref<8x250xi32, #tpu.memory_space<vmem>> -> memref<1x250xi32, #tpu.memory_space<vmem>>
        %dma_start3A_151 = tpu.memref_squeeze %dma_start3A_150 : memref<1x250xi32, #tpu.memory_space<vmem>> -> memref<250xi32, #tpu.memory_space<vmem>>
        %dma_start3A_152 = arith.constant 0 : i32
        %dma_start3A_153 = arith.constant 0 : i32
        %dma_start3A_154 = tpu.memref_slice %arg2[%scan3A, %dma_start3A_152, %dma_start3A_153] : memref<2x50000x64xbf16, #tpu.memory_space<hbm>> -> memref<1x50000x64xbf16, #tpu.memory_space<hbm>>
        %dma_start3A_155 = tpu.memref_squeeze %dma_start3A_154 : memref<1x50000x64xbf16, #tpu.memory_space<hbm>> -> memref<50000x64xbf16, #tpu.memory_space<hbm>>
        %dma_start3A_156 = arith.constant 0 : i32
        %dma_start3A_157 = arith.constant 0 : i32
        %dma_start3A_158 = tpu.memref_slice %dma_start3A_155[%dma_start3A_156, %dma_start3A_157] : memref<50000x64xbf16, #tpu.memory_space<hbm>> -> memref<50000x64xbf16, #tpu.memory_space<hbm>>
        tpu.enqueue_indirect_dma source(%dma_start3A_158 : memref<50000x64xbf16, #tpu.memory_space<hbm>>) target(%arg10 : memref<250x64xbf16, #tpu.memory_space<vmem>>) offsets(%dma_start3A_151 : memref<250xi32, #tpu.memory_space<vmem>>) semaphore(%arg13 : memref<!tpu.dma_semaphore, #tpu.memory_space<semaphore_mem>>)
        %dma_wait3A_159 = arith.constant 0 : i32
        %dma_wait3A_160 = arith.constant 0 : i32
        %dma_wait3A_161 = tpu.memref_slice %arg8[%dma_wait3A_159, %dma_wait3A_160] : memref<8x250xi32, #tpu.memory_space<vmem>> -> memref<1x250xi32, #tpu.memory_space<vmem>>
        %dma_wait3A_162 = tpu.memref_squeeze %dma_wait3A_161 : memref<1x250xi32, #tpu.memory_space<vmem>> -> memref<250xi32, #tpu.memory_space<vmem>>
        %dma_wait3A_163 = arith.constant 0 : i32
        %dma_wait3A_164 = arith.constant 0 : i32
        %dma_wait3A_165 = tpu.memref_slice %arg2[%scan3A, %dma_wait3A_163, %dma_wait3A_164] : memref<2x50000x64xbf16, #tpu.memory_space<hbm>> -> memref<1x50000x64xbf16, #tpu.memory_space<hbm>>
        %dma_wait3A_166 = tpu.memref_squeeze %dma_wait3A_165 : memref<1x50000x64xbf16, #tpu.memory_space<hbm>> -> memref<50000x64xbf16, #tpu.memory_space<hbm>>
        %dma_wait3A_167 = arith.constant 0 : i32
        %dma_wait3A_168 = arith.constant 0 : i32
        %dma_wait3A_169 = tpu.memref_slice %dma_wait3A_166[%dma_wait3A_167, %dma_wait3A_168] : memref<50000x64xbf16, #tpu.memory_space<hbm>> -> memref<50000x64xbf16, #tpu.memory_space<hbm>>
        tpu.wait_indirect_dma semaphore(%arg13 : memref<!tpu.dma_semaphore, #tpu.memory_space<semaphore_mem>>) src(%dma_wait3A_169 : memref<50000x64xbf16, #tpu.memory_space<hbm>>) dst(%arg10 : memref<250x64xbf16, #tpu.memory_space<vmem>>)
        %dma_start3A_170 = arith.constant 7 : i32
        %dma_start3A_171 = arith.constant 0 : i32
        %dma_start3A_172 = tpu.memref_slice %arg7[%dma_start3A_170, %dma_start3A_171] : memref<8x250xi32, #tpu.memory_space<vmem>> -> memref<1x250xi32, #tpu.memory_space<vmem>>
        %dma_start3A_173 = tpu.memref_squeeze %dma_start3A_172 : memref<1x250xi32, #tpu.memory_space<vmem>> -> memref<250xi32, #tpu.memory_space<vmem>>
        %dma_start3A_174 = arith.constant 0 : i32
        %dma_start3A_175 = arith.constant 0 : i32
        %dma_start3A_176 = tpu.memref_slice %arg11[%dma_start3A_174, %dma_start3A_175] : memref<50000x64xbf16, #tpu.memory_space<vmem_shared>> -> memref<50000x64xbf16, #tpu.memory_space<vmem_shared>>
        tpu.enqueue_indirect_dma source(%arg10 : memref<250x64xbf16, #tpu.memory_space<vmem>>) target(%dma_start3A_176 : memref<50000x64xbf16, #tpu.memory_space<vmem_shared>>) offsets(%dma_start3A_173 : memref<250xi32, #tpu.memory_space<vmem>>) semaphore(%arg15 : memref<!tpu.dma_semaphore, #tpu.memory_space<semaphore_mem>>) {add = true}
        %dma_wait3A_177 = arith.constant 0 : i32
        %dma_wait3A_178 = arith.constant 0 : i32
        %dma_wait3A_179 = tpu.memref_slice %arg7[%dma_wait3A_177, %dma_wait3A_178] : memref<8x250xi32, #tpu.memory_space<vmem>> -> memref<1x250xi32, #tpu.memory_space<vmem>>
        %dma_wait3A_180 = tpu.memref_squeeze %dma_wait3A_179 : memref<1x250xi32, #tpu.memory_space<vmem>> -> memref<250xi32, #tpu.memory_space<vmem>>
        %dma_wait3A_181 = arith.constant 0 : i32
        %dma_wait3A_182 = arith.constant 0 : i32
        %dma_wait3A_183 = tpu.memref_slice %arg11[%dma_wait3A_181, %dma_wait3A_182] : memref<50000x64xbf16, #tpu.memory_space<vmem_shared>> -> memref<50000x64xbf16, #tpu.memory_space<vmem_shared>>
        tpu.wait_indirect_dma semaphore(%arg14 : memref<!tpu.dma_semaphore, #tpu.memory_space<semaphore_mem>>) src(%arg9 : memref<250x64xbf16, #tpu.memory_space<vmem>>) dst(%dma_wait3A_183 : memref<50000x64xbf16, #tpu.memory_space<vmem_shared>>)
        %dma_wait3A_184 = arith.constant 0 : i32
        %dma_wait3A_185 = arith.constant 0 : i32
        %dma_wait3A_186 = tpu.memref_slice %arg7[%dma_wait3A_184, %dma_wait3A_185] : memref<8x250xi32, #tpu.memory_space<vmem>> -> memref<1x250xi32, #tpu.memory_space<vmem>>
        %dma_wait3A_187 = tpu.memref_squeeze %dma_wait3A_186 : memref<1x250xi32, #tpu.memory_space<vmem>> -> memref<250xi32, #tpu.memory_space<vmem>>
        %dma_wait3A_188 = arith.constant 0 : i32
        %dma_wait3A_189 = arith.constant 0 : i32
        %dma_wait3A_190 = tpu.memref_slice %arg11[%dma_wait3A_188, %dma_wait3A_189] : memref<50000x64xbf16, #tpu.memory_space<vmem_shared>> -> memref<50000x64xbf16, #tpu.memory_space<vmem_shared>>
        tpu.wait_indirect_dma semaphore(%arg15 : memref<!tpu.dma_semaphore, #tpu.memory_space<semaphore_mem>>) src(%arg10 : memref<250x64xbf16, #tpu.memory_space<vmem>>) dst(%dma_wait3A_190 : memref<50000x64xbf16, #tpu.memory_space<vmem_shared>>)
        %scan3A_191 = arith.constant 0 : i32
        scf.yield %scan3A_191 : i32
      }
      %scan3A_22 = arith.constant 25 : i32
      %barrier3A_23 = arith.constant 0 : index
      tpu.barrier barrier_id(%barrier3A_23)
      %lt3A_24 = arith.constant 15 : i32
      %lt3A_25 = arith.cmpi slt, %arg1, %lt3A_24 : i32
      %convert_element_type3A_26 = arith.extui %lt3A_25 : i1 to i32
      %cond3A_27 = arith.constant 0 : i32
      %cond3A_28 = arith.constant 0 : i32
      %cond3A_29 = arith.cmpi ne, %convert_element_type3A_26, %cond3A_28 : i32
      scf.if %cond3A_29 {
        %mul3A = arith.constant 3200 : i32
        %mul3A_37 = arith.muli %arg1, %mul3A : i32
        %mul3A_38 = arith.constant 3200 : i32
        %mul3A_39 = arith.muli %arg1, %mul3A_38 : i32
        "tpu.region"() ({
          %run_scoped3A = tpu.sem_alloc : memref<!tpu.dma_semaphore, #tpu.memory_space<semaphore_mem>>
          %dma_start3A = arith.constant 0 : i32
          %dma_start3A_40 = arith.constant 0 : i32
          %dma_start3A_41 = tpu.memref_slice %arg6[%cond3A_27, %dma_start3A, %dma_start3A_40] : memref<2x50000x64xbf16, #tpu.memory_space<hbm>> -> memref<1x50000x64xbf16, #tpu.memory_space<hbm>>
          %dma_start3A_42 = tpu.memref_squeeze %dma_start3A_41 : memref<1x50000x64xbf16, #tpu.memory_space<hbm>> -> memref<50000x64xbf16, #tpu.memory_space<hbm>>
          %dma_start3A_43 = arith.constant 0 : i32
          %dma_start3A_44 = tpu.memref_slice %dma_start3A_42[%mul3A_39, %dma_start3A_43] : memref<50000x64xbf16, #tpu.memory_space<hbm>> -> memref<3200x64xbf16, #tpu.memory_space<hbm>>
          %dma_start3A_45 = arith.constant 0 : i32
          %dma_start3A_46 = tpu.memref_slice %arg11[%mul3A_37, %dma_start3A_45] : memref<50000x64xbf16, #tpu.memory_space<vmem_shared>> -> memref<3200x64xbf16, #tpu.memory_space<vmem_shared>>
          tpu.enqueue_dma source(%dma_start3A_46 : memref<3200x64xbf16, #tpu.memory_space<vmem_shared>>) target(%dma_start3A_44 : memref<3200x64xbf16, #tpu.memory_space<hbm>>) target_semaphore(%run_scoped3A : memref<!tpu.dma_semaphore, #tpu.memory_space<semaphore_mem>>)
          %dma_wait3A = arith.constant 0 : i32
          %dma_wait3A_47 = arith.constant 0 : i32
          %dma_wait3A_48 = tpu.memref_slice %arg6[%cond3A_27, %dma_wait3A, %dma_wait3A_47] : memref<2x50000x64xbf16, #tpu.memory_space<hbm>> -> memref<1x50000x64xbf16, #tpu.memory_space<hbm>>
          %dma_wait3A_49 = tpu.memref_squeeze %dma_wait3A_48 : memref<1x50000x64xbf16, #tpu.memory_space<hbm>> -> memref<50000x64xbf16, #tpu.memory_space<hbm>>
          %dma_wait3A_50 = arith.constant 0 : i32
          %dma_wait3A_51 = tpu.memref_slice %dma_wait3A_49[%mul3A_39, %dma_wait3A_50] : memref<50000x64xbf16, #tpu.memory_space<hbm>> -> memref<3200x64xbf16, #tpu.memory_space<hbm>>
          %dma_wait3A_52 = arith.constant 0 : i32
          %dma_wait3A_53 = tpu.memref_slice %arg11[%mul3A_37, %dma_wait3A_52] : memref<50000x64xbf16, #tpu.memory_space<vmem_shared>> -> memref<3200x64xbf16, #tpu.memory_space<vmem_shared>>
          tpu.wait_dma2 semaphore(%run_scoped3A : memref<!tpu.dma_semaphore, #tpu.memory_space<semaphore_mem>>) src(%dma_wait3A_53 : memref<3200x64xbf16, #tpu.memory_space<vmem_shared>>) dst(%dma_wait3A_51 : memref<3200x64xbf16, #tpu.memory_space<hbm>>)
          tpu.yield
        }) : () -> ()
      } else {
      }
      %eq3A_30 = arith.constant 15 : i32
      %eq3A_31 = arith.cmpi eq, %arg1, %eq3A_30 : i32
      %convert_element_type3A_32 = arith.extui %eq3A_31 : i1 to i32
      %cond3A_33 = arith.constant 0 : i32
      %cond3A_34 = arith.constant 0 : i32
      %cond3A_35 = arith.cmpi ne, %convert_element_type3A_32, %cond3A_34 : i32
      scf.if %cond3A_35 {
        "tpu.region"() ({
          %run_scoped3A = tpu.sem_alloc : memref<!tpu.dma_semaphore, #tpu.memory_space<semaphore_mem>>
          %dma_start3A = arith.constant 0 : i32
          %dma_start3A_37 = arith.constant 0 : i32
          %dma_start3A_38 = tpu.memref_slice %arg6[%cond3A_33, %dma_start3A, %dma_start3A_37] : memref<2x50000x64xbf16, #tpu.memory_space<hbm>> -> memref<1x50000x64xbf16, #tpu.memory_space<hbm>>
          %dma_start3A_39 = tpu.memref_squeeze %dma_start3A_38 : memref<1x50000x64xbf16, #tpu.memory_space<hbm>> -> memref<50000x64xbf16, #tpu.memory_space<hbm>>
          %dma_start3A_40 = arith.constant 48000 : i32
          %dma_start3A_41 = arith.constant 0 : i32
          %dma_start3A_42 = tpu.memref_slice %dma_start3A_39[%dma_start3A_40, %dma_start3A_41] : memref<50000x64xbf16, #tpu.memory_space<hbm>> -> memref<2000x64xbf16, #tpu.memory_space<hbm>>
          %dma_start3A_43 = arith.constant 48000 : i32
          %dma_start3A_44 = arith.constant 0 : i32
          %dma_start3A_45 = tpu.memref_slice %arg11[%dma_start3A_43, %dma_start3A_44] : memref<50000x64xbf16, #tpu.memory_space<vmem_shared>> -> memref<2000x64xbf16, #tpu.memory_space<vmem_shared>>
          tpu.enqueue_dma source(%dma_start3A_45 : memref<2000x64xbf16, #tpu.memory_space<vmem_shared>>) target(%dma_start3A_42 : memref<2000x64xbf16, #tpu.memory_space<hbm>>) target_semaphore(%run_scoped3A : memref<!tpu.dma_semaphore, #tpu.memory_space<semaphore_mem>>)
          %dma_wait3A = arith.constant 0 : i32
          %dma_wait3A_46 = arith.constant 0 : i32
          %dma_wait3A_47 = tpu.memref_slice %arg6[%cond3A_33, %dma_wait3A, %dma_wait3A_46] : memref<2x50000x64xbf16, #tpu.memory_space<hbm>> -> memref<1x50000x64xbf16, #tpu.memory_space<hbm>>
          %dma_wait3A_48 = tpu.memref_squeeze %dma_wait3A_47 : memref<1x50000x64xbf16, #tpu.memory_space<hbm>> -> memref<50000x64xbf16, #tpu.memory_space<hbm>>
          %dma_wait3A_49 = arith.constant 48000 : i32
          %dma_wait3A_50 = arith.constant 0 : i32
          %dma_wait3A_51 = tpu.memref_slice %dma_wait3A_48[%dma_wait3A_49, %dma_wait3A_50] : memref<50000x64xbf16, #tpu.memory_space<hbm>> -> memref<2000x64xbf16, #tpu.memory_space<hbm>>
          %dma_wait3A_52 = arith.constant 48000 : i32
          %dma_wait3A_53 = arith.constant 0 : i32
          %dma_wait3A_54 = tpu.memref_slice %arg11[%dma_wait3A_52, %dma_wait3A_53] : memref<50000x64xbf16, #tpu.memory_space<vmem_shared>> -> memref<2000x64xbf16, #tpu.memory_space<vmem_shared>>
          tpu.wait_dma2 semaphore(%run_scoped3A : memref<!tpu.dma_semaphore, #tpu.memory_space<semaphore_mem>>) src(%dma_wait3A_54 : memref<2000x64xbf16, #tpu.memory_space<vmem_shared>>) dst(%dma_wait3A_51 : memref<2000x64xbf16, #tpu.memory_space<hbm>>)
          tpu.yield
        }) : () -> ()
      } else {
      }
      %barrier3A_36 = arith.constant 0 : index
      tpu.barrier barrier_id(%barrier3A_36)
    } else {
    }
    %eq3A_2 = arith.constant 1 : i32
    %eq3A_3 = arith.cmpi eq, %arg0, %eq3A_2 : i32
    %convert_element_type3A_4 = arith.extui %eq3A_3 : i1 to i32
    %cond3A_5 = arith.constant 0 : i32
    %cond3A_6 = arith.cmpi ne, %convert_element_type3A_4, %cond3A_5 : i32
    scf.if %cond3A_6 {
      %lt3A = arith.constant 15 : i32
      %lt3A_7 = arith.cmpi slt, %arg1, %lt3A : i32
      %convert_element_type3A_8 = arith.extui %lt3A_7 : i1 to i32
      %cond3A_9 = arith.constant 0 : i32
      %cond3A_10 = arith.cmpi ne, %convert_element_type3A_8, %cond3A_9 : i32
      scf.if %cond3A_10 {
        %mul3A = arith.constant 3200 : i32
        %mul3A_37 = arith.muli %arg1, %mul3A : i32
        "tpu.region"() ({
          %run_scoped3A = tpu.sem_alloc : memref<!tpu.dma_semaphore, #tpu.memory_space<semaphore_mem>>
          %dma_start3A = arith.constant 0 : i32
          %dma_start3A_38 = tpu.memref_slice %arg11[%mul3A_37, %dma_start3A] : memref<50000x64xbf16, #tpu.memory_space<vmem_shared>> -> memref<3200x64xbf16, #tpu.memory_space<vmem_shared>>
          tpu.enqueue_dma source(%arg5 : memref<3200x64xbf16, #tpu.memory_space<hbm>>) target(%dma_start3A_38 : memref<3200x64xbf16, #tpu.memory_space<vmem_shared>>) target_semaphore(%run_scoped3A : memref<!tpu.dma_semaphore, #tpu.memory_space<semaphore_mem>>)
          %dma_wait3A = arith.constant 0 : i32
          %dma_wait3A_39 = tpu.memref_slice %arg11[%mul3A_37, %dma_wait3A] : memref<50000x64xbf16, #tpu.memory_space<vmem_shared>> -> memref<3200x64xbf16, #tpu.memory_space<vmem_shared>>
          tpu.wait_dma2 semaphore(%run_scoped3A : memref<!tpu.dma_semaphore, #tpu.memory_space<semaphore_mem>>) src(%arg5 : memref<3200x64xbf16, #tpu.memory_space<hbm>>) dst(%dma_wait3A_39 : memref<3200x64xbf16, #tpu.memory_space<vmem_shared>>)
          tpu.yield
        }) : () -> ()
      } else {
      }
      %eq3A_11 = arith.constant 15 : i32
      %eq3A_12 = arith.cmpi eq, %arg1, %eq3A_11 : i32
      %convert_element_type3A_13 = arith.extui %eq3A_12 : i1 to i32
      %cond3A_14 = arith.constant 0 : i32
      %cond3A_15 = arith.cmpi ne, %convert_element_type3A_13, %cond3A_14 : i32
      scf.if %cond3A_15 {
        "tpu.region"() ({
          %run_scoped3A = tpu.sem_alloc : memref<!tpu.dma_semaphore, #tpu.memory_space<semaphore_mem>>
          %dma_start3A = arith.constant 48000 : i32
          %dma_start3A_37 = arith.constant 0 : i32
          %dma_start3A_38 = tpu.memref_slice %arg11[%dma_start3A, %dma_start3A_37] : memref<50000x64xbf16, #tpu.memory_space<vmem_shared>> -> memref<2000x64xbf16, #tpu.memory_space<vmem_shared>>
          %dma_start3A_39 = arith.constant 0 : i32
          %dma_start3A_40 = arith.constant 0 : i32
          %dma_start3A_41 = tpu.memref_slice %arg5[%dma_start3A_39, %dma_start3A_40] : memref<3200x64xbf16, #tpu.memory_space<hbm>> -> memref<2000x64xbf16, #tpu.memory_space<hbm>>
          tpu.enqueue_dma source(%dma_start3A_41 : memref<2000x64xbf16, #tpu.memory_space<hbm>>) target(%dma_start3A_38 : memref<2000x64xbf16, #tpu.memory_space<vmem_shared>>) target_semaphore(%run_scoped3A : memref<!tpu.dma_semaphore, #tpu.memory_space<semaphore_mem>>)
          %dma_wait3A = arith.constant 48000 : i32
          %dma_wait3A_42 = arith.constant 0 : i32
          %dma_wait3A_43 = tpu.memref_slice %arg11[%dma_wait3A, %dma_wait3A_42] : memref<50000x64xbf16, #tpu.memory_space<vmem_shared>> -> memref<2000x64xbf16, #tpu.memory_space<vmem_shared>>
          %dma_wait3A_44 = arith.constant 0 : i32
          %dma_wait3A_45 = arith.constant 0 : i32
          %dma_wait3A_46 = tpu.memref_slice %arg5[%dma_wait3A_44, %dma_wait3A_45] : memref<3200x64xbf16, #tpu.memory_space<hbm>> -> memref<2000x64xbf16, #tpu.memory_space<hbm>>
          tpu.wait_dma2 semaphore(%run_scoped3A : memref<!tpu.dma_semaphore, #tpu.memory_space<semaphore_mem>>) src(%dma_wait3A_46 : memref<2000x64xbf16, #tpu.memory_space<hbm>>) dst(%dma_wait3A_43 : memref<2000x64xbf16, #tpu.memory_space<vmem_shared>>)
          tpu.yield
        }) : () -> ()
      } else {
      }
      %barrier3A = arith.constant 0 : index
      tpu.barrier barrier_id(%barrier3A)
      %scan3A = arith.constant 1 : i32
      %scan3A_16 = arith.constant 0 : i32
      %scan3A_17 = arith.constant 0 : i32
      %scan3A_18 = arith.constant 25 : i32
      %scan3A_19 = arith.addi %scan3A_17, %scan3A_18 : i32
      %scan3A_20 = arith.constant 1 : i32
      %scan3A_21 = scf.for %scan3A_37 = %scan3A_17 to %scan3A_19 step %scan3A_20 iter_args(%scan3A_38 = %scan3A_16) -> (i32)  : i32 {
        %mul3A = arith.constant 200 : i32
        %mul3A_39 = arith.muli %arg1, %mul3A : i32
        %mul3A_40 = arith.constant 8 : i32
        %mul3A_41 = arith.muli %scan3A_37, %mul3A_40 : i32
        %add3A = arith.addi %mul3A_39, %mul3A_41 : i32
        "tpu.region"() ({
          %run_scoped3A = tpu.sem_alloc : memref<!tpu.dma_semaphore, #tpu.memory_space<semaphore_mem>>
          %dma_start3A_192 = arith.constant 0 : i32
          %dma_start3A_193 = tpu.memref_slice %arg3[%add3A, %dma_start3A_192] : memref<3200x250xi32, #tpu.memory_space<hbm>> -> memref<8x250xi32, #tpu.memory_space<hbm>>
          %dma_start3A_194 = arith.constant 0 : i32
          %dma_start3A_195 = tpu.memref_slice %arg3[%add3A, %dma_start3A_194] : memref<3200x250xi32, #tpu.memory_space<hbm>> -> memref<8x250xi32, #tpu.memory_space<hbm>>
          tpu.enqueue_dma source(%dma_start3A_195 : memref<8x250xi32, #tpu.memory_space<hbm>>) target(%arg8 : memref<8x250xi32, #tpu.memory_space<vmem>>) target_semaphore(%run_scoped3A : memref<!tpu.dma_semaphore, #tpu.memory_space<semaphore_mem>>)
          %dma_wait3A_196 = arith.constant 0 : i32
          %dma_wait3A_197 = tpu.memref_slice %arg3[%add3A, %dma_wait3A_196] : memref<3200x250xi32, #tpu.memory_space<hbm>> -> memref<8x250xi32, #tpu.memory_space<hbm>>
          %dma_wait3A_198 = arith.constant 0 : i32
          %dma_wait3A_199 = tpu.memref_slice %arg3[%add3A, %dma_wait3A_198] : memref<3200x250xi32, #tpu.memory_space<hbm>> -> memref<8x250xi32, #tpu.memory_space<hbm>>
          tpu.wait_dma2 semaphore(%run_scoped3A : memref<!tpu.dma_semaphore, #tpu.memory_space<semaphore_mem>>) src(%dma_wait3A_199 : memref<8x250xi32, #tpu.memory_space<hbm>>) dst(%arg8 : memref<8x250xi32, #tpu.memory_space<vmem>>)
          tpu.yield
        }) : () -> ()
        "tpu.region"() ({
          %run_scoped3A = tpu.sem_alloc : memref<!tpu.dma_semaphore, #tpu.memory_space<semaphore_mem>>
          %dma_start3A_192 = arith.constant 0 : i32
          %dma_start3A_193 = tpu.memref_slice %arg4[%add3A, %dma_start3A_192] : memref<3200x250xi32, #tpu.memory_space<hbm>> -> memref<8x250xi32, #tpu.memory_space<hbm>>
          %dma_start3A_194 = arith.constant 0 : i32
          %dma_start3A_195 = tpu.memref_slice %arg4[%add3A, %dma_start3A_194] : memref<3200x250xi32, #tpu.memory_space<hbm>> -> memref<8x250xi32, #tpu.memory_space<hbm>>
          tpu.enqueue_dma source(%dma_start3A_195 : memref<8x250xi32, #tpu.memory_space<hbm>>) target(%arg7 : memref<8x250xi32, #tpu.memory_space<vmem>>) target_semaphore(%run_scoped3A : memref<!tpu.dma_semaphore, #tpu.memory_space<semaphore_mem>>)
          %dma_wait3A_196 = arith.constant 0 : i32
          %dma_wait3A_197 = tpu.memref_slice %arg4[%add3A, %dma_wait3A_196] : memref<3200x250xi32, #tpu.memory_space<hbm>> -> memref<8x250xi32, #tpu.memory_space<hbm>>
          %dma_wait3A_198 = arith.constant 0 : i32
          %dma_wait3A_199 = tpu.memref_slice %arg4[%add3A, %dma_wait3A_198] : memref<3200x250xi32, #tpu.memory_space<hbm>> -> memref<8x250xi32, #tpu.memory_space<hbm>>
          tpu.wait_dma2 semaphore(%run_scoped3A : memref<!tpu.dma_semaphore, #tpu.memory_space<semaphore_mem>>) src(%dma_wait3A_199 : memref<8x250xi32, #tpu.memory_space<hbm>>) dst(%arg7 : memref<8x250xi32, #tpu.memory_space<vmem>>)
          tpu.yield
        }) : () -> ()
        %dma_start3A = arith.constant 0 : i32
        %dma_start3A_42 = arith.constant 0 : i32
        %dma_start3A_43 = tpu.memref_slice %arg8[%dma_start3A, %dma_start3A_42] : memref<8x250xi32, #tpu.memory_space<vmem>> -> memref<1x250xi32, #tpu.memory_space<vmem>>
        %dma_start3A_44 = tpu.memref_squeeze %dma_start3A_43 : memref<1x250xi32, #tpu.memory_space<vmem>> -> memref<250xi32, #tpu.memory_space<vmem>>
        %dma_start3A_45 = arith.constant 0 : i32
        %dma_start3A_46 = arith.constant 0 : i32
        %dma_start3A_47 = tpu.memref_slice %arg2[%scan3A, %dma_start3A_45, %dma_start3A_46] : memref<2x50000x64xbf16, #tpu.memory_space<hbm>> -> memref<1x50000x64xbf16, #tpu.memory_space<hbm>>
        %dma_start3A_48 = tpu.memref_squeeze %dma_start3A_47 : memref<1x50000x64xbf16, #tpu.memory_space<hbm>> -> memref<50000x64xbf16, #tpu.memory_space<hbm>>
        %dma_start3A_49 = arith.constant 0 : i32
        %dma_start3A_50 = arith.constant 0 : i32
        %dma_start3A_51 = tpu.memref_slice %dma_start3A_48[%dma_start3A_49, %dma_start3A_50] : memref<50000x64xbf16, #tpu.memory_space<hbm>> -> memref<50000x64xbf16, #tpu.memory_space<hbm>>
        tpu.enqueue_indirect_dma source(%dma_start3A_51 : memref<50000x64xbf16, #tpu.memory_space<hbm>>) target(%arg9 : memref<250x64xbf16, #tpu.memory_space<vmem>>) offsets(%dma_start3A_44 : memref<250xi32, #tpu.memory_space<vmem>>) semaphore(%arg12 : memref<!tpu.dma_semaphore, #tpu.memory_space<semaphore_mem>>)
        %dma_wait3A = arith.constant 0 : i32
        %dma_wait3A_52 = arith.constant 0 : i32
        %dma_wait3A_53 = tpu.memref_slice %arg8[%dma_wait3A, %dma_wait3A_52] : memref<8x250xi32, #tpu.memory_space<vmem>> -> memref<1x250xi32, #tpu.memory_space<vmem>>
        %dma_wait3A_54 = tpu.memref_squeeze %dma_wait3A_53 : memref<1x250xi32, #tpu.memory_space<vmem>> -> memref<250xi32, #tpu.memory_space<vmem>>
        %dma_wait3A_55 = arith.constant 0 : i32
        %dma_wait3A_56 = arith.constant 0 : i32
        %dma_wait3A_57 = tpu.memref_slice %arg2[%scan3A, %dma_wait3A_55, %dma_wait3A_56] : memref<2x50000x64xbf16, #tpu.memory_space<hbm>> -> memref<1x50000x64xbf16, #tpu.memory_space<hbm>>
        %dma_wait3A_58 = tpu.memref_squeeze %dma_wait3A_57 : memref<1x50000x64xbf16, #tpu.memory_space<hbm>> -> memref<50000x64xbf16, #tpu.memory_space<hbm>>
        %dma_wait3A_59 = arith.constant 0 : i32
        %dma_wait3A_60 = arith.constant 0 : i32
        %dma_wait3A_61 = tpu.memref_slice %dma_wait3A_58[%dma_wait3A_59, %dma_wait3A_60] : memref<50000x64xbf16, #tpu.memory_space<hbm>> -> memref<50000x64xbf16, #tpu.memory_space<hbm>>
        tpu.wait_indirect_dma semaphore(%arg12 : memref<!tpu.dma_semaphore, #tpu.memory_space<semaphore_mem>>) src(%dma_wait3A_61 : memref<50000x64xbf16, #tpu.memory_space<hbm>>) dst(%arg9 : memref<250x64xbf16, #tpu.memory_space<vmem>>)
        %dma_start3A_62 = arith.constant 0 : i32
        %dma_start3A_63 = arith.constant 0 : i32
        %dma_start3A_64 = tpu.memref_slice %arg7[%dma_start3A_62, %dma_start3A_63] : memref<8x250xi32, #tpu.memory_space<vmem>> -> memref<1x250xi32, #tpu.memory_space<vmem>>
        %dma_start3A_65 = tpu.memref_squeeze %dma_start3A_64 : memref<1x250xi32, #tpu.memory_space<vmem>> -> memref<250xi32, #tpu.memory_space<vmem>>
        %dma_start3A_66 = arith.constant 0 : i32
        %dma_start3A_67 = arith.constant 0 : i32
        %dma_start3A_68 = tpu.memref_slice %arg11[%dma_start3A_66, %dma_start3A_67] : memref<50000x64xbf16, #tpu.memory_space<vmem_shared>> -> memref<50000x64xbf16, #tpu.memory_space<vmem_shared>>
        tpu.enqueue_indirect_dma source(%arg9 : memref<250x64xbf16, #tpu.memory_space<vmem>>) target(%dma_start3A_68 : memref<50000x64xbf16, #tpu.memory_space<vmem_shared>>) offsets(%dma_start3A_65 : memref<250xi32, #tpu.memory_space<vmem>>) semaphore(%arg14 : memref<!tpu.dma_semaphore, #tpu.memory_space<semaphore_mem>>) {add = true}
        %dma_start3A_69 = arith.constant 1 : i32
        %dma_start3A_70 = arith.constant 0 : i32
        %dma_start3A_71 = tpu.memref_slice %arg8[%dma_start3A_69, %dma_start3A_70] : memref<8x250xi32, #tpu.memory_space<vmem>> -> memref<1x250xi32, #tpu.memory_space<vmem>>
        %dma_start3A_72 = tpu.memref_squeeze %dma_start3A_71 : memref<1x250xi32, #tpu.memory_space<vmem>> -> memref<250xi32, #tpu.memory_space<vmem>>
        %dma_start3A_73 = arith.constant 0 : i32
        %dma_start3A_74 = arith.constant 0 : i32
        %dma_start3A_75 = tpu.memref_slice %arg2[%scan3A, %dma_start3A_73, %dma_start3A_74] : memref<2x50000x64xbf16, #tpu.memory_space<hbm>> -> memref<1x50000x64xbf16, #tpu.memory_space<hbm>>
        %dma_start3A_76 = tpu.memref_squeeze %dma_start3A_75 : memref<1x50000x64xbf16, #tpu.memory_space<hbm>> -> memref<50000x64xbf16, #tpu.memory_space<hbm>>
        %dma_start3A_77 = arith.constant 0 : i32
        %dma_start3A_78 = arith.constant 0 : i32
        %dma_start3A_79 = tpu.memref_slice %dma_start3A_76[%dma_start3A_77, %dma_start3A_78] : memref<50000x64xbf16, #tpu.memory_space<hbm>> -> memref<50000x64xbf16, #tpu.memory_space<hbm>>
        tpu.enqueue_indirect_dma source(%dma_start3A_79 : memref<50000x64xbf16, #tpu.memory_space<hbm>>) target(%arg10 : memref<250x64xbf16, #tpu.memory_space<vmem>>) offsets(%dma_start3A_72 : memref<250xi32, #tpu.memory_space<vmem>>) semaphore(%arg13 : memref<!tpu.dma_semaphore, #tpu.memory_space<semaphore_mem>>)
        %dma_wait3A_80 = arith.constant 0 : i32
        %dma_wait3A_81 = arith.constant 0 : i32
        %dma_wait3A_82 = tpu.memref_slice %arg8[%dma_wait3A_80, %dma_wait3A_81] : memref<8x250xi32, #tpu.memory_space<vmem>> -> memref<1x250xi32, #tpu.memory_space<vmem>>
        %dma_wait3A_83 = tpu.memref_squeeze %dma_wait3A_82 : memref<1x250xi32, #tpu.memory_space<vmem>> -> memref<250xi32, #tpu.memory_space<vmem>>
        %dma_wait3A_84 = arith.constant 0 : i32
        %dma_wait3A_85 = arith.constant 0 : i32
        %dma_wait3A_86 = tpu.memref_slice %arg2[%scan3A, %dma_wait3A_84, %dma_wait3A_85] : memref<2x50000x64xbf16, #tpu.memory_space<hbm>> -> memref<1x50000x64xbf16, #tpu.memory_space<hbm>>
        %dma_wait3A_87 = tpu.memref_squeeze %dma_wait3A_86 : memref<1x50000x64xbf16, #tpu.memory_space<hbm>> -> memref<50000x64xbf16, #tpu.memory_space<hbm>>
        %dma_wait3A_88 = arith.constant 0 : i32
        %dma_wait3A_89 = arith.constant 0 : i32
        %dma_wait3A_90 = tpu.memref_slice %dma_wait3A_87[%dma_wait3A_88, %dma_wait3A_89] : memref<50000x64xbf16, #tpu.memory_space<hbm>> -> memref<50000x64xbf16, #tpu.memory_space<hbm>>
        tpu.wait_indirect_dma semaphore(%arg13 : memref<!tpu.dma_semaphore, #tpu.memory_space<semaphore_mem>>) src(%dma_wait3A_90 : memref<50000x64xbf16, #tpu.memory_space<hbm>>) dst(%arg10 : memref<250x64xbf16, #tpu.memory_space<vmem>>)
        %dma_start3A_91 = arith.constant 1 : i32
        %dma_start3A_92 = arith.constant 0 : i32
        %dma_start3A_93 = tpu.memref_slice %arg7[%dma_start3A_91, %dma_start3A_92] : memref<8x250xi32, #tpu.memory_space<vmem>> -> memref<1x250xi32, #tpu.memory_space<vmem>>
        %dma_start3A_94 = tpu.memref_squeeze %dma_start3A_93 : memref<1x250xi32, #tpu.memory_space<vmem>> -> memref<250xi32, #tpu.memory_space<vmem>>
        %dma_start3A_95 = arith.constant 0 : i32
        %dma_start3A_96 = arith.constant 0 : i32
        %dma_start3A_97 = tpu.memref_slice %arg11[%dma_start3A_95, %dma_start3A_96] : memref<50000x64xbf16, #tpu.memory_space<vmem_shared>> -> memref<50000x64xbf16, #tpu.memory_space<vmem_shared>>
        tpu.enqueue_indirect_dma source(%arg10 : memref<250x64xbf16, #tpu.memory_space<vmem>>) target(%dma_start3A_97 : memref<50000x64xbf16, #tpu.memory_space<vmem_shared>>) offsets(%dma_start3A_94 : memref<250xi32, #tpu.memory_space<vmem>>) semaphore(%arg15 : memref<!tpu.dma_semaphore, #tpu.memory_space<semaphore_mem>>) {add = true}
        %dma_wait3A_98 = arith.constant 0 : i32
        %dma_wait3A_99 = arith.constant 0 : i32
        %dma_wait3A_100 = tpu.memref_slice %arg7[%dma_wait3A_98, %dma_wait3A_99] : memref<8x250xi32, #tpu.memory_space<vmem>> -> memref<1x250xi32, #tpu.memory_space<vmem>>
        %dma_wait3A_101 = tpu.memref_squeeze %dma_wait3A_100 : memref<1x250xi32, #tpu.memory_space<vmem>> -> memref<250xi32, #tpu.memory_space<vmem>>
        %dma_wait3A_102 = arith.constant 0 : i32
        %dma_wait3A_103 = arith.constant 0 : i32
        %dma_wait3A_104 = tpu.memref_slice %arg11[%dma_wait3A_102, %dma_wait3A_103] : memref<50000x64xbf16, #tpu.memory_space<vmem_shared>> -> memref<50000x64xbf16, #tpu.memory_space<vmem_shared>>
        tpu.wait_indirect_dma semaphore(%arg14 : memref<!tpu.dma_semaphore, #tpu.memory_space<semaphore_mem>>) src(%arg9 : memref<250x64xbf16, #tpu.memory_space<vmem>>) dst(%dma_wait3A_104 : memref<50000x64xbf16, #tpu.memory_space<vmem_shared>>)
        %dma_start3A_105 = arith.constant 2 : i32
        %dma_start3A_106 = arith.constant 0 : i32
        %dma_start3A_107 = tpu.memref_slice %arg8[%dma_start3A_105, %dma_start3A_106] : memref<8x250xi32, #tpu.memory_space<vmem>> -> memref<1x250xi32, #tpu.memory_space<vmem>>
        %dma_start3A_108 = tpu.memref_squeeze %dma_start3A_107 : memref<1x250xi32, #tpu.memory_space<vmem>> -> memref<250xi32, #tpu.memory_space<vmem>>
        %dma_start3A_109 = arith.constant 0 : i32
        %dma_start3A_110 = arith.constant 0 : i32
        %dma_start3A_111 = tpu.memref_slice %arg2[%scan3A, %dma_start3A_109, %dma_start3A_110] : memref<2x50000x64xbf16, #tpu.memory_space<hbm>> -> memref<1x50000x64xbf16, #tpu.memory_space<hbm>>
        %dma_start3A_112 = tpu.memref_squeeze %dma_start3A_111 : memref<1x50000x64xbf16, #tpu.memory_space<hbm>> -> memref<50000x64xbf16, #tpu.memory_space<hbm>>
        %dma_start3A_113 = arith.constant 0 : i32
        %dma_start3A_114 = arith.constant 0 : i32
        %dma_start3A_115 = tpu.memref_slice %dma_start3A_112[%dma_start3A_113, %dma_start3A_114] : memref<50000x64xbf16, #tpu.memory_space<hbm>> -> memref<50000x64xbf16, #tpu.memory_space<hbm>>
        tpu.enqueue_indirect_dma source(%dma_start3A_115 : memref<50000x64xbf16, #tpu.memory_space<hbm>>) target(%arg9 : memref<250x64xbf16, #tpu.memory_space<vmem>>) offsets(%dma_start3A_108 : memref<250xi32, #tpu.memory_space<vmem>>) semaphore(%arg12 : memref<!tpu.dma_semaphore, #tpu.memory_space<semaphore_mem>>)
        %scan3A_116 = arith.constant 0 : i32
        %scan3A_117 = arith.constant 1 : i32
        %scan3A_118 = arith.constant 2 : i32
        %scan3A_119 = arith.addi %scan3A_117, %scan3A_118 : i32
        %scan3A_120 = arith.constant 1 : i32
        %scan3A_121 = scf.for %scan3A_192 = %scan3A_117 to %scan3A_119 step %scan3A_120 iter_args(%scan3A_193 = %scan3A_116) -> (i32)  : i32 {
          %mul3A_194 = arith.constant 2 : i32
          %mul3A_195 = arith.muli %mul3A_194, %scan3A_192 : i32
          %dma_wait3A_196 = arith.constant 0 : i32
          %dma_wait3A_197 = arith.constant 0 : i32
          %dma_wait3A_198 = tpu.memref_slice %arg8[%dma_wait3A_196, %dma_wait3A_197] : memref<8x250xi32, #tpu.memory_space<vmem>> -> memref<1x250xi32, #tpu.memory_space<vmem>>
          %dma_wait3A_199 = tpu.memref_squeeze %dma_wait3A_198 : memref<1x250xi32, #tpu.memory_space<vmem>> -> memref<250xi32, #tpu.memory_space<vmem>>
          %dma_wait3A_200 = arith.constant 0 : i32
          %dma_wait3A_201 = arith.constant 0 : i32
          %dma_wait3A_202 = tpu.memref_slice %arg2[%scan3A, %dma_wait3A_200, %dma_wait3A_201] : memref<2x50000x64xbf16, #tpu.memory_space<hbm>> -> memref<1x50000x64xbf16, #tpu.memory_space<hbm>>
          %dma_wait3A_203 = tpu.memref_squeeze %dma_wait3A_202 : memref<1x50000x64xbf16, #tpu.memory_space<hbm>> -> memref<50000x64xbf16, #tpu.memory_space<hbm>>
          %dma_wait3A_204 = arith.constant 0 : i32
          %dma_wait3A_205 = arith.constant 0 : i32
          %dma_wait3A_206 = tpu.memref_slice %dma_wait3A_203[%dma_wait3A_204, %dma_wait3A_205] : memref<50000x64xbf16, #tpu.memory_space<hbm>> -> memref<50000x64xbf16, #tpu.memory_space<hbm>>
          tpu.wait_indirect_dma semaphore(%arg12 : memref<!tpu.dma_semaphore, #tpu.memory_space<semaphore_mem>>) src(%dma_wait3A_206 : memref<50000x64xbf16, #tpu.memory_space<hbm>>) dst(%arg9 : memref<250x64xbf16, #tpu.memory_space<vmem>>)
          %dma_start3A_207 = arith.constant 0 : i32
          %dma_start3A_208 = tpu.memref_slice %arg7[%mul3A_195, %dma_start3A_207] : memref<8x250xi32, #tpu.memory_space<vmem>> -> memref<1x250xi32, #tpu.memory_space<vmem>>
          %dma_start3A_209 = tpu.memref_squeeze %dma_start3A_208 : memref<1x250xi32, #tpu.memory_space<vmem>> -> memref<250xi32, #tpu.memory_space<vmem>>
          %dma_start3A_210 = arith.constant 0 : i32
          %dma_start3A_211 = arith.constant 0 : i32
          %dma_start3A_212 = tpu.memref_slice %arg11[%dma_start3A_210, %dma_start3A_211] : memref<50000x64xbf16, #tpu.memory_space<vmem_shared>> -> memref<50000x64xbf16, #tpu.memory_space<vmem_shared>>
          tpu.enqueue_indirect_dma source(%arg9 : memref<250x64xbf16, #tpu.memory_space<vmem>>) target(%dma_start3A_212 : memref<50000x64xbf16, #tpu.memory_space<vmem_shared>>) offsets(%dma_start3A_209 : memref<250xi32, #tpu.memory_space<vmem>>) semaphore(%arg14 : memref<!tpu.dma_semaphore, #tpu.memory_space<semaphore_mem>>) {add = true}
          %dma_wait3A_213 = arith.constant 0 : i32
          %dma_wait3A_214 = arith.constant 0 : i32
          %dma_wait3A_215 = tpu.memref_slice %arg7[%dma_wait3A_213, %dma_wait3A_214] : memref<8x250xi32, #tpu.memory_space<vmem>> -> memref<1x250xi32, #tpu.memory_space<vmem>>
          %dma_wait3A_216 = tpu.memref_squeeze %dma_wait3A_215 : memref<1x250xi32, #tpu.memory_space<vmem>> -> memref<250xi32, #tpu.memory_space<vmem>>
          %dma_wait3A_217 = arith.constant 0 : i32
          %dma_wait3A_218 = arith.constant 0 : i32
          %dma_wait3A_219 = tpu.memref_slice %arg11[%dma_wait3A_217, %dma_wait3A_218] : memref<50000x64xbf16, #tpu.memory_space<vmem_shared>> -> memref<50000x64xbf16, #tpu.memory_space<vmem_shared>>
          tpu.wait_indirect_dma semaphore(%arg15 : memref<!tpu.dma_semaphore, #tpu.memory_space<semaphore_mem>>) src(%arg10 : memref<250x64xbf16, #tpu.memory_space<vmem>>) dst(%dma_wait3A_219 : memref<50000x64xbf16, #tpu.memory_space<vmem_shared>>)
          %add3A_220 = arith.constant 1 : i32
          %add3A_221 = arith.addi %mul3A_195, %add3A_220 : i32
          %dma_start3A_222 = arith.constant 0 : i32
          %dma_start3A_223 = tpu.memref_slice %arg8[%add3A_221, %dma_start3A_222] : memref<8x250xi32, #tpu.memory_space<vmem>> -> memref<1x250xi32, #tpu.memory_space<vmem>>
          %dma_start3A_224 = tpu.memref_squeeze %dma_start3A_223 : memref<1x250xi32, #tpu.memory_space<vmem>> -> memref<250xi32, #tpu.memory_space<vmem>>
          %dma_start3A_225 = arith.constant 0 : i32
          %dma_start3A_226 = arith.constant 0 : i32
          %dma_start3A_227 = tpu.memref_slice %arg2[%scan3A, %dma_start3A_225, %dma_start3A_226] : memref<2x50000x64xbf16, #tpu.memory_space<hbm>> -> memref<1x50000x64xbf16, #tpu.memory_space<hbm>>
          %dma_start3A_228 = tpu.memref_squeeze %dma_start3A_227 : memref<1x50000x64xbf16, #tpu.memory_space<hbm>> -> memref<50000x64xbf16, #tpu.memory_space<hbm>>
          %dma_start3A_229 = arith.constant 0 : i32
          %dma_start3A_230 = arith.constant 0 : i32
          %dma_start3A_231 = tpu.memref_slice %dma_start3A_228[%dma_start3A_229, %dma_start3A_230] : memref<50000x64xbf16, #tpu.memory_space<hbm>> -> memref<50000x64xbf16, #tpu.memory_space<hbm>>
          tpu.enqueue_indirect_dma source(%dma_start3A_231 : memref<50000x64xbf16, #tpu.memory_space<hbm>>) target(%arg10 : memref<250x64xbf16, #tpu.memory_space<vmem>>) offsets(%dma_start3A_224 : memref<250xi32, #tpu.memory_space<vmem>>) semaphore(%arg13 : memref<!tpu.dma_semaphore, #tpu.memory_space<semaphore_mem>>)
          %dma_wait3A_232 = arith.constant 0 : i32
          %dma_wait3A_233 = arith.constant 0 : i32
          %dma_wait3A_234 = tpu.memref_slice %arg8[%dma_wait3A_232, %dma_wait3A_233] : memref<8x250xi32, #tpu.memory_space<vmem>> -> memref<1x250xi32, #tpu.memory_space<vmem>>
          %dma_wait3A_235 = tpu.memref_squeeze %dma_wait3A_234 : memref<1x250xi32, #tpu.memory_space<vmem>> -> memref<250xi32, #tpu.memory_space<vmem>>
          %dma_wait3A_236 = arith.constant 0 : i32
          %dma_wait3A_237 = arith.constant 0 : i32
          %dma_wait3A_238 = tpu.memref_slice %arg2[%scan3A, %dma_wait3A_236, %dma_wait3A_237] : memref<2x50000x64xbf16, #tpu.memory_space<hbm>> -> memref<1x50000x64xbf16, #tpu.memory_space<hbm>>
          %dma_wait3A_239 = tpu.memref_squeeze %dma_wait3A_238 : memref<1x50000x64xbf16, #tpu.memory_space<hbm>> -> memref<50000x64xbf16, #tpu.memory_space<hbm>>
          %dma_wait3A_240 = arith.constant 0 : i32
          %dma_wait3A_241 = arith.constant 0 : i32
          %dma_wait3A_242 = tpu.memref_slice %dma_wait3A_239[%dma_wait3A_240, %dma_wait3A_241] : memref<50000x64xbf16, #tpu.memory_space<hbm>> -> memref<50000x64xbf16, #tpu.memory_space<hbm>>
          tpu.wait_indirect_dma semaphore(%arg13 : memref<!tpu.dma_semaphore, #tpu.memory_space<semaphore_mem>>) src(%dma_wait3A_242 : memref<50000x64xbf16, #tpu.memory_space<hbm>>) dst(%arg10 : memref<250x64xbf16, #tpu.memory_space<vmem>>)
          %add3A_243 = arith.constant 1 : i32
          %add3A_244 = arith.addi %mul3A_195, %add3A_243 : i32
          %dma_start3A_245 = arith.constant 0 : i32
          %dma_start3A_246 = tpu.memref_slice %arg7[%add3A_244, %dma_start3A_245] : memref<8x250xi32, #tpu.memory_space<vmem>> -> memref<1x250xi32, #tpu.memory_space<vmem>>
          %dma_start3A_247 = tpu.memref_squeeze %dma_start3A_246 : memref<1x250xi32, #tpu.memory_space<vmem>> -> memref<250xi32, #tpu.memory_space<vmem>>
          %dma_start3A_248 = arith.constant 0 : i32
          %dma_start3A_249 = arith.constant 0 : i32
          %dma_start3A_250 = tpu.memref_slice %arg11[%dma_start3A_248, %dma_start3A_249] : memref<50000x64xbf16, #tpu.memory_space<vmem_shared>> -> memref<50000x64xbf16, #tpu.memory_space<vmem_shared>>
          tpu.enqueue_indirect_dma source(%arg10 : memref<250x64xbf16, #tpu.memory_space<vmem>>) target(%dma_start3A_250 : memref<50000x64xbf16, #tpu.memory_space<vmem_shared>>) offsets(%dma_start3A_247 : memref<250xi32, #tpu.memory_space<vmem>>) semaphore(%arg15 : memref<!tpu.dma_semaphore, #tpu.memory_space<semaphore_mem>>) {add = true}
          %dma_wait3A_251 = arith.constant 0 : i32
          %dma_wait3A_252 = arith.constant 0 : i32
          %dma_wait3A_253 = tpu.memref_slice %arg7[%dma_wait3A_251, %dma_wait3A_252] : memref<8x250xi32, #tpu.memory_space<vmem>> -> memref<1x250xi32, #tpu.memory_space<vmem>>
          %dma_wait3A_254 = tpu.memref_squeeze %dma_wait3A_253 : memref<1x250xi32, #tpu.memory_space<vmem>> -> memref<250xi32, #tpu.memory_space<vmem>>
          %dma_wait3A_255 = arith.constant 0 : i32
          %dma_wait3A_256 = arith.constant 0 : i32
          %dma_wait3A_257 = tpu.memref_slice %arg11[%dma_wait3A_255, %dma_wait3A_256] : memref<50000x64xbf16, #tpu.memory_space<vmem_shared>> -> memref<50000x64xbf16, #tpu.memory_space<vmem_shared>>
          tpu.wait_indirect_dma semaphore(%arg14 : memref<!tpu.dma_semaphore, #tpu.memory_space<semaphore_mem>>) src(%arg9 : memref<250x64xbf16, #tpu.memory_space<vmem>>) dst(%dma_wait3A_257 : memref<50000x64xbf16, #tpu.memory_space<vmem_shared>>)
          %add3A_258 = arith.constant 2 : i32
          %add3A_259 = arith.addi %mul3A_195, %add3A_258 : i32
          %dma_start3A_260 = arith.constant 0 : i32
          %dma_start3A_261 = tpu.memref_slice %arg8[%add3A_259, %dma_start3A_260] : memref<8x250xi32, #tpu.memory_space<vmem>> -> memref<1x250xi32, #tpu.memory_space<vmem>>
          %dma_start3A_262 = tpu.memref_squeeze %dma_start3A_261 : memref<1x250xi32, #tpu.memory_space<vmem>> -> memref<250xi32, #tpu.memory_space<vmem>>
          %dma_start3A_263 = arith.constant 0 : i32
          %dma_start3A_264 = arith.constant 0 : i32
          %dma_start3A_265 = tpu.memref_slice %arg2[%scan3A, %dma_start3A_263, %dma_start3A_264] : memref<2x50000x64xbf16, #tpu.memory_space<hbm>> -> memref<1x50000x64xbf16, #tpu.memory_space<hbm>>
          %dma_start3A_266 = tpu.memref_squeeze %dma_start3A_265 : memref<1x50000x64xbf16, #tpu.memory_space<hbm>> -> memref<50000x64xbf16, #tpu.memory_space<hbm>>
          %dma_start3A_267 = arith.constant 0 : i32
          %dma_start3A_268 = arith.constant 0 : i32
          %dma_start3A_269 = tpu.memref_slice %dma_start3A_266[%dma_start3A_267, %dma_start3A_268] : memref<50000x64xbf16, #tpu.memory_space<hbm>> -> memref<50000x64xbf16, #tpu.memory_space<hbm>>
          tpu.enqueue_indirect_dma source(%dma_start3A_269 : memref<50000x64xbf16, #tpu.memory_space<hbm>>) target(%arg9 : memref<250x64xbf16, #tpu.memory_space<vmem>>) offsets(%dma_start3A_262 : memref<250xi32, #tpu.memory_space<vmem>>) semaphore(%arg12 : memref<!tpu.dma_semaphore, #tpu.memory_space<semaphore_mem>>)
          %scan3A_270 = arith.constant 0 : i32
          scf.yield %scan3A_270 : i32
        }
        %scan3A_122 = arith.constant 2 : i32
        %dma_wait3A_123 = arith.constant 0 : i32
        %dma_wait3A_124 = arith.constant 0 : i32
        %dma_wait3A_125 = tpu.memref_slice %arg8[%dma_wait3A_123, %dma_wait3A_124] : memref<8x250xi32, #tpu.memory_space<vmem>> -> memref<1x250xi32, #tpu.memory_space<vmem>>
        %dma_wait3A_126 = tpu.memref_squeeze %dma_wait3A_125 : memref<1x250xi32, #tpu.memory_space<vmem>> -> memref<250xi32, #tpu.memory_space<vmem>>
        %dma_wait3A_127 = arith.constant 0 : i32
        %dma_wait3A_128 = arith.constant 0 : i32
        %dma_wait3A_129 = tpu.memref_slice %arg2[%scan3A, %dma_wait3A_127, %dma_wait3A_128] : memref<2x50000x64xbf16, #tpu.memory_space<hbm>> -> memref<1x50000x64xbf16, #tpu.memory_space<hbm>>
        %dma_wait3A_130 = tpu.memref_squeeze %dma_wait3A_129 : memref<1x50000x64xbf16, #tpu.memory_space<hbm>> -> memref<50000x64xbf16, #tpu.memory_space<hbm>>
        %dma_wait3A_131 = arith.constant 0 : i32
        %dma_wait3A_132 = arith.constant 0 : i32
        %dma_wait3A_133 = tpu.memref_slice %dma_wait3A_130[%dma_wait3A_131, %dma_wait3A_132] : memref<50000x64xbf16, #tpu.memory_space<hbm>> -> memref<50000x64xbf16, #tpu.memory_space<hbm>>
        tpu.wait_indirect_dma semaphore(%arg12 : memref<!tpu.dma_semaphore, #tpu.memory_space<semaphore_mem>>) src(%dma_wait3A_133 : memref<50000x64xbf16, #tpu.memory_space<hbm>>) dst(%arg9 : memref<250x64xbf16, #tpu.memory_space<vmem>>)
        %dma_start3A_134 = arith.constant 6 : i32
        %dma_start3A_135 = arith.constant 0 : i32
        %dma_start3A_136 = tpu.memref_slice %arg7[%dma_start3A_134, %dma_start3A_135] : memref<8x250xi32, #tpu.memory_space<vmem>> -> memref<1x250xi32, #tpu.memory_space<vmem>>
        %dma_start3A_137 = tpu.memref_squeeze %dma_start3A_136 : memref<1x250xi32, #tpu.memory_space<vmem>> -> memref<250xi32, #tpu.memory_space<vmem>>
        %dma_start3A_138 = arith.constant 0 : i32
        %dma_start3A_139 = arith.constant 0 : i32
        %dma_start3A_140 = tpu.memref_slice %arg11[%dma_start3A_138, %dma_start3A_139] : memref<50000x64xbf16, #tpu.memory_space<vmem_shared>> -> memref<50000x64xbf16, #tpu.memory_space<vmem_shared>>
        tpu.enqueue_indirect_dma source(%arg9 : memref<250x64xbf16, #tpu.memory_space<vmem>>) target(%dma_start3A_140 : memref<50000x64xbf16, #tpu.memory_space<vmem_shared>>) offsets(%dma_start3A_137 : memref<250xi32, #tpu.memory_space<vmem>>) semaphore(%arg14 : memref<!tpu.dma_semaphore, #tpu.memory_space<semaphore_mem>>) {add = true}
        %dma_wait3A_141 = arith.constant 0 : i32
        %dma_wait3A_142 = arith.constant 0 : i32
        %dma_wait3A_143 = tpu.memref_slice %arg7[%dma_wait3A_141, %dma_wait3A_142] : memref<8x250xi32, #tpu.memory_space<vmem>> -> memref<1x250xi32, #tpu.memory_space<vmem>>
        %dma_wait3A_144 = tpu.memref_squeeze %dma_wait3A_143 : memref<1x250xi32, #tpu.memory_space<vmem>> -> memref<250xi32, #tpu.memory_space<vmem>>
        %dma_wait3A_145 = arith.constant 0 : i32
        %dma_wait3A_146 = arith.constant 0 : i32
        %dma_wait3A_147 = tpu.memref_slice %arg11[%dma_wait3A_145, %dma_wait3A_146] : memref<50000x64xbf16, #tpu.memory_space<vmem_shared>> -> memref<50000x64xbf16, #tpu.memory_space<vmem_shared>>
        tpu.wait_indirect_dma semaphore(%arg15 : memref<!tpu.dma_semaphore, #tpu.memory_space<semaphore_mem>>) src(%arg10 : memref<250x64xbf16, #tpu.memory_space<vmem>>) dst(%dma_wait3A_147 : memref<50000x64xbf16, #tpu.memory_space<vmem_shared>>)
        %dma_start3A_148 = arith.constant 7 : i32
        %dma_start3A_149 = arith.constant 0 : i32
        %dma_start3A_150 = tpu.memref_slice %arg8[%dma_start3A_148, %dma_start3A_149] : memref<8x250xi32, #tpu.memory_space<vmem>> -> memref<1x250xi32, #tpu.memory_space<vmem>>
        %dma_start3A_151 = tpu.memref_squeeze %dma_start3A_150 : memref<1x250xi32, #tpu.memory_space<vmem>> -> memref<250xi32, #tpu.memory_space<vmem>>
        %dma_start3A_152 = arith.constant 0 : i32
        %dma_start3A_153 = arith.constant 0 : i32
        %dma_start3A_154 = tpu.memref_slice %arg2[%scan3A, %dma_start3A_152, %dma_start3A_153] : memref<2x50000x64xbf16, #tpu.memory_space<hbm>> -> memref<1x50000x64xbf16, #tpu.memory_space<hbm>>
        %dma_start3A_155 = tpu.memref_squeeze %dma_start3A_154 : memref<1x50000x64xbf16, #tpu.memory_space<hbm>> -> memref<50000x64xbf16, #tpu.memory_space<hbm>>
        %dma_start3A_156 = arith.constant 0 : i32
        %dma_start3A_157 = arith.constant 0 : i32
        %dma_start3A_158 = tpu.memref_slice %dma_start3A_155[%dma_start3A_156, %dma_start3A_157] : memref<50000x64xbf16, #tpu.memory_space<hbm>> -> memref<50000x64xbf16, #tpu.memory_space<hbm>>
        tpu.enqueue_indirect_dma source(%dma_start3A_158 : memref<50000x64xbf16, #tpu.memory_space<hbm>>) target(%arg10 : memref<250x64xbf16, #tpu.memory_space<vmem>>) offsets(%dma_start3A_151 : memref<250xi32, #tpu.memory_space<vmem>>) semaphore(%arg13 : memref<!tpu.dma_semaphore, #tpu.memory_space<semaphore_mem>>)
        %dma_wait3A_159 = arith.constant 0 : i32
        %dma_wait3A_160 = arith.constant 0 : i32
        %dma_wait3A_161 = tpu.memref_slice %arg8[%dma_wait3A_159, %dma_wait3A_160] : memref<8x250xi32, #tpu.memory_space<vmem>> -> memref<1x250xi32, #tpu.memory_space<vmem>>
        %dma_wait3A_162 = tpu.memref_squeeze %dma_wait3A_161 : memref<1x250xi32, #tpu.memory_space<vmem>> -> memref<250xi32, #tpu.memory_space<vmem>>
        %dma_wait3A_163 = arith.constant 0 : i32
        %dma_wait3A_164 = arith.constant 0 : i32
        %dma_wait3A_165 = tpu.memref_slice %arg2[%scan3A, %dma_wait3A_163, %dma_wait3A_164] : memref<2x50000x64xbf16, #tpu.memory_space<hbm>> -> memref<1x50000x64xbf16, #tpu.memory_space<hbm>>
        %dma_wait3A_166 = tpu.memref_squeeze %dma_wait3A_165 : memref<1x50000x64xbf16, #tpu.memory_space<hbm>> -> memref<50000x64xbf16, #tpu.memory_space<hbm>>
        %dma_wait3A_167 = arith.constant 0 : i32
        %dma_wait3A_168 = arith.constant 0 : i32
        %dma_wait3A_169 = tpu.memref_slice %dma_wait3A_166[%dma_wait3A_167, %dma_wait3A_168] : memref<50000x64xbf16, #tpu.memory_space<hbm>> -> memref<50000x64xbf16, #tpu.memory_space<hbm>>
        tpu.wait_indirect_dma semaphore(%arg13 : memref<!tpu.dma_semaphore, #tpu.memory_space<semaphore_mem>>) src(%dma_wait3A_169 : memref<50000x64xbf16, #tpu.memory_space<hbm>>) dst(%arg10 : memref<250x64xbf16, #tpu.memory_space<vmem>>)
        %dma_start3A_170 = arith.constant 7 : i32
        %dma_start3A_171 = arith.constant 0 : i32
        %dma_start3A_172 = tpu.memref_slice %arg7[%dma_start3A_170, %dma_start3A_171] : memref<8x250xi32, #tpu.memory_space<vmem>> -> memref<1x250xi32, #tpu.memory_space<vmem>>
        %dma_start3A_173 = tpu.memref_squeeze %dma_start3A_172 : memref<1x250xi32, #tpu.memory_space<vmem>> -> memref<250xi32, #tpu.memory_space<vmem>>
        %dma_start3A_174 = arith.constant 0 : i32
        %dma_start3A_175 = arith.constant 0 : i32
        %dma_start3A_176 = tpu.memref_slice %arg11[%dma_start3A_174, %dma_start3A_175] : memref<50000x64xbf16, #tpu.memory_space<vmem_shared>> -> memref<50000x64xbf16, #tpu.memory_space<vmem_shared>>
        tpu.enqueue_indirect_dma source(%arg10 : memref<250x64xbf16, #tpu.memory_space<vmem>>) target(%dma_start3A_176 : memref<50000x64xbf16, #tpu.memory_space<vmem_shared>>) offsets(%dma_start3A_173 : memref<250xi32, #tpu.memory_space<vmem>>) semaphore(%arg15 : memref<!tpu.dma_semaphore, #tpu.memory_space<semaphore_mem>>) {add = true}
        %dma_wait3A_177 = arith.constant 0 : i32
        %dma_wait3A_178 = arith.constant 0 : i32
        %dma_wait3A_179 = tpu.memref_slice %arg7[%dma_wait3A_177, %dma_wait3A_178] : memref<8x250xi32, #tpu.memory_space<vmem>> -> memref<1x250xi32, #tpu.memory_space<vmem>>
        %dma_wait3A_180 = tpu.memref_squeeze %dma_wait3A_179 : memref<1x250xi32, #tpu.memory_space<vmem>> -> memref<250xi32, #tpu.memory_space<vmem>>
        %dma_wait3A_181 = arith.constant 0 : i32
        %dma_wait3A_182 = arith.constant 0 : i32
        %dma_wait3A_183 = tpu.memref_slice %arg11[%dma_wait3A_181, %dma_wait3A_182] : memref<50000x64xbf16, #tpu.memory_space<vmem_shared>> -> memref<50000x64xbf16, #tpu.memory_space<vmem_shared>>
        tpu.wait_indirect_dma semaphore(%arg14 : memref<!tpu.dma_semaphore, #tpu.memory_space<semaphore_mem>>) src(%arg9 : memref<250x64xbf16, #tpu.memory_space<vmem>>) dst(%dma_wait3A_183 : memref<50000x64xbf16, #tpu.memory_space<vmem_shared>>)
        %dma_wait3A_184 = arith.constant 0 : i32
        %dma_wait3A_185 = arith.constant 0 : i32
        %dma_wait3A_186 = tpu.memref_slice %arg7[%dma_wait3A_184, %dma_wait3A_185] : memref<8x250xi32, #tpu.memory_space<vmem>> -> memref<1x250xi32, #tpu.memory_space<vmem>>
        %dma_wait3A_187 = tpu.memref_squeeze %dma_wait3A_186 : memref<1x250xi32, #tpu.memory_space<vmem>> -> memref<250xi32, #tpu.memory_space<vmem>>
        %dma_wait3A_188 = arith.constant 0 : i32
        %dma_wait3A_189 = arith.constant 0 : i32
        %dma_wait3A_190 = tpu.memref_slice %arg11[%dma_wait3A_188, %dma_wait3A_189] : memref<50000x64xbf16, #tpu.memory_space<vmem_shared>> -> memref<50000x64xbf16, #tpu.memory_space<vmem_shared>>
        tpu.wait_indirect_dma semaphore(%arg15 : memref<!tpu.dma_semaphore, #tpu.memory_space<semaphore_mem>>) src(%arg10 : memref<250x64xbf16, #tpu.memory_space<vmem>>) dst(%dma_wait3A_190 : memref<50000x64xbf16, #tpu.memory_space<vmem_shared>>)
        %scan3A_191 = arith.constant 0 : i32
        scf.yield %scan3A_191 : i32
      }
      %scan3A_22 = arith.constant 25 : i32
      %barrier3A_23 = arith.constant 0 : index
      tpu.barrier barrier_id(%barrier3A_23)
      %lt3A_24 = arith.constant 15 : i32
      %lt3A_25 = arith.cmpi slt, %arg1, %lt3A_24 : i32
      %convert_element_type3A_26 = arith.extui %lt3A_25 : i1 to i32
      %cond3A_27 = arith.constant 1 : i32
      %cond3A_28 = arith.constant 0 : i32
      %cond3A_29 = arith.cmpi ne, %convert_element_type3A_26, %cond3A_28 : i32
      scf.if %cond3A_29 {
        %mul3A = arith.constant 3200 : i32
        %mul3A_37 = arith.muli %arg1, %mul3A : i32
        %mul3A_38 = arith.constant 3200 : i32
        %mul3A_39 = arith.muli %arg1, %mul3A_38 : i32
        "tpu.region"() ({
          %run_scoped3A = tpu.sem_alloc : memref<!tpu.dma_semaphore, #tpu.memory_space<semaphore_mem>>
          %dma_start3A = arith.constant 0 : i32
          %dma_start3A_40 = arith.constant 0 : i32
          %dma_start3A_41 = tpu.memref_slice %arg6[%cond3A_27, %dma_start3A, %dma_start3A_40] : memref<2x50000x64xbf16, #tpu.memory_space<hbm>> -> memref<1x50000x64xbf16, #tpu.memory_space<hbm>>
          %dma_start3A_42 = tpu.memref_squeeze %dma_start3A_41 : memref<1x50000x64xbf16, #tpu.memory_space<hbm>> -> memref<50000x64xbf16, #tpu.memory_space<hbm>>
          %dma_start3A_43 = arith.constant 0 : i32
          %dma_start3A_44 = tpu.memref_slice %dma_start3A_42[%mul3A_39, %dma_start3A_43] : memref<50000x64xbf16, #tpu.memory_space<hbm>> -> memref<3200x64xbf16, #tpu.memory_space<hbm>>
          %dma_start3A_45 = arith.constant 0 : i32
          %dma_start3A_46 = tpu.memref_slice %arg11[%mul3A_37, %dma_start3A_45] : memref<50000x64xbf16, #tpu.memory_space<vmem_shared>> -> memref<3200x64xbf16, #tpu.memory_space<vmem_shared>>
          tpu.enqueue_dma source(%dma_start3A_46 : memref<3200x64xbf16, #tpu.memory_space<vmem_shared>>) target(%dma_start3A_44 : memref<3200x64xbf16, #tpu.memory_space<hbm>>) target_semaphore(%run_scoped3A : memref<!tpu.dma_semaphore, #tpu.memory_space<semaphore_mem>>)
          %dma_wait3A = arith.constant 0 : i32
          %dma_wait3A_47 = arith.constant 0 : i32
          %dma_wait3A_48 = tpu.memref_slice %arg6[%cond3A_27, %dma_wait3A, %dma_wait3A_47] : memref<2x50000x64xbf16, #tpu.memory_space<hbm>> -> memref<1x50000x64xbf16, #tpu.memory_space<hbm>>
          %dma_wait3A_49 = tpu.memref_squeeze %dma_wait3A_48 : memref<1x50000x64xbf16, #tpu.memory_space<hbm>> -> memref<50000x64xbf16, #tpu.memory_space<hbm>>
          %dma_wait3A_50 = arith.constant 0 : i32
          %dma_wait3A_51 = tpu.memref_slice %dma_wait3A_49[%mul3A_39, %dma_wait3A_50] : memref<50000x64xbf16, #tpu.memory_space<hbm>> -> memref<3200x64xbf16, #tpu.memory_space<hbm>>
          %dma_wait3A_52 = arith.constant 0 : i32
          %dma_wait3A_53 = tpu.memref_slice %arg11[%mul3A_37, %dma_wait3A_52] : memref<50000x64xbf16, #tpu.memory_space<vmem_shared>> -> memref<3200x64xbf16, #tpu.memory_space<vmem_shared>>
          tpu.wait_dma2 semaphore(%run_scoped3A : memref<!tpu.dma_semaphore, #tpu.memory_space<semaphore_mem>>) src(%dma_wait3A_53 : memref<3200x64xbf16, #tpu.memory_space<vmem_shared>>) dst(%dma_wait3A_51 : memref<3200x64xbf16, #tpu.memory_space<hbm>>)
          tpu.yield
        }) : () -> ()
      } else {
      }
      %eq3A_30 = arith.constant 15 : i32
      %eq3A_31 = arith.cmpi eq, %arg1, %eq3A_30 : i32
      %convert_element_type3A_32 = arith.extui %eq3A_31 : i1 to i32
      %cond3A_33 = arith.constant 1 : i32
      %cond3A_34 = arith.constant 0 : i32
      %cond3A_35 = arith.cmpi ne, %convert_element_type3A_32, %cond3A_34 : i32
      scf.if %cond3A_35 {
        "tpu.region"() ({
          %run_scoped3A = tpu.sem_alloc : memref<!tpu.dma_semaphore, #tpu.memory_space<semaphore_mem>>
          %dma_start3A = arith.constant 0 : i32
          %dma_start3A_37 = arith.constant 0 : i32
          %dma_start3A_38 = tpu.memref_slice %arg6[%cond3A_33, %dma_start3A, %dma_start3A_37] : memref<2x50000x64xbf16, #tpu.memory_space<hbm>> -> memref<1x50000x64xbf16, #tpu.memory_space<hbm>>
          %dma_start3A_39 = tpu.memref_squeeze %dma_start3A_38 : memref<1x50000x64xbf16, #tpu.memory_space<hbm>> -> memref<50000x64xbf16, #tpu.memory_space<hbm>>
          %dma_start3A_40 = arith.constant 48000 : i32
          %dma_start3A_41 = arith.constant 0 : i32
          %dma_start3A_42 = tpu.memref_slice %dma_start3A_39[%dma_start3A_40, %dma_start3A_41] : memref<50000x64xbf16, #tpu.memory_space<hbm>> -> memref<2000x64xbf16, #tpu.memory_space<hbm>>
          %dma_start3A_43 = arith.constant 48000 : i32
          %dma_start3A_44 = arith.constant 0 : i32
          %dma_start3A_45 = tpu.memref_slice %arg11[%dma_start3A_43, %dma_start3A_44] : memref<50000x64xbf16, #tpu.memory_space<vmem_shared>> -> memref<2000x64xbf16, #tpu.memory_space<vmem_shared>>
          tpu.enqueue_dma source(%dma_start3A_45 : memref<2000x64xbf16, #tpu.memory_space<vmem_shared>>) target(%dma_start3A_42 : memref<2000x64xbf16, #tpu.memory_space<hbm>>) target_semaphore(%run_scoped3A : memref<!tpu.dma_semaphore, #tpu.memory_space<semaphore_mem>>)
          %dma_wait3A = arith.constant 0 : i32
          %dma_wait3A_46 = arith.constant 0 : i32
          %dma_wait3A_47 = tpu.memref_slice %arg6[%cond3A_33, %dma_wait3A, %dma_wait3A_46] : memref<2x50000x64xbf16, #tpu.memory_space<hbm>> -> memref<1x50000x64xbf16, #tpu.memory_space<hbm>>
          %dma_wait3A_48 = tpu.memref_squeeze %dma_wait3A_47 : memref<1x50000x64xbf16, #tpu.memory_space<hbm>> -> memref<50000x64xbf16, #tpu.memory_space<hbm>>
          %dma_wait3A_49 = arith.constant 48000 : i32
          %dma_wait3A_50 = arith.constant 0 : i32
          %dma_wait3A_51 = tpu.memref_slice %dma_wait3A_48[%dma_wait3A_49, %dma_wait3A_50] : memref<50000x64xbf16, #tpu.memory_space<hbm>> -> memref<2000x64xbf16, #tpu.memory_space<hbm>>
          %dma_wait3A_52 = arith.constant 48000 : i32
          %dma_wait3A_53 = arith.constant 0 : i32
          %dma_wait3A_54 = tpu.memref_slice %arg11[%dma_wait3A_52, %dma_wait3A_53] : memref<50000x64xbf16, #tpu.memory_space<vmem_shared>> -> memref<2000x64xbf16, #tpu.memory_space<vmem_shared>>
          tpu.wait_dma2 semaphore(%run_scoped3A : memref<!tpu.dma_semaphore, #tpu.memory_space<semaphore_mem>>) src(%dma_wait3A_54 : memref<2000x64xbf16, #tpu.memory_space<vmem_shared>>) dst(%dma_wait3A_51 : memref<2000x64xbf16, #tpu.memory_space<hbm>>)
          tpu.yield
        }) : () -> ()
      } else {
      }
      %barrier3A_36 = arith.constant 0 : index
      tpu.barrier barrier_id(%barrier3A_36)
    } else {
    }
    return
  }
}

module attributes {stable_mosaic.version = 14 : i64} {
  func.func @_lin0_body(%arg0: i32, %arg1: memref<1000x50xf32, #tpu.memory_space<vmem>>, %arg2: memref<50x128xf32, #tpu.memory_space<vmem>>, %arg3: memref<1x128xf32, #tpu.memory_space<vmem>>, %arg4: memref<1000x128xf32, #tpu.memory_space<vmem>>, %arg5: memref<2x1000x64xbf16, #tpu.memory_space<vmem>>) attributes {dimension_semantics = [#tpu.dimension_semantics<arbitrary>], iteration_bounds = array<i64: 50>, scalar_prefetch = 0 : i64, scratch_operands = 0 : i64, tpu.core_type = #tpu.core_type<tc>, window_params = [{transform_indices = @transform_0, window_bounds = array<i64: 1000, 50>}, {pipeline_mode = #tpu.pipeline_mode<synchronous>, transform_indices = @transform_1, window_bounds = array<i64: 50, 128>}, {pipeline_mode = #tpu.pipeline_mode<synchronous>, transform_indices = @transform_2, window_bounds = array<i64: 1, 128>}, {transform_indices = @transform_3, window_bounds = array<i64: 1000, 128>}, {transform_indices = @transform_4, window_bounds = array<i64: 2, 1000, 64>}]} {
    %get3A = arith.constant 0 : index
    %get3A_0 = arith.constant 0 : index
    %get3A_1 = vector.load %arg1[%get3A, %get3A_0] : memref<1000x50xf32, #tpu.memory_space<vmem>>, vector<1000x50xf32>
    %get3A_2 = arith.constant 0 : index
    %get3A_3 = arith.constant 0 : index
    %get3A_4 = vector.load %arg2[%get3A_2, %get3A_3] : memref<50x128xf32, #tpu.memory_space<vmem>>, vector<50x128xf32>
    %dot_general3A = arith.constant dense<0.000000e+00> : vector<1000x128xf32>
    %dot_general3A_5 = tpu.matmul %get3A_1, %get3A_4, %dot_general3A {dimension_numbers = #tpu.dot_dimension_numbers<[1], [0], [0], [1], [0, 0, 1, 1], [], []>, transpose_lhs_hint = false} : vector<1000x50xf32>, vector<50x128xf32>, vector<1000x128xf32> -> vector<1000x128xf32>
    %get3A_6 = arith.constant 0 : index
    %get3A_7 = arith.constant 0 : index
    %get3A_8 = vector.load %arg3[%get3A_6, %get3A_7] : memref<1x128xf32, #tpu.memory_space<vmem>>, vector<1x128xf32>
    %add3A = vector.broadcast %get3A_8 : vector<1x128xf32> to vector<1000x128xf32>
    %add3A_9 = arith.addf %dot_general3A_5, %add3A : vector<1000x128xf32>
    %max3A = arith.constant 0.000000e+00 : f32
    %max3A_10 = vector.broadcast %max3A : f32 to vector<1000x128xf32>
    %max3A_11 = arith.maximumf %add3A_9, %max3A_10 : vector<1000x128xf32>
    %swap3A = arith.constant 0 : index
    %swap3A_12 = arith.constant 0 : index
    %swap3A_13 = vector.load %arg4[%swap3A, %swap3A_12] : memref<1000x128xf32, #tpu.memory_space<vmem>>, vector<1000x128xf32>
    tpu.vector_store %arg4[%swap3A, %swap3A_12], %max3A_11 {strides = array<i32>} : memref<1000x128xf32, #tpu.memory_space<vmem>>, vector<1000x128xf32>,
    %slice3A = vector.extract_strided_slice %max3A_11 {offsets = [0, 0], sizes = [1000, 64], strides = [1, 1]} : vector<1000x128xf32> to vector<1000x64xf32>
    %convert_element_type3A = arith.truncf %slice3A : vector<1000x64xf32> to vector<1000x64xbf16>
    %swap3A_14 = arith.constant 0 : index
    %swap3A_15 = arith.constant 0 : index
    %swap3A_16 = arith.constant 0 : index
    %swap3A_17 = vector.load %arg5[%swap3A_14, %swap3A_15, %swap3A_16] : memref<2x1000x64xbf16, #tpu.memory_space<vmem>>, vector<1x1000x64xbf16>
    %swap3A_18 = vector.shape_cast %swap3A_17 : vector<1x1000x64xbf16> to vector<1000x64xbf16>
    %swap3A_19 = vector.shape_cast %convert_element_type3A : vector<1000x64xbf16> to vector<1x1000x64xbf16>
    tpu.vector_store %arg5[%swap3A_14, %swap3A_15, %swap3A_16], %swap3A_19 {strides = array<i32>} : memref<2x1000x64xbf16, #tpu.memory_space<vmem>>, vector<1x1000x64xbf16>,
    %slice3A_20 = vector.extract_strided_slice %max3A_11 {offsets = [0, 64], sizes = [1000, 64], strides = [1, 1]} : vector<1000x128xf32> to vector<1000x64xf32>
    %convert_element_type3A_21 = arith.truncf %slice3A_20 : vector<1000x64xf32> to vector<1000x64xbf16>
    %swap3A_22 = arith.constant 1 : index
    %swap3A_23 = arith.constant 0 : index
    %swap3A_24 = arith.constant 0 : index
    %swap3A_25 = vector.load %arg5[%swap3A_22, %swap3A_23, %swap3A_24] : memref<2x1000x64xbf16, #tpu.memory_space<vmem>>, vector<1x1000x64xbf16>
    %swap3A_26 = vector.shape_cast %swap3A_25 : vector<1x1000x64xbf16> to vector<1000x64xbf16>
    %swap3A_27 = vector.shape_cast %convert_element_type3A_21 : vector<1000x64xbf16> to vector<1x1000x64xbf16>
    tpu.vector_store %arg5[%swap3A_22, %swap3A_23, %swap3A_24], %swap3A_27 {strides = array<i32>} : memref<2x1000x64xbf16, #tpu.memory_space<vmem>>, vector<1x1000x64xbf16>,
    return
  }
  func.func @transform_0(%arg0: i32) -> (i32, i32) {
    %c0_i32 = arith.constant 0 : i32
    %c0_i32_0 = arith.constant 0 : i32
    return %arg0, %c0_i32 : i32, i32
  }
  func.func @transform_1(%arg0: i32) -> (i32, i32) {
    %c0_i32 = arith.constant 0 : i32
    %c0_i32_0 = arith.constant 0 : i32
    %c0_i32_1 = arith.constant 0 : i32
    return %c0_i32, %c0_i32_0 : i32, i32
  }
  func.func @transform_2(%arg0: i32) -> (i32, i32) {
    %c0_i32 = arith.constant 0 : i32
    %c0_i32_0 = arith.constant 0 : i32
    %c0_i32_1 = arith.constant 0 : i32
    return %c0_i32, %c0_i32_0 : i32, i32
  }
  func.func @transform_3(%arg0: i32) -> (i32, i32) {
    %c0_i32 = arith.constant 0 : i32
    %c0_i32_0 = arith.constant 0 : i32
    return %arg0, %c0_i32 : i32, i32
  }
  func.func @transform_4(%arg0: i32) -> (i32, i32, i32) {
    %c0_i32 = arith.constant 0 : i32
    %c0_i32_0 = arith.constant 0 : i32
    %c0_i32_1 = arith.constant 0 : i32
    return %c0_i32, %arg0, %c0_i32_0 : i32, i32, i32
  }
}

module attributes {stable_mosaic.version = 14 : i64} {
  func.func @_combine1_body(%arg0: i32, %arg1: memref<2x1000x64xbf16, #tpu.memory_space<vmem>>, %arg2: memref<1000x128xf32, #tpu.memory_space<vmem>>, %arg3: memref<128x128xf32, #tpu.memory_space<vmem>>, %arg4: memref<1000x128xf32, #tpu.memory_space<vmem>>, %arg5: memref<2x1000x64xbf16, #tpu.memory_space<vmem>>) attributes {dimension_semantics = [#tpu.dimension_semantics<arbitrary>], iteration_bounds = array<i64: 50>, scalar_prefetch = 0 : i64, scratch_operands = 0 : i64, tpu.core_type = #tpu.core_type<tc>, window_params = [{transform_indices = @transform_0, window_bounds = array<i64: 2, 1000, 64>}, {transform_indices = @transform_1, window_bounds = array<i64: 1000, 128>}, {pipeline_mode = #tpu.pipeline_mode<synchronous>, transform_indices = @transform_2, window_bounds = array<i64: 128, 128>}, {transform_indices = @transform_3, window_bounds = array<i64: 1000, 128>}, {transform_indices = @transform_4, window_bounds = array<i64: 2, 1000, 64>}]} {
    %get3A = arith.constant 0 : index
    %get3A_0 = arith.constant 0 : index
    %get3A_1 = arith.constant 0 : index
    %get3A_2 = vector.load %arg1[%get3A, %get3A_0, %get3A_1] : memref<2x1000x64xbf16, #tpu.memory_space<vmem>>, vector<2x1000x64xbf16>
    %slice3A = vector.extract_strided_slice %get3A_2 {offsets = [0, 0, 0], sizes = [1, 1000, 64], strides = [1, 1, 1]} : vector<2x1000x64xbf16> to vector<1x1000x64xbf16>
    %squeeze3A = vector.shape_cast %slice3A : vector<1x1000x64xbf16> to vector<1000x64xbf16>
    %slice3A_3 = vector.extract_strided_slice %get3A_2 {offsets = [1, 0, 0], sizes = [1, 1000, 64], strides = [1, 1, 1]} : vector<2x1000x64xbf16> to vector<1x1000x64xbf16>
    %squeeze3A_4 = vector.shape_cast %slice3A_3 : vector<1x1000x64xbf16> to vector<1000x64xbf16>
    %concatenate3A = tpu.concatenate %squeeze3A, %squeeze3A_4 in 1 : vector<1000x64xbf16>, vector<1000x64xbf16> -> vector<1000x128xbf16>
    %convert_element_type3A = arith.extf %concatenate3A : vector<1000x128xbf16> to vector<1000x128xf32>
    %mul3A = arith.constant 0.899999976 : f32
    %mul3A_5 = vector.broadcast %mul3A : f32 to vector<1000x128xf32>
    %mul3A_6 = arith.mulf %mul3A_5, %convert_element_type3A : vector<1000x128xf32>
    %get3A_7 = arith.constant 0 : index
    %get3A_8 = arith.constant 0 : index
    %get3A_9 = vector.load %arg2[%get3A_7, %get3A_8] : memref<1000x128xf32, #tpu.memory_space<vmem>>, vector<1000x128xf32>
    %mul3A_10 = arith.constant 1.000000e-01 : f32
    %mul3A_11 = vector.broadcast %mul3A_10 : f32 to vector<1000x128xf32>
    %mul3A_12 = arith.mulf %mul3A_11, %get3A_9 : vector<1000x128xf32>
    %add3A = arith.addf %mul3A_6, %mul3A_12 : vector<1000x128xf32>
    %get3A_13 = arith.constant 0 : index
    %get3A_14 = arith.constant 0 : index
    %get3A_15 = vector.load %arg3[%get3A_13, %get3A_14] : memref<128x128xf32, #tpu.memory_space<vmem>>, vector<128x128xf32>
    %dot_general3A = arith.constant dense<0.000000e+00> : vector<1000x128xf32>
    %dot_general3A_16 = tpu.matmul %add3A, %get3A_15, %dot_general3A {dimension_numbers = #tpu.dot_dimension_numbers<[1], [0], [0], [1], [0, 0, 1, 1], [], []>, transpose_lhs_hint = false} : vector<1000x128xf32>, vector<128x128xf32>, vector<1000x128xf32> -> vector<1000x128xf32>
    %get3A_17 = arith.constant 0 : index
    %get3A_18 = arith.constant 0 : index
    %get3A_19 = vector.load %arg2[%get3A_17, %get3A_18] : memref<1000x128xf32, #tpu.memory_space<vmem>>, vector<1000x128xf32>
    %add3A_20 = arith.addf %dot_general3A_16, %get3A_19 : vector<1000x128xf32>
    %max3A = arith.constant 0.000000e+00 : f32
    %max3A_21 = vector.broadcast %max3A : f32 to vector<1000x128xf32>
    %max3A_22 = arith.maximumf %add3A_20, %max3A_21 : vector<1000x128xf32>
    %swap3A = arith.constant 0 : index
    %swap3A_23 = arith.constant 0 : index
    %swap3A_24 = vector.load %arg4[%swap3A, %swap3A_23] : memref<1000x128xf32, #tpu.memory_space<vmem>>, vector<1000x128xf32>
    tpu.vector_store %arg4[%swap3A, %swap3A_23], %max3A_22 {strides = array<i32>} : memref<1000x128xf32, #tpu.memory_space<vmem>>, vector<1000x128xf32>,
    %slice3A_25 = vector.extract_strided_slice %max3A_22 {offsets = [0, 0], sizes = [1000, 64], strides = [1, 1]} : vector<1000x128xf32> to vector<1000x64xf32>
    %convert_element_type3A_26 = arith.truncf %slice3A_25 : vector<1000x64xf32> to vector<1000x64xbf16>
    %swap3A_27 = arith.constant 0 : index
    %swap3A_28 = arith.constant 0 : index
    %swap3A_29 = arith.constant 0 : index
    %swap3A_30 = vector.load %arg5[%swap3A_27, %swap3A_28, %swap3A_29] : memref<2x1000x64xbf16, #tpu.memory_space<vmem>>, vector<1x1000x64xbf16>
    %swap3A_31 = vector.shape_cast %swap3A_30 : vector<1x1000x64xbf16> to vector<1000x64xbf16>
    %swap3A_32 = vector.shape_cast %convert_element_type3A_26 : vector<1000x64xbf16> to vector<1x1000x64xbf16>
    tpu.vector_store %arg5[%swap3A_27, %swap3A_28, %swap3A_29], %swap3A_32 {strides = array<i32>} : memref<2x1000x64xbf16, #tpu.memory_space<vmem>>, vector<1x1000x64xbf16>,
    %slice3A_33 = vector.extract_strided_slice %max3A_22 {offsets = [0, 64], sizes = [1000, 64], strides = [1, 1]} : vector<1000x128xf32> to vector<1000x64xf32>
    %convert_element_type3A_34 = arith.truncf %slice3A_33 : vector<1000x64xf32> to vector<1000x64xbf16>
    %swap3A_35 = arith.constant 1 : index
    %swap3A_36 = arith.constant 0 : index
    %swap3A_37 = arith.constant 0 : index
    %swap3A_38 = vector.load %arg5[%swap3A_35, %swap3A_36, %swap3A_37] : memref<2x1000x64xbf16, #tpu.memory_space<vmem>>, vector<1x1000x64xbf16>
    %swap3A_39 = vector.shape_cast %swap3A_38 : vector<1x1000x64xbf16> to vector<1000x64xbf16>
    %swap3A_40 = vector.shape_cast %convert_element_type3A_34 : vector<1000x64xbf16> to vector<1x1000x64xbf16>
    tpu.vector_store %arg5[%swap3A_35, %swap3A_36, %swap3A_37], %swap3A_40 {strides = array<i32>} : memref<2x1000x64xbf16, #tpu.memory_space<vmem>>, vector<1x1000x64xbf16>,
    return
  }
  func.func @transform_0(%arg0: i32) -> (i32, i32, i32) {
    %c0_i32 = arith.constant 0 : i32
    %c0_i32_0 = arith.constant 0 : i32
    %c0_i32_1 = arith.constant 0 : i32
    return %c0_i32, %arg0, %c0_i32_0 : i32, i32, i32
  }
  func.func @transform_1(%arg0: i32) -> (i32, i32) {
    %c0_i32 = arith.constant 0 : i32
    %c0_i32_0 = arith.constant 0 : i32
    return %arg0, %c0_i32 : i32, i32
  }
  func.func @transform_2(%arg0: i32) -> (i32, i32) {
    %c0_i32 = arith.constant 0 : i32
    %c0_i32_0 = arith.constant 0 : i32
    %c0_i32_1 = arith.constant 0 : i32
    return %c0_i32, %c0_i32_0 : i32, i32
  }
  func.func @transform_3(%arg0: i32) -> (i32, i32) {
    %c0_i32 = arith.constant 0 : i32
    %c0_i32_0 = arith.constant 0 : i32
    return %arg0, %c0_i32 : i32, i32
  }
  func.func @transform_4(%arg0: i32) -> (i32, i32, i32) {
    %c0_i32 = arith.constant 0 : i32
    %c0_i32_0 = arith.constant 0 : i32
    %c0_i32_1 = arith.constant 0 : i32
    return %c0_i32, %arg0, %c0_i32_0 : i32, i32, i32
  }
}

module attributes {stable_mosaic.version = 14 : i64} {
  func.func @_combine2_body(%arg0: i32, %arg1: memref<2x1000x64xbf16, #tpu.memory_space<vmem>>, %arg2: memref<1000x128xf32, #tpu.memory_space<vmem>>, %arg3: memref<1000x128xf32, #tpu.memory_space<vmem>>, %arg4: memref<128x128xf32, #tpu.memory_space<vmem>>, %arg5: memref<128x121xf32, #tpu.memory_space<vmem>>, %arg6: memref<1x121xf32, #tpu.memory_space<vmem>>, %arg7: memref<1000x121xf32, #tpu.memory_space<vmem>>) attributes {dimension_semantics = [#tpu.dimension_semantics<arbitrary>], iteration_bounds = array<i64: 50>, scalar_prefetch = 0 : i64, scratch_operands = 0 : i64, tpu.core_type = #tpu.core_type<tc>, window_params = [{transform_indices = @transform_0, window_bounds = array<i64: 2, 1000, 64>}, {transform_indices = @transform_1, window_bounds = array<i64: 1000, 128>}, {transform_indices = @transform_2, window_bounds = array<i64: 1000, 128>}, {pipeline_mode = #tpu.pipeline_mode<synchronous>, transform_indices = @transform_3, window_bounds = array<i64: 128, 128>}, {pipeline_mode = #tpu.pipeline_mode<synchronous>, transform_indices = @transform_4, window_bounds = array<i64: 128, 121>}, {pipeline_mode = #tpu.pipeline_mode<synchronous>, transform_indices = @transform_5, window_bounds = array<i64: 1, 121>}, {transform_indices = @transform_6, window_bounds = array<i64: 1000, 121>}]} {
    %get3A = arith.constant 0 : index
    %get3A_0 = arith.constant 0 : index
    %get3A_1 = arith.constant 0 : index
    %get3A_2 = vector.load %arg1[%get3A, %get3A_0, %get3A_1] : memref<2x1000x64xbf16, #tpu.memory_space<vmem>>, vector<2x1000x64xbf16>
    %slice3A = vector.extract_strided_slice %get3A_2 {offsets = [0, 0, 0], sizes = [1, 1000, 64], strides = [1, 1, 1]} : vector<2x1000x64xbf16> to vector<1x1000x64xbf16>
    %squeeze3A = vector.shape_cast %slice3A : vector<1x1000x64xbf16> to vector<1000x64xbf16>
    %slice3A_3 = vector.extract_strided_slice %get3A_2 {offsets = [1, 0, 0], sizes = [1, 1000, 64], strides = [1, 1, 1]} : vector<2x1000x64xbf16> to vector<1x1000x64xbf16>
    %squeeze3A_4 = vector.shape_cast %slice3A_3 : vector<1x1000x64xbf16> to vector<1000x64xbf16>
    %concatenate3A = tpu.concatenate %squeeze3A, %squeeze3A_4 in 1 : vector<1000x64xbf16>, vector<1000x64xbf16> -> vector<1000x128xbf16>
    %convert_element_type3A = arith.extf %concatenate3A : vector<1000x128xbf16> to vector<1000x128xf32>
    %mul3A = arith.constant 0.899999976 : f32
    %mul3A_5 = vector.broadcast %mul3A : f32 to vector<1000x128xf32>
    %mul3A_6 = arith.mulf %mul3A_5, %convert_element_type3A : vector<1000x128xf32>
    %get3A_7 = arith.constant 0 : index
    %get3A_8 = arith.constant 0 : index
    %get3A_9 = vector.load %arg2[%get3A_7, %get3A_8] : memref<1000x128xf32, #tpu.memory_space<vmem>>, vector<1000x128xf32>
    %mul3A_10 = arith.constant 1.000000e-01 : f32
    %mul3A_11 = vector.broadcast %mul3A_10 : f32 to vector<1000x128xf32>
    %mul3A_12 = arith.mulf %mul3A_11, %get3A_9 : vector<1000x128xf32>
    %add3A = arith.addf %mul3A_6, %mul3A_12 : vector<1000x128xf32>
    %get3A_13 = arith.constant 0 : index
    %get3A_14 = arith.constant 0 : index
    %get3A_15 = vector.load %arg4[%get3A_13, %get3A_14] : memref<128x128xf32, #tpu.memory_space<vmem>>, vector<128x128xf32>
    %dot_general3A = arith.constant dense<0.000000e+00> : vector<1000x128xf32>
    %dot_general3A_16 = tpu.matmul %add3A, %get3A_15, %dot_general3A {dimension_numbers = #tpu.dot_dimension_numbers<[1], [0], [0], [1], [0, 0, 1, 1], [], []>, transpose_lhs_hint = false} : vector<1000x128xf32>, vector<128x128xf32>, vector<1000x128xf32> -> vector<1000x128xf32>
    %get3A_17 = arith.constant 0 : index
    %get3A_18 = arith.constant 0 : index
    %get3A_19 = vector.load %arg3[%get3A_17, %get3A_18] : memref<1000x128xf32, #tpu.memory_space<vmem>>, vector<1000x128xf32>
    %add3A_20 = arith.addf %dot_general3A_16, %get3A_19 : vector<1000x128xf32>
    %max3A = arith.constant 0.000000e+00 : f32
    %max3A_21 = vector.broadcast %max3A : f32 to vector<1000x128xf32>
    %max3A_22 = arith.maximumf %add3A_20, %max3A_21 : vector<1000x128xf32>
    %get3A_23 = arith.constant 0 : index
    %get3A_24 = arith.constant 0 : index
    %get3A_25 = vector.load %arg5[%get3A_23, %get3A_24] : memref<128x121xf32, #tpu.memory_space<vmem>>, vector<128x121xf32>
    %dot_general3A_26 = arith.constant dense<0.000000e+00> : vector<1000x121xf32>
    %dot_general3A_27 = tpu.matmul %max3A_22, %get3A_25, %dot_general3A_26 {dimension_numbers = #tpu.dot_dimension_numbers<[1], [0], [0], [1], [0, 0, 1, 1], [], []>, transpose_lhs_hint = false} : vector<1000x128xf32>, vector<128x121xf32>, vector<1000x121xf32> -> vector<1000x121xf32>
    %get3A_28 = arith.constant 0 : index
    %get3A_29 = arith.constant 0 : index
    %get3A_30 = vector.load %arg6[%get3A_28, %get3A_29] : memref<1x121xf32, #tpu.memory_space<vmem>>, vector<1x121xf32>
    %add3A_31 = vector.broadcast %get3A_30 : vector<1x121xf32> to vector<1000x121xf32>
    %add3A_32 = arith.addf %dot_general3A_27, %add3A_31 : vector<1000x121xf32>
    %swap3A = arith.constant 0 : index
    %swap3A_33 = arith.constant 0 : index
    %swap3A_34 = vector.load %arg7[%swap3A, %swap3A_33] : memref<1000x121xf32, #tpu.memory_space<vmem>>, vector<1000x121xf32>
    tpu.vector_store %arg7[%swap3A, %swap3A_33], %add3A_32 {strides = array<i32>} : memref<1000x121xf32, #tpu.memory_space<vmem>>, vector<1000x121xf32>,
    return
  }
  func.func @transform_0(%arg0: i32) -> (i32, i32, i32) {
    %c0_i32 = arith.constant 0 : i32
    %c0_i32_0 = arith.constant 0 : i32
    %c0_i32_1 = arith.constant 0 : i32
    return %c0_i32, %arg0, %c0_i32_0 : i32, i32, i32
  }
  func.func @transform_1(%arg0: i32) -> (i32, i32) {
    %c0_i32 = arith.constant 0 : i32
    %c0_i32_0 = arith.constant 0 : i32
    return %arg0, %c0_i32 : i32, i32
  }
  func.func @transform_2(%arg0: i32) -> (i32, i32) {
    %c0_i32 = arith.constant 0 : i32
    %c0_i32_0 = arith.constant 0 : i32
    return %arg0, %c0_i32 : i32, i32
  }
  func.func @transform_3(%arg0: i32) -> (i32, i32) {
    %c0_i32 = arith.constant 0 : i32
    %c0_i32_0 = arith.constant 0 : i32
    %c0_i32_1 = arith.constant 0 : i32
    return %c0_i32, %c0_i32_0 : i32, i32
  }
  func.func @transform_4(%arg0: i32) -> (i32, i32) {
    %c0_i32 = arith.constant 0 : i32
    %c0_i32_0 = arith.constant 0 : i32
    %c0_i32_1 = arith.constant 0 : i32
    return %c0_i32, %c0_i32_0 : i32, i32
  }
  func.func @transform_5(%arg0: i32) -> (i32, i32) {
    %c0_i32 = arith.constant 0 : i32
    %c0_i32_0 = arith.constant 0 : i32
    %c0_i32_1 = arith.constant 0 : i32
    return %c0_i32, %c0_i32_0 : i32, i32
  }
  func.func @transform_6(%arg0: i32) -> (i32, i32) {
    %c0_i32 = arith.constant 0 : i32
    %c0_i32_0 = arith.constant 0 : i32
    return %arg0, %c0_i32 : i32, i32
  }
}

</mosaic_0001>

<sc_bundles>
// kernel: kernel.10.cloned.1.call-start
scs
__scs_entry_jumppad:
0x0: {  	(pc) =	sbr.rel $0x88, $3  }
0x1: {  	(tag) =	ssettag $0x0;
	lr =	simm.s32 $0x1  }
0x2: {  	[smem:$0x3F99] =	sst lr;
	_ =	strace $0xD0000000  }
0x3: {  	_ = 	snop  }
0x4: {  	_ = 	snop  }
0x5: {  	_ = 	snop  }
0x6: {  	_ = 	snop  }
0x7: {  	_ = 	snop  }
__scs_overlays_trampoline_lowered:
0x8: {  	[smem:$0x3FA8] =	sst s0  }
0x9: {  	[smem:$0x3FA9] =	sst s1  }
0xa: {  	[smem:$0x3FAA] =	sst s2  }
0xb: {  	[smem:$0x3FAB] =	sst s3  }
0xc: {  	[smem:$0x3FAC] =	sst s4  }
0xd: {  	[smem:$0x3FAD] =	sst s5  }
0xe: {  	[smem:$0x3FAE] =	sst s6  }
0xf: {  	[smem:$0x3FAF] =	sst s7  }
0x10: {  	[smem:$0x3FB0] =	sst s8  }
0x11: {  	[smem:$0x3FB1] =	sst s9;
	s0 =	simm.s32 @!p0 $0x0  }
0x12: {  	s1 =	sld [smem:$0x3F97];
	s0 =	simm.s32 @p0 $0x1  }
0x13: {  	[smem:$0x3FB2] =	sst s0;
	s0 =	simm.s32 @!p1 $0x0  }
0x14: {  	s2 =	sld [smem:$0x3F96];
	s0 =	simm.s32 @p1 $0x1  }
0x15: {  	[smem:$0x3FB3] =	sst s0;
	s0 =	simm.s32 @!p2 $0x0  }
0x16: {  	s3 =	sld [smem:$0x3FDB];
	s0 =	simm.s32 @p2 $0x1  }
0x17: {  	s4 =	simm.s32 $0x1BF5;
	[smem:$0x3FB5] =	sst s0  }
0x18: {  	s0 =	sld [smem:$0x3F98];
	_ =	swait.ge [sflag:s4], $0x0  }
0x19: {  	s7 =	sld [smem:$0x3F99]  }
0x1a: {  	s8 =	sadd.s32 $0xFFFFE003, lr  }
0x1b: {  	s9 =	sadd.s32 $0xFFFFFEF7, lr;
	s5 =	simm.s32 $0xFFFFFFFF;
	p2 =	slt.u32 s8, $0xFFFFF086  }
0x1c: {  	p1 =	slt.u32 s9, $0xF7A;
	s5 =	simm.s32 @!p2 $0x0  }
0x1d: {  	s5 =	simm.s32 @p1 $0x1;
	p0 =	seq.s32 s7, s2  }
0x1e: {  	s7 =	smul.u32 @!p0 $0xF7A, s2;
	p2 =	seq.s32 @!p0 s5, $0x0  }
0x1f: {  	s9 =	smul.u32 $0xF7A, s1;
	s8 =	simm.s32 @!p0 $0x1BF5;
	p2 =	por !p2, p0  }
0x20: {  	[sflag:s8] =	ssyncset.s32 @!p0 $0xFFFFF086;
	s6 =	sadd.s32 @!p0 s3, s7;
	s7 =	simm.s32 @!p0 $0x108  }
0x21: {  	s3 =	sadd.s32 s3, s9;
	s6 =	sadd.s32 @!p0 $0x88, s6;
	s7 =	simm.s32 @p2 $0x1082  }
0x22: {  	[simem:s7], [sflag:s8] =	dma.local @!p0 [hbm:s6], $0xF7A  }
0x23: {  	s9 =	sor.u32 $0xD0000000, s2;
	s6 =	simm.s32 $0x108;
	_ =	swait.ge @!p0 [sflag:s8], $0x0  }
0x24: {  	s3 =	sadd.s32 $0x88, s3;
	s6 =	simm.s32 @!p1 $0x1082;
	[sflag:s4] =	ssyncset.s32 $0xFFFFF086  }
0x25: {  	[simem:s6], [sflag:s4] =	dma.local [hbm:s3], $0xF7A  }
0x26: {  	[smem:$0x3F99] =	sst s1;
	(tag) =	ssettag s2;
	_ =	strace s9  }
0x27: {  	s1 =	sld [smem:$0x3FA9]  }
0x28: {  	s2 =	sld [smem:$0x3FAA]  }
0x29: {  	s4 =	sld [smem:$0x3FAC]  }
0x2a: {  	p0 =	seq.s32 s5, $0x0;
	s5 =	sld [smem:$0x3FAD]  }
0x2b: {  	s6 =	sld [smem:$0x3FAE]  }
0x2c: {  	s7 =	sld [smem:$0x3FAF]  }
0x2d: {  	s3 =	simm.s32 $0x108;
	s8 =	sld [smem:$0x3FB0]  }
0x2e: {  	s3 =	simm.s32 @!p0 $0x1082;
	s9 =	sld [smem:$0x3FB1]  }
0x2f: {  	lr =	sadd.s32 s0, s3;
	s0 =	sld [smem:$0x3FA8]  }
0x30: {  	s3 =	sld [smem:$0x3FAB]  }
0x31: {  	[smem:$0x3FB4] =	sst s10  }
0x32: {  	s10 =	sld [smem:$0x3FB2];
	_ =	sdelay $0x3  }
0x33: {  	p0 =	seq.s32 s10, $0x1;
	s10 =	sld [smem:$0x3FB4];
	_ =	sdelay $0x3  }
0x34: {  	[smem:$0x3FB4] =	sst s10  }
0x35: {  	s10 =	sld [smem:$0x3FB3];
	_ =	sdelay $0x3  }
0x36: {  	p1 =	seq.s32 s10, $0x1;
	s10 =	sld [smem:$0x3FB4];
	_ =	sdelay $0x3  }
0x37: {  	[smem:$0x3FB4] =	sst s10  }
0x38: {  	s10 =	sld [smem:$0x3FB5]  }
0x39: {  	_ = 	snop;
	(pc) =	sbr.ind lr, $3  }
0x3a: {  	_ = 	snop  }
0x3b: {  	_ = 	snop  }
0x3c: {  	p2 =	seq.s32 s10, $0x1;
	s10 =	sld [smem:$0x3FB4]  }
0x3d: {  	_ =	shalt  }
0x3e: {  	_ =	shalt  }
0x3f: {  	_ =	shalt  }
0x40: {  	_ =	shalt  }
0x41: {  	_ =	shalt  }
0x42: {  	_ =	shalt  }
0x43: {  	_ =	shalt  }
0x44: {  	_ =	shalt  }
0x45: {  	_ =	shalt  }
0x46: {  	_ =	shalt  }
0x47: {  	_ =	shalt  }
0x48: {  	_ =	shalt  }
0x49: {  	_ =	shalt  }
0x4a: {  	_ =	shalt  }
0x4b: {  	_ =	shalt  }
0x4c: {  	_ =	shalt  }
0x4d: {  	_ =	shalt  }
0x4e: {  	_ =	shalt  }
0x4f: {  	_ =	shalt  }
0x50: {  	_ =	shalt  }
0x51: {  	_ =	shalt  }
0x52: {  	_ =	shalt  }
0x53: {  	_ =	shalt  }
0x54: {  	_ =	shalt  }
0x55: {  	_ =	shalt  }
0x56: {  	_ =	shalt  }
0x57: {  	_ =	shalt  }
0x58: {  	_ =	shalt  }
0x59: {  	_ =	shalt  }
0x5a: {  	_ =	shalt  }
0x5b: {  	_ =	shalt  }
0x5c: {  	_ =	shalt  }
0x5d: {  	_ =	shalt  }
0x5e: {  	_ =	shalt  }
0x5f: {  	_ =	shalt  }
0x60: {  	_ =	shalt  }
0x61: {  	_ =	shalt  }
0x62: {  	_ =	shalt  }
0x63: {  	_ =	shalt  }
0x64: {  	_ =	shalt  }
0x65: {  	_ =	shalt  }
0x66: {  	_ =	shalt  }
0x67: {  	_ =	shalt  }
0x68: {  	_ =	shalt  }
0x69: {  	_ =	shalt  }
0x6a: {  	_ =	shalt  }
0x6b: {  	_ =	shalt  }
0x6c: {  	_ =	shalt  }
0x6d: {  	_ =	shalt  }
0x6e: {  	_ =	shalt  }
0x6f: {  	_ =	shalt  }
0x70: {  	_ =	shalt  }
0x71: {  	_ =	shalt  }
0x72: {  	_ =	shalt  }
0x73: {  	_ =	shalt  }
0x74: {  	_ =	shalt  }
0x75: {  	_ =	shalt  }
0x76: {  	_ =	shalt  }
0x77: {  	_ =	shalt  }
0x78: {  	_ =	shalt  }
0x79: {  	_ =	shalt  }
0x7a: {  	_ =	shalt  }
0x7b: {  	_ =	shalt  }
0x7c: {  	_ =	shalt  }
0x7d: {  	_ =	shalt  }
0x7e: {  	_ =	shalt  }
0x7f: {  	_ =	shalt  }
0x80: {  	_ =	shalt  }
0x81: {  	_ =	shalt  }
0x82: {  	_ =	shalt  }
0x83: {  	_ =	shalt  }
0x84: {  	_ =	shalt  }
0x85: {  	_ =	shalt  }
0x86: {  	_ =	shalt  }
0x87: {  	_ =	shalt  }
.Lfunc_end0:
.L_simem_size_0:
called_computation.1_lowered:
.L_overlay_start_0:
0x88: {  	s2 =	sld [smem:$0x3FD9]  }
0x89: {  	s3 =	sld [smem:$0x3FFE];
	_ =	sdelay $0x1  }
0x8a: {  	s1 =	srdreg.scid  }
0x8b: {  	s0 =	sand.u32 $0x1, s1  }
0x8c: {  	s17 =	sshll.u32 s0, $0xA;
	s2 =	sadd.s32 s3, s2  }
0x8d: {  	s2 =	sadd.s32 s2, s17  }
0x8e: {  	[smem:$0x3FC0] =	sst s2  }
0x8f: {  	_ = 	snop  }
0x90: {  	s2 =	sld [smem:$0x3FD0];
	(tm) =	ssettm $0x1  }
0x91: {  	s18 =	sld [smem:$0x3FFB];
	_ =	sdelay $0x3  }
0x92: {  	_ =	strace s18  }
0x93: {  	s3 =	sld [smem:$0x3FFC];
	_ =	sdelay $0x3  }
0x94: {  	_ =	strace s3  }
0x95: {  	s3 =	sld [smem:$0x3FFD];
	_ =	sdelay $0x3  }
0x96: {  	_ =	strace s3  }
0x97: {  	_ =	strace $0x8FFFFFFF  }
0x98: {  	s19 =	sld [smem:$0x3FDB];
	_ =	sdelay $0x1  }
0x99: {  	s4 =	simm.s32 $_scs_section_size  }
0x9a: {  	s5 =	simm.s32 $_size__tile_overlayer_lowered;
	s6 =	simm.s32 $_tile_overlayer_lowered  }
0x9b: {  	s22 =	simm.s32 $0x1BFF;
	s21 =	sshll.u32 s6, $0x1;
	s3 =	sadd.s32 s4, s19  }
0x9c: {  	s7 =	simm.s32 $0x0;
	s20 =	sshll.u32 s5, $0x1;
	s5 =	sadd.s32 s21, s3  }
0x9d: {  	[timem:s7], [sflag:s22] =	dma.local [hbm:s5], s20  }
0x9e: {  	_ =	swait.ge [sflag:s22], s20  }
0x9f: {  	s4 =	ssub.s32 $0x0, s20;
	[sflag:s22] =	ssyncset.done $0x0  }
0xa0: {  	[sflag:s22] =	ssyncadd.s32 s4;
	_ =	sdelay $0x1  }
0xa1: {  	s23 =	simm.s32 $0x1B8B  }
0xa2: {  	_ =	swait.ge [sflag:s23], $0x1  }
0xa3: {  	[sflag:s23] =	ssyncset.done $0x0  }
0xa4: {  	s25 =	simm.s32 $0x1B8E;
	s24 =	sld [smem:$0x3FFE];
	[sflag:s23] =	ssyncadd.s32 $0xFFFFFFFF  }
0xa5: {  	s26 =	simm.s32 $execute0_lowered;
	[smem:$0x3FD2] =	sst s25  }
0xa6: {  	s5 =	sshll.u32 s26, $0x1;
	_ =	strace $0x80000049;
	[dreg:$0x1] =	wrdreg $0xFFFFFFFF  }
0xa7: {  	s28 =	simm.s32 $_size_execute0_lowered;
	s3 =	sadd.s32 s3, s5;
	[dreg:$0x0] =	wrdreg $0x0  }
0xa8: {  	s5 =	sshll.u32 s28, $0x1;
	[dreg:$0x2] =	wrdreg s3  }
0xa9: {  	[dreg:$0x3] =	wrdreg s5  }
0xaa: {  	[dreg:$0x4] =	wrdreg $0xC0  }
0xab: {  	_ =	task [dreg:s7], $0x5FFFF  }
0xac: {  	[dreg:$0x1] =	wrdreg $0xFFFFFFFF  }
0xad: {  	[dreg:$0x0] =	wrdreg $0x60  }
0xae: {  	[dreg:$0x2] =	wrdreg s2  }
0xaf: {  	[dreg:$0x3] =	wrdreg s24  }
0xb0: {  	[dreg:$0x4] =	wrdreg $0x4E800  }
0xb1: {  	[dreg:$0x5] =	wrdreg $0x9  }
0xb2: {  	_ =	task.clear_ibuf [dreg:s7], $0x6FFFF;
	_ =	strace $0x90000049  }
0xb3: {  	s29 =	simm.s32 $0x9;
	_ =	strace $0x8000004B  }
0xb4: {  	_ =	swait.ge [sflag:s29], $0x1  }
0xb5: {  	[sflag:s29] =	ssyncadd.s32 $0xFFFFFFFF  }
0xb6: {  	_ =	strace $0x9000004B  }
0xb7: {  	_ =	sfence  }
0xb8: {  	s30 =	sld [smem:$0x0];
	_ =	sdelay $0x2  }
0xb9: {  	s31 =	sshll.u32 s1, $0xD;
	s1 =	sshrl.u32 s1, $0x2  }
0xba: {  	s3 =	sand.u32 $0x4000, s31;
	s1 =	sadd.s32 s1, s30  }
0xbb: {  	s0 =	sor.u32 s3, s0;
	s1 =	sshll.u32 s1, $0x11  }
0xbc: {  	s0 =	sor.u32 s1, s0  }
0xbd: {  	s0 =	sadd.s32 $0x8F2B, s0  }
0xbe: {  	[sflag:s0] =	ssyncadd.remote.s32 $0x1  }
0xbf: {  	_ =	sfence.sel $0xFFFF  }
0xc0: {  	[dreg:$0x0] =	wrdreg $0xFFFFFFFF;
	(pc) =	sbr.abs _section_cstart, $3  }
0xc1: {  	[dreg:$0x1] =	wrdreg $0xFFFFFFFF  }
0xc2: {  	_ =	task.clear_ibuf [dreg:s7], $0x2FFFF;
	_ =	strace $0x9FFFFFFF  }
0xc3: {  	(tm) =	ssettm $0x7FFFFFFF  }
tec
execute0_lowered:
.L_overlay_start_1:
0x0: {  	(tag) =	ssettag $0x1  }
0x1: {  	s1 =	rddreg [dreg:$0x0]  }
0x2: {  	s0 =	rddreg [dreg:$0x1]  }
0x3: {  	s3 =	rddreg [dreg:$0x2];
	s4 =	simm.s32 $0x0;
	s11 =	stileid.u32  }
0x4: {  	s6 =	srdreg.scid;
	s18 =	simm.s32 $0x800;
	s19 =	simm.s32 $0x5  }
0x5: {  	s20 =	simm.s32 $0xFA;
	s21 =	simm.s32 $0x1000;
	s22 =	simm.s32 $0x1  }
0x6: {  	s29 =	simm.s32 $0x900;
	s24 =	simm.s32 $0x2F40;
	s2 =	smul.u32 $0x1900, s11  }
0x7: {  	s28 =	simm.s32 $0x3;
	s31 =	simm.s32 $0x4;
	s5 =	smul.u32 $0x32000, s11  }
0x8: {  	[smem:$0x7FF] =	sst s4;
	s6 =	sand.u32 $0x1, s6;
	s7 =	smul.u32 $0x64000, s11  }
0x9: {  	s8 =	sadd.s32 $0x33C00, s0;
	s26 =	sadd.s32 $0x65C00, s0;
	p1 =	seq.s32 s11, $0xF  }
0xa: {  	_ =	strace $0x8000004A;
	[dreg:$0x4] =	wrdreg s8;
	s25 =	ssub.s32 $0x2, s6  }
0xb: {  	p0 =	seq.s32 s6, $0x1;
	[dreg:$0x8] =	wrdreg s26;
	s2 =	sadd.s32 s2, s0  }
0xc: {  	s9 =	sshrl.u32 s5, $0x4;
	s10 =	sshrl.u32 s25, $0x1;
	s7 =	sshrl.u32 s7, $0x2  }
0xd: {  	s5 =	sshrl.u32 s5, $0x1;
	[dreg:$0x5] =	wrdreg s9;
	s9 =	sadd.s32 s9, s0  }
0xe: {  	s8 =	ssub.s32 s25, s10;
	s6 =	sadd.s32 s7, s3;
	s5 =	sadd.s32 s5, s3  }
0xf: {  	s7 =	sadd.s32 $0x177000, s3;
	s0 =	sadd.s32 $0x67B40, s0;
	[dreg:$0x7] =	wrdreg s5  }
0x10: {  	s10 =	sadd.s32 $0x30D40, s1;
	s9 =	sadd.s32 $0x36E00, s9;
	[dreg:$0x9] =	wrdreg s0  }
.Ltmp0:
0x11: {  	s30 =	smax.u32 s8, $0x1;
	[dreg:$0x6] =	wrdreg s9;
	(pc) =	sbr.rel .LBB2_1-.Ltmp0, $4  }
0x12: {  	s0 =	sshll.u32 @!p1 s11, $0x6;
	s26 =	sshrl.u32 @p1 s7, $0x3;
	[dreg:$0xa] =	wrdreg s30  }
0x13: {  	s23 =	sor.u32 @!p1 $0x1C05, s0;
	s0 =	sshrl.u32 @!p1 s6, $0x3;
	[dreg:$0xb] =	wrdreg s26  }
0x14: {  	s13 =	sadd.s32 $0x1C00, s2;
	s14 =	sadd.s32 $0x1AC00, s2;
	[dreg:$0xd] =	wrdreg s0  }
0x15: {  	s25 =	simm.s32 $0x2;
	s0 =	simm.s32 $0x0;
	[dreg:$0xc] =	wrdreg s23  }
.LBB2_7:
0x16: {  	s15 =	sadd.s32 s16, s14;
	[sflag:s31] =	ssyncadd.s32 $0xFFFFE0C0  }
0x17: {  	[tilespmem:s18], [sflag:$0x5] =	stream.linear.gather [hbm4b:s15+s4], $0x800, $0x38;
	[tilespmem:$0x1D520] =	vst v63  }
0x18: {  	_ =	swait.ge [sflag:s19], $0x800  }
0x19: {  	[sflag:s19] =	ssyncset.done $0x0  }
0x1a: {  	s23 =	sadd.s32 s16, s13;
	[sflag:s19] =	ssyncadd.s32 $0xFFFFF800  }
0x1b: {  	[tilespmem:s4], [sflag:$0x5] =	stream.linear.gather [hbm4b:s23+s4], $0x800, $0x38;
	[tilespmem:$0x1D520] =	vst v63  }
0x1c: {  	_ =	swait.ge [sflag:s19], $0x800  }
0x1d: {  	[sflag:s19] =	ssyncset.done $0x0  }
0x1e: {  	[sflag:s19] =	ssyncadd.s32 $0xFFFFF800  }
0x1f: {  	[tilespmem:s21], [sflag:$0x1] =	stream.indirect.gather [hbm4b:s10+s20], $0x20, s18, s20, $0xb8;
	[tilespmem:$0x1D520] =	vst v63  }
0x20: {  	_ =	swait.ge [sflag:s22], $0x1F40  }
0x21: {  	[sflag:s22] =	ssyncset.done $0x0  }
0x22: {  	[sflag:s22] =	ssyncadd.s32 $0xFFFFE0C0  }
0x23: {  	[spmem:s3] =	stream.indirect.scatter.add.bf16 [tilespmem:s21], [sflag:$0x3], $0x20, s4, s20, $0xb8;
	[tilespmem:$0x1D520] =	vst v63  }
0x24: {  	_ = 	snop  }
0x25: {  	[tilespmem:s24], [sflag:$0x2] =	stream.indirect.gather [hbm4b:s10+s20], $0x20, s29, s20, $0xb8;
	[tilespmem:$0x1D520] =	vst v63  }
0x26: {  	_ =	swait.ge [sflag:s25], $0x1F40  }
0x27: {  	[sflag:s25] =	ssyncset.done $0x0  }
0x28: {  	[sflag:s25] =	ssyncadd.s32 $0xFFFFE0C0  }
0x29: {  	[spmem:s3] =	stream.indirect.scatter.add.bf16 [tilespmem:s24], [sflag:$0x4], $0x20, s26, s20, $0xb8;
	[tilespmem:$0x1D520] =	vst v63  }
0x2a: {  	_ =	swait.ge [sflag:s28], $0x1F40  }
0x2b: {  	[sflag:s28] =	ssyncset.done $0x0  }
0x2c: {  	[sflag:s28] =	ssyncadd.s32 $0xFFFFE0C0  }
0x2d: {  	[tilespmem:s21], [sflag:$0x1] =	stream.indirect.gather [hbm4b:s10+s20], $0x20, s30, s20, $0xb8;
	[tilespmem:$0x1D520] =	vst v63  }
0x2e: {  	_ =	swait.ge [sflag:s22], $0x1F40  }
0x2f: {  	[sflag:s22] =	ssyncset.done $0x0  }
0x30: {  	[sflag:s22] =	ssyncadd.s32 $0xFFFFE0C0  }
0x31: {  	[spmem:s3] =	stream.indirect.scatter.add.bf16 [tilespmem:s21], [sflag:$0x3], $0x20, s0, s20, $0xb8;
	[tilespmem:$0x1D520] =	vst v63  }
0x32: {  	_ =	swait.ge [sflag:s31], $0x1F40  }
0x33: {  	[sflag:s31] =	ssyncset.done $0x0  }
0x34: {  	[sflag:s31] =	ssyncadd.s32 $0xFFFFE0C0  }
0x35: {  	[tilespmem:s24], [sflag:$0x2] =	stream.indirect.gather [hbm4b:s10+s20], $0x20, s2, s20, $0xb8;
	[tilespmem:$0x1D520] =	vst v63  }
0x36: {  	_ =	swait.ge [sflag:s25], $0x1F40  }
0x37: {  	[sflag:s25] =	ssyncset.done $0x0  }
0x38: {  	[sflag:s25] =	ssyncadd.s32 $0xFFFFE0C0  }
0x39: {  	[spmem:s3] =	stream.indirect.scatter.add.bf16 [tilespmem:s24], [sflag:$0x4], $0x20, s7, s20, $0xb8;
	[tilespmem:$0x1D520] =	vst v63  }
0x3a: {  	_ =	swait.ge [sflag:s28], $0x1F40  }
0x3b: {  	[sflag:s28] =	ssyncset.done $0x0  }
0x3c: {  	[sflag:s28] =	ssyncadd.s32 $0xFFFFE0C0  }
0x3d: {  	[tilespmem:s21], [sflag:$0x1] =	stream.indirect.gather [hbm4b:s10+s20], $0x20, s9, s20, $0xb8;
	[tilespmem:$0x1D520] =	vst v63  }
0x3e: {  	_ =	swait.ge [sflag:s22], $0x1F40  }
0x3f: {  	[sflag:s22] =	ssyncset.done $0x0  }
0x40: {  	[sflag:s22] =	ssyncadd.s32 $0xFFFFE0C0  }
0x41: {  	[spmem:s3] =	stream.indirect.scatter.add.bf16 [tilespmem:s21], [sflag:$0x3], $0x20, s6, s20, $0xb8;
	[tilespmem:$0x1D520] =	vst v63  }
0x42: {  	_ =	swait.ge [sflag:s31], $0x1F40  }
0x43: {  	[sflag:s31] =	ssyncset.done $0x0  }
0x44: {  	[sflag:s31] =	ssyncadd.s32 $0xFFFFE0C0  }
0x45: {  	[tilespmem:s24], [sflag:$0x2] =	stream.indirect.gather [hbm4b:s10+s20], $0x20, s8, s20, $0xb8;
	[tilespmem:$0x1D520] =	vst v63  }
0x46: {  	_ =	swait.ge [sflag:s25], $0x1F40  }
0x47: {  	[sflag:s25] =	ssyncset.done $0x0  }
0x48: {  	[sflag:s25] =	ssyncadd.s32 $0xFFFFE0C0  }
0x49: {  	[spmem:s3] =	stream.indirect.scatter.add.bf16 [tilespmem:s24], [sflag:$0x4], $0x20, s11, s20, $0xb8;
	[tilespmem:$0x1D520] =	vst v63  }
0x4a: {  	_ =	swait.ge [sflag:s28], $0x1F40  }
0x4b: {  	[sflag:s28] =	ssyncset.done $0x0  }
0x4c: {  	[sflag:s28] =	ssyncadd.s32 $0xFFFFE0C0  }
0x4d: {  	[tilespmem:s21], [sflag:$0x1] =	stream.indirect.gather [hbm4b:s10+s20], $0x20, s12, s20, $0xb8;
	[tilespmem:$0x1D520] =	vst v63  }
0x4e: {  	_ =	swait.ge [sflag:s22], $0x1F40  }
0x4f: {  	[sflag:s22] =	ssyncset.done $0x0  }
0x50: {  	[sflag:s22] =	ssyncadd.s32 $0xFFFFE0C0  }
0x51: {  	[spmem:s3] =	stream.indirect.scatter.add.bf16 [tilespmem:s21], [sflag:$0x3], $0x20, s17, s20, $0xb8;
	[tilespmem:$0x1D520] =	vst v63  }
0x52: {  	_ =	swait.ge [sflag:s31], $0x1F40  }
0x53: {  	[sflag:s31] =	ssyncset.done $0x0  }
0x54: {  	[sflag:s31] =	ssyncadd.s32 $0xFFFFE0C0  }
0x55: {  	[tilespmem:s24], [sflag:$0x2] =	stream.indirect.gather [hbm4b:s10+s20], $0x20, s5, s20, $0xb8;
	[tilespmem:$0x1D520] =	vst v63  }
0x56: {  	_ =	swait.ge [sflag:s25], $0x1F40  }
0x57: {  	[sflag:s25] =	ssyncset.done $0x0  }
0x58: {  	s30 =	simm.s32 $0x700;
	[sflag:s25] =	ssyncadd.s32 $0xFFFFE0C0  }
0x59: {  	[spmem:s3] =	stream.indirect.scatter.add.bf16 [tilespmem:s24], [sflag:$0x4], $0x20, s30, s20, $0xb8;
	[tilespmem:$0x1D520] =	vst v63  }
0x5a: {  	_ =	swait.ge [sflag:s28], $0x1F40  }
0x5b: {  	[sflag:s28] =	ssyncset.done $0x0  }
0x5c: {  	[sflag:s28] =	ssyncadd.s32 $0xFFFFE0C0  }
0x5d: {  	_ =	swait.ge [sflag:s31], $0x1F40  }
0x5e: {  	[sflag:s31] =	ssyncset.done $0x0  }
0x5f: {  	[sflag:s31] =	ssyncadd.s32 $0xFFFFE0C0  }
0x60: {  	[bflag:$0x0] =	sbarrier.arrive $0xFFFF  }
0x61: {  	s23 =	rddreg [dreg:$0x9]  }
0x62: {  	s16 =	simm.s32 @p1 $0x1FC5;
	s26 =	rddreg [dreg:$0xb];
	s15 =	sadd.s32 @p1 $0x2EE00, s23  }
0x63: {  	[hbm:s15], [sflag:s16] =	dma.local @p1 [spmem:s26], $0x1F40  }
0x64: {  	s15 =	simm.s32 @p1 $0x5  }
0x65: {  	_ =	swait.ge @p1 [sflag:s15], $0x1F40  }
0x66: {  	[sflag:s15] =	ssyncset.done @p1 $0x0;
	s0 =	rddreg [dreg:$0xf]  }
0x67: {  	[sflag:s15] =	ssyncadd.s32 @p1 $0xFFFFE0C0;
	s15 =	rddreg [dreg:$0x5]  }
0x68: {  	s15 =	sadd.s32 @!p1 s15, s23;
	s23 =	rddreg [dreg:$0xc]  }
0x69: {  	[hbm:s15], [sflag:s23] =	dma.local @!p1 [spmem:s0], $0x3200  }
0x6a: {  	s15 =	simm.s32 @!p1 $0x5  }
0x6b: {  	_ =	swait.ge @!p1 [sflag:s15], $0x3200  }
0x6c: {  	[sflag:s15] =	ssyncset.done @!p1 $0x0  }
0x6d: {  	s0 =	rddreg [dreg:$0xe];
	[sflag:s15] =	ssyncadd.s32 @!p1 $0xFFFFCE00  }
.LBB2_8:
0x6e: {  	s0 =	sadd.s32 $0x1, s0;
	s15 =	rddreg [dreg:$0xa]  }
0x6f: {  	p2 =	sne.s32 s0, s15  }
.Ltmp1:
0x70: {  	_ = 	snop;
	(pc) =	sbr.rel @!p2 .LBB2_9-.Ltmp1, $2  }
0x71: {  	_ =	sdelay $0x1  }
0x72: {  	[bflag:$0x0] =	sbarrier.arrive $0xFFFF;
	_ =	sdelay $0x1  }
.LBB2_1:
.Ltmp2:
0x73: {  	(pc) =	sbr.rel @!p0 .LBB2_2-.Ltmp2, $4  }
0x74: {  	_ = 	snop  }
0x75: {  	s15 =	rddreg [dreg:$0x7]  }
0x76: {  	[dreg:$0xe] =	wrdreg s0;
	s0 =	sshrl.u32 @!p1 s15, $0x3  }
0x77: {  	[dreg:$0xf] =	wrdreg s0  }
0x78: {  	s15 =	simm.s32 @p1 $0x1FC5;
	s16 =	rddreg [dreg:$0x4]  }
0x79: {  	[spmem:s26], [sflag:s15] =	dma.local @p1 [hbm:s16], $0x1F40  }
0x7a: {  	s15 =	simm.s32 @p1 $0x5  }
0x7b: {  	_ =	swait.ge @p1 [sflag:s15], $0x1F40  }
0x7c: {  	[sflag:s15] =	ssyncset.done @p1 $0x0  }
0x7d: {  	[sflag:s15] =	ssyncadd.s32 @p1 $0xFFFFE0C0;
	s15 =	rddreg [dreg:$0xd]  }
0x7e: {  	[spmem:s15], [sflag:s23] =	dma.local @!p1 [hbm:s16], $0x3200  }
0x7f: {  	s15 =	simm.s32 @!p1 $0x5  }
0x80: {  	_ =	swait.ge @!p1 [sflag:s15], $0x3200  }
0x81: {  	[sflag:s15] =	ssyncset.done @!p1 $0x0  }
0x82: {  	[sflag:s15] =	ssyncadd.s32 @!p1 $0xFFFFCE00  }
0x83: {  	s17 =	sadd.s32 $0x0, s14;
	[bflag:$0x0] =	sbarrier.arrive $0xFFFF  }
0x84: {  	[tilespmem:s18], [sflag:$0x5] =	stream.linear.gather [hbm4b:s17+s4], $0x800, $0x38;
	[tilespmem:$0x1D520] =	vst v63  }
0x85: {  	_ =	swait.ge [sflag:s19], $0x800  }
0x86: {  	[sflag:s19] =	ssyncset.done $0x0  }
0x87: {  	s23 =	sadd.s32 $0x0, s13;
	[sflag:s19] =	ssyncadd.s32 $0xFFFFF800  }
0x88: {  	[tilespmem:s4], [sflag:$0x5] =	stream.linear.gather [hbm4b:s23+s4], $0x800, $0x38;
	[tilespmem:$0x1D520] =	vst v63  }
0x89: {  	_ =	swait.ge [sflag:s19], $0x800  }
0x8a: {  	[sflag:s19] =	ssyncset.done $0x0  }
0x8b: {  	[sflag:s19] =	ssyncadd.s32 $0xFFFFF800  }
0x8c: {  	[tilespmem:s21], [sflag:$0x1] =	stream.indirect.gather [hbm4b:s10+s20], $0x20, s18, s20, $0xb8;
	[tilespmem:$0x1D520] =	vst v63  }
0x8d: {  	_ =	swait.ge [sflag:s22], $0x1F40  }
0x8e: {  	[sflag:s22] =	ssyncset.done $0x0  }
0x8f: {  	[sflag:s22] =	ssyncadd.s32 $0xFFFFE0C0  }
0x90: {  	[spmem:s3] =	stream.indirect.scatter.add.bf16 [tilespmem:s21], [sflag:$0x3], $0x20, s4, s20, $0xb8;
	[tilespmem:$0x1D520] =	vst v63  }
0x91: {  	_ = 	snop  }
0x92: {  	[tilespmem:s24], [sflag:$0x2] =	stream.indirect.gather [hbm4b:s10+s20], $0x20, s29, s20, $0xb8;
	[tilespmem:$0x1D520] =	vst v63  }
0x93: {  	_ =	swait.ge [sflag:s25], $0x1F40  }
0x94: {  	[sflag:s25] =	ssyncset.done $0x0  }
0x95: {  	s26 =	simm.s32 $0x100;
	[sflag:s25] =	ssyncadd.s32 $0xFFFFE0C0  }
0x96: {  	[spmem:s3] =	stream.indirect.scatter.add.bf16 [tilespmem:s24], [sflag:$0x4], $0x20, s26, s20, $0xb8;
	[tilespmem:$0x1D520] =	vst v63  }
0x97: {  	_ =	swait.ge [sflag:s28], $0x1F40  }
0x98: {  	[sflag:s28] =	ssyncset.done $0x0  }
0x99: {  	s30 =	simm.s32 $0xA00;
	[sflag:s28] =	ssyncadd.s32 $0xFFFFE0C0  }
0x9a: {  	[tilespmem:s21], [sflag:$0x1] =	stream.indirect.gather [hbm4b:s10+s20], $0x20, s30, s20, $0xb8;
	[tilespmem:$0x1D520] =	vst v63  }
0x9b: {  	_ =	swait.ge [sflag:s22], $0x1F40  }
0x9c: {  	[sflag:s22] =	ssyncset.done $0x0  }
0x9d: {  	s0 =	simm.s32 $0x200;
	[sflag:s22] =	ssyncadd.s32 $0xFFFFE0C0  }
0x9e: {  	[spmem:s3] =	stream.indirect.scatter.add.bf16 [tilespmem:s21], [sflag:$0x3], $0x20, s0, s20, $0xb8;
	[tilespmem:$0x1D520] =	vst v63  }
0x9f: {  	_ =	swait.ge [sflag:s31], $0x1F40  }
0xa0: {  	[sflag:s31] =	ssyncset.done $0x0  }
0xa1: {  	s2 =	simm.s32 $0xB00;
	[sflag:s31] =	ssyncadd.s32 $0xFFFFE0C0  }
0xa2: {  	[tilespmem:s24], [sflag:$0x2] =	stream.indirect.gather [hbm4b:s10+s20], $0x20, s2, s20, $0xb8;
	[tilespmem:$0x1D520] =	vst v63  }
0xa3: {  	_ =	swait.ge [sflag:s25], $0x1F40  }
0xa4: {  	[sflag:s25] =	ssyncset.done $0x0  }
0xa5: {  	s7 =	simm.s32 $0x300;
	[sflag:s25] =	ssyncadd.s32 $0xFFFFE0C0  }
0xa6: {  	[spmem:s3] =	stream.indirect.scatter.add.bf16 [tilespmem:s24], [sflag:$0x4], $0x20, s7, s20, $0xb8;
	[tilespmem:$0x1D520] =	vst v63  }
0xa7: {  	_ =	swait.ge [sflag:s28], $0x1F40  }
0xa8: {  	[sflag:s28] =	ssyncset.done $0x0  }
0xa9: {  	s9 =	simm.s32 $0xC00;
	[sflag:s28] =	ssyncadd.s32 $0xFFFFE0C0  }
0xaa: {  	[tilespmem:s21], [sflag:$0x1] =	stream.indirect.gather [hbm4b:s10+s20], $0x20, s9, s20, $0xb8;
	[tilespmem:$0x1D520] =	vst v63  }
0xab: {  	_ =	swait.ge [sflag:s22], $0x1F40  }
0xac: {  	[sflag:s22] =	ssyncset.done $0x0  }
0xad: {  	s6 =	simm.s32 $0x400;
	[sflag:s22] =	ssyncadd.s32 $0xFFFFE0C0  }
0xae: {  	[spmem:s3] =	stream.indirect.scatter.add.bf16 [tilespmem:s21], [sflag:$0x3], $0x20, s6, s20, $0xb8;
	[tilespmem:$0x1D520] =	vst v63  }
0xaf: {  	_ =	swait.ge [sflag:s31], $0x1F40  }
0xb0: {  	[sflag:s31] =	ssyncset.done $0x0  }
0xb1: {  	s8 =	simm.s32 $0xD00;
	[sflag:s31] =	ssyncadd.s32 $0xFFFFE0C0  }
0xb2: {  	[tilespmem:s24], [sflag:$0x2] =	stream.indirect.gather [hbm4b:s10+s20], $0x20, s8, s20, $0xb8;
	[tilespmem:$0x1D520] =	vst v63  }
0xb3: {  	_ =	swait.ge [sflag:s25], $0x1F40  }
0xb4: {  	[sflag:s25] =	ssyncset.done $0x0  }
0xb5: {  	s11 =	simm.s32 $0x500;
	[sflag:s25] =	ssyncadd.s32 $0xFFFFE0C0  }
0xb6: {  	[spmem:s3] =	stream.indirect.scatter.add.bf16 [tilespmem:s24], [sflag:$0x4], $0x20, s11, s20, $0xb8;
	[tilespmem:$0x1D520] =	vst v63  }
0xb7: {  	_ =	swait.ge [sflag:s28], $0x1F40  }
0xb8: {  	[sflag:s28] =	ssyncset.done $0x0  }
0xb9: {  	s12 =	simm.s32 $0xE00;
	[sflag:s28] =	ssyncadd.s32 $0xFFFFE0C0  }
0xba: {  	[tilespmem:s21], [sflag:$0x1] =	stream.indirect.gather [hbm4b:s10+s20], $0x20, s12, s20, $0xb8;
	[tilespmem:$0x1D520] =	vst v63  }
0xbb: {  	_ =	swait.ge [sflag:s22], $0x1F40  }
0xbc: {  	[sflag:s22] =	ssyncset.done $0x0  }
0xbd: {  	s17 =	simm.s32 $0x600;
	[sflag:s22] =	ssyncadd.s32 $0xFFFFE0C0  }
0xbe: {  	[spmem:s3] =	stream.indirect.scatter.add.bf16 [tilespmem:s21], [sflag:$0x3], $0x20, s17, s20, $0xb8;
	[tilespmem:$0x1D520] =	vst v63  }
0xbf: {  	_ =	swait.ge [sflag:s31], $0x1F40  }
0xc0: {  	[sflag:s31] =	ssyncset.done $0x0  }
0xc1: {  	s5 =	simm.s32 $0xF00;
	[sflag:s31] =	ssyncadd.s32 $0xFFFFE0C0  }
0xc2: {  	[tilespmem:s24], [sflag:$0x2] =	stream.indirect.gather [hbm4b:s10+s20], $0x20, s5, s20, $0xb8;
	[tilespmem:$0x1D520] =	vst v63  }
0xc3: {  	_ =	swait.ge [sflag:s25], $0x1F40  }
0xc4: {  	[sflag:s25] =	ssyncset.done $0x0  }
0xc5: {  	s29 =	simm.s32 $0x700;
	[sflag:s25] =	ssyncadd.s32 $0xFFFFE0C0  }
0xc6: {  	[spmem:s3] =	stream.indirect.scatter.add.bf16 [tilespmem:s24], [sflag:$0x4], $0x20, s29, s20, $0xb8;
	[tilespmem:$0x1D520] =	vst v63  }
0xc7: {  	_ =	swait.ge [sflag:s28], $0x1F40  }
0xc8: {  	[sflag:s28] =	ssyncset.done $0x0  }
0xc9: {  	[sflag:s28] =	ssyncadd.s32 $0xFFFFE0C0  }
0xca: {  	_ =	swait.ge [sflag:s31], $0x1F40  }
0xcb: {  	s16 =	simm.s32 $0x100;
	s23 =	simm.s32 $0x200;
	[sflag:s31] =	ssyncset.done $0x0  }
.LBB2_6:
0xcc: {  	s26 =	sadd.s32 s16, s14  }
0xcd: {  	[sflag:s31] =	ssyncadd.s32 $0xFFFFE0C0;
	s29 =	smov.u32 s23;
	s15 =	sadd.s32 $0x100, s23  }
0xce: {  	[tilespmem:s18], [sflag:$0x5] =	stream.linear.gather [hbm4b:s26+s4], $0x800, $0x38;
	[tilespmem:$0x1D520] =	vst v63  }
0xcf: {  	s26 =	simm.s32 $0x100  }
0xd0: {  	p2 =	sne.s32 s23, $0x1800;
	_ =	swait.ge [sflag:s19], $0x800  }
0xd1: {  	s23 =	sadd.s32 s16, s13;
	[sflag:s19] =	ssyncset.done $0x0  }
0xd2: {  	s16 =	smov.u32 s29;
	s29 =	simm.s32 $0x900;
	[sflag:s19] =	ssyncadd.s32 $0xFFFFF800  }
0xd3: {  	[tilespmem:s4], [sflag:$0x5] =	stream.linear.gather [hbm4b:s23+s4], $0x800, $0x38;
	[tilespmem:$0x1D520] =	vst v63  }
0xd4: {  	_ =	swait.ge [sflag:s19], $0x800  }
0xd5: {  	[sflag:s19] =	ssyncset.done $0x0  }
0xd6: {  	[sflag:s19] =	ssyncadd.s32 $0xFFFFF800  }
0xd7: {  	[tilespmem:s21], [sflag:$0x1] =	stream.indirect.gather [hbm4b:s10+s20], $0x20, s18, s20, $0xb8;
	[tilespmem:$0x1D520] =	vst v63  }
0xd8: {  	_ =	swait.ge [sflag:s22], $0x1F40  }
0xd9: {  	[sflag:s22] =	ssyncset.done $0x0  }
0xda: {  	[sflag:s22] =	ssyncadd.s32 $0xFFFFE0C0  }
0xdb: {  	[spmem:s3] =	stream.indirect.scatter.add.bf16 [tilespmem:s21], [sflag:$0x3], $0x20, s4, s20, $0xb8;
	[tilespmem:$0x1D520] =	vst v63  }
0xdc: {  	_ = 	snop  }
0xdd: {  	[tilespmem:s24], [sflag:$0x2] =	stream.indirect.gather [hbm4b:s10+s20], $0x20, s29, s20, $0xb8;
	[tilespmem:$0x1D520] =	vst v63  }
0xde: {  	_ =	swait.ge [sflag:s25], $0x1F40  }
0xdf: {  	[sflag:s25] =	ssyncset.done $0x0  }
0xe0: {  	[sflag:s25] =	ssyncadd.s32 $0xFFFFE0C0  }
0xe1: {  	[spmem:s3] =	stream.indirect.scatter.add.bf16 [tilespmem:s24], [sflag:$0x4], $0x20, s26, s20, $0xb8;
	[tilespmem:$0x1D520] =	vst v63  }
0xe2: {  	_ =	swait.ge [sflag:s28], $0x1F40  }
0xe3: {  	[sflag:s28] =	ssyncset.done $0x0  }
0xe4: {  	[sflag:s28] =	ssyncadd.s32 $0xFFFFE0C0  }
0xe5: {  	[tilespmem:s21], [sflag:$0x1] =	stream.indirect.gather [hbm4b:s10+s20], $0x20, s30, s20, $0xb8;
	[tilespmem:$0x1D520] =	vst v63  }
0xe6: {  	_ =	swait.ge [sflag:s22], $0x1F40  }
0xe7: {  	[sflag:s22] =	ssyncset.done $0x0  }
0xe8: {  	[sflag:s22] =	ssyncadd.s32 $0xFFFFE0C0  }
0xe9: {  	[spmem:s3] =	stream.indirect.scatter.add.bf16 [tilespmem:s21], [sflag:$0x3], $0x20, s0, s20, $0xb8;
	[tilespmem:$0x1D520] =	vst v63  }
0xea: {  	_ =	swait.ge [sflag:s31], $0x1F40  }
0xeb: {  	[sflag:s31] =	ssyncset.done $0x0  }
0xec: {  	[sflag:s31] =	ssyncadd.s32 $0xFFFFE0C0  }
0xed: {  	[tilespmem:s24], [sflag:$0x2] =	stream.indirect.gather [hbm4b:s10+s20], $0x20, s2, s20, $0xb8;
	[tilespmem:$0x1D520] =	vst v63  }
0xee: {  	_ =	swait.ge [sflag:s25], $0x1F40  }
0xef: {  	[sflag:s25] =	ssyncset.done $0x0  }
0xf0: {  	[sflag:s25] =	ssyncadd.s32 $0xFFFFE0C0  }
0xf1: {  	[spmem:s3] =	stream.indirect.scatter.add.bf16 [tilespmem:s24], [sflag:$0x4], $0x20, s7, s20, $0xb8;
	[tilespmem:$0x1D520] =	vst v63  }
0xf2: {  	_ =	swait.ge [sflag:s28], $0x1F40  }
0xf3: {  	[sflag:s28] =	ssyncset.done $0x0  }
0xf4: {  	[sflag:s28] =	ssyncadd.s32 $0xFFFFE0C0  }
0xf5: {  	[tilespmem:s21], [sflag:$0x1] =	stream.indirect.gather [hbm4b:s10+s20], $0x20, s9, s20, $0xb8;
	[tilespmem:$0x1D520] =	vst v63  }
0xf6: {  	_ =	swait.ge [sflag:s22], $0x1F40  }
0xf7: {  	[sflag:s22] =	ssyncset.done $0x0  }
0xf8: {  	[sflag:s22] =	ssyncadd.s32 $0xFFFFE0C0  }
0xf9: {  	[spmem:s3] =	stream.indirect.scatter.add.bf16 [tilespmem:s21], [sflag:$0x3], $0x20, s6, s20, $0xb8;
	[tilespmem:$0x1D520] =	vst v63  }
0xfa: {  	_ =	swait.ge [sflag:s31], $0x1F40  }
0xfb: {  	[sflag:s31] =	ssyncset.done $0x0  }
0xfc: {  	[sflag:s31] =	ssyncadd.s32 $0xFFFFE0C0  }
0xfd: {  	[tilespmem:s24], [sflag:$0x2] =	stream.indirect.gather [hbm4b:s10+s20], $0x20, s8, s20, $0xb8;
	[tilespmem:$0x1D520] =	vst v63  }
0xfe: {  	_ =	swait.ge [sflag:s25], $0x1F40  }
0xff: {  	[sflag:s25] =	ssyncset.done $0x0  }
0x100: {  	[sflag:s25] =	ssyncadd.s32 $0xFFFFE0C0  }
0x101: {  	[spmem:s3] =	stream.indirect.scatter.add.bf16 [tilespmem:s24], [sflag:$0x4], $0x20, s11, s20, $0xb8;
	[tilespmem:$0x1D520] =	vst v63  }
0x102: {  	_ =	swait.ge [sflag:s28], $0x1F40  }
0x103: {  	[sflag:s28] =	ssyncset.done $0x0  }
0x104: {  	[sflag:s28] =	ssyncadd.s32 $0xFFFFE0C0  }
0x105: {  	[tilespmem:s21], [sflag:$0x1] =	stream.indirect.gather [hbm4b:s10+s20], $0x20, s12, s20, $0xb8;
	[tilespmem:$0x1D520] =	vst v63  }
0x106: {  	_ =	swait.ge [sflag:s22], $0x1F40  }
0x107: {  	[sflag:s22] =	ssyncset.done $0x0  }
0x108: {  	[sflag:s22] =	ssyncadd.s32 $0xFFFFE0C0  }
0x109: {  	[spmem:s3] =	stream.indirect.scatter.add.bf16 [tilespmem:s21], [sflag:$0x3], $0x20, s17, s20, $0xb8;
	[tilespmem:$0x1D520] =	vst v63  }
0x10a: {  	_ =	swait.ge [sflag:s31], $0x1F40  }
0x10b: {  	[sflag:s31] =	ssyncset.done $0x0  }
0x10c: {  	[sflag:s31] =	ssyncadd.s32 $0xFFFFE0C0  }
0x10d: {  	[tilespmem:s24], [sflag:$0x2] =	stream.indirect.gather [hbm4b:s10+s20], $0x20, s5, s20, $0xb8;
	[tilespmem:$0x1D520] =	vst v63  }
0x10e: {  	_ =	swait.ge [sflag:s25], $0x1F40  }
0x10f: {  	[sflag:s25] =	ssyncset.done $0x0  }
0x110: {  	s23 =	simm.s32 $0x700;
	[sflag:s25] =	ssyncadd.s32 $0xFFFFE0C0  }
0x111: {  	[spmem:s3] =	stream.indirect.scatter.add.bf16 [tilespmem:s24], [sflag:$0x4], $0x20, s23, s20, $0xb8;
	[tilespmem:$0x1D520] =	vst v63  }
.Ltmp3:
0x112: {  	_ =	swait.ge [sflag:s28], $0x1F40;
	(pc) =	sbr.rel @p2 .LBB2_6-.Ltmp3, $4  }
0x113: {  	[sflag:s28] =	ssyncset.done $0x0  }
0x114: {  	[sflag:s28] =	ssyncadd.s32 $0xFFFFE0C0  }
0x115: {  	_ =	swait.ge [sflag:s31], $0x1F40  }
0x116: {  	s23 =	smov.u32 s15;
	[sflag:s31] =	ssyncset.done $0x0  }
.Ltmp4:
0x117: {  	_ = 	snop;
	(pc) =	sbr.rel .LBB2_7-.Ltmp4, $1  }
0x118: {  	_ =	sdelay $0x3  }
.LBB2_2:
0x119: {  	s15 =	simm.s32 @p1 $0x1FC5;
	s16 =	rddreg [dreg:$0x4]  }
0x11a: {  	[spmem:s26], [sflag:s15] =	dma.local @p1 [hbm:s16], $0x1F40  }
0x11b: {  	s15 =	simm.s32 @p1 $0x5  }
0x11c: {  	_ =	swait.ge @p1 [sflag:s15], $0x1F40  }
0x11d: {  	[sflag:s15] =	ssyncset.done @p1 $0x0  }
0x11e: {  	[sflag:s15] =	ssyncadd.s32 @p1 $0xFFFFE0C0;
	s15 =	rddreg [dreg:$0xd]  }
0x11f: {  	[spmem:s15], [sflag:s23] =	dma.local @!p1 [hbm:s16], $0x3200  }
0x120: {  	s15 =	simm.s32 @!p1 $0x5  }
0x121: {  	_ =	swait.ge @!p1 [sflag:s15], $0x3200  }
0x122: {  	[sflag:s15] =	ssyncset.done @!p1 $0x0  }
0x123: {  	[sflag:s15] =	ssyncadd.s32 @!p1 $0xFFFFCE00  }
0x124: {  	s17 =	sadd.s32 $0x0, s14;
	[bflag:$0x0] =	sbarrier.arrive $0xFFFF  }
0x125: {  	[tilespmem:s18], [sflag:$0x5] =	stream.linear.gather [hbm4b:s17+s4], $0x800, $0x38;
	[tilespmem:$0x1D520] =	vst v63  }
0x126: {  	_ =	swait.ge [sflag:s19], $0x800  }
0x127: {  	[sflag:s19] =	ssyncset.done $0x0  }
0x128: {  	s23 =	sadd.s32 $0x0, s13;
	[sflag:s19] =	ssyncadd.s32 $0xFFFFF800  }
0x129: {  	[tilespmem:s4], [sflag:$0x5] =	stream.linear.gather [hbm4b:s23+s4], $0x800, $0x38;
	[tilespmem:$0x1D520] =	vst v63  }
0x12a: {  	_ =	swait.ge [sflag:s19], $0x800  }
0x12b: {  	[sflag:s19] =	ssyncset.done $0x0  }
0x12c: {  	[sflag:s19] =	ssyncadd.s32 $0xFFFFF800  }
0x12d: {  	[tilespmem:s21], [sflag:$0x1] =	stream.indirect.gather [hbm4b:s1+s20], $0x20, s18, s20, $0xb8;
	[tilespmem:$0x1D520] =	vst v63  }
0x12e: {  	_ =	swait.ge [sflag:s22], $0x1F40  }
0x12f: {  	[sflag:s22] =	ssyncset.done $0x0  }
0x130: {  	[sflag:s22] =	ssyncadd.s32 $0xFFFFE0C0  }
0x131: {  	[spmem:s3] =	stream.indirect.scatter.add.bf16 [tilespmem:s21], [sflag:$0x3], $0x20, s4, s20, $0xb8;
	[tilespmem:$0x1D520] =	vst v63  }
0x132: {  	_ = 	snop  }
0x133: {  	[tilespmem:s24], [sflag:$0x2] =	stream.indirect.gather [hbm4b:s1+s20], $0x20, s29, s20, $0xb8;
	[tilespmem:$0x1D520] =	vst v63  }
0x134: {  	_ =	swait.ge [sflag:s25], $0x1F40  }
0x135: {  	[sflag:s25] =	ssyncset.done $0x0  }
0x136: {  	s26 =	simm.s32 $0x100;
	[sflag:s25] =	ssyncadd.s32 $0xFFFFE0C0  }
0x137: {  	[spmem:s3] =	stream.indirect.scatter.add.bf16 [tilespmem:s24], [sflag:$0x4], $0x20, s26, s20, $0xb8;
	[tilespmem:$0x1D520] =	vst v63  }
0x138: {  	_ =	swait.ge [sflag:s28], $0x1F40  }
0x139: {  	[sflag:s28] =	ssyncset.done $0x0  }
0x13a: {  	s30 =	simm.s32 $0xA00;
	[sflag:s28] =	ssyncadd.s32 $0xFFFFE0C0  }
0x13b: {  	[tilespmem:s21], [sflag:$0x1] =	stream.indirect.gather [hbm4b:s1+s20], $0x20, s30, s20, $0xb8;
	[tilespmem:$0x1D520] =	vst v63  }
0x13c: {  	_ =	swait.ge [sflag:s22], $0x1F40  }
0x13d: {  	[sflag:s22] =	ssyncset.done $0x0  }
0x13e: {  	s0 =	simm.s32 $0x200;
	[sflag:s22] =	ssyncadd.s32 $0xFFFFE0C0  }
0x13f: {  	[spmem:s3] =	stream.indirect.scatter.add.bf16 [tilespmem:s21], [sflag:$0x3], $0x20, s0, s20, $0xb8;
	[tilespmem:$0x1D520] =	vst v63  }
0x140: {  	_ =	swait.ge [sflag:s31], $0x1F40  }
0x141: {  	[sflag:s31] =	ssyncset.done $0x0  }
0x142: {  	s2 =	simm.s32 $0xB00;
	[sflag:s31] =	ssyncadd.s32 $0xFFFFE0C0  }
0x143: {  	[tilespmem:s24], [sflag:$0x2] =	stream.indirect.gather [hbm4b:s1+s20], $0x20, s2, s20, $0xb8;
	[tilespmem:$0x1D520] =	vst v63  }
0x144: {  	_ =	swait.ge [sflag:s25], $0x1F40  }
0x145: {  	[sflag:s25] =	ssyncset.done $0x0  }
0x146: {  	s7 =	simm.s32 $0x300;
	[sflag:s25] =	ssyncadd.s32 $0xFFFFE0C0  }
0x147: {  	[spmem:s3] =	stream.indirect.scatter.add.bf16 [tilespmem:s24], [sflag:$0x4], $0x20, s7, s20, $0xb8;
	[tilespmem:$0x1D520] =	vst v63  }
0x148: {  	_ =	swait.ge [sflag:s28], $0x1F40  }
0x149: {  	[sflag:s28] =	ssyncset.done $0x0  }
0x14a: {  	s9 =	simm.s32 $0xC00;
	[sflag:s28] =	ssyncadd.s32 $0xFFFFE0C0  }
0x14b: {  	[tilespmem:s21], [sflag:$0x1] =	stream.indirect.gather [hbm4b:s1+s20], $0x20, s9, s20, $0xb8;
	[tilespmem:$0x1D520] =	vst v63  }
0x14c: {  	_ =	swait.ge [sflag:s22], $0x1F40  }
0x14d: {  	[sflag:s22] =	ssyncset.done $0x0  }
0x14e: {  	s6 =	simm.s32 $0x400;
	[sflag:s22] =	ssyncadd.s32 $0xFFFFE0C0  }
0x14f: {  	[spmem:s3] =	stream.indirect.scatter.add.bf16 [tilespmem:s21], [sflag:$0x3], $0x20, s6, s20, $0xb8;
	[tilespmem:$0x1D520] =	vst v63  }
0x150: {  	_ =	swait.ge [sflag:s31], $0x1F40  }
0x151: {  	[sflag:s31] =	ssyncset.done $0x0  }
0x152: {  	s8 =	simm.s32 $0xD00;
	[sflag:s31] =	ssyncadd.s32 $0xFFFFE0C0  }
0x153: {  	[tilespmem:s24], [sflag:$0x2] =	stream.indirect.gather [hbm4b:s1+s20], $0x20, s8, s20, $0xb8;
	[tilespmem:$0x1D520] =	vst v63  }
0x154: {  	_ =	swait.ge [sflag:s25], $0x1F40  }
0x155: {  	[sflag:s25] =	ssyncset.done $0x0  }
0x156: {  	s11 =	simm.s32 $0x500;
	[sflag:s25] =	ssyncadd.s32 $0xFFFFE0C0  }
0x157: {  	[spmem:s3] =	stream.indirect.scatter.add.bf16 [tilespmem:s24], [sflag:$0x4], $0x20, s11, s20, $0xb8;
	[tilespmem:$0x1D520] =	vst v63  }
0x158: {  	_ =	swait.ge [sflag:s28], $0x1F40  }
0x159: {  	[sflag:s28] =	ssyncset.done $0x0  }
0x15a: {  	s12 =	simm.s32 $0xE00;
	[sflag:s28] =	ssyncadd.s32 $0xFFFFE0C0  }
0x15b: {  	[tilespmem:s21], [sflag:$0x1] =	stream.indirect.gather [hbm4b:s1+s20], $0x20, s12, s20, $0xb8;
	[tilespmem:$0x1D520] =	vst v63  }
0x15c: {  	_ =	swait.ge [sflag:s22], $0x1F40  }
0x15d: {  	[sflag:s22] =	ssyncset.done $0x0  }
0x15e: {  	s17 =	simm.s32 $0x600;
	[sflag:s22] =	ssyncadd.s32 $0xFFFFE0C0  }
0x15f: {  	[spmem:s3] =	stream.indirect.scatter.add.bf16 [tilespmem:s21], [sflag:$0x3], $0x20, s17, s20, $0xb8;
	[tilespmem:$0x1D520] =	vst v63  }
0x160: {  	_ =	swait.ge [sflag:s31], $0x1F40  }
0x161: {  	[sflag:s31] =	ssyncset.done $0x0  }
0x162: {  	s5 =	simm.s32 $0xF00;
	[sflag:s31] =	ssyncadd.s32 $0xFFFFE0C0  }
0x163: {  	[tilespmem:s24], [sflag:$0x2] =	stream.indirect.gather [hbm4b:s1+s20], $0x20, s5, s20, $0xb8;
	[tilespmem:$0x1D520] =	vst v63  }
0x164: {  	_ =	swait.ge [sflag:s25], $0x1F40  }
0x165: {  	[sflag:s25] =	ssyncset.done $0x0  }
0x166: {  	s29 =	simm.s32 $0x700;
	[sflag:s25] =	ssyncadd.s32 $0xFFFFE0C0  }
0x167: {  	[spmem:s3] =	stream.indirect.scatter.add.bf16 [tilespmem:s24], [sflag:$0x4], $0x20, s29, s20, $0xb8;
	[tilespmem:$0x1D520] =	vst v63  }
0x168: {  	_ =	swait.ge [sflag:s28], $0x1F40  }
0x169: {  	[sflag:s28] =	ssyncset.done $0x0  }
0x16a: {  	[sflag:s28] =	ssyncadd.s32 $0xFFFFE0C0  }
0x16b: {  	_ =	swait.ge [sflag:s31], $0x1F40  }
0x16c: {  	s16 =	simm.s32 $0x100;
	s15 =	simm.s32 $0x200;
	[sflag:s31] =	ssyncset.done $0x0  }
.LBB2_3:
0x16d: {  	s26 =	sadd.s32 s16, s14  }
0x16e: {  	[sflag:s31] =	ssyncadd.s32 $0xFFFFE0C0;
	s29 =	smov.u32 s15;
	s23 =	sadd.s32 $0x100, s15  }
0x16f: {  	[tilespmem:s18], [sflag:$0x5] =	stream.linear.gather [hbm4b:s26+s4], $0x800, $0x38;
	[tilespmem:$0x1D520] =	vst v63  }
0x170: {  	s26 =	simm.s32 $0x100  }
0x171: {  	p2 =	sne.s32 s15, $0x1800;
	_ =	swait.ge [sflag:s19], $0x800  }
0x172: {  	s15 =	sadd.s32 s16, s13;
	[sflag:s19] =	ssyncset.done $0x0  }
0x173: {  	s16 =	smov.u32 s29;
	s29 =	simm.s32 $0x900;
	[sflag:s19] =	ssyncadd.s32 $0xFFFFF800  }
0x174: {  	[tilespmem:s4], [sflag:$0x5] =	stream.linear.gather [hbm4b:s15+s4], $0x800, $0x38;
	[tilespmem:$0x1D520] =	vst v63  }
0x175: {  	_ =	swait.ge [sflag:s19], $0x800  }
0x176: {  	[sflag:s19] =	ssyncset.done $0x0  }
0x177: {  	[sflag:s19] =	ssyncadd.s32 $0xFFFFF800  }
0x178: {  	[tilespmem:s21], [sflag:$0x1] =	stream.indirect.gather [hbm4b:s1+s20], $0x20, s18, s20, $0xb8;
	[tilespmem:$0x1D520] =	vst v63  }
0x179: {  	_ =	swait.ge [sflag:s22], $0x1F40  }
0x17a: {  	[sflag:s22] =	ssyncset.done $0x0  }
0x17b: {  	[sflag:s22] =	ssyncadd.s32 $0xFFFFE0C0  }
0x17c: {  	[spmem:s3] =	stream.indirect.scatter.add.bf16 [tilespmem:s21], [sflag:$0x3], $0x20, s4, s20, $0xb8;
	[tilespmem:$0x1D520] =	vst v63  }
0x17d: {  	_ = 	snop  }
0x17e: {  	[tilespmem:s24], [sflag:$0x2] =	stream.indirect.gather [hbm4b:s1+s20], $0x20, s29, s20, $0xb8;
	[tilespmem:$0x1D520] =	vst v63  }
0x17f: {  	_ =	swait.ge [sflag:s25], $0x1F40  }
0x180: {  	[sflag:s25] =	ssyncset.done $0x0  }
0x181: {  	[sflag:s25] =	ssyncadd.s32 $0xFFFFE0C0  }
0x182: {  	[spmem:s3] =	stream.indirect.scatter.add.bf16 [tilespmem:s24], [sflag:$0x4], $0x20, s26, s20, $0xb8;
	[tilespmem:$0x1D520] =	vst v63  }
0x183: {  	_ =	swait.ge [sflag:s28], $0x1F40  }
0x184: {  	[sflag:s28] =	ssyncset.done $0x0  }
0x185: {  	[sflag:s28] =	ssyncadd.s32 $0xFFFFE0C0  }
0x186: {  	[tilespmem:s21], [sflag:$0x1] =	stream.indirect.gather [hbm4b:s1+s20], $0x20, s30, s20, $0xb8;
	[tilespmem:$0x1D520] =	vst v63  }
0x187: {  	_ =	swait.ge [sflag:s22], $0x1F40  }
0x188: {  	[sflag:s22] =	ssyncset.done $0x0  }
0x189: {  	[sflag:s22] =	ssyncadd.s32 $0xFFFFE0C0  }
0x18a: {  	[spmem:s3] =	stream.indirect.scatter.add.bf16 [tilespmem:s21], [sflag:$0x3], $0x20, s0, s20, $0xb8;
	[tilespmem:$0x1D520] =	vst v63  }
0x18b: {  	_ =	swait.ge [sflag:s31], $0x1F40  }
0x18c: {  	[sflag:s31] =	ssyncset.done $0x0  }
0x18d: {  	[sflag:s31] =	ssyncadd.s32 $0xFFFFE0C0  }
0x18e: {  	[tilespmem:s24], [sflag:$0x2] =	stream.indirect.gather [hbm4b:s1+s20], $0x20, s2, s20, $0xb8;
	[tilespmem:$0x1D520] =	vst v63  }
0x18f: {  	_ =	swait.ge [sflag:s25], $0x1F40  }
0x190: {  	[sflag:s25] =	ssyncset.done $0x0  }
0x191: {  	[sflag:s25] =	ssyncadd.s32 $0xFFFFE0C0  }
0x192: {  	[spmem:s3] =	stream.indirect.scatter.add.bf16 [tilespmem:s24], [sflag:$0x4], $0x20, s7, s20, $0xb8;
	[tilespmem:$0x1D520] =	vst v63  }
0x193: {  	_ =	swait.ge [sflag:s28], $0x1F40  }
0x194: {  	[sflag:s28] =	ssyncset.done $0x0  }
0x195: {  	[sflag:s28] =	ssyncadd.s32 $0xFFFFE0C0  }
0x196: {  	[tilespmem:s21], [sflag:$0x1] =	stream.indirect.gather [hbm4b:s1+s20], $0x20, s9, s20, $0xb8;
	[tilespmem:$0x1D520] =	vst v63  }
0x197: {  	_ =	swait.ge [sflag:s22], $0x1F40  }
0x198: {  	[sflag:s22] =	ssyncset.done $0x0  }
0x199: {  	[sflag:s22] =	ssyncadd.s32 $0xFFFFE0C0  }
0x19a: {  	[spmem:s3] =	stream.indirect.scatter.add.bf16 [tilespmem:s21], [sflag:$0x3], $0x20, s6, s20, $0xb8;
	[tilespmem:$0x1D520] =	vst v63  }
0x19b: {  	_ =	swait.ge [sflag:s31], $0x1F40  }
0x19c: {  	[sflag:s31] =	ssyncset.done $0x0  }
0x19d: {  	[sflag:s31] =	ssyncadd.s32 $0xFFFFE0C0  }
0x19e: {  	[tilespmem:s24], [sflag:$0x2] =	stream.indirect.gather [hbm4b:s1+s20], $0x20, s8, s20, $0xb8;
	[tilespmem:$0x1D520] =	vst v63  }
0x19f: {  	_ =	swait.ge [sflag:s25], $0x1F40  }
0x1a0: {  	[sflag:s25] =	ssyncset.done $0x0  }
0x1a1: {  	[sflag:s25] =	ssyncadd.s32 $0xFFFFE0C0  }
0x1a2: {  	[spmem:s3] =	stream.indirect.scatter.add.bf16 [tilespmem:s24], [sflag:$0x4], $0x20, s11, s20, $0xb8;
	[tilespmem:$0x1D520] =	vst v63  }
0x1a3: {  	_ =	swait.ge [sflag:s28], $0x1F40  }
0x1a4: {  	[sflag:s28] =	ssyncset.done $0x0  }
0x1a5: {  	[sflag:s28] =	ssyncadd.s32 $0xFFFFE0C0  }
0x1a6: {  	[tilespmem:s21], [sflag:$0x1] =	stream.indirect.gather [hbm4b:s1+s20], $0x20, s12, s20, $0xb8;
	[tilespmem:$0x1D520] =	vst v63  }
0x1a7: {  	_ =	swait.ge [sflag:s22], $0x1F40  }
0x1a8: {  	[sflag:s22] =	ssyncset.done $0x0  }
0x1a9: {  	[sflag:s22] =	ssyncadd.s32 $0xFFFFE0C0  }
0x1aa: {  	[spmem:s3] =	stream.indirect.scatter.add.bf16 [tilespmem:s21], [sflag:$0x3], $0x20, s17, s20, $0xb8;
	[tilespmem:$0x1D520] =	vst v63  }
0x1ab: {  	_ =	swait.ge [sflag:s31], $0x1F40  }
0x1ac: {  	[sflag:s31] =	ssyncset.done $0x0  }
0x1ad: {  	[sflag:s31] =	ssyncadd.s32 $0xFFFFE0C0  }
0x1ae: {  	[tilespmem:s24], [sflag:$0x2] =	stream.indirect.gather [hbm4b:s1+s20], $0x20, s5, s20, $0xb8;
	[tilespmem:$0x1D520] =	vst v63  }
0x1af: {  	_ =	swait.ge [sflag:s25], $0x1F40  }
0x1b0: {  	[sflag:s25] =	ssyncset.done $0x0  }
0x1b1: {  	s15 =	simm.s32 $0x700;
	[sflag:s25] =	ssyncadd.s32 $0xFFFFE0C0  }
0x1b2: {  	[spmem:s3] =	stream.indirect.scatter.add.bf16 [tilespmem:s24], [sflag:$0x4], $0x20, s15, s20, $0xb8;
	[tilespmem:$0x1D520] =	vst v63  }
.Ltmp5:
0x1b3: {  	_ =	swait.ge [sflag:s28], $0x1F40;
	(pc) =	sbr.rel @p2 .LBB2_3-.Ltmp5, $4  }
0x1b4: {  	[sflag:s28] =	ssyncset.done $0x0  }
0x1b5: {  	[sflag:s28] =	ssyncadd.s32 $0xFFFFE0C0  }
0x1b6: {  	_ =	swait.ge [sflag:s31], $0x1F40  }
0x1b7: {  	s15 =	smov.u32 s23;
	[sflag:s31] =	ssyncset.done $0x0  }
0x1b8: {  	s15 =	sadd.s32 s16, s14;
	[sflag:s31] =	ssyncadd.s32 $0xFFFFE0C0  }
0x1b9: {  	[tilespmem:s18], [sflag:$0x5] =	stream.linear.gather [hbm4b:s15+s4], $0x800, $0x38;
	[tilespmem:$0x1D520] =	vst v63  }
0x1ba: {  	_ =	swait.ge [sflag:s19], $0x800  }
0x1bb: {  	[sflag:s19] =	ssyncset.done $0x0  }
0x1bc: {  	s23 =	sadd.s32 s16, s13;
	[sflag:s19] =	ssyncadd.s32 $0xFFFFF800  }
0x1bd: {  	[tilespmem:s4], [sflag:$0x5] =	stream.linear.gather [hbm4b:s23+s4], $0x800, $0x38;
	[tilespmem:$0x1D520] =	vst v63  }
0x1be: {  	_ =	swait.ge [sflag:s19], $0x800  }
0x1bf: {  	[sflag:s19] =	ssyncset.done $0x0  }
0x1c0: {  	[sflag:s19] =	ssyncadd.s32 $0xFFFFF800  }
0x1c1: {  	[tilespmem:s21], [sflag:$0x1] =	stream.indirect.gather [hbm4b:s1+s20], $0x20, s18, s20, $0xb8;
	[tilespmem:$0x1D520] =	vst v63  }
0x1c2: {  	_ =	swait.ge [sflag:s22], $0x1F40  }
0x1c3: {  	[sflag:s22] =	ssyncset.done $0x0  }
0x1c4: {  	[sflag:s22] =	ssyncadd.s32 $0xFFFFE0C0  }
0x1c5: {  	[spmem:s3] =	stream.indirect.scatter.add.bf16 [tilespmem:s21], [sflag:$0x3], $0x20, s4, s20, $0xb8;
	[tilespmem:$0x1D520] =	vst v63  }
0x1c6: {  	_ = 	snop  }
0x1c7: {  	[tilespmem:s24], [sflag:$0x2] =	stream.indirect.gather [hbm4b:s1+s20], $0x20, s29, s20, $0xb8;
	[tilespmem:$0x1D520] =	vst v63  }
0x1c8: {  	_ =	swait.ge [sflag:s25], $0x1F40  }
0x1c9: {  	[sflag:s25] =	ssyncset.done $0x0  }
0x1ca: {  	[sflag:s25] =	ssyncadd.s32 $0xFFFFE0C0  }
0x1cb: {  	[spmem:s3] =	stream.indirect.scatter.add.bf16 [tilespmem:s24], [sflag:$0x4], $0x20, s26, s20, $0xb8;
	[tilespmem:$0x1D520] =	vst v63  }
0x1cc: {  	_ =	swait.ge [sflag:s28], $0x1F40  }
0x1cd: {  	[sflag:s28] =	ssyncset.done $0x0  }
0x1ce: {  	[sflag:s28] =	ssyncadd.s32 $0xFFFFE0C0  }
0x1cf: {  	[tilespmem:s21], [sflag:$0x1] =	stream.indirect.gather [hbm4b:s1+s20], $0x20, s30, s20, $0xb8;
	[tilespmem:$0x1D520] =	vst v63  }
0x1d0: {  	_ =	swait.ge [sflag:s22], $0x1F40  }
0x1d1: {  	[sflag:s22] =	ssyncset.done $0x0  }
0x1d2: {  	[sflag:s22] =	ssyncadd.s32 $0xFFFFE0C0  }
0x1d3: {  	[spmem:s3] =	stream.indirect.scatter.add.bf16 [tilespmem:s21], [sflag:$0x3], $0x20, s0, s20, $0xb8;
	[tilespmem:$0x1D520] =	vst v63  }
0x1d4: {  	_ =	swait.ge [sflag:s31], $0x1F40  }
0x1d5: {  	[sflag:s31] =	ssyncset.done $0x0  }
0x1d6: {  	[sflag:s31] =	ssyncadd.s32 $0xFFFFE0C0  }
0x1d7: {  	[tilespmem:s24], [sflag:$0x2] =	stream.indirect.gather [hbm4b:s1+s20], $0x20, s2, s20, $0xb8;
	[tilespmem:$0x1D520] =	vst v63  }
0x1d8: {  	_ =	swait.ge [sflag:s25], $0x1F40  }
0x1d9: {  	[sflag:s25] =	ssyncset.done $0x0  }
0x1da: {  	[sflag:s25] =	ssyncadd.s32 $0xFFFFE0C0  }
0x1db: {  	[spmem:s3] =	stream.indirect.scatter.add.bf16 [tilespmem:s24], [sflag:$0x4], $0x20, s7, s20, $0xb8;
	[tilespmem:$0x1D520] =	vst v63  }
0x1dc: {  	_ =	swait.ge [sflag:s28], $0x1F40  }
0x1dd: {  	[sflag:s28] =	ssyncset.done $0x0  }
0x1de: {  	[sflag:s28] =	ssyncadd.s32 $0xFFFFE0C0  }
0x1df: {  	[tilespmem:s21], [sflag:$0x1] =	stream.indirect.gather [hbm4b:s1+s20], $0x20, s9, s20, $0xb8;
	[tilespmem:$0x1D520] =	vst v63  }
0x1e0: {  	_ =	swait.ge [sflag:s22], $0x1F40  }
0x1e1: {  	[sflag:s22] =	ssyncset.done $0x0  }
0x1e2: {  	[sflag:s22] =	ssyncadd.s32 $0xFFFFE0C0  }
0x1e3: {  	[spmem:s3] =	stream.indirect.scatter.add.bf16 [tilespmem:s21], [sflag:$0x3], $0x20, s6, s20, $0xb8;
	[tilespmem:$0x1D520] =	vst v63  }
0x1e4: {  	_ =	swait.ge [sflag:s31], $0x1F40  }
0x1e5: {  	[sflag:s31] =	ssyncset.done $0x0  }
0x1e6: {  	[sflag:s31] =	ssyncadd.s32 $0xFFFFE0C0  }
0x1e7: {  	[tilespmem:s24], [sflag:$0x2] =	stream.indirect.gather [hbm4b:s1+s20], $0x20, s8, s20, $0xb8;
	[tilespmem:$0x1D520] =	vst v63  }
0x1e8: {  	_ =	swait.ge [sflag:s25], $0x1F40  }
0x1e9: {  	[sflag:s25] =	ssyncset.done $0x0  }
0x1ea: {  	[sflag:s25] =	ssyncadd.s32 $0xFFFFE0C0  }
0x1eb: {  	[spmem:s3] =	stream.indirect.scatter.add.bf16 [tilespmem:s24], [sflag:$0x4], $0x20, s11, s20, $0xb8;
	[tilespmem:$0x1D520] =	vst v63  }
0x1ec: {  	_ =	swait.ge [sflag:s28], $0x1F40  }
0x1ed: {  	[sflag:s28] =	ssyncset.done $0x0  }
0x1ee: {  	[sflag:s28] =	ssyncadd.s32 $0xFFFFE0C0  }
0x1ef: {  	[tilespmem:s21], [sflag:$0x1] =	stream.indirect.gather [hbm4b:s1+s20], $0x20, s12, s20, $0xb8;
	[tilespmem:$0x1D520] =	vst v63  }
0x1f0: {  	_ =	swait.ge [sflag:s22], $0x1F40  }
0x1f1: {  	[sflag:s22] =	ssyncset.done $0x0  }
0x1f2: {  	[sflag:s22] =	ssyncadd.s32 $0xFFFFE0C0  }
0x1f3: {  	[spmem:s3] =	stream.indirect.scatter.add.bf16 [tilespmem:s21], [sflag:$0x3], $0x20, s17, s20, $0xb8;
	[tilespmem:$0x1D520] =	vst v63  }
0x1f4: {  	_ =	swait.ge [sflag:s31], $0x1F40  }
0x1f5: {  	[sflag:s31] =	ssyncset.done $0x0  }
0x1f6: {  	[sflag:s31] =	ssyncadd.s32 $0xFFFFE0C0  }
0x1f7: {  	[tilespmem:s24], [sflag:$0x2] =	stream.indirect.gather [hbm4b:s1+s20], $0x20, s5, s20, $0xb8;
	[tilespmem:$0x1D520] =	vst v63  }
0x1f8: {  	_ =	swait.ge [sflag:s25], $0x1F40  }
0x1f9: {  	[sflag:s25] =	ssyncset.done $0x0  }
0x1fa: {  	s30 =	simm.s32 $0x700;
	[sflag:s25] =	ssyncadd.s32 $0xFFFFE0C0  }
0x1fb: {  	[spmem:s3] =	stream.indirect.scatter.add.bf16 [tilespmem:s24], [sflag:$0x4], $0x20, s30, s20, $0xb8;
	[tilespmem:$0x1D520] =	vst v63  }
0x1fc: {  	_ =	swait.ge [sflag:s28], $0x1F40  }
0x1fd: {  	[sflag:s28] =	ssyncset.done $0x0  }
0x1fe: {  	[sflag:s28] =	ssyncadd.s32 $0xFFFFE0C0  }
0x1ff: {  	_ =	swait.ge [sflag:s31], $0x1F40  }
0x200: {  	[sflag:s31] =	ssyncset.done $0x0  }
0x201: {  	[sflag:s31] =	ssyncadd.s32 $0xFFFFE0C0  }
0x202: {  	[bflag:$0x0] =	sbarrier.arrive $0xFFFF  }
0x203: {  	s16 =	rddreg [dreg:$0x8]  }
0x204: {  	s15 =	simm.s32 @p1 $0x1FC5;
	s26 =	rddreg [dreg:$0xb]  }
0x205: {  	[hbm:s16], [sflag:s15] =	dma.local @p1 [spmem:s26], $0x1F40  }
0x206: {  	s15 =	simm.s32 @p1 $0x5  }
0x207: {  	_ =	swait.ge @p1 [sflag:s15], $0x1F40  }
0x208: {  	s23 =	rddreg [dreg:$0xc]  }
0x209: {  	[sflag:s15] =	ssyncset.done @p1 $0x0;
	s0 =	rddreg [dreg:$0xf]  }
0x20a: {  	[sflag:s15] =	ssyncadd.s32 @p1 $0xFFFFE0C0;
	s15 =	rddreg [dreg:$0x6]  }
0x20b: {  	[hbm:s15], [sflag:s23] =	dma.local @!p1 [spmem:s0], $0x3200  }
.Ltmp6:
0x20c: {  	_ = 	snop;
	(pc) =	sbr.rel .LBB2_8-.Ltmp6, $4  }
0x20d: {  	s15 =	simm.s32 @!p1 $0x5  }
0x20e: {  	_ =	swait.ge @!p1 [sflag:s15], $0x3200  }
0x20f: {  	[sflag:s15] =	ssyncset.done @!p1 $0x0  }
0x210: {  	s0 =	rddreg [dreg:$0xe];
	[sflag:s15] =	ssyncadd.s32 @!p1 $0xFFFFCE00  }
.LBB2_9:
0x211: {  	_ =	sfence.sel $0x180000  }
0x212: {  	[bflag:$0x0] =	sbarrier.arrive $0xFFFF  }
0x213: {  	_ =	strace $0x9000004A  }
0x214: {  	s0 =	stileid.u32;
	[bflag:$0x2] =	sbarrier.arrive $0xFFFF  }
0x215: {  	p0 =	sne.s32 s0, $0x0;
	s0 =	rddreg [dreg:$0x3]  }
0x216: {  	s0 =	sadd.s32 @!p0 $0x100000, s0  }
0x217: {  	[sflag:s0] =	ssyncadd.tile.s32 @!p0 $0x1;
	_ =	shalt  }
.Lfunc_end2:
_tile_overlayer_lowered:
.L_overlay_start_2:
0x218: {  	(tag) =	ssettag $0x2  }
0x219: {  	s0 =	rddreg [dreg:$0x0];
	s2 =	stileid.u32  }
0x21a: {  	s1 =	rddreg [dreg:$0x1];
	p0 =	sne.s32 s2, $0x0  }
0x21b: {  	s3 =	rddreg [dreg:$0x2];
	[bflag:$0x3] =	sbarrier.arrive $0xFFFF;
	s2 =	simm.s32 @!p0 $0x1C05  }
0x21c: {  	[timem:s3], [sflag:s2] =	dma.local @!p0 [hbm:s0], s1  }
0x21d: {  	s0 =	simm.s32 @!p0 $0x5  }
0x21e: {  	_ =	swait.ge @!p0 [sflag:s0], s1  }
0x21f: {  	s1 =	ssub.s32 @!p0 $0x0, s1;
	[sflag:s0] =	ssyncset.done @!p0 $0x0  }
0x220: {  	[sflag:s0] =	ssyncadd.s32 @!p0 s1  }
0x221: {  	[bflag:$0x3] =	sbarrier.arrive $0xFFFF  }
0x222: {  	_ =	shalt  }

// kernel: kernel.7.cloned.1.call-start
scs
__scs_entry_jumppad:
0x0: {  	(pc) =	sbr.rel $0x88, $3  }
0x1: {  	(tag) =	ssettag $0x0;
	lr =	simm.s32 $0x1  }
0x2: {  	[smem:$0x3F99] =	sst lr;
	_ =	strace $0xD0000000  }
0x3: {  	_ = 	snop  }
0x4: {  	_ = 	snop  }
0x5: {  	_ = 	snop  }
0x6: {  	_ = 	snop  }
0x7: {  	_ = 	snop  }
__scs_overlays_trampoline_lowered:
0x8: {  	[smem:$0x3FA8] =	sst s0  }
0x9: {  	[smem:$0x3FA9] =	sst s1  }
0xa: {  	[smem:$0x3FAA] =	sst s2  }
0xb: {  	[smem:$0x3FAB] =	sst s3  }
0xc: {  	[smem:$0x3FAC] =	sst s4  }
0xd: {  	[smem:$0x3FAD] =	sst s5  }
0xe: {  	[smem:$0x3FAE] =	sst s6  }
0xf: {  	[smem:$0x3FAF] =	sst s7  }
0x10: {  	[smem:$0x3FB0] =	sst s8  }
0x11: {  	[smem:$0x3FB1] =	sst s9;
	s0 =	simm.s32 @!p0 $0x0  }
0x12: {  	s1 =	sld [smem:$0x3F97];
	s0 =	simm.s32 @p0 $0x1  }
0x13: {  	[smem:$0x3FB2] =	sst s0;
	s0 =	simm.s32 @!p1 $0x0  }
0x14: {  	s2 =	sld [smem:$0x3F96];
	s0 =	simm.s32 @p1 $0x1  }
0x15: {  	[smem:$0x3FB3] =	sst s0;
	s0 =	simm.s32 @!p2 $0x0  }
0x16: {  	s3 =	sld [smem:$0x3FDB];
	s0 =	simm.s32 @p2 $0x1  }
0x17: {  	s4 =	simm.s32 $0x1BF5;
	[smem:$0x3FB5] =	sst s0  }
0x18: {  	s0 =	sld [smem:$0x3F98];
	_ =	swait.ge [sflag:s4], $0x0  }
0x19: {  	s7 =	sld [smem:$0x3F99]  }
0x1a: {  	s8 =	sadd.s32 $0xFFFFE003, lr  }
0x1b: {  	s9 =	sadd.s32 $0xFFFFFEF7, lr;
	s5 =	simm.s32 $0xFFFFFFFF;
	p2 =	slt.u32 s8, $0xFFFFF086  }
0x1c: {  	p1 =	slt.u32 s9, $0xF7A;
	s5 =	simm.s32 @!p2 $0x0  }
0x1d: {  	s5 =	simm.s32 @p1 $0x1;
	p0 =	seq.s32 s7, s2  }
0x1e: {  	s7 =	smul.u32 @!p0 $0xF7A, s2;
	p2 =	seq.s32 @!p0 s5, $0x0  }
0x1f: {  	s9 =	smul.u32 $0xF7A, s1;
	s8 =	simm.s32 @!p0 $0x1BF5;
	p2 =	por !p2, p0  }
0x20: {  	[sflag:s8] =	ssyncset.s32 @!p0 $0xFFFFF086;
	s6 =	sadd.s32 @!p0 s3, s7;
	s7 =	simm.s32 @!p0 $0x108  }
0x21: {  	s3 =	sadd.s32 s3, s9;
	s6 =	sadd.s32 @!p0 $0x88, s6;
	s7 =	simm.s32 @p2 $0x1082  }
0x22: {  	[simem:s7], [sflag:s8] =	dma.local @!p0 [hbm:s6], $0xF7A  }
0x23: {  	s9 =	sor.u32 $0xD0000000, s2;
	s6 =	simm.s32 $0x108;
	_ =	swait.ge @!p0 [sflag:s8], $0x0  }
0x24: {  	s3 =	sadd.s32 $0x88, s3;
	s6 =	simm.s32 @!p1 $0x1082;
	[sflag:s4] =	ssyncset.s32 $0xFFFFF086  }
0x25: {  	[simem:s6], [sflag:s4] =	dma.local [hbm:s3], $0xF7A  }
0x26: {  	[smem:$0x3F99] =	sst s1;
	(tag) =	ssettag s2;
	_ =	strace s9  }
0x27: {  	s1 =	sld [smem:$0x3FA9]  }
0x28: {  	s2 =	sld [smem:$0x3FAA]  }
0x29: {  	s4 =	sld [smem:$0x3FAC]  }
0x2a: {  	p0 =	seq.s32 s5, $0x0;
	s5 =	sld [smem:$0x3FAD]  }
0x2b: {  	s6 =	sld [smem:$0x3FAE]  }
0x2c: {  	s7 =	sld [smem:$0x3FAF]  }
0x2d: {  	s3 =	simm.s32 $0x108;
	s8 =	sld [smem:$0x3FB0]  }
0x2e: {  	s3 =	simm.s32 @!p0 $0x1082;
	s9 =	sld [smem:$0x3FB1]  }
0x2f: {  	lr =	sadd.s32 s0, s3;
	s0 =	sld [smem:$0x3FA8]  }
0x30: {  	s3 =	sld [smem:$0x3FAB]  }
0x31: {  	[smem:$0x3FB4] =	sst s10  }
0x32: {  	s10 =	sld [smem:$0x3FB2];
	_ =	sdelay $0x3  }
0x33: {  	p0 =	seq.s32 s10, $0x1;
	s10 =	sld [smem:$0x3FB4];
	_ =	sdelay $0x3  }
0x34: {  	[smem:$0x3FB4] =	sst s10  }
0x35: {  	s10 =	sld [smem:$0x3FB3];
	_ =	sdelay $0x3  }
0x36: {  	p1 =	seq.s32 s10, $0x1;
	s10 =	sld [smem:$0x3FB4];
	_ =	sdelay $0x3  }
0x37: {  	[smem:$0x3FB4] =	sst s10  }
0x38: {  	s10 =	sld [smem:$0x3FB5]  }
0x39: {  	_ = 	snop;
	(pc) =	sbr.ind lr, $3  }
0x3a: {  	_ = 	snop  }
0x3b: {  	_ = 	snop  }
0x3c: {  	p2 =	seq.s32 s10, $0x1;
	s10 =	sld [smem:$0x3FB4]  }
0x3d: {  	_ =	shalt  }
0x3e: {  	_ =	shalt  }
0x3f: {  	_ =	shalt  }
0x40: {  	_ =	shalt  }
0x41: {  	_ =	shalt  }
0x42: {  	_ =	shalt  }
0x43: {  	_ =	shalt  }
0x44: {  	_ =	shalt  }
0x45: {  	_ =	shalt  }
0x46: {  	_ =	shalt  }
0x47: {  	_ =	shalt  }
0x48: {  	_ =	shalt  }
0x49: {  	_ =	shalt  }
0x4a: {  	_ =	shalt  }
0x4b: {  	_ =	shalt  }
0x4c: {  	_ =	shalt  }
0x4d: {  	_ =	shalt  }
0x4e: {  	_ =	shalt  }
0x4f: {  	_ =	shalt  }
0x50: {  	_ =	shalt  }
0x51: {  	_ =	shalt  }
0x52: {  	_ =	shalt  }
0x53: {  	_ =	shalt  }
0x54: {  	_ =	shalt  }
0x55: {  	_ =	shalt  }
0x56: {  	_ =	shalt  }
0x57: {  	_ =	shalt  }
0x58: {  	_ =	shalt  }
0x59: {  	_ =	shalt  }
0x5a: {  	_ =	shalt  }
0x5b: {  	_ =	shalt  }
0x5c: {  	_ =	shalt  }
0x5d: {  	_ =	shalt  }
0x5e: {  	_ =	shalt  }
0x5f: {  	_ =	shalt  }
0x60: {  	_ =	shalt  }
0x61: {  	_ =	shalt  }
0x62: {  	_ =	shalt  }
0x63: {  	_ =	shalt  }
0x64: {  	_ =	shalt  }
0x65: {  	_ =	shalt  }
0x66: {  	_ =	shalt  }
0x67: {  	_ =	shalt  }
0x68: {  	_ =	shalt  }
0x69: {  	_ =	shalt  }
0x6a: {  	_ =	shalt  }
0x6b: {  	_ =	shalt  }
0x6c: {  	_ =	shalt  }
0x6d: {  	_ =	shalt  }
0x6e: {  	_ =	shalt  }
0x6f: {  	_ =	shalt  }
0x70: {  	_ =	shalt  }
0x71: {  	_ =	shalt  }
0x72: {  	_ =	shalt  }
0x73: {  	_ =	shalt  }
0x74: {  	_ =	shalt  }
0x75: {  	_ =	shalt  }
0x76: {  	_ =	shalt  }
0x77: {  	_ =	shalt  }
0x78: {  	_ =	shalt  }
0x79: {  	_ =	shalt  }
0x7a: {  	_ =	shalt  }
0x7b: {  	_ =	shalt  }
0x7c: {  	_ =	shalt  }
0x7d: {  	_ =	shalt  }
0x7e: {  	_ =	shalt  }
0x7f: {  	_ =	shalt  }
0x80: {  	_ =	shalt  }
0x81: {  	_ =	shalt  }
0x82: {  	_ =	shalt  }
0x83: {  	_ =	shalt  }
0x84: {  	_ =	shalt  }
0x85: {  	_ =	shalt  }
0x86: {  	_ =	shalt  }
0x87: {  	_ =	shalt  }
.Lfunc_end0:
.L_simem_size_0:
called_computation_lowered:
.L_overlay_start_0:
0x88: {  	s2 =	sld [smem:$0x3FD9]  }
0x89: {  	s3 =	sld [smem:$0x3FFE];
	_ =	sdelay $0x1  }
0x8a: {  	s1 =	srdreg.scid  }
0x8b: {  	s0 =	sand.u32 $0x1, s1  }
0x8c: {  	s17 =	sshll.u32 s0, $0xA;
	s2 =	sadd.s32 s3, s2  }
0x8d: {  	s2 =	sadd.s32 s2, s17  }
0x8e: {  	[smem:$0x3FC0] =	sst s2  }
0x8f: {  	_ = 	snop  }
0x90: {  	s2 =	sld [smem:$0x3FD0];
	(tm) =	ssettm $0x1  }
0x91: {  	s18 =	sld [smem:$0x3FFB];
	_ =	sdelay $0x3  }
0x92: {  	_ =	strace s18  }
0x93: {  	s3 =	sld [smem:$0x3FFC];
	_ =	sdelay $0x3  }
0x94: {  	_ =	strace s3  }
0x95: {  	s3 =	sld [smem:$0x3FFD];
	_ =	sdelay $0x3  }
0x96: {  	_ =	strace s3  }
0x97: {  	_ =	strace $0x8FFFFFFF  }
0x98: {  	s19 =	sld [smem:$0x3FDB];
	_ =	sdelay $0x1  }
0x99: {  	s4 =	simm.s32 $_scs_section_size  }
0x9a: {  	s5 =	simm.s32 $_size__tile_overlayer_lowered;
	s6 =	simm.s32 $_tile_overlayer_lowered  }
0x9b: {  	s22 =	simm.s32 $0x1BFF;
	s21 =	sshll.u32 s6, $0x1;
	s3 =	sadd.s32 s4, s19  }
0x9c: {  	s7 =	simm.s32 $0x0;
	s20 =	sshll.u32 s5, $0x1;
	s5 =	sadd.s32 s21, s3  }
0x9d: {  	[timem:s7], [sflag:s22] =	dma.local [hbm:s5], s20  }
0x9e: {  	_ =	swait.ge [sflag:s22], s20  }
0x9f: {  	s4 =	ssub.s32 $0x0, s20;
	[sflag:s22] =	ssyncset.done $0x0  }
0xa0: {  	[sflag:s22] =	ssyncadd.s32 s4;
	_ =	sdelay $0x1  }
0xa1: {  	s23 =	simm.s32 $0x1B8B  }
0xa2: {  	_ =	swait.ge [sflag:s23], $0x1  }
0xa3: {  	[sflag:s23] =	ssyncset.done $0x0  }
0xa4: {  	s25 =	simm.s32 $0x1B8E;
	s24 =	sld [smem:$0x3FFE];
	[sflag:s23] =	ssyncadd.s32 $0xFFFFFFFF  }
0xa5: {  	s26 =	simm.s32 $execute0_lowered;
	[smem:$0x3FD2] =	sst s25  }
0xa6: {  	s5 =	sshll.u32 s26, $0x1;
	_ =	strace $0x80000046;
	[dreg:$0x1] =	wrdreg $0xFFFFFFFF  }
0xa7: {  	s28 =	simm.s32 $_size_execute0_lowered;
	s3 =	sadd.s32 s3, s5;
	[dreg:$0x0] =	wrdreg $0x0  }
0xa8: {  	s5 =	sshll.u32 s28, $0x1;
	[dreg:$0x2] =	wrdreg s3  }
0xa9: {  	[dreg:$0x3] =	wrdreg s5  }
0xaa: {  	[dreg:$0x4] =	wrdreg $0xC0  }
0xab: {  	_ =	task [dreg:s7], $0x5FFFF  }
0xac: {  	[dreg:$0x1] =	wrdreg $0xFFFFFFFF  }
0xad: {  	[dreg:$0x0] =	wrdreg $0x60  }
0xae: {  	[dreg:$0x2] =	wrdreg s2  }
0xaf: {  	[dreg:$0x3] =	wrdreg s24  }
0xb0: {  	[dreg:$0x4] =	wrdreg $0x4E800  }
0xb1: {  	[dreg:$0x5] =	wrdreg $0x9  }
0xb2: {  	_ =	task.clear_ibuf [dreg:s7], $0x6FFFF;
	_ =	strace $0x90000046  }
0xb3: {  	s29 =	simm.s32 $0x9;
	_ =	strace $0x80000048  }
0xb4: {  	_ =	swait.ge [sflag:s29], $0x1  }
0xb5: {  	[sflag:s29] =	ssyncadd.s32 $0xFFFFFFFF  }
0xb6: {  	_ =	strace $0x90000048  }
0xb7: {  	_ =	sfence  }
0xb8: {  	s30 =	sld [smem:$0x0];
	_ =	sdelay $0x2  }
0xb9: {  	s31 =	sshll.u32 s1, $0xD;
	s1 =	sshrl.u32 s1, $0x2  }
0xba: {  	s3 =	sand.u32 $0x4000, s31;
	s1 =	sadd.s32 s1, s30  }
0xbb: {  	s0 =	sor.u32 s3, s0;
	s1 =	sshll.u32 s1, $0x11  }
0xbc: {  	s0 =	sor.u32 s1, s0  }
0xbd: {  	s0 =	sadd.s32 $0x8F2B, s0  }
0xbe: {  	[sflag:s0] =	ssyncadd.remote.s32 $0x1  }
0xbf: {  	_ =	sfence.sel $0xFFFF  }
0xc0: {  	[dreg:$0x0] =	wrdreg $0xFFFFFFFF;
	(pc) =	sbr.abs _section_cstart, $3  }
0xc1: {  	[dreg:$0x1] =	wrdreg $0xFFFFFFFF  }
0xc2: {  	_ =	task.clear_ibuf [dreg:s7], $0x2FFFF;
	_ =	strace $0x9FFFFFFF  }
0xc3: {  	(tm) =	ssettm $0x7FFFFFFF  }
tec
execute0_lowered:
.L_overlay_start_1:
0x0: {  	(tag) =	ssettag $0x1  }
0x1: {  	s1 =	rddreg [dreg:$0x0]  }
0x2: {  	s0 =	rddreg [dreg:$0x1]  }
0x3: {  	s3 =	rddreg [dreg:$0x2];
	s4 =	simm.s32 $0x0;
	s11 =	stileid.u32  }
0x4: {  	s6 =	srdreg.scid;
	s18 =	simm.s32 $0x800;
	s19 =	simm.s32 $0x5  }
0x5: {  	s20 =	simm.s32 $0xFA;
	s21 =	simm.s32 $0x1000;
	s22 =	simm.s32 $0x1  }
0x6: {  	s29 =	simm.s32 $0x900;
	s24 =	simm.s32 $0x2F40;
	s2 =	smul.u32 $0x1900, s11  }
0x7: {  	s28 =	simm.s32 $0x3;
	s31 =	simm.s32 $0x4;
	s5 =	smul.u32 $0x32000, s11  }
0x8: {  	[smem:$0x7FF] =	sst s4;
	s6 =	sand.u32 $0x1, s6;
	s7 =	smul.u32 $0x64000, s11  }
0x9: {  	s8 =	sadd.s32 $0x33C00, s0;
	s26 =	sadd.s32 $0x65C00, s0;
	p1 =	seq.s32 s11, $0xF  }
0xa: {  	_ =	strace $0x80000047;
	[dreg:$0x4] =	wrdreg s8;
	s25 =	ssub.s32 $0x2, s6  }
0xb: {  	p0 =	seq.s32 s6, $0x1;
	[dreg:$0x8] =	wrdreg s26;
	s2 =	sadd.s32 s2, s0  }
0xc: {  	s9 =	sshrl.u32 s5, $0x4;
	s10 =	sshrl.u32 s25, $0x1;
	s7 =	sshrl.u32 s7, $0x2  }
0xd: {  	s5 =	sshrl.u32 s5, $0x1;
	[dreg:$0x5] =	wrdreg s9;
	s9 =	sadd.s32 s9, s0  }
0xe: {  	s8 =	ssub.s32 s25, s10;
	s6 =	sadd.s32 s7, s3;
	s5 =	sadd.s32 s5, s3  }
0xf: {  	s7 =	sadd.s32 $0x177000, s3;
	s0 =	sadd.s32 $0x67B40, s0;
	[dreg:$0x7] =	wrdreg s5  }
0x10: {  	s10 =	sadd.s32 $0x30D40, s1;
	s9 =	sadd.s32 $0x36E00, s9;
	[dreg:$0x9] =	wrdreg s0  }
.Ltmp0:
0x11: {  	s30 =	smax.u32 s8, $0x1;
	[dreg:$0x6] =	wrdreg s9;
	(pc) =	sbr.rel .LBB2_1-.Ltmp0, $4  }
0x12: {  	s0 =	sshll.u32 @!p1 s11, $0x6;
	s26 =	sshrl.u32 @p1 s7, $0x3;
	[dreg:$0xa] =	wrdreg s30  }
0x13: {  	s23 =	sor.u32 @!p1 $0x1C05, s0;
	s0 =	sshrl.u32 @!p1 s6, $0x3;
	[dreg:$0xb] =	wrdreg s26  }
0x14: {  	s13 =	sadd.s32 $0x1C00, s2;
	s14 =	sadd.s32 $0x1AC00, s2;
	[dreg:$0xd] =	wrdreg s0  }
0x15: {  	s25 =	simm.s32 $0x2;
	s0 =	simm.s32 $0x0;
	[dreg:$0xc] =	wrdreg s23  }
.LBB2_7:
0x16: {  	s15 =	sadd.s32 s16, s14;
	[sflag:s31] =	ssyncadd.s32 $0xFFFFE0C0  }
0x17: {  	[tilespmem:s18], [sflag:$0x5] =	stream.linear.gather [hbm4b:s15+s4], $0x800, $0x38;
	[tilespmem:$0x1D520] =	vst v63  }
0x18: {  	_ =	swait.ge [sflag:s19], $0x800  }
0x19: {  	[sflag:s19] =	ssyncset.done $0x0  }
0x1a: {  	s23 =	sadd.s32 s16, s13;
	[sflag:s19] =	ssyncadd.s32 $0xFFFFF800  }
0x1b: {  	[tilespmem:s4], [sflag:$0x5] =	stream.linear.gather [hbm4b:s23+s4], $0x800, $0x38;
	[tilespmem:$0x1D520] =	vst v63  }
0x1c: {  	_ =	swait.ge [sflag:s19], $0x800  }
0x1d: {  	[sflag:s19] =	ssyncset.done $0x0  }
0x1e: {  	[sflag:s19] =	ssyncadd.s32 $0xFFFFF800  }
0x1f: {  	[tilespmem:s21], [sflag:$0x1] =	stream.indirect.gather [hbm4b:s10+s20], $0x20, s18, s20, $0xb8;
	[tilespmem:$0x1D520] =	vst v63  }
0x20: {  	_ =	swait.ge [sflag:s22], $0x1F40  }
0x21: {  	[sflag:s22] =	ssyncset.done $0x0  }
0x22: {  	[sflag:s22] =	ssyncadd.s32 $0xFFFFE0C0  }
0x23: {  	[spmem:s3] =	stream.indirect.scatter.add.bf16 [tilespmem:s21], [sflag:$0x3], $0x20, s4, s20, $0xb8;
	[tilespmem:$0x1D520] =	vst v63  }
0x24: {  	_ = 	snop  }
0x25: {  	[tilespmem:s24], [sflag:$0x2] =	stream.indirect.gather [hbm4b:s10+s20], $0x20, s29, s20, $0xb8;
	[tilespmem:$0x1D520] =	vst v63  }
0x26: {  	_ =	swait.ge [sflag:s25], $0x1F40  }
0x27: {  	[sflag:s25] =	ssyncset.done $0x0  }
0x28: {  	[sflag:s25] =	ssyncadd.s32 $0xFFFFE0C0  }
0x29: {  	[spmem:s3] =	stream.indirect.scatter.add.bf16 [tilespmem:s24], [sflag:$0x4], $0x20, s26, s20, $0xb8;
	[tilespmem:$0x1D520] =	vst v63  }
0x2a: {  	_ =	swait.ge [sflag:s28], $0x1F40  }
0x2b: {  	[sflag:s28] =	ssyncset.done $0x0  }
0x2c: {  	[sflag:s28] =	ssyncadd.s32 $0xFFFFE0C0  }
0x2d: {  	[tilespmem:s21], [sflag:$0x1] =	stream.indirect.gather [hbm4b:s10+s20], $0x20, s30, s20, $0xb8;
	[tilespmem:$0x1D520] =	vst v63  }
0x2e: {  	_ =	swait.ge [sflag:s22], $0x1F40  }
0x2f: {  	[sflag:s22] =	ssyncset.done $0x0  }
0x30: {  	[sflag:s22] =	ssyncadd.s32 $0xFFFFE0C0  }
0x31: {  	[spmem:s3] =	stream.indirect.scatter.add.bf16 [tilespmem:s21], [sflag:$0x3], $0x20, s0, s20, $0xb8;
	[tilespmem:$0x1D520] =	vst v63  }
0x32: {  	_ =	swait.ge [sflag:s31], $0x1F40  }
0x33: {  	[sflag:s31] =	ssyncset.done $0x0  }
0x34: {  	[sflag:s31] =	ssyncadd.s32 $0xFFFFE0C0  }
0x35: {  	[tilespmem:s24], [sflag:$0x2] =	stream.indirect.gather [hbm4b:s10+s20], $0x20, s2, s20, $0xb8;
	[tilespmem:$0x1D520] =	vst v63  }
0x36: {  	_ =	swait.ge [sflag:s25], $0x1F40  }
0x37: {  	[sflag:s25] =	ssyncset.done $0x0  }
0x38: {  	[sflag:s25] =	ssyncadd.s32 $0xFFFFE0C0  }
0x39: {  	[spmem:s3] =	stream.indirect.scatter.add.bf16 [tilespmem:s24], [sflag:$0x4], $0x20, s7, s20, $0xb8;
	[tilespmem:$0x1D520] =	vst v63  }
0x3a: {  	_ =	swait.ge [sflag:s28], $0x1F40  }
0x3b: {  	[sflag:s28] =	ssyncset.done $0x0  }
0x3c: {  	[sflag:s28] =	ssyncadd.s32 $0xFFFFE0C0  }
0x3d: {  	[tilespmem:s21], [sflag:$0x1] =	stream.indirect.gather [hbm4b:s10+s20], $0x20, s9, s20, $0xb8;
	[tilespmem:$0x1D520] =	vst v63  }
0x3e: {  	_ =	swait.ge [sflag:s22], $0x1F40  }
0x3f: {  	[sflag:s22] =	ssyncset.done $0x0  }
0x40: {  	[sflag:s22] =	ssyncadd.s32 $0xFFFFE0C0  }
0x41: {  	[spmem:s3] =	stream.indirect.scatter.add.bf16 [tilespmem:s21], [sflag:$0x3], $0x20, s6, s20, $0xb8;
	[tilespmem:$0x1D520] =	vst v63  }
0x42: {  	_ =	swait.ge [sflag:s31], $0x1F40  }
0x43: {  	[sflag:s31] =	ssyncset.done $0x0  }
0x44: {  	[sflag:s31] =	ssyncadd.s32 $0xFFFFE0C0  }
0x45: {  	[tilespmem:s24], [sflag:$0x2] =	stream.indirect.gather [hbm4b:s10+s20], $0x20, s8, s20, $0xb8;
	[tilespmem:$0x1D520] =	vst v63  }
0x46: {  	_ =	swait.ge [sflag:s25], $0x1F40  }
0x47: {  	[sflag:s25] =	ssyncset.done $0x0  }
0x48: {  	[sflag:s25] =	ssyncadd.s32 $0xFFFFE0C0  }
0x49: {  	[spmem:s3] =	stream.indirect.scatter.add.bf16 [tilespmem:s24], [sflag:$0x4], $0x20, s11, s20, $0xb8;
	[tilespmem:$0x1D520] =	vst v63  }
0x4a: {  	_ =	swait.ge [sflag:s28], $0x1F40  }
0x4b: {  	[sflag:s28] =	ssyncset.done $0x0  }
0x4c: {  	[sflag:s28] =	ssyncadd.s32 $0xFFFFE0C0  }
0x4d: {  	[tilespmem:s21], [sflag:$0x1] =	stream.indirect.gather [hbm4b:s10+s20], $0x20, s12, s20, $0xb8;
	[tilespmem:$0x1D520] =	vst v63  }
0x4e: {  	_ =	swait.ge [sflag:s22], $0x1F40  }
0x4f: {  	[sflag:s22] =	ssyncset.done $0x0  }
0x50: {  	[sflag:s22] =	ssyncadd.s32 $0xFFFFE0C0  }
0x51: {  	[spmem:s3] =	stream.indirect.scatter.add.bf16 [tilespmem:s21], [sflag:$0x3], $0x20, s17, s20, $0xb8;
	[tilespmem:$0x1D520] =	vst v63  }
0x52: {  	_ =	swait.ge [sflag:s31], $0x1F40  }
0x53: {  	[sflag:s31] =	ssyncset.done $0x0  }
0x54: {  	[sflag:s31] =	ssyncadd.s32 $0xFFFFE0C0  }
0x55: {  	[tilespmem:s24], [sflag:$0x2] =	stream.indirect.gather [hbm4b:s10+s20], $0x20, s5, s20, $0xb8;
	[tilespmem:$0x1D520] =	vst v63  }
0x56: {  	_ =	swait.ge [sflag:s25], $0x1F40  }
0x57: {  	[sflag:s25] =	ssyncset.done $0x0  }
0x58: {  	s30 =	simm.s32 $0x700;
	[sflag:s25] =	ssyncadd.s32 $0xFFFFE0C0  }
0x59: {  	[spmem:s3] =	stream.indirect.scatter.add.bf16 [tilespmem:s24], [sflag:$0x4], $0x20, s30, s20, $0xb8;
	[tilespmem:$0x1D520] =	vst v63  }
0x5a: {  	_ =	swait.ge [sflag:s28], $0x1F40  }
0x5b: {  	[sflag:s28] =	ssyncset.done $0x0  }
0x5c: {  	[sflag:s28] =	ssyncadd.s32 $0xFFFFE0C0  }
0x5d: {  	_ =	swait.ge [sflag:s31], $0x1F40  }
0x5e: {  	[sflag:s31] =	ssyncset.done $0x0  }
0x5f: {  	[sflag:s31] =	ssyncadd.s32 $0xFFFFE0C0  }
0x60: {  	[bflag:$0x0] =	sbarrier.arrive $0xFFFF  }
0x61: {  	s23 =	rddreg [dreg:$0x9]  }
0x62: {  	s16 =	simm.s32 @p1 $0x1FC5;
	s26 =	rddreg [dreg:$0xb];
	s15 =	sadd.s32 @p1 $0x2EE00, s23  }
0x63: {  	[hbm:s15], [sflag:s16] =	dma.local @p1 [spmem:s26], $0x1F40  }
0x64: {  	s15 =	simm.s32 @p1 $0x5  }
0x65: {  	_ =	swait.ge @p1 [sflag:s15], $0x1F40  }
0x66: {  	[sflag:s15] =	ssyncset.done @p1 $0x0;
	s0 =	rddreg [dreg:$0xf]  }
0x67: {  	[sflag:s15] =	ssyncadd.s32 @p1 $0xFFFFE0C0;
	s15 =	rddreg [dreg:$0x5]  }
0x68: {  	s15 =	sadd.s32 @!p1 s15, s23;
	s23 =	rddreg [dreg:$0xc]  }
0x69: {  	[hbm:s15], [sflag:s23] =	dma.local @!p1 [spmem:s0], $0x3200  }
0x6a: {  	s15 =	simm.s32 @!p1 $0x5  }
0x6b: {  	_ =	swait.ge @!p1 [sflag:s15], $0x3200  }
0x6c: {  	[sflag:s15] =	ssyncset.done @!p1 $0x0  }
0x6d: {  	s0 =	rddreg [dreg:$0xe];
	[sflag:s15] =	ssyncadd.s32 @!p1 $0xFFFFCE00  }
.LBB2_8:
0x6e: {  	s0 =	sadd.s32 $0x1, s0;
	s15 =	rddreg [dreg:$0xa]  }
0x6f: {  	p2 =	sne.s32 s0, s15  }
.Ltmp1:
0x70: {  	_ = 	snop;
	(pc) =	sbr.rel @!p2 .LBB2_9-.Ltmp1, $2  }
0x71: {  	_ =	sdelay $0x1  }
0x72: {  	[bflag:$0x0] =	sbarrier.arrive $0xFFFF;
	_ =	sdelay $0x1  }
.LBB2_1:
.Ltmp2:
0x73: {  	(pc) =	sbr.rel @!p0 .LBB2_2-.Ltmp2, $4  }
0x74: {  	_ = 	snop  }
0x75: {  	s15 =	rddreg [dreg:$0x7]  }
0x76: {  	[dreg:$0xe] =	wrdreg s0;
	s0 =	sshrl.u32 @!p1 s15, $0x3  }
0x77: {  	[dreg:$0xf] =	wrdreg s0  }
0x78: {  	s15 =	simm.s32 @p1 $0x1FC5;
	s16 =	rddreg [dreg:$0x4]  }
0x79: {  	[spmem:s26], [sflag:s15] =	dma.local @p1 [hbm:s16], $0x1F40  }
0x7a: {  	s15 =	simm.s32 @p1 $0x5  }
0x7b: {  	_ =	swait.ge @p1 [sflag:s15], $0x1F40  }
0x7c: {  	[sflag:s15] =	ssyncset.done @p1 $0x0  }
0x7d: {  	[sflag:s15] =	ssyncadd.s32 @p1 $0xFFFFE0C0;
	s15 =	rddreg [dreg:$0xd]  }
0x7e: {  	[spmem:s15], [sflag:s23] =	dma.local @!p1 [hbm:s16], $0x3200  }
0x7f: {  	s15 =	simm.s32 @!p1 $0x5  }
0x80: {  	_ =	swait.ge @!p1 [sflag:s15], $0x3200  }
0x81: {  	[sflag:s15] =	ssyncset.done @!p1 $0x0  }
0x82: {  	[sflag:s15] =	ssyncadd.s32 @!p1 $0xFFFFCE00  }
0x83: {  	s17 =	sadd.s32 $0x0, s14;
	[bflag:$0x0] =	sbarrier.arrive $0xFFFF  }
0x84: {  	[tilespmem:s18], [sflag:$0x5] =	stream.linear.gather [hbm4b:s17+s4], $0x800, $0x38;
	[tilespmem:$0x1D520] =	vst v63  }
0x85: {  	_ =	swait.ge [sflag:s19], $0x800  }
0x86: {  	[sflag:s19] =	ssyncset.done $0x0  }
0x87: {  	s23 =	sadd.s32 $0x0, s13;
	[sflag:s19] =	ssyncadd.s32 $0xFFFFF800  }
0x88: {  	[tilespmem:s4], [sflag:$0x5] =	stream.linear.gather [hbm4b:s23+s4], $0x800, $0x38;
	[tilespmem:$0x1D520] =	vst v63  }
0x89: {  	_ =	swait.ge [sflag:s19], $0x800  }
0x8a: {  	[sflag:s19] =	ssyncset.done $0x0  }
0x8b: {  	[sflag:s19] =	ssyncadd.s32 $0xFFFFF800  }
0x8c: {  	[tilespmem:s21], [sflag:$0x1] =	stream.indirect.gather [hbm4b:s10+s20], $0x20, s18, s20, $0xb8;
	[tilespmem:$0x1D520] =	vst v63  }
0x8d: {  	_ =	swait.ge [sflag:s22], $0x1F40  }
0x8e: {  	[sflag:s22] =	ssyncset.done $0x0  }
0x8f: {  	[sflag:s22] =	ssyncadd.s32 $0xFFFFE0C0  }
0x90: {  	[spmem:s3] =	stream.indirect.scatter.add.bf16 [tilespmem:s21], [sflag:$0x3], $0x20, s4, s20, $0xb8;
	[tilespmem:$0x1D520] =	vst v63  }
0x91: {  	_ = 	snop  }
0x92: {  	[tilespmem:s24], [sflag:$0x2] =	stream.indirect.gather [hbm4b:s10+s20], $0x20, s29, s20, $0xb8;
	[tilespmem:$0x1D520] =	vst v63  }
0x93: {  	_ =	swait.ge [sflag:s25], $0x1F40  }
0x94: {  	[sflag:s25] =	ssyncset.done $0x0  }
0x95: {  	s26 =	simm.s32 $0x100;
	[sflag:s25] =	ssyncadd.s32 $0xFFFFE0C0  }
0x96: {  	[spmem:s3] =	stream.indirect.scatter.add.bf16 [tilespmem:s24], [sflag:$0x4], $0x20, s26, s20, $0xb8;
	[tilespmem:$0x1D520] =	vst v63  }
0x97: {  	_ =	swait.ge [sflag:s28], $0x1F40  }
0x98: {  	[sflag:s28] =	ssyncset.done $0x0  }
0x99: {  	s30 =	simm.s32 $0xA00;
	[sflag:s28] =	ssyncadd.s32 $0xFFFFE0C0  }
0x9a: {  	[tilespmem:s21], [sflag:$0x1] =	stream.indirect.gather [hbm4b:s10+s20], $0x20, s30, s20, $0xb8;
	[tilespmem:$0x1D520] =	vst v63  }
0x9b: {  	_ =	swait.ge [sflag:s22], $0x1F40  }
0x9c: {  	[sflag:s22] =	ssyncset.done $0x0  }
0x9d: {  	s0 =	simm.s32 $0x200;
	[sflag:s22] =	ssyncadd.s32 $0xFFFFE0C0  }
0x9e: {  	[spmem:s3] =	stream.indirect.scatter.add.bf16 [tilespmem:s21], [sflag:$0x3], $0x20, s0, s20, $0xb8;
	[tilespmem:$0x1D520] =	vst v63  }
0x9f: {  	_ =	swait.ge [sflag:s31], $0x1F40  }
0xa0: {  	[sflag:s31] =	ssyncset.done $0x0  }
0xa1: {  	s2 =	simm.s32 $0xB00;
	[sflag:s31] =	ssyncadd.s32 $0xFFFFE0C0  }
0xa2: {  	[tilespmem:s24], [sflag:$0x2] =	stream.indirect.gather [hbm4b:s10+s20], $0x20, s2, s20, $0xb8;
	[tilespmem:$0x1D520] =	vst v63  }
0xa3: {  	_ =	swait.ge [sflag:s25], $0x1F40  }
0xa4: {  	[sflag:s25] =	ssyncset.done $0x0  }
0xa5: {  	s7 =	simm.s32 $0x300;
	[sflag:s25] =	ssyncadd.s32 $0xFFFFE0C0  }
0xa6: {  	[spmem:s3] =	stream.indirect.scatter.add.bf16 [tilespmem:s24], [sflag:$0x4], $0x20, s7, s20, $0xb8;
	[tilespmem:$0x1D520] =	vst v63  }
0xa7: {  	_ =	swait.ge [sflag:s28], $0x1F40  }
0xa8: {  	[sflag:s28] =	ssyncset.done $0x0  }
0xa9: {  	s9 =	simm.s32 $0xC00;
	[sflag:s28] =	ssyncadd.s32 $0xFFFFE0C0  }
0xaa: {  	[tilespmem:s21], [sflag:$0x1] =	stream.indirect.gather [hbm4b:s10+s20], $0x20, s9, s20, $0xb8;
	[tilespmem:$0x1D520] =	vst v63  }
0xab: {  	_ =	swait.ge [sflag:s22], $0x1F40  }
0xac: {  	[sflag:s22] =	ssyncset.done $0x0  }
0xad: {  	s6 =	simm.s32 $0x400;
	[sflag:s22] =	ssyncadd.s32 $0xFFFFE0C0  }
0xae: {  	[spmem:s3] =	stream.indirect.scatter.add.bf16 [tilespmem:s21], [sflag:$0x3], $0x20, s6, s20, $0xb8;
	[tilespmem:$0x1D520] =	vst v63  }
0xaf: {  	_ =	swait.ge [sflag:s31], $0x1F40  }
0xb0: {  	[sflag:s31] =	ssyncset.done $0x0  }
0xb1: {  	s8 =	simm.s32 $0xD00;
	[sflag:s31] =	ssyncadd.s32 $0xFFFFE0C0  }
0xb2: {  	[tilespmem:s24], [sflag:$0x2] =	stream.indirect.gather [hbm4b:s10+s20], $0x20, s8, s20, $0xb8;
	[tilespmem:$0x1D520] =	vst v63  }
0xb3: {  	_ =	swait.ge [sflag:s25], $0x1F40  }
0xb4: {  	[sflag:s25] =	ssyncset.done $0x0  }
0xb5: {  	s11 =	simm.s32 $0x500;
	[sflag:s25] =	ssyncadd.s32 $0xFFFFE0C0  }
0xb6: {  	[spmem:s3] =	stream.indirect.scatter.add.bf16 [tilespmem:s24], [sflag:$0x4], $0x20, s11, s20, $0xb8;
	[tilespmem:$0x1D520] =	vst v63  }
0xb7: {  	_ =	swait.ge [sflag:s28], $0x1F40  }
0xb8: {  	[sflag:s28] =	ssyncset.done $0x0  }
0xb9: {  	s12 =	simm.s32 $0xE00;
	[sflag:s28] =	ssyncadd.s32 $0xFFFFE0C0  }
0xba: {  	[tilespmem:s21], [sflag:$0x1] =	stream.indirect.gather [hbm4b:s10+s20], $0x20, s12, s20, $0xb8;
	[tilespmem:$0x1D520] =	vst v63  }
0xbb: {  	_ =	swait.ge [sflag:s22], $0x1F40  }
0xbc: {  	[sflag:s22] =	ssyncset.done $0x0  }
0xbd: {  	s17 =	simm.s32 $0x600;
	[sflag:s22] =	ssyncadd.s32 $0xFFFFE0C0  }
0xbe: {  	[spmem:s3] =	stream.indirect.scatter.add.bf16 [tilespmem:s21], [sflag:$0x3], $0x20, s17, s20, $0xb8;
	[tilespmem:$0x1D520] =	vst v63  }
0xbf: {  	_ =	swait.ge [sflag:s31], $0x1F40  }
0xc0: {  	[sflag:s31] =	ssyncset.done $0x0  }
0xc1: {  	s5 =	simm.s32 $0xF00;
	[sflag:s31] =	ssyncadd.s32 $0xFFFFE0C0  }
0xc2: {  	[tilespmem:s24], [sflag:$0x2] =	stream.indirect.gather [hbm4b:s10+s20], $0x20, s5, s20, $0xb8;
	[tilespmem:$0x1D520] =	vst v63  }
0xc3: {  	_ =	swait.ge [sflag:s25], $0x1F40  }
0xc4: {  	[sflag:s25] =	ssyncset.done $0x0  }
0xc5: {  	s29 =	simm.s32 $0x700;
	[sflag:s25] =	ssyncadd.s32 $0xFFFFE0C0  }
0xc6: {  	[spmem:s3] =	stream.indirect.scatter.add.bf16 [tilespmem:s24], [sflag:$0x4], $0x20, s29, s20, $0xb8;
	[tilespmem:$0x1D520] =	vst v63  }
0xc7: {  	_ =	swait.ge [sflag:s28], $0x1F40  }
0xc8: {  	[sflag:s28] =	ssyncset.done $0x0  }
0xc9: {  	[sflag:s28] =	ssyncadd.s32 $0xFFFFE0C0  }
0xca: {  	_ =	swait.ge [sflag:s31], $0x1F40  }
0xcb: {  	s16 =	simm.s32 $0x100;
	s23 =	simm.s32 $0x200;
	[sflag:s31] =	ssyncset.done $0x0  }
.LBB2_6:
0xcc: {  	s26 =	sadd.s32 s16, s14  }
0xcd: {  	[sflag:s31] =	ssyncadd.s32 $0xFFFFE0C0;
	s29 =	smov.u32 s23;
	s15 =	sadd.s32 $0x100, s23  }
0xce: {  	[tilespmem:s18], [sflag:$0x5] =	stream.linear.gather [hbm4b:s26+s4], $0x800, $0x38;
	[tilespmem:$0x1D520] =	vst v63  }
0xcf: {  	s26 =	simm.s32 $0x100  }
0xd0: {  	p2 =	sne.s32 s23, $0x1800;
	_ =	swait.ge [sflag:s19], $0x800  }
0xd1: {  	s23 =	sadd.s32 s16, s13;
	[sflag:s19] =	ssyncset.done $0x0  }
0xd2: {  	s16 =	smov.u32 s29;
	s29 =	simm.s32 $0x900;
	[sflag:s19] =	ssyncadd.s32 $0xFFFFF800  }
0xd3: {  	[tilespmem:s4], [sflag:$0x5] =	stream.linear.gather [hbm4b:s23+s4], $0x800, $0x38;
	[tilespmem:$0x1D520] =	vst v63  }
0xd4: {  	_ =	swait.ge [sflag:s19], $0x800  }
0xd5: {  	[sflag:s19] =	ssyncset.done $0x0  }
0xd6: {  	[sflag:s19] =	ssyncadd.s32 $0xFFFFF800  }
0xd7: {  	[tilespmem:s21], [sflag:$0x1] =	stream.indirect.gather [hbm4b:s10+s20], $0x20, s18, s20, $0xb8;
	[tilespmem:$0x1D520] =	vst v63  }
0xd8: {  	_ =	swait.ge [sflag:s22], $0x1F40  }
0xd9: {  	[sflag:s22] =	ssyncset.done $0x0  }
0xda: {  	[sflag:s22] =	ssyncadd.s32 $0xFFFFE0C0  }
0xdb: {  	[spmem:s3] =	stream.indirect.scatter.add.bf16 [tilespmem:s21], [sflag:$0x3], $0x20, s4, s20, $0xb8;
	[tilespmem:$0x1D520] =	vst v63  }
0xdc: {  	_ = 	snop  }
0xdd: {  	[tilespmem:s24], [sflag:$0x2] =	stream.indirect.gather [hbm4b:s10+s20], $0x20, s29, s20, $0xb8;
	[tilespmem:$0x1D520] =	vst v63  }
0xde: {  	_ =	swait.ge [sflag:s25], $0x1F40  }
0xdf: {  	[sflag:s25] =	ssyncset.done $0x0  }
0xe0: {  	[sflag:s25] =	ssyncadd.s32 $0xFFFFE0C0  }
0xe1: {  	[spmem:s3] =	stream.indirect.scatter.add.bf16 [tilespmem:s24], [sflag:$0x4], $0x20, s26, s20, $0xb8;
	[tilespmem:$0x1D520] =	vst v63  }
0xe2: {  	_ =	swait.ge [sflag:s28], $0x1F40  }
0xe3: {  	[sflag:s28] =	ssyncset.done $0x0  }
0xe4: {  	[sflag:s28] =	ssyncadd.s32 $0xFFFFE0C0  }
0xe5: {  	[tilespmem:s21], [sflag:$0x1] =	stream.indirect.gather [hbm4b:s10+s20], $0x20, s30, s20, $0xb8;
	[tilespmem:$0x1D520] =	vst v63  }
0xe6: {  	_ =	swait.ge [sflag:s22], $0x1F40  }
0xe7: {  	[sflag:s22] =	ssyncset.done $0x0  }
0xe8: {  	[sflag:s22] =	ssyncadd.s32 $0xFFFFE0C0  }
0xe9: {  	[spmem:s3] =	stream.indirect.scatter.add.bf16 [tilespmem:s21], [sflag:$0x3], $0x20, s0, s20, $0xb8;
	[tilespmem:$0x1D520] =	vst v63  }
0xea: {  	_ =	swait.ge [sflag:s31], $0x1F40  }
0xeb: {  	[sflag:s31] =	ssyncset.done $0x0  }
0xec: {  	[sflag:s31] =	ssyncadd.s32 $0xFFFFE0C0  }
0xed: {  	[tilespmem:s24], [sflag:$0x2] =	stream.indirect.gather [hbm4b:s10+s20], $0x20, s2, s20, $0xb8;
	[tilespmem:$0x1D520] =	vst v63  }
0xee: {  	_ =	swait.ge [sflag:s25], $0x1F40  }
0xef: {  	[sflag:s25] =	ssyncset.done $0x0  }
0xf0: {  	[sflag:s25] =	ssyncadd.s32 $0xFFFFE0C0  }
0xf1: {  	[spmem:s3] =	stream.indirect.scatter.add.bf16 [tilespmem:s24], [sflag:$0x4], $0x20, s7, s20, $0xb8;
	[tilespmem:$0x1D520] =	vst v63  }
0xf2: {  	_ =	swait.ge [sflag:s28], $0x1F40  }
0xf3: {  	[sflag:s28] =	ssyncset.done $0x0  }
0xf4: {  	[sflag:s28] =	ssyncadd.s32 $0xFFFFE0C0  }
0xf5: {  	[tilespmem:s21], [sflag:$0x1] =	stream.indirect.gather [hbm4b:s10+s20], $0x20, s9, s20, $0xb8;
	[tilespmem:$0x1D520] =	vst v63  }
0xf6: {  	_ =	swait.ge [sflag:s22], $0x1F40  }
0xf7: {  	[sflag:s22] =	ssyncset.done $0x0  }
0xf8: {  	[sflag:s22] =	ssyncadd.s32 $0xFFFFE0C0  }
0xf9: {  	[spmem:s3] =	stream.indirect.scatter.add.bf16 [tilespmem:s21], [sflag:$0x3], $0x20, s6, s20, $0xb8;
	[tilespmem:$0x1D520] =	vst v63  }
0xfa: {  	_ =	swait.ge [sflag:s31], $0x1F40  }
0xfb: {  	[sflag:s31] =	ssyncset.done $0x0  }
0xfc: {  	[sflag:s31] =	ssyncadd.s32 $0xFFFFE0C0  }
0xfd: {  	[tilespmem:s24], [sflag:$0x2] =	stream.indirect.gather [hbm4b:s10+s20], $0x20, s8, s20, $0xb8;
	[tilespmem:$0x1D520] =	vst v63  }
0xfe: {  	_ =	swait.ge [sflag:s25], $0x1F40  }
0xff: {  	[sflag:s25] =	ssyncset.done $0x0  }
0x100: {  	[sflag:s25] =	ssyncadd.s32 $0xFFFFE0C0  }
0x101: {  	[spmem:s3] =	stream.indirect.scatter.add.bf16 [tilespmem:s24], [sflag:$0x4], $0x20, s11, s20, $0xb8;
	[tilespmem:$0x1D520] =	vst v63  }
0x102: {  	_ =	swait.ge [sflag:s28], $0x1F40  }
0x103: {  	[sflag:s28] =	ssyncset.done $0x0  }
0x104: {  	[sflag:s28] =	ssyncadd.s32 $0xFFFFE0C0  }
0x105: {  	[tilespmem:s21], [sflag:$0x1] =	stream.indirect.gather [hbm4b:s10+s20], $0x20, s12, s20, $0xb8;
	[tilespmem:$0x1D520] =	vst v63  }
0x106: {  	_ =	swait.ge [sflag:s22], $0x1F40  }
0x107: {  	[sflag:s22] =	ssyncset.done $0x0  }
0x108: {  	[sflag:s22] =	ssyncadd.s32 $0xFFFFE0C0  }
0x109: {  	[spmem:s3] =	stream.indirect.scatter.add.bf16 [tilespmem:s21], [sflag:$0x3], $0x20, s17, s20, $0xb8;
	[tilespmem:$0x1D520] =	vst v63  }
0x10a: {  	_ =	swait.ge [sflag:s31], $0x1F40  }
0x10b: {  	[sflag:s31] =	ssyncset.done $0x0  }
0x10c: {  	[sflag:s31] =	ssyncadd.s32 $0xFFFFE0C0  }
0x10d: {  	[tilespmem:s24], [sflag:$0x2] =	stream.indirect.gather [hbm4b:s10+s20], $0x20, s5, s20, $0xb8;
	[tilespmem:$0x1D520] =	vst v63  }
0x10e: {  	_ =	swait.ge [sflag:s25], $0x1F40  }
0x10f: {  	[sflag:s25] =	ssyncset.done $0x0  }
0x110: {  	s23 =	simm.s32 $0x700;
	[sflag:s25] =	ssyncadd.s32 $0xFFFFE0C0  }
0x111: {  	[spmem:s3] =	stream.indirect.scatter.add.bf16 [tilespmem:s24], [sflag:$0x4], $0x20, s23, s20, $0xb8;
	[tilespmem:$0x1D520] =	vst v63  }
.Ltmp3:
0x112: {  	_ =	swait.ge [sflag:s28], $0x1F40;
	(pc) =	sbr.rel @p2 .LBB2_6-.Ltmp3, $4  }
0x113: {  	[sflag:s28] =	ssyncset.done $0x0  }
0x114: {  	[sflag:s28] =	ssyncadd.s32 $0xFFFFE0C0  }
0x115: {  	_ =	swait.ge [sflag:s31], $0x1F40  }
0x116: {  	s23 =	smov.u32 s15;
	[sflag:s31] =	ssyncset.done $0x0  }
.Ltmp4:
0x117: {  	_ = 	snop;
	(pc) =	sbr.rel .LBB2_7-.Ltmp4, $1  }
0x118: {  	_ =	sdelay $0x3  }
.LBB2_2:
0x119: {  	s15 =	simm.s32 @p1 $0x1FC5;
	s16 =	rddreg [dreg:$0x4]  }
0x11a: {  	[spmem:s26], [sflag:s15] =	dma.local @p1 [hbm:s16], $0x1F40  }
0x11b: {  	s15 =	simm.s32 @p1 $0x5  }
0x11c: {  	_ =	swait.ge @p1 [sflag:s15], $0x1F40  }
0x11d: {  	[sflag:s15] =	ssyncset.done @p1 $0x0  }
0x11e: {  	[sflag:s15] =	ssyncadd.s32 @p1 $0xFFFFE0C0;
	s15 =	rddreg [dreg:$0xd]  }
0x11f: {  	[spmem:s15], [sflag:s23] =	dma.local @!p1 [hbm:s16], $0x3200  }
0x120: {  	s15 =	simm.s32 @!p1 $0x5  }
0x121: {  	_ =	swait.ge @!p1 [sflag:s15], $0x3200  }
0x122: {  	[sflag:s15] =	ssyncset.done @!p1 $0x0  }
0x123: {  	[sflag:s15] =	ssyncadd.s32 @!p1 $0xFFFFCE00  }
0x124: {  	s17 =	sadd.s32 $0x0, s14;
	[bflag:$0x0] =	sbarrier.arrive $0xFFFF  }
0x125: {  	[tilespmem:s18], [sflag:$0x5] =	stream.linear.gather [hbm4b:s17+s4], $0x800, $0x38;
	[tilespmem:$0x1D520] =	vst v63  }
0x126: {  	_ =	swait.ge [sflag:s19], $0x800  }
0x127: {  	[sflag:s19] =	ssyncset.done $0x0  }
0x128: {  	s23 =	sadd.s32 $0x0, s13;
	[sflag:s19] =	ssyncadd.s32 $0xFFFFF800  }
0x129: {  	[tilespmem:s4], [sflag:$0x5] =	stream.linear.gather [hbm4b:s23+s4], $0x800, $0x38;
	[tilespmem:$0x1D520] =	vst v63  }
0x12a: {  	_ =	swait.ge [sflag:s19], $0x800  }
0x12b: {  	[sflag:s19] =	ssyncset.done $0x0  }
0x12c: {  	[sflag:s19] =	ssyncadd.s32 $0xFFFFF800  }
0x12d: {  	[tilespmem:s21], [sflag:$0x1] =	stream.indirect.gather [hbm4b:s1+s20], $0x20, s18, s20, $0xb8;
	[tilespmem:$0x1D520] =	vst v63  }
0x12e: {  	_ =	swait.ge [sflag:s22], $0x1F40  }
0x12f: {  	[sflag:s22] =	ssyncset.done $0x0  }
0x130: {  	[sflag:s22] =	ssyncadd.s32 $0xFFFFE0C0  }
0x131: {  	[spmem:s3] =	stream.indirect.scatter.add.bf16 [tilespmem:s21], [sflag:$0x3], $0x20, s4, s20, $0xb8;
	[tilespmem:$0x1D520] =	vst v63  }
0x132: {  	_ = 	snop  }
0x133: {  	[tilespmem:s24], [sflag:$0x2] =	stream.indirect.gather [hbm4b:s1+s20], $0x20, s29, s20, $0xb8;
	[tilespmem:$0x1D520] =	vst v63  }
0x134: {  	_ =	swait.ge [sflag:s25], $0x1F40  }
0x135: {  	[sflag:s25] =	ssyncset.done $0x0  }
0x136: {  	s26 =	simm.s32 $0x100;
	[sflag:s25] =	ssyncadd.s32 $0xFFFFE0C0  }
0x137: {  	[spmem:s3] =	stream.indirect.scatter.add.bf16 [tilespmem:s24], [sflag:$0x4], $0x20, s26, s20, $0xb8;
	[tilespmem:$0x1D520] =	vst v63  }
0x138: {  	_ =	swait.ge [sflag:s28], $0x1F40  }
0x139: {  	[sflag:s28] =	ssyncset.done $0x0  }
0x13a: {  	s30 =	simm.s32 $0xA00;
	[sflag:s28] =	ssyncadd.s32 $0xFFFFE0C0  }
0x13b: {  	[tilespmem:s21], [sflag:$0x1] =	stream.indirect.gather [hbm4b:s1+s20], $0x20, s30, s20, $0xb8;
	[tilespmem:$0x1D520] =	vst v63  }
0x13c: {  	_ =	swait.ge [sflag:s22], $0x1F40  }
0x13d: {  	[sflag:s22] =	ssyncset.done $0x0  }
0x13e: {  	s0 =	simm.s32 $0x200;
	[sflag:s22] =	ssyncadd.s32 $0xFFFFE0C0  }
0x13f: {  	[spmem:s3] =	stream.indirect.scatter.add.bf16 [tilespmem:s21], [sflag:$0x3], $0x20, s0, s20, $0xb8;
	[tilespmem:$0x1D520] =	vst v63  }
0x140: {  	_ =	swait.ge [sflag:s31], $0x1F40  }
0x141: {  	[sflag:s31] =	ssyncset.done $0x0  }
0x142: {  	s2 =	simm.s32 $0xB00;
	[sflag:s31] =	ssyncadd.s32 $0xFFFFE0C0  }
0x143: {  	[tilespmem:s24], [sflag:$0x2] =	stream.indirect.gather [hbm4b:s1+s20], $0x20, s2, s20, $0xb8;
	[tilespmem:$0x1D520] =	vst v63  }
0x144: {  	_ =	swait.ge [sflag:s25], $0x1F40  }
0x145: {  	[sflag:s25] =	ssyncset.done $0x0  }
0x146: {  	s7 =	simm.s32 $0x300;
	[sflag:s25] =	ssyncadd.s32 $0xFFFFE0C0  }
0x147: {  	[spmem:s3] =	stream.indirect.scatter.add.bf16 [tilespmem:s24], [sflag:$0x4], $0x20, s7, s20, $0xb8;
	[tilespmem:$0x1D520] =	vst v63  }
0x148: {  	_ =	swait.ge [sflag:s28], $0x1F40  }
0x149: {  	[sflag:s28] =	ssyncset.done $0x0  }
0x14a: {  	s9 =	simm.s32 $0xC00;
	[sflag:s28] =	ssyncadd.s32 $0xFFFFE0C0  }
0x14b: {  	[tilespmem:s21], [sflag:$0x1] =	stream.indirect.gather [hbm4b:s1+s20], $0x20, s9, s20, $0xb8;
	[tilespmem:$0x1D520] =	vst v63  }
0x14c: {  	_ =	swait.ge [sflag:s22], $0x1F40  }
0x14d: {  	[sflag:s22] =	ssyncset.done $0x0  }
0x14e: {  	s6 =	simm.s32 $0x400;
	[sflag:s22] =	ssyncadd.s32 $0xFFFFE0C0  }
0x14f: {  	[spmem:s3] =	stream.indirect.scatter.add.bf16 [tilespmem:s21], [sflag:$0x3], $0x20, s6, s20, $0xb8;
	[tilespmem:$0x1D520] =	vst v63  }
0x150: {  	_ =	swait.ge [sflag:s31], $0x1F40  }
0x151: {  	[sflag:s31] =	ssyncset.done $0x0  }
0x152: {  	s8 =	simm.s32 $0xD00;
	[sflag:s31] =	ssyncadd.s32 $0xFFFFE0C0  }
0x153: {  	[tilespmem:s24], [sflag:$0x2] =	stream.indirect.gather [hbm4b:s1+s20], $0x20, s8, s20, $0xb8;
	[tilespmem:$0x1D520] =	vst v63  }
0x154: {  	_ =	swait.ge [sflag:s25], $0x1F40  }
0x155: {  	[sflag:s25] =	ssyncset.done $0x0  }
0x156: {  	s11 =	simm.s32 $0x500;
	[sflag:s25] =	ssyncadd.s32 $0xFFFFE0C0  }
0x157: {  	[spmem:s3] =	stream.indirect.scatter.add.bf16 [tilespmem:s24], [sflag:$0x4], $0x20, s11, s20, $0xb8;
	[tilespmem:$0x1D520] =	vst v63  }
0x158: {  	_ =	swait.ge [sflag:s28], $0x1F40  }
0x159: {  	[sflag:s28] =	ssyncset.done $0x0  }
0x15a: {  	s12 =	simm.s32 $0xE00;
	[sflag:s28] =	ssyncadd.s32 $0xFFFFE0C0  }
0x15b: {  	[tilespmem:s21], [sflag:$0x1] =	stream.indirect.gather [hbm4b:s1+s20], $0x20, s12, s20, $0xb8;
	[tilespmem:$0x1D520] =	vst v63  }
0x15c: {  	_ =	swait.ge [sflag:s22], $0x1F40  }
0x15d: {  	[sflag:s22] =	ssyncset.done $0x0  }
0x15e: {  	s17 =	simm.s32 $0x600;
	[sflag:s22] =	ssyncadd.s32 $0xFFFFE0C0  }
0x15f: {  	[spmem:s3] =	stream.indirect.scatter.add.bf16 [tilespmem:s21], [sflag:$0x3], $0x20, s17, s20, $0xb8;
	[tilespmem:$0x1D520] =	vst v63  }
0x160: {  	_ =	swait.ge [sflag:s31], $0x1F40  }
0x161: {  	[sflag:s31] =	ssyncset.done $0x0  }
0x162: {  	s5 =	simm.s32 $0xF00;
	[sflag:s31] =	ssyncadd.s32 $0xFFFFE0C0  }
0x163: {  	[tilespmem:s24], [sflag:$0x2] =	stream.indirect.gather [hbm4b:s1+s20], $0x20, s5, s20, $0xb8;
	[tilespmem:$0x1D520] =	vst v63  }
0x164: {  	_ =	swait.ge [sflag:s25], $0x1F40  }
0x165: {  	[sflag:s25] =	ssyncset.done $0x0  }
0x166: {  	s29 =	simm.s32 $0x700;
	[sflag:s25] =	ssyncadd.s32 $0xFFFFE0C0  }
0x167: {  	[spmem:s3] =	stream.indirect.scatter.add.bf16 [tilespmem:s24], [sflag:$0x4], $0x20, s29, s20, $0xb8;
	[tilespmem:$0x1D520] =	vst v63  }
0x168: {  	_ =	swait.ge [sflag:s28], $0x1F40  }
0x169: {  	[sflag:s28] =	ssyncset.done $0x0  }
0x16a: {  	[sflag:s28] =	ssyncadd.s32 $0xFFFFE0C0  }
0x16b: {  	_ =	swait.ge [sflag:s31], $0x1F40  }
0x16c: {  	s16 =	simm.s32 $0x100;
	s15 =	simm.s32 $0x200;
	[sflag:s31] =	ssyncset.done $0x0  }
.LBB2_3:
0x16d: {  	s26 =	sadd.s32 s16, s14  }
0x16e: {  	[sflag:s31] =	ssyncadd.s32 $0xFFFFE0C0;
	s29 =	smov.u32 s15;
	s23 =	sadd.s32 $0x100, s15  }
0x16f: {  	[tilespmem:s18], [sflag:$0x5] =	stream.linear.gather [hbm4b:s26+s4], $0x800, $0x38;
	[tilespmem:$0x1D520] =	vst v63  }
0x170: {  	s26 =	simm.s32 $0x100  }
0x171: {  	p2 =	sne.s32 s15, $0x1800;
	_ =	swait.ge [sflag:s19], $0x800  }
0x172: {  	s15 =	sadd.s32 s16, s13;
	[sflag:s19] =	ssyncset.done $0x0  }
0x173: {  	s16 =	smov.u32 s29;
	s29 =	simm.s32 $0x900;
	[sflag:s19] =	ssyncadd.s32 $0xFFFFF800  }
0x174: {  	[tilespmem:s4], [sflag:$0x5] =	stream.linear.gather [hbm4b:s15+s4], $0x800, $0x38;
	[tilespmem:$0x1D520] =	vst v63  }
0x175: {  	_ =	swait.ge [sflag:s19], $0x800  }
0x176: {  	[sflag:s19] =	ssyncset.done $0x0  }
0x177: {  	[sflag:s19] =	ssyncadd.s32 $0xFFFFF800  }
0x178: {  	[tilespmem:s21], [sflag:$0x1] =	stream.indirect.gather [hbm4b:s1+s20], $0x20, s18, s20, $0xb8;
	[tilespmem:$0x1D520] =	vst v63  }
0x179: {  	_ =	swait.ge [sflag:s22], $0x1F40  }
0x17a: {  	[sflag:s22] =	ssyncset.done $0x0  }
0x17b: {  	[sflag:s22] =	ssyncadd.s32 $0xFFFFE0C0  }
0x17c: {  	[spmem:s3] =	stream.indirect.scatter.add.bf16 [tilespmem:s21], [sflag:$0x3], $0x20, s4, s20, $0xb8;
	[tilespmem:$0x1D520] =	vst v63  }
0x17d: {  	_ = 	snop  }
0x17e: {  	[tilespmem:s24], [sflag:$0x2] =	stream.indirect.gather [hbm4b:s1+s20], $0x20, s29, s20, $0xb8;
	[tilespmem:$0x1D520] =	vst v63  }
0x17f: {  	_ =	swait.ge [sflag:s25], $0x1F40  }
0x180: {  	[sflag:s25] =	ssyncset.done $0x0  }
0x181: {  	[sflag:s25] =	ssyncadd.s32 $0xFFFFE0C0  }
0x182: {  	[spmem:s3] =	stream.indirect.scatter.add.bf16 [tilespmem:s24], [sflag:$0x4], $0x20, s26, s20, $0xb8;
	[tilespmem:$0x1D520] =	vst v63  }
0x183: {  	_ =	swait.ge [sflag:s28], $0x1F40  }
0x184: {  	[sflag:s28] =	ssyncset.done $0x0  }
0x185: {  	[sflag:s28] =	ssyncadd.s32 $0xFFFFE0C0  }
0x186: {  	[tilespmem:s21], [sflag:$0x1] =	stream.indirect.gather [hbm4b:s1+s20], $0x20, s30, s20, $0xb8;
	[tilespmem:$0x1D520] =	vst v63  }
0x187: {  	_ =	swait.ge [sflag:s22], $0x1F40  }
0x188: {  	[sflag:s22] =	ssyncset.done $0x0  }
0x189: {  	[sflag:s22] =	ssyncadd.s32 $0xFFFFE0C0  }
0x18a: {  	[spmem:s3] =	stream.indirect.scatter.add.bf16 [tilespmem:s21], [sflag:$0x3], $0x20, s0, s20, $0xb8;
	[tilespmem:$0x1D520] =	vst v63  }
0x18b: {  	_ =	swait.ge [sflag:s31], $0x1F40  }
0x18c: {  	[sflag:s31] =	ssyncset.done $0x0  }
0x18d: {  	[sflag:s31] =	ssyncadd.s32 $0xFFFFE0C0  }
0x18e: {  	[tilespmem:s24], [sflag:$0x2] =	stream.indirect.gather [hbm4b:s1+s20], $0x20, s2, s20, $0xb8;
	[tilespmem:$0x1D520] =	vst v63  }
0x18f: {  	_ =	swait.ge [sflag:s25], $0x1F40  }
0x190: {  	[sflag:s25] =	ssyncset.done $0x0  }
0x191: {  	[sflag:s25] =	ssyncadd.s32 $0xFFFFE0C0  }
0x192: {  	[spmem:s3] =	stream.indirect.scatter.add.bf16 [tilespmem:s24], [sflag:$0x4], $0x20, s7, s20, $0xb8;
	[tilespmem:$0x1D520] =	vst v63  }
0x193: {  	_ =	swait.ge [sflag:s28], $0x1F40  }
0x194: {  	[sflag:s28] =	ssyncset.done $0x0  }
0x195: {  	[sflag:s28] =	ssyncadd.s32 $0xFFFFE0C0  }
0x196: {  	[tilespmem:s21], [sflag:$0x1] =	stream.indirect.gather [hbm4b:s1+s20], $0x20, s9, s20, $0xb8;
	[tilespmem:$0x1D520] =	vst v63  }
0x197: {  	_ =	swait.ge [sflag:s22], $0x1F40  }
0x198: {  	[sflag:s22] =	ssyncset.done $0x0  }
0x199: {  	[sflag:s22] =	ssyncadd.s32 $0xFFFFE0C0  }
0x19a: {  	[spmem:s3] =	stream.indirect.scatter.add.bf16 [tilespmem:s21], [sflag:$0x3], $0x20, s6, s20, $0xb8;
	[tilespmem:$0x1D520] =	vst v63  }
0x19b: {  	_ =	swait.ge [sflag:s31], $0x1F40  }
0x19c: {  	[sflag:s31] =	ssyncset.done $0x0  }
0x19d: {  	[sflag:s31] =	ssyncadd.s32 $0xFFFFE0C0  }
0x19e: {  	[tilespmem:s24], [sflag:$0x2] =	stream.indirect.gather [hbm4b:s1+s20], $0x20, s8, s20, $0xb8;
	[tilespmem:$0x1D520] =	vst v63  }
0x19f: {  	_ =	swait.ge [sflag:s25], $0x1F40  }
0x1a0: {  	[sflag:s25] =	ssyncset.done $0x0  }
0x1a1: {  	[sflag:s25] =	ssyncadd.s32 $0xFFFFE0C0  }
0x1a2: {  	[spmem:s3] =	stream.indirect.scatter.add.bf16 [tilespmem:s24], [sflag:$0x4], $0x20, s11, s20, $0xb8;
	[tilespmem:$0x1D520] =	vst v63  }
0x1a3: {  	_ =	swait.ge [sflag:s28], $0x1F40  }
0x1a4: {  	[sflag:s28] =	ssyncset.done $0x0  }
0x1a5: {  	[sflag:s28] =	ssyncadd.s32 $0xFFFFE0C0  }
0x1a6: {  	[tilespmem:s21], [sflag:$0x1] =	stream.indirect.gather [hbm4b:s1+s20], $0x20, s12, s20, $0xb8;
	[tilespmem:$0x1D520] =	vst v63  }
0x1a7: {  	_ =	swait.ge [sflag:s22], $0x1F40  }
0x1a8: {  	[sflag:s22] =	ssyncset.done $0x0  }
0x1a9: {  	[sflag:s22] =	ssyncadd.s32 $0xFFFFE0C0  }
0x1aa: {  	[spmem:s3] =	stream.indirect.scatter.add.bf16 [tilespmem:s21], [sflag:$0x3], $0x20, s17, s20, $0xb8;
	[tilespmem:$0x1D520] =	vst v63  }
0x1ab: {  	_ =	swait.ge [sflag:s31], $0x1F40  }
0x1ac: {  	[sflag:s31] =	ssyncset.done $0x0  }
0x1ad: {  	[sflag:s31] =	ssyncadd.s32 $0xFFFFE0C0  }
0x1ae: {  	[tilespmem:s24], [sflag:$0x2] =	stream.indirect.gather [hbm4b:s1+s20], $0x20, s5, s20, $0xb8;
	[tilespmem:$0x1D520] =	vst v63  }
0x1af: {  	_ =	swait.ge [sflag:s25], $0x1F40  }
0x1b0: {  	[sflag:s25] =	ssyncset.done $0x0  }
0x1b1: {  	s15 =	simm.s32 $0x700;
	[sflag:s25] =	ssyncadd.s32 $0xFFFFE0C0  }
0x1b2: {  	[spmem:s3] =	stream.indirect.scatter.add.bf16 [tilespmem:s24], [sflag:$0x4], $0x20, s15, s20, $0xb8;
	[tilespmem:$0x1D520] =	vst v63  }
.Ltmp5:
0x1b3: {  	_ =	swait.ge [sflag:s28], $0x1F40;
	(pc) =	sbr.rel @p2 .LBB2_3-.Ltmp5, $4  }
0x1b4: {  	[sflag:s28] =	ssyncset.done $0x0  }
0x1b5: {  	[sflag:s28] =	ssyncadd.s32 $0xFFFFE0C0  }
0x1b6: {  	_ =	swait.ge [sflag:s31], $0x1F40  }
0x1b7: {  	s15 =	smov.u32 s23;
	[sflag:s31] =	ssyncset.done $0x0  }
0x1b8: {  	s15 =	sadd.s32 s16, s14;
	[sflag:s31] =	ssyncadd.s32 $0xFFFFE0C0  }
0x1b9: {  	[tilespmem:s18], [sflag:$0x5] =	stream.linear.gather [hbm4b:s15+s4], $0x800, $0x38;
	[tilespmem:$0x1D520] =	vst v63  }
0x1ba: {  	_ =	swait.ge [sflag:s19], $0x800  }
0x1bb: {  	[sflag:s19] =	ssyncset.done $0x0  }
0x1bc: {  	s23 =	sadd.s32 s16, s13;
	[sflag:s19] =	ssyncadd.s32 $0xFFFFF800  }
0x1bd: {  	[tilespmem:s4], [sflag:$0x5] =	stream.linear.gather [hbm4b:s23+s4], $0x800, $0x38;
	[tilespmem:$0x1D520] =	vst v63  }
0x1be: {  	_ =	swait.ge [sflag:s19], $0x800  }
0x1bf: {  	[sflag:s19] =	ssyncset.done $0x0  }
0x1c0: {  	[sflag:s19] =	ssyncadd.s32 $0xFFFFF800  }
0x1c1: {  	[tilespmem:s21], [sflag:$0x1] =	stream.indirect.gather [hbm4b:s1+s20], $0x20, s18, s20, $0xb8;
	[tilespmem:$0x1D520] =	vst v63  }
0x1c2: {  	_ =	swait.ge [sflag:s22], $0x1F40  }
0x1c3: {  	[sflag:s22] =	ssyncset.done $0x0  }
0x1c4: {  	[sflag:s22] =	ssyncadd.s32 $0xFFFFE0C0  }
0x1c5: {  	[spmem:s3] =	stream.indirect.scatter.add.bf16 [tilespmem:s21], [sflag:$0x3], $0x20, s4, s20, $0xb8;
	[tilespmem:$0x1D520] =	vst v63  }
0x1c6: {  	_ = 	snop  }
0x1c7: {  	[tilespmem:s24], [sflag:$0x2] =	stream.indirect.gather [hbm4b:s1+s20], $0x20, s29, s20, $0xb8;
	[tilespmem:$0x1D520] =	vst v63  }
0x1c8: {  	_ =	swait.ge [sflag:s25], $0x1F40  }
0x1c9: {  	[sflag:s25] =	ssyncset.done $0x0  }
0x1ca: {  	[sflag:s25] =	ssyncadd.s32 $0xFFFFE0C0  }
0x1cb: {  	[spmem:s3] =	stream.indirect.scatter.add.bf16 [tilespmem:s24], [sflag:$0x4], $0x20, s26, s20, $0xb8;
	[tilespmem:$0x1D520] =	vst v63  }
0x1cc: {  	_ =	swait.ge [sflag:s28], $0x1F40  }
0x1cd: {  	[sflag:s28] =	ssyncset.done $0x0  }
0x1ce: {  	[sflag:s28] =	ssyncadd.s32 $0xFFFFE0C0  }
0x1cf: {  	[tilespmem:s21], [sflag:$0x1] =	stream.indirect.gather [hbm4b:s1+s20], $0x20, s30, s20, $0xb8;
	[tilespmem:$0x1D520] =	vst v63  }
0x1d0: {  	_ =	swait.ge [sflag:s22], $0x1F40  }
0x1d1: {  	[sflag:s22] =	ssyncset.done $0x0  }
0x1d2: {  	[sflag:s22] =	ssyncadd.s32 $0xFFFFE0C0  }
0x1d3: {  	[spmem:s3] =	stream.indirect.scatter.add.bf16 [tilespmem:s21], [sflag:$0x3], $0x20, s0, s20, $0xb8;
	[tilespmem:$0x1D520] =	vst v63  }
0x1d4: {  	_ =	swait.ge [sflag:s31], $0x1F40  }
0x1d5: {  	[sflag:s31] =	ssyncset.done $0x0  }
0x1d6: {  	[sflag:s31] =	ssyncadd.s32 $0xFFFFE0C0  }
0x1d7: {  	[tilespmem:s24], [sflag:$0x2] =	stream.indirect.gather [hbm4b:s1+s20], $0x20, s2, s20, $0xb8;
	[tilespmem:$0x1D520] =	vst v63  }
0x1d8: {  	_ =	swait.ge [sflag:s25], $0x1F40  }
0x1d9: {  	[sflag:s25] =	ssyncset.done $0x0  }
0x1da: {  	[sflag:s25] =	ssyncadd.s32 $0xFFFFE0C0  }
0x1db: {  	[spmem:s3] =	stream.indirect.scatter.add.bf16 [tilespmem:s24], [sflag:$0x4], $0x20, s7, s20, $0xb8;
	[tilespmem:$0x1D520] =	vst v63  }
0x1dc: {  	_ =	swait.ge [sflag:s28], $0x1F40  }
0x1dd: {  	[sflag:s28] =	ssyncset.done $0x0  }
0x1de: {  	[sflag:s28] =	ssyncadd.s32 $0xFFFFE0C0  }
0x1df: {  	[tilespmem:s21], [sflag:$0x1] =	stream.indirect.gather [hbm4b:s1+s20], $0x20, s9, s20, $0xb8;
	[tilespmem:$0x1D520] =	vst v63  }
0x1e0: {  	_ =	swait.ge [sflag:s22], $0x1F40  }
0x1e1: {  	[sflag:s22] =	ssyncset.done $0x0  }
0x1e2: {  	[sflag:s22] =	ssyncadd.s32 $0xFFFFE0C0  }
0x1e3: {  	[spmem:s3] =	stream.indirect.scatter.add.bf16 [tilespmem:s21], [sflag:$0x3], $0x20, s6, s20, $0xb8;
	[tilespmem:$0x1D520] =	vst v63  }
0x1e4: {  	_ =	swait.ge [sflag:s31], $0x1F40  }
0x1e5: {  	[sflag:s31] =	ssyncset.done $0x0  }
0x1e6: {  	[sflag:s31] =	ssyncadd.s32 $0xFFFFE0C0  }
0x1e7: {  	[tilespmem:s24], [sflag:$0x2] =	stream.indirect.gather [hbm4b:s1+s20], $0x20, s8, s20, $0xb8;
	[tilespmem:$0x1D520] =	vst v63  }
0x1e8: {  	_ =	swait.ge [sflag:s25], $0x1F40  }
0x1e9: {  	[sflag:s25] =	ssyncset.done $0x0  }
0x1ea: {  	[sflag:s25] =	ssyncadd.s32 $0xFFFFE0C0  }
0x1eb: {  	[spmem:s3] =	stream.indirect.scatter.add.bf16 [tilespmem:s24], [sflag:$0x4], $0x20, s11, s20, $0xb8;
	[tilespmem:$0x1D520] =	vst v63  }
0x1ec: {  	_ =	swait.ge [sflag:s28], $0x1F40  }
0x1ed: {  	[sflag:s28] =	ssyncset.done $0x0  }
0x1ee: {  	[sflag:s28] =	ssyncadd.s32 $0xFFFFE0C0  }
0x1ef: {  	[tilespmem:s21], [sflag:$0x1] =	stream.indirect.gather [hbm4b:s1+s20], $0x20, s12, s20, $0xb8;
	[tilespmem:$0x1D520] =	vst v63  }
0x1f0: {  	_ =	swait.ge [sflag:s22], $0x1F40  }
0x1f1: {  	[sflag:s22] =	ssyncset.done $0x0  }
0x1f2: {  	[sflag:s22] =	ssyncadd.s32 $0xFFFFE0C0  }
0x1f3: {  	[spmem:s3] =	stream.indirect.scatter.add.bf16 [tilespmem:s21], [sflag:$0x3], $0x20, s17, s20, $0xb8;
	[tilespmem:$0x1D520] =	vst v63  }
0x1f4: {  	_ =	swait.ge [sflag:s31], $0x1F40  }
0x1f5: {  	[sflag:s31] =	ssyncset.done $0x0  }
0x1f6: {  	[sflag:s31] =	ssyncadd.s32 $0xFFFFE0C0  }
0x1f7: {  	[tilespmem:s24], [sflag:$0x2] =	stream.indirect.gather [hbm4b:s1+s20], $0x20, s5, s20, $0xb8;
	[tilespmem:$0x1D520] =	vst v63  }
0x1f8: {  	_ =	swait.ge [sflag:s25], $0x1F40  }
0x1f9: {  	[sflag:s25] =	ssyncset.done $0x0  }
0x1fa: {  	s30 =	simm.s32 $0x700;
	[sflag:s25] =	ssyncadd.s32 $0xFFFFE0C0  }
0x1fb: {  	[spmem:s3] =	stream.indirect.scatter.add.bf16 [tilespmem:s24], [sflag:$0x4], $0x20, s30, s20, $0xb8;
	[tilespmem:$0x1D520] =	vst v63  }
0x1fc: {  	_ =	swait.ge [sflag:s28], $0x1F40  }
0x1fd: {  	[sflag:s28] =	ssyncset.done $0x0  }
0x1fe: {  	[sflag:s28] =	ssyncadd.s32 $0xFFFFE0C0  }
0x1ff: {  	_ =	swait.ge [sflag:s31], $0x1F40  }
0x200: {  	[sflag:s31] =	ssyncset.done $0x0  }
0x201: {  	[sflag:s31] =	ssyncadd.s32 $0xFFFFE0C0  }
0x202: {  	[bflag:$0x0] =	sbarrier.arrive $0xFFFF  }
0x203: {  	s16 =	rddreg [dreg:$0x8]  }
0x204: {  	s15 =	simm.s32 @p1 $0x1FC5;
	s26 =	rddreg [dreg:$0xb]  }
0x205: {  	[hbm:s16], [sflag:s15] =	dma.local @p1 [spmem:s26], $0x1F40  }
0x206: {  	s15 =	simm.s32 @p1 $0x5  }
0x207: {  	_ =	swait.ge @p1 [sflag:s15], $0x1F40  }
0x208: {  	s23 =	rddreg [dreg:$0xc]  }
0x209: {  	[sflag:s15] =	ssyncset.done @p1 $0x0;
	s0 =	rddreg [dreg:$0xf]  }
0x20a: {  	[sflag:s15] =	ssyncadd.s32 @p1 $0xFFFFE0C0;
	s15 =	rddreg [dreg:$0x6]  }
0x20b: {  	[hbm:s15], [sflag:s23] =	dma.local @!p1 [spmem:s0], $0x3200  }
.Ltmp6:
0x20c: {  	_ = 	snop;
	(pc) =	sbr.rel .LBB2_8-.Ltmp6, $4  }
0x20d: {  	s15 =	simm.s32 @!p1 $0x5  }
0x20e: {  	_ =	swait.ge @!p1 [sflag:s15], $0x3200  }
0x20f: {  	[sflag:s15] =	ssyncset.done @!p1 $0x0  }
0x210: {  	s0 =	rddreg [dreg:$0xe];
	[sflag:s15] =	ssyncadd.s32 @!p1 $0xFFFFCE00  }
.LBB2_9:
0x211: {  	_ =	sfence.sel $0x180000  }
0x212: {  	[bflag:$0x0] =	sbarrier.arrive $0xFFFF  }
0x213: {  	_ =	strace $0x90000047  }
0x214: {  	s0 =	stileid.u32;
	[bflag:$0x2] =	sbarrier.arrive $0xFFFF  }
0x215: {  	p0 =	sne.s32 s0, $0x0;
	s0 =	rddreg [dreg:$0x3]  }
0x216: {  	s0 =	sadd.s32 @!p0 $0x100000, s0  }
0x217: {  	[sflag:s0] =	ssyncadd.tile.s32 @!p0 $0x1;
	_ =	shalt  }
.Lfunc_end2:
_tile_overlayer_lowered:
.L_overlay_start_2:
0x218: {  	(tag) =	ssettag $0x2  }
0x219: {  	s0 =	rddreg [dreg:$0x0];
	s2 =	stileid.u32  }
0x21a: {  	s1 =	rddreg [dreg:$0x1];
	p0 =	sne.s32 s2, $0x0  }
0x21b: {  	s3 =	rddreg [dreg:$0x2];
	[bflag:$0x3] =	sbarrier.arrive $0xFFFF;
	s2 =	simm.s32 @!p0 $0x1C05  }
0x21c: {  	[timem:s3], [sflag:s2] =	dma.local @!p0 [hbm:s0], s1  }
0x21d: {  	s0 =	simm.s32 @!p0 $0x5  }
0x21e: {  	_ =	swait.ge @!p0 [sflag:s0], s1  }
0x21f: {  	s1 =	ssub.s32 @!p0 $0x0, s1;
	[sflag:s0] =	ssyncset.done @!p0 $0x0  }
0x220: {  	[sflag:s0] =	ssyncadd.s32 @!p0 s1  }
0x221: {  	[bflag:$0x3] =	sbarrier.arrive $0xFFFF  }
0x222: {  	_ =	shalt  }

</sc_bundles>
